<compile_context>
chip_gen: v7x
topology: tpu7x:2x2x1
jax: 0.10.2.dev20260603
libtpu: 0.0.44.dev20260713+nightly
codegen_flags: <defaults>
</compile_context>

<pallas_src>
import functools

import jax
import jax.numpy as jnp
from jax import lax
from jax.experimental import pallas as pl
from jax.experimental.pallas import tpu as pltpu
from jax.experimental.pallas import tpu_sc as plsc

WS = 8
BINS = 256
NH = 48
NW = 48
CH = 192
HALF_W = 192
NWIN_LOC = 24
HIST_WORDS = NWIN_LOC * BINS
UNITS_PER_W = 3
G = 16
NCHUNK = CH // G


def kernel(input_tensor):
    x = input_tensor.reshape(CH, NH * WS, NW * WS)
    mesh = plsc.VectorSubcoreMesh(core_axis_name="c", subcore_axis_name="s")

    @functools.partial(
        pl.kernel,
        mesh=mesh,
        out_type=jax.ShapeDtypeStruct((2, NH, NW * BINS), jnp.float32),
        compiler_params=pltpu.CompilerParams(
            use_tc_tiling_on_sc=False, needs_layout_passes=False),
        scratch_types=[
            pltpu.VMEM((G, WS, HALF_W), jnp.float32),
            pltpu.VMEM((G, WS, HALF_W), jnp.float32),
            pltpu.VMEM((HIST_WORDS,), jnp.float32),
            pltpu.VMEM((HIST_WORDS,), jnp.float32),
            pltpu.SemaphoreType.DMA,
            pltpu.SemaphoreType.DMA,
            pltpu.SemaphoreType.DMA,
        ],
    )
    def sc_kernel(x_hbm, out_hbm, buf0, buf1, histA, histB, sem0, sem1, sem2):
        cid = lax.axis_index("c")
        sid = lax.axis_index("s")
        wid = sid * 2 + cid
        ones = jnp.full((16,), 1.0, jnp.float32)
        zeros = jnp.zeros((16,), jnp.float32)
        lane = lax.iota(jnp.int32, 16)
        addr_consts = [
            ((cb * 16 + lane) >> 3) << 8 for cb in range(HALF_W // 16)
        ]

        def unit_coords(t):
            u = wid * UNITS_PER_W + t
            wrow = u // 2
            half = u % 2
            return wrow, wrow * WS, half * HALF_W, half

        def start(c, row0, col0, buf, sem):
            pltpu.make_async_copy(
                x_hbm.at[pl.ds(c * G, G), pl.ds(row0, WS),
                         pl.ds(col0, HALF_W)],
                buf, sem).start()

        def wait(buf, sem):
            pltpu.make_async_copy(
                x_hbm.at[pl.ds(0, G), pl.ds(0, WS), pl.ds(0, HALF_W)],
                buf, sem).wait()

        def wait_out(hist, wrow, half):
            for b in range(2):
                pltpu.make_async_copy(
                    hist,
                    out_hbm.at[b, wrow,
                               pl.ds(half * HIST_WORDS, HIST_WORDS)],
                    sem2).wait()

        _, first_row0, first_col0, _ = unit_coords(0)
        start(0, first_row0, first_col0, buf0, sem0)

        for t in range(UNITS_PER_W):
            wrow, row0, col0, half = unit_coords(t)
            hist = histA if t % 2 == 0 else histB

            if t >= 2:
                pwrow, _, _, phalf = unit_coords(t - 2)
                wait_out(hist, pwrow, phalf)

            def zbody(v, carry):
                for z in range(8):
                    hist[pl.ds((v * 8 + z) * 16, 16)] = zeros
                return carry

            lax.fori_loop(0, HIST_WORDS // 128, zbody, 0)

            def process(buf):
                @plsc.parallel_loop(0, G * WS, 1, unroll=2)
                def _(rr):
                    g = rr >> 3
                    r = rr & 7
                    for cb in range(HALF_W // 16):
                        data = buf[g, r, pl.ds(cb * 16, 16)]
                        b = (data * 256.0).astype(jnp.int32)
                        plsc.addupdate_scatter(
                            hist, [addr_consts[cb] + b], ones)

            def cbody(k, carry):
                c0 = 2 * k
                wait(buf0, sem0)
                start(c0 + 1, row0, col0, buf1, sem1)
                process(buf0)
                wait(buf1, sem1)

                @pl.when(c0 + 2 < NCHUNK)
                def _():
                    start(c0 + 2, row0, col0, buf0, sem0)

                process(buf1)
                return carry

            lax.fori_loop(0, NCHUNK // 2, cbody, 0)

            if t + 1 < UNITS_PER_W:
                _, nrow0, ncol0, _ = unit_coords(t + 1)
                start(0, nrow0, ncol0, buf0, sem0)

            for b in range(2):
                pltpu.make_async_copy(
                    hist,
                    out_hbm.at[b, wrow,
                               pl.ds(half * HIST_WORDS, HIST_WORDS)],
                    sem2).start()

        for t in (UNITS_PER_W - 2, UNITS_PER_W - 1):
            lwrow, _, _, lhalf = unit_coords(t)
            wait_out(histA if t % 2 == 0 else histB, lwrow, lhalf)

    out = sc_kernel(x)
    return out.reshape(2, NH, NW, BINS)

# --- scband reference (transcript-rebuilt; emitter-appended) ---
"""Pipeline reference for scband-compute-histograms-71159018160701 (READ-ONLY COPY).

The authoritative reference and input builder live on the scoring server;
editing this copy changes nothing except your own understanding.
"""

import jax, jax.numpy as jnp
import numpy as np

WINDOW_SIZE = 8
BINS = 256
MIN_VALUE = 0.0
MAX_VALUE = 1.0


def setup_inputs(seed: int = 0) -> dict:
    key = jax.random.key(seed)
    x = jax.random.uniform(key, (2, 96, 384, 384), dtype=jnp.float32)
    return {"input_tensor": x}


def reference(input_tensor):
    # Faithful translation of ComputeHistograms.forward.
    # NOTE: torch.Tensor.histc flattens its input, so each window's histogram is
    # computed over ALL batches and channels jointly, and the same histogram is
    # broadcast into every batch slot (matching the original module's behavior).
    ws = WINDOW_SIZE
    bins = BINS
    mn = MIN_VALUE
    mx = MAX_VALUE
    B, C, H, W = input_tensor.shape
    nH, nW = H // ws, W // ws
    # [B, C, nH, ws, nW, ws] -> [nH, nW, B, C, ws, ws] -> [nH*nW, B*C*ws*ws]
    xw = input_tensor.reshape(B, C, nH, ws, nW, ws)
    xw = jnp.transpose(xw, (2, 4, 0, 1, 3, 5)).reshape(nH * nW, -1)
    scale = bins / (mx - mn)
    idx = jnp.floor((xw - mn) * scale).astype(jnp.int32)
    # histc: values equal to max go into the last bin; out-of-range values ignored
    idx = jnp.where(xw >= mx, bins - 1, idx)
    idx = jnp.clip(idx, 0, bins - 1)
    valid = (xw >= mn) & (xw <= mx)
    win_ids = jnp.arange(nH * nW, dtype=jnp.int32)[:, None]
    flat_ids = (win_ids * bins + idx).reshape(-1)
    weights = valid.astype(jnp.float32).reshape(-1)
    hist = jax.ops.segment_sum(weights, flat_ids, num_segments=nH * nW * bins)
    hist = hist.reshape(nH, nW, bins)
    out = jnp.broadcast_to(hist[None, :, :, :], (B, nH, nW, bins))
    return out

if __name__ == "__main__":
    import jax
    _d = setup_inputs()
    print(jax.jit(kernel)(*tuple(_d.values())))

</pallas_src>

<mosaic_0001>
#map = affine_map<(d0, d1) -> (0, 0, 0)>
module attributes {stable_mosaic.version = 14 : i64} {
  func.func @sc_kernel(%arg0: i32, %arg1: i32, %arg2: memref<192x384x384xf32, #tpu.memory_space<hbm>>, %arg3: memref<2x48x12288xf32, #tpu.memory_space<hbm>>, %arg4: memref<16x8x192xf32, #tpu.memory_space<vmem>>, %arg5: memref<16x8x192xf32, #tpu.memory_space<vmem>>, %arg6: memref<6144xf32, #tpu.memory_space<vmem>>, %arg7: memref<6144xf32, #tpu.memory_space<vmem>>, %arg8: memref<!tpu.dma_semaphore, #tpu.memory_space<semaphore_mem>>, %arg9: memref<!tpu.dma_semaphore, #tpu.memory_space<semaphore_mem>>, %arg10: memref<!tpu.dma_semaphore, #tpu.memory_space<semaphore_mem>>) attributes {dimension_semantics = [#tpu.dimension_semantics<core_parallel>, #tpu.dimension_semantics<subcore_parallel>], iteration_bounds = array<i64: 2, 16>, scalar_prefetch = 0 : i64, scratch_operands = 7 : i64, tpu.core_type = #tpu.core_type<sc_vector_subcore>, window_params = [{transform_indices = #map}, {transform_indices = #map}]} {
    %mul3A = arith.constant 2 : i32
    %mul3A_0 = arith.muli %arg1, %mul3A : i32
    %add3A = arith.addi %mul3A_0, %arg0 : i32
    %broadcast_in_dim3A = arith.constant 1.000000e+00 : f32
    %broadcast_in_dim3A_1 = vector.broadcast %broadcast_in_dim3A : f32 to vector<16xf32>
    %broadcast_in_dim3A_2 = arith.constant 0.000000e+00 : f32
    %broadcast_in_dim3A_3 = vector.broadcast %broadcast_in_dim3A_2 : f32 to vector<16xf32>
    %iota3A = tpu.iota {dimensions = array<i32: 0>} : vector<16xi32>
    %add3A_4 = arith.constant 0 : i32
    %add3A_5 = vector.broadcast %add3A_4 : i32 to vector<16xi32>
    %add3A_6 = arith.addi %add3A_5, %iota3A : vector<16xi32>
    %shift_right_arithmetic3A = arith.constant 3 : i32
    %shift_right_arithmetic3A_7 = vector.broadcast %shift_right_arithmetic3A : i32 to vector<16xi32>
    %shift_right_arithmetic3A_8 = arith.shrsi %add3A_6, %shift_right_arithmetic3A_7 : vector<16xi32>
    %shift_left3A = arith.constant 8 : i32
    %shift_left3A_9 = vector.broadcast %shift_left3A : i32 to vector<16xi32>
    %shift_left3A_10 = arith.shli %shift_right_arithmetic3A_8, %shift_left3A_9 : vector<16xi32>
    %add3A_11 = arith.constant 16 : i32
    %add3A_12 = vector.broadcast %add3A_11 : i32 to vector<16xi32>
    %add3A_13 = arith.addi %add3A_12, %iota3A : vector<16xi32>
    %shift_right_arithmetic3A_14 = arith.constant 3 : i32
    %shift_right_arithmetic3A_15 = vector.broadcast %shift_right_arithmetic3A_14 : i32 to vector<16xi32>
    %shift_right_arithmetic3A_16 = arith.shrsi %add3A_13, %shift_right_arithmetic3A_15 : vector<16xi32>
    %shift_left3A_17 = arith.constant 8 : i32
    %shift_left3A_18 = vector.broadcast %shift_left3A_17 : i32 to vector<16xi32>
    %shift_left3A_19 = arith.shli %shift_right_arithmetic3A_16, %shift_left3A_18 : vector<16xi32>
    %add3A_20 = arith.constant 32 : i32
    %add3A_21 = vector.broadcast %add3A_20 : i32 to vector<16xi32>
    %add3A_22 = arith.addi %add3A_21, %iota3A : vector<16xi32>
    %shift_right_arithmetic3A_23 = arith.constant 3 : i32
    %shift_right_arithmetic3A_24 = vector.broadcast %shift_right_arithmetic3A_23 : i32 to vector<16xi32>
    %shift_right_arithmetic3A_25 = arith.shrsi %add3A_22, %shift_right_arithmetic3A_24 : vector<16xi32>
    %shift_left3A_26 = arith.constant 8 : i32
    %shift_left3A_27 = vector.broadcast %shift_left3A_26 : i32 to vector<16xi32>
    %shift_left3A_28 = arith.shli %shift_right_arithmetic3A_25, %shift_left3A_27 : vector<16xi32>
    %add3A_29 = arith.constant 48 : i32
    %add3A_30 = vector.broadcast %add3A_29 : i32 to vector<16xi32>
    %add3A_31 = arith.addi %add3A_30, %iota3A : vector<16xi32>
    %shift_right_arithmetic3A_32 = arith.constant 3 : i32
    %shift_right_arithmetic3A_33 = vector.broadcast %shift_right_arithmetic3A_32 : i32 to vector<16xi32>
    %shift_right_arithmetic3A_34 = arith.shrsi %add3A_31, %shift_right_arithmetic3A_33 : vector<16xi32>
    %shift_left3A_35 = arith.constant 8 : i32
    %shift_left3A_36 = vector.broadcast %shift_left3A_35 : i32 to vector<16xi32>
    %shift_left3A_37 = arith.shli %shift_right_arithmetic3A_34, %shift_left3A_36 : vector<16xi32>
    %add3A_38 = arith.constant 64 : i32
    %add3A_39 = vector.broadcast %add3A_38 : i32 to vector<16xi32>
    %add3A_40 = arith.addi %add3A_39, %iota3A : vector<16xi32>
    %shift_right_arithmetic3A_41 = arith.constant 3 : i32
    %shift_right_arithmetic3A_42 = vector.broadcast %shift_right_arithmetic3A_41 : i32 to vector<16xi32>
    %shift_right_arithmetic3A_43 = arith.shrsi %add3A_40, %shift_right_arithmetic3A_42 : vector<16xi32>
    %shift_left3A_44 = arith.constant 8 : i32
    %shift_left3A_45 = vector.broadcast %shift_left3A_44 : i32 to vector<16xi32>
    %shift_left3A_46 = arith.shli %shift_right_arithmetic3A_43, %shift_left3A_45 : vector<16xi32>
    %add3A_47 = arith.constant 80 : i32
    %add3A_48 = vector.broadcast %add3A_47 : i32 to vector<16xi32>
    %add3A_49 = arith.addi %add3A_48, %iota3A : vector<16xi32>
    %shift_right_arithmetic3A_50 = arith.constant 3 : i32
    %shift_right_arithmetic3A_51 = vector.broadcast %shift_right_arithmetic3A_50 : i32 to vector<16xi32>
    %shift_right_arithmetic3A_52 = arith.shrsi %add3A_49, %shift_right_arithmetic3A_51 : vector<16xi32>
    %shift_left3A_53 = arith.constant 8 : i32
    %shift_left3A_54 = vector.broadcast %shift_left3A_53 : i32 to vector<16xi32>
    %shift_left3A_55 = arith.shli %shift_right_arithmetic3A_52, %shift_left3A_54 : vector<16xi32>
    %add3A_56 = arith.constant 96 : i32
    %add3A_57 = vector.broadcast %add3A_56 : i32 to vector<16xi32>
    %add3A_58 = arith.addi %add3A_57, %iota3A : vector<16xi32>
    %shift_right_arithmetic3A_59 = arith.constant 3 : i32
    %shift_right_arithmetic3A_60 = vector.broadcast %shift_right_arithmetic3A_59 : i32 to vector<16xi32>
    %shift_right_arithmetic3A_61 = arith.shrsi %add3A_58, %shift_right_arithmetic3A_60 : vector<16xi32>
    %shift_left3A_62 = arith.constant 8 : i32
    %shift_left3A_63 = vector.broadcast %shift_left3A_62 : i32 to vector<16xi32>
    %shift_left3A_64 = arith.shli %shift_right_arithmetic3A_61, %shift_left3A_63 : vector<16xi32>
    %add3A_65 = arith.constant 112 : i32
    %add3A_66 = vector.broadcast %add3A_65 : i32 to vector<16xi32>
    %add3A_67 = arith.addi %add3A_66, %iota3A : vector<16xi32>
    %shift_right_arithmetic3A_68 = arith.constant 3 : i32
    %shift_right_arithmetic3A_69 = vector.broadcast %shift_right_arithmetic3A_68 : i32 to vector<16xi32>
    %shift_right_arithmetic3A_70 = arith.shrsi %add3A_67, %shift_right_arithmetic3A_69 : vector<16xi32>
    %shift_left3A_71 = arith.constant 8 : i32
    %shift_left3A_72 = vector.broadcast %shift_left3A_71 : i32 to vector<16xi32>
    %shift_left3A_73 = arith.shli %shift_right_arithmetic3A_70, %shift_left3A_72 : vector<16xi32>
    %add3A_74 = arith.constant 128 : i32
    %add3A_75 = vector.broadcast %add3A_74 : i32 to vector<16xi32>
    %add3A_76 = arith.addi %add3A_75, %iota3A : vector<16xi32>
    %shift_right_arithmetic3A_77 = arith.constant 3 : i32
    %shift_right_arithmetic3A_78 = vector.broadcast %shift_right_arithmetic3A_77 : i32 to vector<16xi32>
    %shift_right_arithmetic3A_79 = arith.shrsi %add3A_76, %shift_right_arithmetic3A_78 : vector<16xi32>
    %shift_left3A_80 = arith.constant 8 : i32
    %shift_left3A_81 = vector.broadcast %shift_left3A_80 : i32 to vector<16xi32>
    %shift_left3A_82 = arith.shli %shift_right_arithmetic3A_79, %shift_left3A_81 : vector<16xi32>
    %add3A_83 = arith.constant 144 : i32
    %add3A_84 = vector.broadcast %add3A_83 : i32 to vector<16xi32>
    %add3A_85 = arith.addi %add3A_84, %iota3A : vector<16xi32>
    %shift_right_arithmetic3A_86 = arith.constant 3 : i32
    %shift_right_arithmetic3A_87 = vector.broadcast %shift_right_arithmetic3A_86 : i32 to vector<16xi32>
    %shift_right_arithmetic3A_88 = arith.shrsi %add3A_85, %shift_right_arithmetic3A_87 : vector<16xi32>
    %shift_left3A_89 = arith.constant 8 : i32
    %shift_left3A_90 = vector.broadcast %shift_left3A_89 : i32 to vector<16xi32>
    %shift_left3A_91 = arith.shli %shift_right_arithmetic3A_88, %shift_left3A_90 : vector<16xi32>
    %add3A_92 = arith.constant 160 : i32
    %add3A_93 = vector.broadcast %add3A_92 : i32 to vector<16xi32>
    %add3A_94 = arith.addi %add3A_93, %iota3A : vector<16xi32>
    %shift_right_arithmetic3A_95 = arith.constant 3 : i32
    %shift_right_arithmetic3A_96 = vector.broadcast %shift_right_arithmetic3A_95 : i32 to vector<16xi32>
    %shift_right_arithmetic3A_97 = arith.shrsi %add3A_94, %shift_right_arithmetic3A_96 : vector<16xi32>
    %shift_left3A_98 = arith.constant 8 : i32
    %shift_left3A_99 = vector.broadcast %shift_left3A_98 : i32 to vector<16xi32>
    %shift_left3A_100 = arith.shli %shift_right_arithmetic3A_97, %shift_left3A_99 : vector<16xi32>
    %add3A_101 = arith.constant 176 : i32
    %add3A_102 = vector.broadcast %add3A_101 : i32 to vector<16xi32>
    %add3A_103 = arith.addi %add3A_102, %iota3A : vector<16xi32>
    %shift_right_arithmetic3A_104 = arith.constant 3 : i32
    %shift_right_arithmetic3A_105 = vector.broadcast %shift_right_arithmetic3A_104 : i32 to vector<16xi32>
    %shift_right_arithmetic3A_106 = arith.shrsi %add3A_103, %shift_right_arithmetic3A_105 : vector<16xi32>
    %shift_left3A_107 = arith.constant 8 : i32
    %shift_left3A_108 = vector.broadcast %shift_left3A_107 : i32 to vector<16xi32>
    %shift_left3A_109 = arith.shli %shift_right_arithmetic3A_106, %shift_left3A_108 : vector<16xi32>
    %mul3A_110 = arith.constant 3 : i32
    %mul3A_111 = arith.muli %add3A, %mul3A_110 : i32
    %add3A_112 = arith.constant 0 : i32
    %add3A_113 = arith.addi %mul3A_111, %add3A_112 : i32
    %jit3A = arith.constant 2 : i32
    %div3A = arith.divsi %add3A_113, %jit3A : i32
    %sign3A = arith.constant 0 : i32
    %sign3A_114 = arith.cmpi sgt, %add3A_113, %sign3A : i32
    %sign3A_115 = arith.extui %sign3A_114 : i1 to i32
    %sign3A_116 = arith.constant 0 : i32
    %sign3A_117 = arith.cmpi slt, %add3A_113, %sign3A_116 : i32
    %sign3A_118 = arith.extui %sign3A_117 : i1 to i32
    %sign3A_119 = arith.subi %sign3A_115, %sign3A_118 : i32
    %sign3A_120 = arith.constant 0 : i32
    %sign3A_121 = arith.cmpi sgt, %jit3A, %sign3A_120 : i32
    %sign3A_122 = arith.extui %sign3A_121 : i1 to i32
    %sign3A_123 = arith.constant 0 : i32
    %sign3A_124 = arith.cmpi slt, %jit3A, %sign3A_123 : i32
    %sign3A_125 = arith.extui %sign3A_124 : i1 to i32
    %sign3A_126 = arith.subi %sign3A_122, %sign3A_125 : i32
    %ne3A = arith.cmpi ne, %sign3A_119, %sign3A_126 : i32
    %rem3A = arith.remsi %add3A_113, %jit3A : i32
    %ne3A_127 = arith.constant 0 : i32
    %ne3A_128 = arith.cmpi ne, %rem3A, %ne3A_127 : i32
    %and3A = arith.andi %ne3A, %ne3A_128 : i1
    %sub3A = arith.constant 1 : i32
    %sub3A_129 = arith.subi %div3A, %sub3A : i32
    %select_n3A = arith.select %and3A, %sub3A_129, %div3A : i32
    %jit3A_130 = arith.constant 2 : i32
    %eq3A = arith.constant 0 : i32
    %eq3A_131 = arith.cmpi eq, %jit3A_130, %eq3A : i32
    %jit3A_132 = arith.constant 1 : i32
    %select_n3A_133 = arith.select %eq3A_131, %jit3A_132, %jit3A_130 : i32
    %rem3A_134 = arith.remsi %add3A_113, %select_n3A_133 : i32
    %ne3A_135 = arith.constant 0 : i32
    %ne3A_136 = arith.cmpi ne, %rem3A_134, %ne3A_135 : i32
    %lt3A = arith.constant 0 : i32
    %lt3A_137 = arith.cmpi slt, %rem3A_134, %lt3A : i32
    %lt3A_138 = arith.constant 0 : i32
    %lt3A_139 = arith.cmpi slt, %select_n3A_133, %lt3A_138 : i32
    %ne3A_140 = arith.xori %lt3A_137, %lt3A_139 : i1
    %and3A_141 = arith.andi %ne3A_140, %ne3A_136 : i1
    %add3A_142 = arith.addi %rem3A_134, %select_n3A_133 : i32
    %select_n3A_143 = arith.select %and3A_141, %add3A_142, %rem3A_134 : i32
    %mul3A_144 = arith.constant 8 : i32
    %mul3A_145 = arith.muli %select_n3A, %mul3A_144 : i32
    %mul3A_146 = arith.constant 192 : i32
    %mul3A_147 = arith.muli %select_n3A_143, %mul3A_146 : i32
    %dma_start3A = arith.constant 0 : i32
    %dma_start3A_148 = tpu.memref_slice %arg2[%dma_start3A, %mul3A_145, %mul3A_147] : memref<192x384x384xf32, #tpu.memory_space<hbm>> -> memref<16x8x192xf32, #tpu.memory_space<hbm>>
    %dma_start3A_149 = arith.constant 0 : i32
    %dma_start3A_150 = tpu.memref_slice %arg2[%dma_start3A_149, %mul3A_145, %mul3A_147] : memref<192x384x384xf32, #tpu.memory_space<hbm>> -> memref<16x8x192xf32, #tpu.memory_space<hbm>>
    tpu.enqueue_dma source(%dma_start3A_150 : memref<16x8x192xf32, #tpu.memory_space<hbm>>) target(%arg4 : memref<16x8x192xf32, #tpu.memory_space<vmem>>) target_semaphore(%arg8 : memref<!tpu.dma_semaphore, #tpu.memory_space<semaphore_mem>>)
    %mul3A_151 = arith.constant 3 : i32
    %mul3A_152 = arith.muli %add3A, %mul3A_151 : i32
    %add3A_153 = arith.constant 0 : i32
    %add3A_154 = arith.addi %mul3A_152, %add3A_153 : i32
    %jit3A_155 = arith.constant 2 : i32
    %div3A_156 = arith.divsi %add3A_154, %jit3A_155 : i32
    %sign3A_157 = arith.constant 0 : i32
    %sign3A_158 = arith.cmpi sgt, %add3A_154, %sign3A_157 : i32
    %sign3A_159 = arith.extui %sign3A_158 : i1 to i32
    %sign3A_160 = arith.constant 0 : i32
    %sign3A_161 = arith.cmpi slt, %add3A_154, %sign3A_160 : i32
    %sign3A_162 = arith.extui %sign3A_161 : i1 to i32
    %sign3A_163 = arith.subi %sign3A_159, %sign3A_162 : i32
    %sign3A_164 = arith.constant 0 : i32
    %sign3A_165 = arith.cmpi sgt, %jit3A_155, %sign3A_164 : i32
    %sign3A_166 = arith.extui %sign3A_165 : i1 to i32
    %sign3A_167 = arith.constant 0 : i32
    %sign3A_168 = arith.cmpi slt, %jit3A_155, %sign3A_167 : i32
    %sign3A_169 = arith.extui %sign3A_168 : i1 to i32
    %sign3A_170 = arith.subi %sign3A_166, %sign3A_169 : i32
    %ne3A_171 = arith.cmpi ne, %sign3A_163, %sign3A_170 : i32
    %rem3A_172 = arith.remsi %add3A_154, %jit3A_155 : i32
    %ne3A_173 = arith.constant 0 : i32
    %ne3A_174 = arith.cmpi ne, %rem3A_172, %ne3A_173 : i32
    %and3A_175 = arith.andi %ne3A_171, %ne3A_174 : i1
    %sub3A_176 = arith.constant 1 : i32
    %sub3A_177 = arith.subi %div3A_156, %sub3A_176 : i32
    %select_n3A_178 = arith.select %and3A_175, %sub3A_177, %div3A_156 : i32
    %jit3A_179 = arith.constant 2 : i32
    %eq3A_180 = arith.constant 0 : i32
    %eq3A_181 = arith.cmpi eq, %jit3A_179, %eq3A_180 : i32
    %jit3A_182 = arith.constant 1 : i32
    %select_n3A_183 = arith.select %eq3A_181, %jit3A_182, %jit3A_179 : i32
    %rem3A_184 = arith.remsi %add3A_154, %select_n3A_183 : i32
    %ne3A_185 = arith.constant 0 : i32
    %ne3A_186 = arith.cmpi ne, %rem3A_184, %ne3A_185 : i32
    %lt3A_187 = arith.constant 0 : i32
    %lt3A_188 = arith.cmpi slt, %rem3A_184, %lt3A_187 : i32
    %lt3A_189 = arith.constant 0 : i32
    %lt3A_190 = arith.cmpi slt, %select_n3A_183, %lt3A_189 : i32
    %ne3A_191 = arith.xori %lt3A_188, %lt3A_190 : i1
    %and3A_192 = arith.andi %ne3A_191, %ne3A_186 : i1
    %add3A_193 = arith.addi %rem3A_184, %select_n3A_183 : i32
    %select_n3A_194 = arith.select %and3A_192, %add3A_193, %rem3A_184 : i32
    %mul3A_195 = arith.constant 8 : i32
    %mul3A_196 = arith.muli %select_n3A_178, %mul3A_195 : i32
    %mul3A_197 = arith.constant 192 : i32
    %mul3A_198 = arith.muli %select_n3A_194, %mul3A_197 : i32
    %scan3A = arith.constant 0 : i32
    %scan3A_199 = arith.constant 0 : i32
    %scan3A_200 = arith.constant 48 : i32
    %scan3A_201 = arith.addi %scan3A_199, %scan3A_200 : i32
    %scan3A_202 = arith.constant 1 : i32
    scf.for %scan3A_661 = %scan3A_199 to %scan3A_201 step %scan3A_202  : i32 {
      %mul3A_662 = arith.constant 8 : i32
      %mul3A_663 = arith.muli %scan3A_661, %mul3A_662 : i32
      %add3A_664 = arith.constant 0 : i32
      %add3A_665 = arith.addi %mul3A_663, %add3A_664 : i32
      %mul3A_666 = arith.constant 16 : i32
      %mul3A_667 = arith.muli %add3A_665, %mul3A_666 : i32
      %swap3A = arith.index_cast %mul3A_667 : i32 to index
      %swap3A_668 = tpu.vector_load %arg6[%swap3A] {strides = array<i32>} : memref<6144xf32, #tpu.memory_space<vmem>>, vector<16xf32>,
      tpu.vector_store %arg6[%swap3A], %broadcast_in_dim3A_3 {strides = array<i32>} : memref<6144xf32, #tpu.memory_space<vmem>>, vector<16xf32>,
      %mul3A_669 = arith.constant 8 : i32
      %mul3A_670 = arith.muli %scan3A_661, %mul3A_669 : i32
      %add3A_671 = arith.constant 1 : i32
      %add3A_672 = arith.addi %mul3A_670, %add3A_671 : i32
      %mul3A_673 = arith.constant 16 : i32
      %mul3A_674 = arith.muli %add3A_672, %mul3A_673 : i32
      %swap3A_675 = arith.index_cast %mul3A_674 : i32 to index
      %swap3A_676 = tpu.vector_load %arg6[%swap3A_675] {strides = array<i32>} : memref<6144xf32, #tpu.memory_space<vmem>>, vector<16xf32>,
      tpu.vector_store %arg6[%swap3A_675], %broadcast_in_dim3A_3 {strides = array<i32>} : memref<6144xf32, #tpu.memory_space<vmem>>, vector<16xf32>,
      %mul3A_677 = arith.constant 8 : i32
      %mul3A_678 = arith.muli %scan3A_661, %mul3A_677 : i32
      %add3A_679 = arith.constant 2 : i32
      %add3A_680 = arith.addi %mul3A_678, %add3A_679 : i32
      %mul3A_681 = arith.constant 16 : i32
      %mul3A_682 = arith.muli %add3A_680, %mul3A_681 : i32
      %swap3A_683 = arith.index_cast %mul3A_682 : i32 to index
      %swap3A_684 = tpu.vector_load %arg6[%swap3A_683] {strides = array<i32>} : memref<6144xf32, #tpu.memory_space<vmem>>, vector<16xf32>,
      tpu.vector_store %arg6[%swap3A_683], %broadcast_in_dim3A_3 {strides = array<i32>} : memref<6144xf32, #tpu.memory_space<vmem>>, vector<16xf32>,
      %mul3A_685 = arith.constant 8 : i32
      %mul3A_686 = arith.muli %scan3A_661, %mul3A_685 : i32
      %add3A_687 = arith.constant 3 : i32
      %add3A_688 = arith.addi %mul3A_686, %add3A_687 : i32
      %mul3A_689 = arith.constant 16 : i32
      %mul3A_690 = arith.muli %add3A_688, %mul3A_689 : i32
      %swap3A_691 = arith.index_cast %mul3A_690 : i32 to index
      %swap3A_692 = tpu.vector_load %arg6[%swap3A_691] {strides = array<i32>} : memref<6144xf32, #tpu.memory_space<vmem>>, vector<16xf32>,
      tpu.vector_store %arg6[%swap3A_691], %broadcast_in_dim3A_3 {strides = array<i32>} : memref<6144xf32, #tpu.memory_space<vmem>>, vector<16xf32>,
      %mul3A_693 = arith.constant 8 : i32
      %mul3A_694 = arith.muli %scan3A_661, %mul3A_693 : i32
      %add3A_695 = arith.constant 4 : i32
      %add3A_696 = arith.addi %mul3A_694, %add3A_695 : i32
      %mul3A_697 = arith.constant 16 : i32
      %mul3A_698 = arith.muli %add3A_696, %mul3A_697 : i32
      %swap3A_699 = arith.index_cast %mul3A_698 : i32 to index
      %swap3A_700 = tpu.vector_load %arg6[%swap3A_699] {strides = array<i32>} : memref<6144xf32, #tpu.memory_space<vmem>>, vector<16xf32>,
      tpu.vector_store %arg6[%swap3A_699], %broadcast_in_dim3A_3 {strides = array<i32>} : memref<6144xf32, #tpu.memory_space<vmem>>, vector<16xf32>,
      %mul3A_701 = arith.constant 8 : i32
      %mul3A_702 = arith.muli %scan3A_661, %mul3A_701 : i32
      %add3A_703 = arith.constant 5 : i32
      %add3A_704 = arith.addi %mul3A_702, %add3A_703 : i32
      %mul3A_705 = arith.constant 16 : i32
      %mul3A_706 = arith.muli %add3A_704, %mul3A_705 : i32
      %swap3A_707 = arith.index_cast %mul3A_706 : i32 to index
      %swap3A_708 = tpu.vector_load %arg6[%swap3A_707] {strides = array<i32>} : memref<6144xf32, #tpu.memory_space<vmem>>, vector<16xf32>,
      tpu.vector_store %arg6[%swap3A_707], %broadcast_in_dim3A_3 {strides = array<i32>} : memref<6144xf32, #tpu.memory_space<vmem>>, vector<16xf32>,
      %mul3A_709 = arith.constant 8 : i32
      %mul3A_710 = arith.muli %scan3A_661, %mul3A_709 : i32
      %add3A_711 = arith.constant 6 : i32
      %add3A_712 = arith.addi %mul3A_710, %add3A_711 : i32
      %mul3A_713 = arith.constant 16 : i32
      %mul3A_714 = arith.muli %add3A_712, %mul3A_713 : i32
      %swap3A_715 = arith.index_cast %mul3A_714 : i32 to index
      %swap3A_716 = tpu.vector_load %arg6[%swap3A_715] {strides = array<i32>} : memref<6144xf32, #tpu.memory_space<vmem>>, vector<16xf32>,
      tpu.vector_store %arg6[%swap3A_715], %broadcast_in_dim3A_3 {strides = array<i32>} : memref<6144xf32, #tpu.memory_space<vmem>>, vector<16xf32>,
      %mul3A_717 = arith.constant 8 : i32
      %mul3A_718 = arith.muli %scan3A_661, %mul3A_717 : i32
      %add3A_719 = arith.constant 7 : i32
      %add3A_720 = arith.addi %mul3A_718, %add3A_719 : i32
      %mul3A_721 = arith.constant 16 : i32
      %mul3A_722 = arith.muli %add3A_720, %mul3A_721 : i32
      %swap3A_723 = arith.index_cast %mul3A_722 : i32 to index
      %swap3A_724 = tpu.vector_load %arg6[%swap3A_723] {strides = array<i32>} : memref<6144xf32, #tpu.memory_space<vmem>>, vector<16xf32>,
      tpu.vector_store %arg6[%swap3A_723], %broadcast_in_dim3A_3 {strides = array<i32>} : memref<6144xf32, #tpu.memory_space<vmem>>, vector<16xf32>,
    }
    %scan3A_203 = arith.constant 48 : i32
    %scan3A_204 = arith.constant 0 : i32
    %scan3A_205 = arith.constant 0 : i32
    %scan3A_206 = arith.constant 6 : i32
    %scan3A_207 = arith.addi %scan3A_205, %scan3A_206 : i32
    %scan3A_208 = arith.constant 1 : i32
    scf.for %scan3A_661 = %scan3A_205 to %scan3A_207 step %scan3A_208  : i32 {
      %mul3A_662 = arith.constant 2 : i32
      %mul3A_663 = arith.muli %mul3A_662, %scan3A_661 : i32
      %dma_wait3A_664 = arith.constant 0 : i32
      %dma_wait3A_665 = arith.constant 0 : i32
      %dma_wait3A_666 = arith.constant 0 : i32
      %dma_wait3A_667 = tpu.memref_slice %arg2[%dma_wait3A_664, %dma_wait3A_665, %dma_wait3A_666] : memref<192x384x384xf32, #tpu.memory_space<hbm>> -> memref<16x8x192xf32, #tpu.memory_space<hbm>>
      %dma_wait3A_668 = arith.constant 0 : i32
      %dma_wait3A_669 = arith.constant 0 : i32
      %dma_wait3A_670 = arith.constant 0 : i32
      %dma_wait3A_671 = tpu.memref_slice %arg2[%dma_wait3A_668, %dma_wait3A_669, %dma_wait3A_670] : memref<192x384x384xf32, #tpu.memory_space<hbm>> -> memref<16x8x192xf32, #tpu.memory_space<hbm>>
      tpu.wait_dma2 semaphore(%arg8 : memref<!tpu.dma_semaphore, #tpu.memory_space<semaphore_mem>>) src(%dma_wait3A_671 : memref<16x8x192xf32, #tpu.memory_space<hbm>>) dst(%arg4 : memref<16x8x192xf32, #tpu.memory_space<vmem>>)
      %add3A_672 = arith.constant 1 : i32
      %add3A_673 = arith.addi %mul3A_663, %add3A_672 : i32
      %mul3A_674 = arith.constant 16 : i32
      %mul3A_675 = arith.muli %add3A_673, %mul3A_674 : i32
      %dma_start3A_676 = tpu.memref_slice %arg2[%mul3A_675, %mul3A_196, %mul3A_198] : memref<192x384x384xf32, #tpu.memory_space<hbm>> -> memref<16x8x192xf32, #tpu.memory_space<hbm>>
      %dma_start3A_677 = tpu.memref_slice %arg2[%mul3A_675, %mul3A_196, %mul3A_198] : memref<192x384x384xf32, #tpu.memory_space<hbm>> -> memref<16x8x192xf32, #tpu.memory_space<hbm>>
      tpu.enqueue_dma source(%dma_start3A_677 : memref<16x8x192xf32, #tpu.memory_space<hbm>>) target(%arg5 : memref<16x8x192xf32, #tpu.memory_space<vmem>>) target_semaphore(%arg9 : memref<!tpu.dma_semaphore, #tpu.memory_space<semaphore_mem>>)
      %parallel_loop3A = arith.constant 0 : i32
      %parallel_loop3A_678 = arith.constant 128 : i32
      %parallel_loop3A_679 = arith.constant 1 : i32
      scf.for %parallel_loop3A_696 = %parallel_loop3A to %parallel_loop3A_678 step %parallel_loop3A_679  : i32 {
        %parallel_loop3A_697 = arith.constant 3 : i32
        %parallel_loop3A_698 = arith.shrsi %parallel_loop3A_696, %parallel_loop3A_697 : i32
        %parallel_loop3A_699 = arith.constant 7 : i32
        %parallel_loop3A_700 = arith.andi %parallel_loop3A_696, %parallel_loop3A_699 : i32
        %parallel_loop3A_701 = arith.index_cast %parallel_loop3A_698 : i32 to index
        %parallel_loop3A_702 = arith.index_cast %parallel_loop3A_700 : i32 to index
        %parallel_loop3A_703 = arith.constant 0 : index
        %parallel_loop3A_704 = tpu.vector_load %arg4[%parallel_loop3A_701, %parallel_loop3A_702, %parallel_loop3A_703] {strides = array<i32>} : memref<16x8x192xf32, #tpu.memory_space<vmem>>, vector<16xf32>,
        %parallel_loop3A_705 = arith.constant 2.560000e+02 : f32
        %parallel_loop3A_706 = vector.broadcast %parallel_loop3A_705 : f32 to vector<16xf32>
        %parallel_loop3A_707 = arith.mulf %parallel_loop3A_704, %parallel_loop3A_706 : vector<16xf32>
        %parallel_loop3A_708 = arith.fptosi %parallel_loop3A_707 : vector<16xf32> to vector<16xi32>
        %parallel_loop3A_709 = arith.addi %shift_left3A_10, %parallel_loop3A_708 : vector<16xi32>
        tpu.vector_store_idx %arg6[%parallel_loop3A_709], %broadcast_in_dim3A_1 {add = true} : memref<6144xf32, #tpu.memory_space<vmem>>[vector<16xi32>], vector<16xf32>,
        %parallel_loop3A_710 = arith.index_cast %parallel_loop3A_698 : i32 to index
        %parallel_loop3A_711 = arith.index_cast %parallel_loop3A_700 : i32 to index
        %parallel_loop3A_712 = arith.constant 16 : index
        %parallel_loop3A_713 = tpu.vector_load %arg4[%parallel_loop3A_710, %parallel_loop3A_711, %parallel_loop3A_712] {strides = array<i32>} : memref<16x8x192xf32, #tpu.memory_space<vmem>>, vector<16xf32>,
        %parallel_loop3A_714 = arith.constant 2.560000e+02 : f32
        %parallel_loop3A_715 = vector.broadcast %parallel_loop3A_714 : f32 to vector<16xf32>
        %parallel_loop3A_716 = arith.mulf %parallel_loop3A_713, %parallel_loop3A_715 : vector<16xf32>
        %parallel_loop3A_717 = arith.fptosi %parallel_loop3A_716 : vector<16xf32> to vector<16xi32>
        %parallel_loop3A_718 = arith.addi %shift_left3A_19, %parallel_loop3A_717 : vector<16xi32>
        tpu.vector_store_idx %arg6[%parallel_loop3A_718], %broadcast_in_dim3A_1 {add = true} : memref<6144xf32, #tpu.memory_space<vmem>>[vector<16xi32>], vector<16xf32>,
        %parallel_loop3A_719 = arith.index_cast %parallel_loop3A_698 : i32 to index
        %parallel_loop3A_720 = arith.index_cast %parallel_loop3A_700 : i32 to index
        %parallel_loop3A_721 = arith.constant 32 : index
        %parallel_loop3A_722 = tpu.vector_load %arg4[%parallel_loop3A_719, %parallel_loop3A_720, %parallel_loop3A_721] {strides = array<i32>} : memref<16x8x192xf32, #tpu.memory_space<vmem>>, vector<16xf32>,
        %parallel_loop3A_723 = arith.constant 2.560000e+02 : f32
        %parallel_loop3A_724 = vector.broadcast %parallel_loop3A_723 : f32 to vector<16xf32>
        %parallel_loop3A_725 = arith.mulf %parallel_loop3A_722, %parallel_loop3A_724 : vector<16xf32>
        %parallel_loop3A_726 = arith.fptosi %parallel_loop3A_725 : vector<16xf32> to vector<16xi32>
        %parallel_loop3A_727 = arith.addi %shift_left3A_28, %parallel_loop3A_726 : vector<16xi32>
        tpu.vector_store_idx %arg6[%parallel_loop3A_727], %broadcast_in_dim3A_1 {add = true} : memref<6144xf32, #tpu.memory_space<vmem>>[vector<16xi32>], vector<16xf32>,
        %parallel_loop3A_728 = arith.index_cast %parallel_loop3A_698 : i32 to index
        %parallel_loop3A_729 = arith.index_cast %parallel_loop3A_700 : i32 to index
        %parallel_loop3A_730 = arith.constant 48 : index
        %parallel_loop3A_731 = tpu.vector_load %arg4[%parallel_loop3A_728, %parallel_loop3A_729, %parallel_loop3A_730] {strides = array<i32>} : memref<16x8x192xf32, #tpu.memory_space<vmem>>, vector<16xf32>,
        %parallel_loop3A_732 = arith.constant 2.560000e+02 : f32
        %parallel_loop3A_733 = vector.broadcast %parallel_loop3A_732 : f32 to vector<16xf32>
        %parallel_loop3A_734 = arith.mulf %parallel_loop3A_731, %parallel_loop3A_733 : vector<16xf32>
        %parallel_loop3A_735 = arith.fptosi %parallel_loop3A_734 : vector<16xf32> to vector<16xi32>
        %parallel_loop3A_736 = arith.addi %shift_left3A_37, %parallel_loop3A_735 : vector<16xi32>
        tpu.vector_store_idx %arg6[%parallel_loop3A_736], %broadcast_in_dim3A_1 {add = true} : memref<6144xf32, #tpu.memory_space<vmem>>[vector<16xi32>], vector<16xf32>,
        %parallel_loop3A_737 = arith.index_cast %parallel_loop3A_698 : i32 to index
        %parallel_loop3A_738 = arith.index_cast %parallel_loop3A_700 : i32 to index
        %parallel_loop3A_739 = arith.constant 64 : index
        %parallel_loop3A_740 = tpu.vector_load %arg4[%parallel_loop3A_737, %parallel_loop3A_738, %parallel_loop3A_739] {strides = array<i32>} : memref<16x8x192xf32, #tpu.memory_space<vmem>>, vector<16xf32>,
        %parallel_loop3A_741 = arith.constant 2.560000e+02 : f32
        %parallel_loop3A_742 = vector.broadcast %parallel_loop3A_741 : f32 to vector<16xf32>
        %parallel_loop3A_743 = arith.mulf %parallel_loop3A_740, %parallel_loop3A_742 : vector<16xf32>
        %parallel_loop3A_744 = arith.fptosi %parallel_loop3A_743 : vector<16xf32> to vector<16xi32>
        %parallel_loop3A_745 = arith.addi %shift_left3A_46, %parallel_loop3A_744 : vector<16xi32>
        tpu.vector_store_idx %arg6[%parallel_loop3A_745], %broadcast_in_dim3A_1 {add = true} : memref<6144xf32, #tpu.memory_space<vmem>>[vector<16xi32>], vector<16xf32>,
        %parallel_loop3A_746 = arith.index_cast %parallel_loop3A_698 : i32 to index
        %parallel_loop3A_747 = arith.index_cast %parallel_loop3A_700 : i32 to index
        %parallel_loop3A_748 = arith.constant 80 : index
        %parallel_loop3A_749 = tpu.vector_load %arg4[%parallel_loop3A_746, %parallel_loop3A_747, %parallel_loop3A_748] {strides = array<i32>} : memref<16x8x192xf32, #tpu.memory_space<vmem>>, vector<16xf32>,
        %parallel_loop3A_750 = arith.constant 2.560000e+02 : f32
        %parallel_loop3A_751 = vector.broadcast %parallel_loop3A_750 : f32 to vector<16xf32>
        %parallel_loop3A_752 = arith.mulf %parallel_loop3A_749, %parallel_loop3A_751 : vector<16xf32>
        %parallel_loop3A_753 = arith.fptosi %parallel_loop3A_752 : vector<16xf32> to vector<16xi32>
        %parallel_loop3A_754 = arith.addi %shift_left3A_55, %parallel_loop3A_753 : vector<16xi32>
        tpu.vector_store_idx %arg6[%parallel_loop3A_754], %broadcast_in_dim3A_1 {add = true} : memref<6144xf32, #tpu.memory_space<vmem>>[vector<16xi32>], vector<16xf32>,
        %parallel_loop3A_755 = arith.index_cast %parallel_loop3A_698 : i32 to index
        %parallel_loop3A_756 = arith.index_cast %parallel_loop3A_700 : i32 to index
        %parallel_loop3A_757 = arith.constant 96 : index
        %parallel_loop3A_758 = tpu.vector_load %arg4[%parallel_loop3A_755, %parallel_loop3A_756, %parallel_loop3A_757] {strides = array<i32>} : memref<16x8x192xf32, #tpu.memory_space<vmem>>, vector<16xf32>,
        %parallel_loop3A_759 = arith.constant 2.560000e+02 : f32
        %parallel_loop3A_760 = vector.broadcast %parallel_loop3A_759 : f32 to vector<16xf32>
        %parallel_loop3A_761 = arith.mulf %parallel_loop3A_758, %parallel_loop3A_760 : vector<16xf32>
        %parallel_loop3A_762 = arith.fptosi %parallel_loop3A_761 : vector<16xf32> to vector<16xi32>
        %parallel_loop3A_763 = arith.addi %shift_left3A_64, %parallel_loop3A_762 : vector<16xi32>
        tpu.vector_store_idx %arg6[%parallel_loop3A_763], %broadcast_in_dim3A_1 {add = true} : memref<6144xf32, #tpu.memory_space<vmem>>[vector<16xi32>], vector<16xf32>,
        %parallel_loop3A_764 = arith.index_cast %parallel_loop3A_698 : i32 to index
        %parallel_loop3A_765 = arith.index_cast %parallel_loop3A_700 : i32 to index
        %parallel_loop3A_766 = arith.constant 112 : index
        %parallel_loop3A_767 = tpu.vector_load %arg4[%parallel_loop3A_764, %parallel_loop3A_765, %parallel_loop3A_766] {strides = array<i32>} : memref<16x8x192xf32, #tpu.memory_space<vmem>>, vector<16xf32>,
        %parallel_loop3A_768 = arith.constant 2.560000e+02 : f32
        %parallel_loop3A_769 = vector.broadcast %parallel_loop3A_768 : f32 to vector<16xf32>
        %parallel_loop3A_770 = arith.mulf %parallel_loop3A_767, %parallel_loop3A_769 : vector<16xf32>
        %parallel_loop3A_771 = arith.fptosi %parallel_loop3A_770 : vector<16xf32> to vector<16xi32>
        %parallel_loop3A_772 = arith.addi %shift_left3A_73, %parallel_loop3A_771 : vector<16xi32>
        tpu.vector_store_idx %arg6[%parallel_loop3A_772], %broadcast_in_dim3A_1 {add = true} : memref<6144xf32, #tpu.memory_space<vmem>>[vector<16xi32>], vector<16xf32>,
        %parallel_loop3A_773 = arith.index_cast %parallel_loop3A_698 : i32 to index
        %parallel_loop3A_774 = arith.index_cast %parallel_loop3A_700 : i32 to index
        %parallel_loop3A_775 = arith.constant 128 : index
        %parallel_loop3A_776 = tpu.vector_load %arg4[%parallel_loop3A_773, %parallel_loop3A_774, %parallel_loop3A_775] {strides = array<i32>} : memref<16x8x192xf32, #tpu.memory_space<vmem>>, vector<16xf32>,
        %parallel_loop3A_777 = arith.constant 2.560000e+02 : f32
        %parallel_loop3A_778 = vector.broadcast %parallel_loop3A_777 : f32 to vector<16xf32>
        %parallel_loop3A_779 = arith.mulf %parallel_loop3A_776, %parallel_loop3A_778 : vector<16xf32>
        %parallel_loop3A_780 = arith.fptosi %parallel_loop3A_779 : vector<16xf32> to vector<16xi32>
        %parallel_loop3A_781 = arith.addi %shift_left3A_82, %parallel_loop3A_780 : vector<16xi32>
        tpu.vector_store_idx %arg6[%parallel_loop3A_781], %broadcast_in_dim3A_1 {add = true} : memref<6144xf32, #tpu.memory_space<vmem>>[vector<16xi32>], vector<16xf32>,
        %parallel_loop3A_782 = arith.index_cast %parallel_loop3A_698 : i32 to index
        %parallel_loop3A_783 = arith.index_cast %parallel_loop3A_700 : i32 to index
        %parallel_loop3A_784 = arith.constant 144 : index
        %parallel_loop3A_785 = tpu.vector_load %arg4[%parallel_loop3A_782, %parallel_loop3A_783, %parallel_loop3A_784] {strides = array<i32>} : memref<16x8x192xf32, #tpu.memory_space<vmem>>, vector<16xf32>,
        %parallel_loop3A_786 = arith.constant 2.560000e+02 : f32
        %parallel_loop3A_787 = vector.broadcast %parallel_loop3A_786 : f32 to vector<16xf32>
        %parallel_loop3A_788 = arith.mulf %parallel_loop3A_785, %parallel_loop3A_787 : vector<16xf32>
        %parallel_loop3A_789 = arith.fptosi %parallel_loop3A_788 : vector<16xf32> to vector<16xi32>
        %parallel_loop3A_790 = arith.addi %shift_left3A_91, %parallel_loop3A_789 : vector<16xi32>
        tpu.vector_store_idx %arg6[%parallel_loop3A_790], %broadcast_in_dim3A_1 {add = true} : memref<6144xf32, #tpu.memory_space<vmem>>[vector<16xi32>], vector<16xf32>,
        %parallel_loop3A_791 = arith.index_cast %parallel_loop3A_698 : i32 to index
        %parallel_loop3A_792 = arith.index_cast %parallel_loop3A_700 : i32 to index
        %parallel_loop3A_793 = arith.constant 160 : index
        %parallel_loop3A_794 = tpu.vector_load %arg4[%parallel_loop3A_791, %parallel_loop3A_792, %parallel_loop3A_793] {strides = array<i32>} : memref<16x8x192xf32, #tpu.memory_space<vmem>>, vector<16xf32>,
        %parallel_loop3A_795 = arith.constant 2.560000e+02 : f32
        %parallel_loop3A_796 = vector.broadcast %parallel_loop3A_795 : f32 to vector<16xf32>
        %parallel_loop3A_797 = arith.mulf %parallel_loop3A_794, %parallel_loop3A_796 : vector<16xf32>
        %parallel_loop3A_798 = arith.fptosi %parallel_loop3A_797 : vector<16xf32> to vector<16xi32>
        %parallel_loop3A_799 = arith.addi %shift_left3A_100, %parallel_loop3A_798 : vector<16xi32>
        tpu.vector_store_idx %arg6[%parallel_loop3A_799], %broadcast_in_dim3A_1 {add = true} : memref<6144xf32, #tpu.memory_space<vmem>>[vector<16xi32>], vector<16xf32>,
        %parallel_loop3A_800 = arith.index_cast %parallel_loop3A_698 : i32 to index
        %parallel_loop3A_801 = arith.index_cast %parallel_loop3A_700 : i32 to index
        %parallel_loop3A_802 = arith.constant 176 : index
        %parallel_loop3A_803 = tpu.vector_load %arg4[%parallel_loop3A_800, %parallel_loop3A_801, %parallel_loop3A_802] {strides = array<i32>} : memref<16x8x192xf32, #tpu.memory_space<vmem>>, vector<16xf32>,
        %parallel_loop3A_804 = arith.constant 2.560000e+02 : f32
        %parallel_loop3A_805 = vector.broadcast %parallel_loop3A_804 : f32 to vector<16xf32>
        %parallel_loop3A_806 = arith.mulf %parallel_loop3A_803, %parallel_loop3A_805 : vector<16xf32>
        %parallel_loop3A_807 = arith.fptosi %parallel_loop3A_806 : vector<16xf32> to vector<16xi32>
        %parallel_loop3A_808 = arith.addi %shift_left3A_109, %parallel_loop3A_807 : vector<16xi32>
        tpu.vector_store_idx %arg6[%parallel_loop3A_808], %broadcast_in_dim3A_1 {add = true} : memref<6144xf32, #tpu.memory_space<vmem>>[vector<16xi32>], vector<16xf32>,
      } {sc.loop_unroll_factor = 2 : i64, sc.parallel_access}
      %dma_wait3A_680 = arith.constant 0 : i32
      %dma_wait3A_681 = arith.constant 0 : i32
      %dma_wait3A_682 = arith.constant 0 : i32
      %dma_wait3A_683 = tpu.memref_slice %arg2[%dma_wait3A_680, %dma_wait3A_681, %dma_wait3A_682] : memref<192x384x384xf32, #tpu.memory_space<hbm>> -> memref<16x8x192xf32, #tpu.memory_space<hbm>>
      %dma_wait3A_684 = arith.constant 0 : i32
      %dma_wait3A_685 = arith.constant 0 : i32
      %dma_wait3A_686 = arith.constant 0 : i32
      %dma_wait3A_687 = tpu.memref_slice %arg2[%dma_wait3A_684, %dma_wait3A_685, %dma_wait3A_686] : memref<192x384x384xf32, #tpu.memory_space<hbm>> -> memref<16x8x192xf32, #tpu.memory_space<hbm>>
      tpu.wait_dma2 semaphore(%arg9 : memref<!tpu.dma_semaphore, #tpu.memory_space<semaphore_mem>>) src(%dma_wait3A_687 : memref<16x8x192xf32, #tpu.memory_space<hbm>>) dst(%arg5 : memref<16x8x192xf32, #tpu.memory_space<vmem>>)
      %add3A_688 = arith.constant 2 : i32
      %add3A_689 = arith.addi %mul3A_663, %add3A_688 : i32
      %lt3A_690 = arith.constant 12 : i32
      %lt3A_691 = arith.cmpi slt, %add3A_689, %lt3A_690 : i32
      %convert_element_type3A = arith.extui %lt3A_691 : i1 to i32
      %cond3A = arith.constant 0 : i32
      %cond3A_692 = arith.cmpi ne, %convert_element_type3A, %cond3A : i32
      scf.if %cond3A_692 {
        %add3A_696 = arith.constant 2 : i32
        %add3A_697 = arith.addi %mul3A_663, %add3A_696 : i32
        %mul3A_698 = arith.constant 16 : i32
        %mul3A_699 = arith.muli %add3A_697, %mul3A_698 : i32
        %dma_start3A_700 = tpu.memref_slice %arg2[%mul3A_699, %mul3A_196, %mul3A_198] : memref<192x384x384xf32, #tpu.memory_space<hbm>> -> memref<16x8x192xf32, #tpu.memory_space<hbm>>
        %dma_start3A_701 = tpu.memref_slice %arg2[%mul3A_699, %mul3A_196, %mul3A_198] : memref<192x384x384xf32, #tpu.memory_space<hbm>> -> memref<16x8x192xf32, #tpu.memory_space<hbm>>
        tpu.enqueue_dma source(%dma_start3A_701 : memref<16x8x192xf32, #tpu.memory_space<hbm>>) target(%arg4 : memref<16x8x192xf32, #tpu.memory_space<vmem>>) target_semaphore(%arg8 : memref<!tpu.dma_semaphore, #tpu.memory_space<semaphore_mem>>)
      } else {
      }
      %parallel_loop3A_693 = arith.constant 0 : i32
      %parallel_loop3A_694 = arith.constant 128 : i32
      %parallel_loop3A_695 = arith.constant 1 : i32
      scf.for %parallel_loop3A_696 = %parallel_loop3A_693 to %parallel_loop3A_694 step %parallel_loop3A_695  : i32 {
        %parallel_loop3A_697 = arith.constant 3 : i32
        %parallel_loop3A_698 = arith.shrsi %parallel_loop3A_696, %parallel_loop3A_697 : i32
        %parallel_loop3A_699 = arith.constant 7 : i32
        %parallel_loop3A_700 = arith.andi %parallel_loop3A_696, %parallel_loop3A_699 : i32
        %parallel_loop3A_701 = arith.index_cast %parallel_loop3A_698 : i32 to index
        %parallel_loop3A_702 = arith.index_cast %parallel_loop3A_700 : i32 to index
        %parallel_loop3A_703 = arith.constant 0 : index
        %parallel_loop3A_704 = tpu.vector_load %arg5[%parallel_loop3A_701, %parallel_loop3A_702, %parallel_loop3A_703] {strides = array<i32>} : memref<16x8x192xf32, #tpu.memory_space<vmem>>, vector<16xf32>,
        %parallel_loop3A_705 = arith.constant 2.560000e+02 : f32
        %parallel_loop3A_706 = vector.broadcast %parallel_loop3A_705 : f32 to vector<16xf32>
        %parallel_loop3A_707 = arith.mulf %parallel_loop3A_704, %parallel_loop3A_706 : vector<16xf32>
        %parallel_loop3A_708 = arith.fptosi %parallel_loop3A_707 : vector<16xf32> to vector<16xi32>
        %parallel_loop3A_709 = arith.addi %shift_left3A_10, %parallel_loop3A_708 : vector<16xi32>
        tpu.vector_store_idx %arg6[%parallel_loop3A_709], %broadcast_in_dim3A_1 {add = true} : memref<6144xf32, #tpu.memory_space<vmem>>[vector<16xi32>], vector<16xf32>,
        %parallel_loop3A_710 = arith.index_cast %parallel_loop3A_698 : i32 to index
        %parallel_loop3A_711 = arith.index_cast %parallel_loop3A_700 : i32 to index
        %parallel_loop3A_712 = arith.constant 16 : index
        %parallel_loop3A_713 = tpu.vector_load %arg5[%parallel_loop3A_710, %parallel_loop3A_711, %parallel_loop3A_712] {strides = array<i32>} : memref<16x8x192xf32, #tpu.memory_space<vmem>>, vector<16xf32>,
        %parallel_loop3A_714 = arith.constant 2.560000e+02 : f32
        %parallel_loop3A_715 = vector.broadcast %parallel_loop3A_714 : f32 to vector<16xf32>
        %parallel_loop3A_716 = arith.mulf %parallel_loop3A_713, %parallel_loop3A_715 : vector<16xf32>
        %parallel_loop3A_717 = arith.fptosi %parallel_loop3A_716 : vector<16xf32> to vector<16xi32>
        %parallel_loop3A_718 = arith.addi %shift_left3A_19, %parallel_loop3A_717 : vector<16xi32>
        tpu.vector_store_idx %arg6[%parallel_loop3A_718], %broadcast_in_dim3A_1 {add = true} : memref<6144xf32, #tpu.memory_space<vmem>>[vector<16xi32>], vector<16xf32>,
        %parallel_loop3A_719 = arith.index_cast %parallel_loop3A_698 : i32 to index
        %parallel_loop3A_720 = arith.index_cast %parallel_loop3A_700 : i32 to index
        %parallel_loop3A_721 = arith.constant 32 : index
        %parallel_loop3A_722 = tpu.vector_load %arg5[%parallel_loop3A_719, %parallel_loop3A_720, %parallel_loop3A_721] {strides = array<i32>} : memref<16x8x192xf32, #tpu.memory_space<vmem>>, vector<16xf32>,
        %parallel_loop3A_723 = arith.constant 2.560000e+02 : f32
        %parallel_loop3A_724 = vector.broadcast %parallel_loop3A_723 : f32 to vector<16xf32>
        %parallel_loop3A_725 = arith.mulf %parallel_loop3A_722, %parallel_loop3A_724 : vector<16xf32>
        %parallel_loop3A_726 = arith.fptosi %parallel_loop3A_725 : vector<16xf32> to vector<16xi32>
        %parallel_loop3A_727 = arith.addi %shift_left3A_28, %parallel_loop3A_726 : vector<16xi32>
        tpu.vector_store_idx %arg6[%parallel_loop3A_727], %broadcast_in_dim3A_1 {add = true} : memref<6144xf32, #tpu.memory_space<vmem>>[vector<16xi32>], vector<16xf32>,
        %parallel_loop3A_728 = arith.index_cast %parallel_loop3A_698 : i32 to index
        %parallel_loop3A_729 = arith.index_cast %parallel_loop3A_700 : i32 to index
        %parallel_loop3A_730 = arith.constant 48 : index
        %parallel_loop3A_731 = tpu.vector_load %arg5[%parallel_loop3A_728, %parallel_loop3A_729, %parallel_loop3A_730] {strides = array<i32>} : memref<16x8x192xf32, #tpu.memory_space<vmem>>, vector<16xf32>,
        %parallel_loop3A_732 = arith.constant 2.560000e+02 : f32
        %parallel_loop3A_733 = vector.broadcast %parallel_loop3A_732 : f32 to vector<16xf32>
        %parallel_loop3A_734 = arith.mulf %parallel_loop3A_731, %parallel_loop3A_733 : vector<16xf32>
        %parallel_loop3A_735 = arith.fptosi %parallel_loop3A_734 : vector<16xf32> to vector<16xi32>
        %parallel_loop3A_736 = arith.addi %shift_left3A_37, %parallel_loop3A_735 : vector<16xi32>
        tpu.vector_store_idx %arg6[%parallel_loop3A_736], %broadcast_in_dim3A_1 {add = true} : memref<6144xf32, #tpu.memory_space<vmem>>[vector<16xi32>], vector<16xf32>,
        %parallel_loop3A_737 = arith.index_cast %parallel_loop3A_698 : i32 to index
        %parallel_loop3A_738 = arith.index_cast %parallel_loop3A_700 : i32 to index
        %parallel_loop3A_739 = arith.constant 64 : index
        %parallel_loop3A_740 = tpu.vector_load %arg5[%parallel_loop3A_737, %parallel_loop3A_738, %parallel_loop3A_739] {strides = array<i32>} : memref<16x8x192xf32, #tpu.memory_space<vmem>>, vector<16xf32>,
        %parallel_loop3A_741 = arith.constant 2.560000e+02 : f32
        %parallel_loop3A_742 = vector.broadcast %parallel_loop3A_741 : f32 to vector<16xf32>
        %parallel_loop3A_743 = arith.mulf %parallel_loop3A_740, %parallel_loop3A_742 : vector<16xf32>
        %parallel_loop3A_744 = arith.fptosi %parallel_loop3A_743 : vector<16xf32> to vector<16xi32>
        %parallel_loop3A_745 = arith.addi %shift_left3A_46, %parallel_loop3A_744 : vector<16xi32>
        tpu.vector_store_idx %arg6[%parallel_loop3A_745], %broadcast_in_dim3A_1 {add = true} : memref<6144xf32, #tpu.memory_space<vmem>>[vector<16xi32>], vector<16xf32>,
        %parallel_loop3A_746 = arith.index_cast %parallel_loop3A_698 : i32 to index
        %parallel_loop3A_747 = arith.index_cast %parallel_loop3A_700 : i32 to index
        %parallel_loop3A_748 = arith.constant 80 : index
        %parallel_loop3A_749 = tpu.vector_load %arg5[%parallel_loop3A_746, %parallel_loop3A_747, %parallel_loop3A_748] {strides = array<i32>} : memref<16x8x192xf32, #tpu.memory_space<vmem>>, vector<16xf32>,
        %parallel_loop3A_750 = arith.constant 2.560000e+02 : f32
        %parallel_loop3A_751 = vector.broadcast %parallel_loop3A_750 : f32 to vector<16xf32>
        %parallel_loop3A_752 = arith.mulf %parallel_loop3A_749, %parallel_loop3A_751 : vector<16xf32>
        %parallel_loop3A_753 = arith.fptosi %parallel_loop3A_752 : vector<16xf32> to vector<16xi32>
        %parallel_loop3A_754 = arith.addi %shift_left3A_55, %parallel_loop3A_753 : vector<16xi32>
        tpu.vector_store_idx %arg6[%parallel_loop3A_754], %broadcast_in_dim3A_1 {add = true} : memref<6144xf32, #tpu.memory_space<vmem>>[vector<16xi32>], vector<16xf32>,
        %parallel_loop3A_755 = arith.index_cast %parallel_loop3A_698 : i32 to index
        %parallel_loop3A_756 = arith.index_cast %parallel_loop3A_700 : i32 to index
        %parallel_loop3A_757 = arith.constant 96 : index
        %parallel_loop3A_758 = tpu.vector_load %arg5[%parallel_loop3A_755, %parallel_loop3A_756, %parallel_loop3A_757] {strides = array<i32>} : memref<16x8x192xf32, #tpu.memory_space<vmem>>, vector<16xf32>,
        %parallel_loop3A_759 = arith.constant 2.560000e+02 : f32
        %parallel_loop3A_760 = vector.broadcast %parallel_loop3A_759 : f32 to vector<16xf32>
        %parallel_loop3A_761 = arith.mulf %parallel_loop3A_758, %parallel_loop3A_760 : vector<16xf32>
        %parallel_loop3A_762 = arith.fptosi %parallel_loop3A_761 : vector<16xf32> to vector<16xi32>
        %parallel_loop3A_763 = arith.addi %shift_left3A_64, %parallel_loop3A_762 : vector<16xi32>
        tpu.vector_store_idx %arg6[%parallel_loop3A_763], %broadcast_in_dim3A_1 {add = true} : memref<6144xf32, #tpu.memory_space<vmem>>[vector<16xi32>], vector<16xf32>,
        %parallel_loop3A_764 = arith.index_cast %parallel_loop3A_698 : i32 to index
        %parallel_loop3A_765 = arith.index_cast %parallel_loop3A_700 : i32 to index
        %parallel_loop3A_766 = arith.constant 112 : index
        %parallel_loop3A_767 = tpu.vector_load %arg5[%parallel_loop3A_764, %parallel_loop3A_765, %parallel_loop3A_766] {strides = array<i32>} : memref<16x8x192xf32, #tpu.memory_space<vmem>>, vector<16xf32>,
        %parallel_loop3A_768 = arith.constant 2.560000e+02 : f32
        %parallel_loop3A_769 = vector.broadcast %parallel_loop3A_768 : f32 to vector<16xf32>
        %parallel_loop3A_770 = arith.mulf %parallel_loop3A_767, %parallel_loop3A_769 : vector<16xf32>
        %parallel_loop3A_771 = arith.fptosi %parallel_loop3A_770 : vector<16xf32> to vector<16xi32>
        %parallel_loop3A_772 = arith.addi %shift_left3A_73, %parallel_loop3A_771 : vector<16xi32>
        tpu.vector_store_idx %arg6[%parallel_loop3A_772], %broadcast_in_dim3A_1 {add = true} : memref<6144xf32, #tpu.memory_space<vmem>>[vector<16xi32>], vector<16xf32>,
        %parallel_loop3A_773 = arith.index_cast %parallel_loop3A_698 : i32 to index
        %parallel_loop3A_774 = arith.index_cast %parallel_loop3A_700 : i32 to index
        %parallel_loop3A_775 = arith.constant 128 : index
        %parallel_loop3A_776 = tpu.vector_load %arg5[%parallel_loop3A_773, %parallel_loop3A_774, %parallel_loop3A_775] {strides = array<i32>} : memref<16x8x192xf32, #tpu.memory_space<vmem>>, vector<16xf32>,
        %parallel_loop3A_777 = arith.constant 2.560000e+02 : f32
        %parallel_loop3A_778 = vector.broadcast %parallel_loop3A_777 : f32 to vector<16xf32>
        %parallel_loop3A_779 = arith.mulf %parallel_loop3A_776, %parallel_loop3A_778 : vector<16xf32>
        %parallel_loop3A_780 = arith.fptosi %parallel_loop3A_779 : vector<16xf32> to vector<16xi32>
        %parallel_loop3A_781 = arith.addi %shift_left3A_82, %parallel_loop3A_780 : vector<16xi32>
        tpu.vector_store_idx %arg6[%parallel_loop3A_781], %broadcast_in_dim3A_1 {add = true} : memref<6144xf32, #tpu.memory_space<vmem>>[vector<16xi32>], vector<16xf32>,
        %parallel_loop3A_782 = arith.index_cast %parallel_loop3A_698 : i32 to index
        %parallel_loop3A_783 = arith.index_cast %parallel_loop3A_700 : i32 to index
        %parallel_loop3A_784 = arith.constant 144 : index
        %parallel_loop3A_785 = tpu.vector_load %arg5[%parallel_loop3A_782, %parallel_loop3A_783, %parallel_loop3A_784] {strides = array<i32>} : memref<16x8x192xf32, #tpu.memory_space<vmem>>, vector<16xf32>,
        %parallel_loop3A_786 = arith.constant 2.560000e+02 : f32
        %parallel_loop3A_787 = vector.broadcast %parallel_loop3A_786 : f32 to vector<16xf32>
        %parallel_loop3A_788 = arith.mulf %parallel_loop3A_785, %parallel_loop3A_787 : vector<16xf32>
        %parallel_loop3A_789 = arith.fptosi %parallel_loop3A_788 : vector<16xf32> to vector<16xi32>
        %parallel_loop3A_790 = arith.addi %shift_left3A_91, %parallel_loop3A_789 : vector<16xi32>
        tpu.vector_store_idx %arg6[%parallel_loop3A_790], %broadcast_in_dim3A_1 {add = true} : memref<6144xf32, #tpu.memory_space<vmem>>[vector<16xi32>], vector<16xf32>,
        %parallel_loop3A_791 = arith.index_cast %parallel_loop3A_698 : i32 to index
        %parallel_loop3A_792 = arith.index_cast %parallel_loop3A_700 : i32 to index
        %parallel_loop3A_793 = arith.constant 160 : index
        %parallel_loop3A_794 = tpu.vector_load %arg5[%parallel_loop3A_791, %parallel_loop3A_792, %parallel_loop3A_793] {strides = array<i32>} : memref<16x8x192xf32, #tpu.memory_space<vmem>>, vector<16xf32>,
        %parallel_loop3A_795 = arith.constant 2.560000e+02 : f32
        %parallel_loop3A_796 = vector.broadcast %parallel_loop3A_795 : f32 to vector<16xf32>
        %parallel_loop3A_797 = arith.mulf %parallel_loop3A_794, %parallel_loop3A_796 : vector<16xf32>
        %parallel_loop3A_798 = arith.fptosi %parallel_loop3A_797 : vector<16xf32> to vector<16xi32>
        %parallel_loop3A_799 = arith.addi %shift_left3A_100, %parallel_loop3A_798 : vector<16xi32>
        tpu.vector_store_idx %arg6[%parallel_loop3A_799], %broadcast_in_dim3A_1 {add = true} : memref<6144xf32, #tpu.memory_space<vmem>>[vector<16xi32>], vector<16xf32>,
        %parallel_loop3A_800 = arith.index_cast %parallel_loop3A_698 : i32 to index
        %parallel_loop3A_801 = arith.index_cast %parallel_loop3A_700 : i32 to index
        %parallel_loop3A_802 = arith.constant 176 : index
        %parallel_loop3A_803 = tpu.vector_load %arg5[%parallel_loop3A_800, %parallel_loop3A_801, %parallel_loop3A_802] {strides = array<i32>} : memref<16x8x192xf32, #tpu.memory_space<vmem>>, vector<16xf32>,
        %parallel_loop3A_804 = arith.constant 2.560000e+02 : f32
        %parallel_loop3A_805 = vector.broadcast %parallel_loop3A_804 : f32 to vector<16xf32>
        %parallel_loop3A_806 = arith.mulf %parallel_loop3A_803, %parallel_loop3A_805 : vector<16xf32>
        %parallel_loop3A_807 = arith.fptosi %parallel_loop3A_806 : vector<16xf32> to vector<16xi32>
        %parallel_loop3A_808 = arith.addi %shift_left3A_109, %parallel_loop3A_807 : vector<16xi32>
        tpu.vector_store_idx %arg6[%parallel_loop3A_808], %broadcast_in_dim3A_1 {add = true} : memref<6144xf32, #tpu.memory_space<vmem>>[vector<16xi32>], vector<16xf32>,
      } {sc.loop_unroll_factor = 2 : i64, sc.parallel_access}
    }
    %scan3A_209 = arith.constant 6 : i32
    %mul3A_210 = arith.constant 3 : i32
    %mul3A_211 = arith.muli %add3A, %mul3A_210 : i32
    %add3A_212 = arith.constant 1 : i32
    %add3A_213 = arith.addi %mul3A_211, %add3A_212 : i32
    %jit3A_214 = arith.constant 2 : i32
    %div3A_215 = arith.divsi %add3A_213, %jit3A_214 : i32
    %sign3A_216 = arith.constant 0 : i32
    %sign3A_217 = arith.cmpi sgt, %add3A_213, %sign3A_216 : i32
    %sign3A_218 = arith.extui %sign3A_217 : i1 to i32
    %sign3A_219 = arith.constant 0 : i32
    %sign3A_220 = arith.cmpi slt, %add3A_213, %sign3A_219 : i32
    %sign3A_221 = arith.extui %sign3A_220 : i1 to i32
    %sign3A_222 = arith.subi %sign3A_218, %sign3A_221 : i32
    %sign3A_223 = arith.constant 0 : i32
    %sign3A_224 = arith.cmpi sgt, %jit3A_214, %sign3A_223 : i32
    %sign3A_225 = arith.extui %sign3A_224 : i1 to i32
    %sign3A_226 = arith.constant 0 : i32
    %sign3A_227 = arith.cmpi slt, %jit3A_214, %sign3A_226 : i32
    %sign3A_228 = arith.extui %sign3A_227 : i1 to i32
    %sign3A_229 = arith.subi %sign3A_225, %sign3A_228 : i32
    %ne3A_230 = arith.cmpi ne, %sign3A_222, %sign3A_229 : i32
    %rem3A_231 = arith.remsi %add3A_213, %jit3A_214 : i32
    %ne3A_232 = arith.constant 0 : i32
    %ne3A_233 = arith.cmpi ne, %rem3A_231, %ne3A_232 : i32
    %and3A_234 = arith.andi %ne3A_230, %ne3A_233 : i1
    %sub3A_235 = arith.constant 1 : i32
    %sub3A_236 = arith.subi %div3A_215, %sub3A_235 : i32
    %select_n3A_237 = arith.select %and3A_234, %sub3A_236, %div3A_215 : i32
    %jit3A_238 = arith.constant 2 : i32
    %eq3A_239 = arith.constant 0 : i32
    %eq3A_240 = arith.cmpi eq, %jit3A_238, %eq3A_239 : i32
    %jit3A_241 = arith.constant 1 : i32
    %select_n3A_242 = arith.select %eq3A_240, %jit3A_241, %jit3A_238 : i32
    %rem3A_243 = arith.remsi %add3A_213, %select_n3A_242 : i32
    %ne3A_244 = arith.constant 0 : i32
    %ne3A_245 = arith.cmpi ne, %rem3A_243, %ne3A_244 : i32
    %lt3A_246 = arith.constant 0 : i32
    %lt3A_247 = arith.cmpi slt, %rem3A_243, %lt3A_246 : i32
    %lt3A_248 = arith.constant 0 : i32
    %lt3A_249 = arith.cmpi slt, %select_n3A_242, %lt3A_248 : i32
    %ne3A_250 = arith.xori %lt3A_247, %lt3A_249 : i1
    %and3A_251 = arith.andi %ne3A_250, %ne3A_245 : i1
    %add3A_252 = arith.addi %rem3A_243, %select_n3A_242 : i32
    %select_n3A_253 = arith.select %and3A_251, %add3A_252, %rem3A_243 : i32
    %mul3A_254 = arith.constant 8 : i32
    %mul3A_255 = arith.muli %select_n3A_237, %mul3A_254 : i32
    %mul3A_256 = arith.constant 192 : i32
    %mul3A_257 = arith.muli %select_n3A_253, %mul3A_256 : i32
    %dma_start3A_258 = arith.constant 0 : i32
    %dma_start3A_259 = tpu.memref_slice %arg2[%dma_start3A_258, %mul3A_255, %mul3A_257] : memref<192x384x384xf32, #tpu.memory_space<hbm>> -> memref<16x8x192xf32, #tpu.memory_space<hbm>>
    %dma_start3A_260 = arith.constant 0 : i32
    %dma_start3A_261 = tpu.memref_slice %arg2[%dma_start3A_260, %mul3A_255, %mul3A_257] : memref<192x384x384xf32, #tpu.memory_space<hbm>> -> memref<16x8x192xf32, #tpu.memory_space<hbm>>
    tpu.enqueue_dma source(%dma_start3A_261 : memref<16x8x192xf32, #tpu.memory_space<hbm>>) target(%arg4 : memref<16x8x192xf32, #tpu.memory_space<vmem>>) target_semaphore(%arg8 : memref<!tpu.dma_semaphore, #tpu.memory_space<semaphore_mem>>)
    %mul3A_262 = arith.constant 6144 : i32
    %mul3A_263 = arith.muli %select_n3A_194, %mul3A_262 : i32
    %dma_start3A_264 = arith.constant 0 : i32
    %dma_start3A_265 = tpu.memref_slice %arg3[%dma_start3A_264, %select_n3A_178, %mul3A_263] : memref<2x48x12288xf32, #tpu.memory_space<hbm>> -> memref<1x1x6144xf32, #tpu.memory_space<hbm>>
    %dma_start3A_266 = tpu.memref_squeeze %dma_start3A_265 : memref<1x1x6144xf32, #tpu.memory_space<hbm>> -> memref<6144xf32, #tpu.memory_space<hbm>>
    %dma_start3A_267 = tpu.memref_slice %arg3[%dma_start3A_264, %select_n3A_178, %mul3A_263] : memref<2x48x12288xf32, #tpu.memory_space<hbm>> -> memref<1x1x6144xf32, #tpu.memory_space<hbm>>
    %dma_start3A_268 = tpu.memref_squeeze %dma_start3A_267 : memref<1x1x6144xf32, #tpu.memory_space<hbm>> -> memref<6144xf32, #tpu.memory_space<hbm>>
    tpu.enqueue_dma source(%arg6 : memref<6144xf32, #tpu.memory_space<vmem>>) target(%dma_start3A_268 : memref<6144xf32, #tpu.memory_space<hbm>>) target_semaphore(%arg10 : memref<!tpu.dma_semaphore, #tpu.memory_space<semaphore_mem>>)
    %mul3A_269 = arith.constant 6144 : i32
    %mul3A_270 = arith.muli %select_n3A_194, %mul3A_269 : i32
    %dma_start3A_271 = arith.constant 1 : i32
    %dma_start3A_272 = tpu.memref_slice %arg3[%dma_start3A_271, %select_n3A_178, %mul3A_270] : memref<2x48x12288xf32, #tpu.memory_space<hbm>> -> memref<1x1x6144xf32, #tpu.memory_space<hbm>>
    %dma_start3A_273 = tpu.memref_squeeze %dma_start3A_272 : memref<1x1x6144xf32, #tpu.memory_space<hbm>> -> memref<6144xf32, #tpu.memory_space<hbm>>
    %dma_start3A_274 = tpu.memref_slice %arg3[%dma_start3A_271, %select_n3A_178, %mul3A_270] : memref<2x48x12288xf32, #tpu.memory_space<hbm>> -> memref<1x1x6144xf32, #tpu.memory_space<hbm>>
    %dma_start3A_275 = tpu.memref_squeeze %dma_start3A_274 : memref<1x1x6144xf32, #tpu.memory_space<hbm>> -> memref<6144xf32, #tpu.memory_space<hbm>>
    tpu.enqueue_dma source(%arg6 : memref<6144xf32, #tpu.memory_space<vmem>>) target(%dma_start3A_275 : memref<6144xf32, #tpu.memory_space<hbm>>) target_semaphore(%arg10 : memref<!tpu.dma_semaphore, #tpu.memory_space<semaphore_mem>>)
    %mul3A_276 = arith.constant 3 : i32
    %mul3A_277 = arith.muli %add3A, %mul3A_276 : i32
    %add3A_278 = arith.constant 1 : i32
    %add3A_279 = arith.addi %mul3A_277, %add3A_278 : i32
    %jit3A_280 = arith.constant 2 : i32
    %div3A_281 = arith.divsi %add3A_279, %jit3A_280 : i32
    %sign3A_282 = arith.constant 0 : i32
    %sign3A_283 = arith.cmpi sgt, %add3A_279, %sign3A_282 : i32
    %sign3A_284 = arith.extui %sign3A_283 : i1 to i32
    %sign3A_285 = arith.constant 0 : i32
    %sign3A_286 = arith.cmpi slt, %add3A_279, %sign3A_285 : i32
    %sign3A_287 = arith.extui %sign3A_286 : i1 to i32
    %sign3A_288 = arith.subi %sign3A_284, %sign3A_287 : i32
    %sign3A_289 = arith.constant 0 : i32
    %sign3A_290 = arith.cmpi sgt, %jit3A_280, %sign3A_289 : i32
    %sign3A_291 = arith.extui %sign3A_290 : i1 to i32
    %sign3A_292 = arith.constant 0 : i32
    %sign3A_293 = arith.cmpi slt, %jit3A_280, %sign3A_292 : i32
    %sign3A_294 = arith.extui %sign3A_293 : i1 to i32
    %sign3A_295 = arith.subi %sign3A_291, %sign3A_294 : i32
    %ne3A_296 = arith.cmpi ne, %sign3A_288, %sign3A_295 : i32
    %rem3A_297 = arith.remsi %add3A_279, %jit3A_280 : i32
    %ne3A_298 = arith.constant 0 : i32
    %ne3A_299 = arith.cmpi ne, %rem3A_297, %ne3A_298 : i32
    %and3A_300 = arith.andi %ne3A_296, %ne3A_299 : i1
    %sub3A_301 = arith.constant 1 : i32
    %sub3A_302 = arith.subi %div3A_281, %sub3A_301 : i32
    %select_n3A_303 = arith.select %and3A_300, %sub3A_302, %div3A_281 : i32
    %jit3A_304 = arith.constant 2 : i32
    %eq3A_305 = arith.constant 0 : i32
    %eq3A_306 = arith.cmpi eq, %jit3A_304, %eq3A_305 : i32
    %jit3A_307 = arith.constant 1 : i32
    %select_n3A_308 = arith.select %eq3A_306, %jit3A_307, %jit3A_304 : i32
    %rem3A_309 = arith.remsi %add3A_279, %select_n3A_308 : i32
    %ne3A_310 = arith.constant 0 : i32
    %ne3A_311 = arith.cmpi ne, %rem3A_309, %ne3A_310 : i32
    %lt3A_312 = arith.constant 0 : i32
    %lt3A_313 = arith.cmpi slt, %rem3A_309, %lt3A_312 : i32
    %lt3A_314 = arith.constant 0 : i32
    %lt3A_315 = arith.cmpi slt, %select_n3A_308, %lt3A_314 : i32
    %ne3A_316 = arith.xori %lt3A_313, %lt3A_315 : i1
    %and3A_317 = arith.andi %ne3A_316, %ne3A_311 : i1
    %add3A_318 = arith.addi %rem3A_309, %select_n3A_308 : i32
    %select_n3A_319 = arith.select %and3A_317, %add3A_318, %rem3A_309 : i32
    %mul3A_320 = arith.constant 8 : i32
    %mul3A_321 = arith.muli %select_n3A_303, %mul3A_320 : i32
    %mul3A_322 = arith.constant 192 : i32
    %mul3A_323 = arith.muli %select_n3A_319, %mul3A_322 : i32
    %scan3A_324 = arith.constant 0 : i32
    %scan3A_325 = arith.constant 0 : i32
    %scan3A_326 = arith.constant 48 : i32
    %scan3A_327 = arith.addi %scan3A_325, %scan3A_326 : i32
    %scan3A_328 = arith.constant 1 : i32
    scf.for %scan3A_661 = %scan3A_325 to %scan3A_327 step %scan3A_328  : i32 {
      %mul3A_662 = arith.constant 8 : i32
      %mul3A_663 = arith.muli %scan3A_661, %mul3A_662 : i32
      %add3A_664 = arith.constant 0 : i32
      %add3A_665 = arith.addi %mul3A_663, %add3A_664 : i32
      %mul3A_666 = arith.constant 16 : i32
      %mul3A_667 = arith.muli %add3A_665, %mul3A_666 : i32
      %swap3A = arith.index_cast %mul3A_667 : i32 to index
      %swap3A_668 = tpu.vector_load %arg7[%swap3A] {strides = array<i32>} : memref<6144xf32, #tpu.memory_space<vmem>>, vector<16xf32>,
      tpu.vector_store %arg7[%swap3A], %broadcast_in_dim3A_3 {strides = array<i32>} : memref<6144xf32, #tpu.memory_space<vmem>>, vector<16xf32>,
      %mul3A_669 = arith.constant 8 : i32
      %mul3A_670 = arith.muli %scan3A_661, %mul3A_669 : i32
      %add3A_671 = arith.constant 1 : i32
      %add3A_672 = arith.addi %mul3A_670, %add3A_671 : i32
      %mul3A_673 = arith.constant 16 : i32
      %mul3A_674 = arith.muli %add3A_672, %mul3A_673 : i32
      %swap3A_675 = arith.index_cast %mul3A_674 : i32 to index
      %swap3A_676 = tpu.vector_load %arg7[%swap3A_675] {strides = array<i32>} : memref<6144xf32, #tpu.memory_space<vmem>>, vector<16xf32>,
      tpu.vector_store %arg7[%swap3A_675], %broadcast_in_dim3A_3 {strides = array<i32>} : memref<6144xf32, #tpu.memory_space<vmem>>, vector<16xf32>,
      %mul3A_677 = arith.constant 8 : i32
      %mul3A_678 = arith.muli %scan3A_661, %mul3A_677 : i32
      %add3A_679 = arith.constant 2 : i32
      %add3A_680 = arith.addi %mul3A_678, %add3A_679 : i32
      %mul3A_681 = arith.constant 16 : i32
      %mul3A_682 = arith.muli %add3A_680, %mul3A_681 : i32
      %swap3A_683 = arith.index_cast %mul3A_682 : i32 to index
      %swap3A_684 = tpu.vector_load %arg7[%swap3A_683] {strides = array<i32>} : memref<6144xf32, #tpu.memory_space<vmem>>, vector<16xf32>,
      tpu.vector_store %arg7[%swap3A_683], %broadcast_in_dim3A_3 {strides = array<i32>} : memref<6144xf32, #tpu.memory_space<vmem>>, vector<16xf32>,
      %mul3A_685 = arith.constant 8 : i32
      %mul3A_686 = arith.muli %scan3A_661, %mul3A_685 : i32
      %add3A_687 = arith.constant 3 : i32
      %add3A_688 = arith.addi %mul3A_686, %add3A_687 : i32
      %mul3A_689 = arith.constant 16 : i32
      %mul3A_690 = arith.muli %add3A_688, %mul3A_689 : i32
      %swap3A_691 = arith.index_cast %mul3A_690 : i32 to index
      %swap3A_692 = tpu.vector_load %arg7[%swap3A_691] {strides = array<i32>} : memref<6144xf32, #tpu.memory_space<vmem>>, vector<16xf32>,
      tpu.vector_store %arg7[%swap3A_691], %broadcast_in_dim3A_3 {strides = array<i32>} : memref<6144xf32, #tpu.memory_space<vmem>>, vector<16xf32>,
      %mul3A_693 = arith.constant 8 : i32
      %mul3A_694 = arith.muli %scan3A_661, %mul3A_693 : i32
      %add3A_695 = arith.constant 4 : i32
      %add3A_696 = arith.addi %mul3A_694, %add3A_695 : i32
      %mul3A_697 = arith.constant 16 : i32
      %mul3A_698 = arith.muli %add3A_696, %mul3A_697 : i32
      %swap3A_699 = arith.index_cast %mul3A_698 : i32 to index
      %swap3A_700 = tpu.vector_load %arg7[%swap3A_699] {strides = array<i32>} : memref<6144xf32, #tpu.memory_space<vmem>>, vector<16xf32>,
      tpu.vector_store %arg7[%swap3A_699], %broadcast_in_dim3A_3 {strides = array<i32>} : memref<6144xf32, #tpu.memory_space<vmem>>, vector<16xf32>,
      %mul3A_701 = arith.constant 8 : i32
      %mul3A_702 = arith.muli %scan3A_661, %mul3A_701 : i32
      %add3A_703 = arith.constant 5 : i32
      %add3A_704 = arith.addi %mul3A_702, %add3A_703 : i32
      %mul3A_705 = arith.constant 16 : i32
      %mul3A_706 = arith.muli %add3A_704, %mul3A_705 : i32
      %swap3A_707 = arith.index_cast %mul3A_706 : i32 to index
      %swap3A_708 = tpu.vector_load %arg7[%swap3A_707] {strides = array<i32>} : memref<6144xf32, #tpu.memory_space<vmem>>, vector<16xf32>,
      tpu.vector_store %arg7[%swap3A_707], %broadcast_in_dim3A_3 {strides = array<i32>} : memref<6144xf32, #tpu.memory_space<vmem>>, vector<16xf32>,
      %mul3A_709 = arith.constant 8 : i32
      %mul3A_710 = arith.muli %scan3A_661, %mul3A_709 : i32
      %add3A_711 = arith.constant 6 : i32
      %add3A_712 = arith.addi %mul3A_710, %add3A_711 : i32
      %mul3A_713 = arith.constant 16 : i32
      %mul3A_714 = arith.muli %add3A_712, %mul3A_713 : i32
      %swap3A_715 = arith.index_cast %mul3A_714 : i32 to index
      %swap3A_716 = tpu.vector_load %arg7[%swap3A_715] {strides = array<i32>} : memref<6144xf32, #tpu.memory_space<vmem>>, vector<16xf32>,
      tpu.vector_store %arg7[%swap3A_715], %broadcast_in_dim3A_3 {strides = array<i32>} : memref<6144xf32, #tpu.memory_space<vmem>>, vector<16xf32>,
      %mul3A_717 = arith.constant 8 : i32
      %mul3A_718 = arith.muli %scan3A_661, %mul3A_717 : i32
      %add3A_719 = arith.constant 7 : i32
      %add3A_720 = arith.addi %mul3A_718, %add3A_719 : i32
      %mul3A_721 = arith.constant 16 : i32
      %mul3A_722 = arith.muli %add3A_720, %mul3A_721 : i32
      %swap3A_723 = arith.index_cast %mul3A_722 : i32 to index
      %swap3A_724 = tpu.vector_load %arg7[%swap3A_723] {strides = array<i32>} : memref<6144xf32, #tpu.memory_space<vmem>>, vector<16xf32>,
      tpu.vector_store %arg7[%swap3A_723], %broadcast_in_dim3A_3 {strides = array<i32>} : memref<6144xf32, #tpu.memory_space<vmem>>, vector<16xf32>,
    }
    %scan3A_329 = arith.constant 48 : i32
    %scan3A_330 = arith.constant 0 : i32
    %scan3A_331 = arith.constant 0 : i32
    %scan3A_332 = arith.constant 6 : i32
    %scan3A_333 = arith.addi %scan3A_331, %scan3A_332 : i32
    %scan3A_334 = arith.constant 1 : i32
    scf.for %scan3A_661 = %scan3A_331 to %scan3A_333 step %scan3A_334  : i32 {
      %mul3A_662 = arith.constant 2 : i32
      %mul3A_663 = arith.muli %mul3A_662, %scan3A_661 : i32
      %dma_wait3A_664 = arith.constant 0 : i32
      %dma_wait3A_665 = arith.constant 0 : i32
      %dma_wait3A_666 = arith.constant 0 : i32
      %dma_wait3A_667 = tpu.memref_slice %arg2[%dma_wait3A_664, %dma_wait3A_665, %dma_wait3A_666] : memref<192x384x384xf32, #tpu.memory_space<hbm>> -> memref<16x8x192xf32, #tpu.memory_space<hbm>>
      %dma_wait3A_668 = arith.constant 0 : i32
      %dma_wait3A_669 = arith.constant 0 : i32
      %dma_wait3A_670 = arith.constant 0 : i32
      %dma_wait3A_671 = tpu.memref_slice %arg2[%dma_wait3A_668, %dma_wait3A_669, %dma_wait3A_670] : memref<192x384x384xf32, #tpu.memory_space<hbm>> -> memref<16x8x192xf32, #tpu.memory_space<hbm>>
      tpu.wait_dma2 semaphore(%arg8 : memref<!tpu.dma_semaphore, #tpu.memory_space<semaphore_mem>>) src(%dma_wait3A_671 : memref<16x8x192xf32, #tpu.memory_space<hbm>>) dst(%arg4 : memref<16x8x192xf32, #tpu.memory_space<vmem>>)
      %add3A_672 = arith.constant 1 : i32
      %add3A_673 = arith.addi %mul3A_663, %add3A_672 : i32
      %mul3A_674 = arith.constant 16 : i32
      %mul3A_675 = arith.muli %add3A_673, %mul3A_674 : i32
      %dma_start3A_676 = tpu.memref_slice %arg2[%mul3A_675, %mul3A_321, %mul3A_323] : memref<192x384x384xf32, #tpu.memory_space<hbm>> -> memref<16x8x192xf32, #tpu.memory_space<hbm>>
      %dma_start3A_677 = tpu.memref_slice %arg2[%mul3A_675, %mul3A_321, %mul3A_323] : memref<192x384x384xf32, #tpu.memory_space<hbm>> -> memref<16x8x192xf32, #tpu.memory_space<hbm>>
      tpu.enqueue_dma source(%dma_start3A_677 : memref<16x8x192xf32, #tpu.memory_space<hbm>>) target(%arg5 : memref<16x8x192xf32, #tpu.memory_space<vmem>>) target_semaphore(%arg9 : memref<!tpu.dma_semaphore, #tpu.memory_space<semaphore_mem>>)
      %parallel_loop3A = arith.constant 0 : i32
      %parallel_loop3A_678 = arith.constant 128 : i32
      %parallel_loop3A_679 = arith.constant 1 : i32
      scf.for %parallel_loop3A_696 = %parallel_loop3A to %parallel_loop3A_678 step %parallel_loop3A_679  : i32 {
        %parallel_loop3A_697 = arith.constant 3 : i32
        %parallel_loop3A_698 = arith.shrsi %parallel_loop3A_696, %parallel_loop3A_697 : i32
        %parallel_loop3A_699 = arith.constant 7 : i32
        %parallel_loop3A_700 = arith.andi %parallel_loop3A_696, %parallel_loop3A_699 : i32
        %parallel_loop3A_701 = arith.index_cast %parallel_loop3A_698 : i32 to index
        %parallel_loop3A_702 = arith.index_cast %parallel_loop3A_700 : i32 to index
        %parallel_loop3A_703 = arith.constant 0 : index
        %parallel_loop3A_704 = tpu.vector_load %arg4[%parallel_loop3A_701, %parallel_loop3A_702, %parallel_loop3A_703] {strides = array<i32>} : memref<16x8x192xf32, #tpu.memory_space<vmem>>, vector<16xf32>,
        %parallel_loop3A_705 = arith.constant 2.560000e+02 : f32
        %parallel_loop3A_706 = vector.broadcast %parallel_loop3A_705 : f32 to vector<16xf32>
        %parallel_loop3A_707 = arith.mulf %parallel_loop3A_704, %parallel_loop3A_706 : vector<16xf32>
        %parallel_loop3A_708 = arith.fptosi %parallel_loop3A_707 : vector<16xf32> to vector<16xi32>
        %parallel_loop3A_709 = arith.addi %shift_left3A_10, %parallel_loop3A_708 : vector<16xi32>
        tpu.vector_store_idx %arg7[%parallel_loop3A_709], %broadcast_in_dim3A_1 {add = true} : memref<6144xf32, #tpu.memory_space<vmem>>[vector<16xi32>], vector<16xf32>,
        %parallel_loop3A_710 = arith.index_cast %parallel_loop3A_698 : i32 to index
        %parallel_loop3A_711 = arith.index_cast %parallel_loop3A_700 : i32 to index
        %parallel_loop3A_712 = arith.constant 16 : index
        %parallel_loop3A_713 = tpu.vector_load %arg4[%parallel_loop3A_710, %parallel_loop3A_711, %parallel_loop3A_712] {strides = array<i32>} : memref<16x8x192xf32, #tpu.memory_space<vmem>>, vector<16xf32>,
        %parallel_loop3A_714 = arith.constant 2.560000e+02 : f32
        %parallel_loop3A_715 = vector.broadcast %parallel_loop3A_714 : f32 to vector<16xf32>
        %parallel_loop3A_716 = arith.mulf %parallel_loop3A_713, %parallel_loop3A_715 : vector<16xf32>
        %parallel_loop3A_717 = arith.fptosi %parallel_loop3A_716 : vector<16xf32> to vector<16xi32>
        %parallel_loop3A_718 = arith.addi %shift_left3A_19, %parallel_loop3A_717 : vector<16xi32>
        tpu.vector_store_idx %arg7[%parallel_loop3A_718], %broadcast_in_dim3A_1 {add = true} : memref<6144xf32, #tpu.memory_space<vmem>>[vector<16xi32>], vector<16xf32>,
        %parallel_loop3A_719 = arith.index_cast %parallel_loop3A_698 : i32 to index
        %parallel_loop3A_720 = arith.index_cast %parallel_loop3A_700 : i32 to index
        %parallel_loop3A_721 = arith.constant 32 : index
        %parallel_loop3A_722 = tpu.vector_load %arg4[%parallel_loop3A_719, %parallel_loop3A_720, %parallel_loop3A_721] {strides = array<i32>} : memref<16x8x192xf32, #tpu.memory_space<vmem>>, vector<16xf32>,
        %parallel_loop3A_723 = arith.constant 2.560000e+02 : f32
        %parallel_loop3A_724 = vector.broadcast %parallel_loop3A_723 : f32 to vector<16xf32>
        %parallel_loop3A_725 = arith.mulf %parallel_loop3A_722, %parallel_loop3A_724 : vector<16xf32>
        %parallel_loop3A_726 = arith.fptosi %parallel_loop3A_725 : vector<16xf32> to vector<16xi32>
        %parallel_loop3A_727 = arith.addi %shift_left3A_28, %parallel_loop3A_726 : vector<16xi32>
        tpu.vector_store_idx %arg7[%parallel_loop3A_727], %broadcast_in_dim3A_1 {add = true} : memref<6144xf32, #tpu.memory_space<vmem>>[vector<16xi32>], vector<16xf32>,
        %parallel_loop3A_728 = arith.index_cast %parallel_loop3A_698 : i32 to index
        %parallel_loop3A_729 = arith.index_cast %parallel_loop3A_700 : i32 to index
        %parallel_loop3A_730 = arith.constant 48 : index
        %parallel_loop3A_731 = tpu.vector_load %arg4[%parallel_loop3A_728, %parallel_loop3A_729, %parallel_loop3A_730] {strides = array<i32>} : memref<16x8x192xf32, #tpu.memory_space<vmem>>, vector<16xf32>,
        %parallel_loop3A_732 = arith.constant 2.560000e+02 : f32
        %parallel_loop3A_733 = vector.broadcast %parallel_loop3A_732 : f32 to vector<16xf32>
        %parallel_loop3A_734 = arith.mulf %parallel_loop3A_731, %parallel_loop3A_733 : vector<16xf32>
        %parallel_loop3A_735 = arith.fptosi %parallel_loop3A_734 : vector<16xf32> to vector<16xi32>
        %parallel_loop3A_736 = arith.addi %shift_left3A_37, %parallel_loop3A_735 : vector<16xi32>
        tpu.vector_store_idx %arg7[%parallel_loop3A_736], %broadcast_in_dim3A_1 {add = true} : memref<6144xf32, #tpu.memory_space<vmem>>[vector<16xi32>], vector<16xf32>,
        %parallel_loop3A_737 = arith.index_cast %parallel_loop3A_698 : i32 to index
        %parallel_loop3A_738 = arith.index_cast %parallel_loop3A_700 : i32 to index
        %parallel_loop3A_739 = arith.constant 64 : index
        %parallel_loop3A_740 = tpu.vector_load %arg4[%parallel_loop3A_737, %parallel_loop3A_738, %parallel_loop3A_739] {strides = array<i32>} : memref<16x8x192xf32, #tpu.memory_space<vmem>>, vector<16xf32>,
        %parallel_loop3A_741 = arith.constant 2.560000e+02 : f32
        %parallel_loop3A_742 = vector.broadcast %parallel_loop3A_741 : f32 to vector<16xf32>
        %parallel_loop3A_743 = arith.mulf %parallel_loop3A_740, %parallel_loop3A_742 : vector<16xf32>
        %parallel_loop3A_744 = arith.fptosi %parallel_loop3A_743 : vector<16xf32> to vector<16xi32>
        %parallel_loop3A_745 = arith.addi %shift_left3A_46, %parallel_loop3A_744 : vector<16xi32>
        tpu.vector_store_idx %arg7[%parallel_loop3A_745], %broadcast_in_dim3A_1 {add = true} : memref<6144xf32, #tpu.memory_space<vmem>>[vector<16xi32>], vector<16xf32>,
        %parallel_loop3A_746 = arith.index_cast %parallel_loop3A_698 : i32 to index
        %parallel_loop3A_747 = arith.index_cast %parallel_loop3A_700 : i32 to index
        %parallel_loop3A_748 = arith.constant 80 : index
        %parallel_loop3A_749 = tpu.vector_load %arg4[%parallel_loop3A_746, %parallel_loop3A_747, %parallel_loop3A_748] {strides = array<i32>} : memref<16x8x192xf32, #tpu.memory_space<vmem>>, vector<16xf32>,
        %parallel_loop3A_750 = arith.constant 2.560000e+02 : f32
        %parallel_loop3A_751 = vector.broadcast %parallel_loop3A_750 : f32 to vector<16xf32>
        %parallel_loop3A_752 = arith.mulf %parallel_loop3A_749, %parallel_loop3A_751 : vector<16xf32>
        %parallel_loop3A_753 = arith.fptosi %parallel_loop3A_752 : vector<16xf32> to vector<16xi32>
        %parallel_loop3A_754 = arith.addi %shift_left3A_55, %parallel_loop3A_753 : vector<16xi32>
        tpu.vector_store_idx %arg7[%parallel_loop3A_754], %broadcast_in_dim3A_1 {add = true} : memref<6144xf32, #tpu.memory_space<vmem>>[vector<16xi32>], vector<16xf32>,
        %parallel_loop3A_755 = arith.index_cast %parallel_loop3A_698 : i32 to index
        %parallel_loop3A_756 = arith.index_cast %parallel_loop3A_700 : i32 to index
        %parallel_loop3A_757 = arith.constant 96 : index
        %parallel_loop3A_758 = tpu.vector_load %arg4[%parallel_loop3A_755, %parallel_loop3A_756, %parallel_loop3A_757] {strides = array<i32>} : memref<16x8x192xf32, #tpu.memory_space<vmem>>, vector<16xf32>,
        %parallel_loop3A_759 = arith.constant 2.560000e+02 : f32
        %parallel_loop3A_760 = vector.broadcast %parallel_loop3A_759 : f32 to vector<16xf32>
        %parallel_loop3A_761 = arith.mulf %parallel_loop3A_758, %parallel_loop3A_760 : vector<16xf32>
        %parallel_loop3A_762 = arith.fptosi %parallel_loop3A_761 : vector<16xf32> to vector<16xi32>
        %parallel_loop3A_763 = arith.addi %shift_left3A_64, %parallel_loop3A_762 : vector<16xi32>
        tpu.vector_store_idx %arg7[%parallel_loop3A_763], %broadcast_in_dim3A_1 {add = true} : memref<6144xf32, #tpu.memory_space<vmem>>[vector<16xi32>], vector<16xf32>,
        %parallel_loop3A_764 = arith.index_cast %parallel_loop3A_698 : i32 to index
        %parallel_loop3A_765 = arith.index_cast %parallel_loop3A_700 : i32 to index
        %parallel_loop3A_766 = arith.constant 112 : index
        %parallel_loop3A_767 = tpu.vector_load %arg4[%parallel_loop3A_764, %parallel_loop3A_765, %parallel_loop3A_766] {strides = array<i32>} : memref<16x8x192xf32, #tpu.memory_space<vmem>>, vector<16xf32>,
        %parallel_loop3A_768 = arith.constant 2.560000e+02 : f32
        %parallel_loop3A_769 = vector.broadcast %parallel_loop3A_768 : f32 to vector<16xf32>
        %parallel_loop3A_770 = arith.mulf %parallel_loop3A_767, %parallel_loop3A_769 : vector<16xf32>
        %parallel_loop3A_771 = arith.fptosi %parallel_loop3A_770 : vector<16xf32> to vector<16xi32>
        %parallel_loop3A_772 = arith.addi %shift_left3A_73, %parallel_loop3A_771 : vector<16xi32>
        tpu.vector_store_idx %arg7[%parallel_loop3A_772], %broadcast_in_dim3A_1 {add = true} : memref<6144xf32, #tpu.memory_space<vmem>>[vector<16xi32>], vector<16xf32>,
        %parallel_loop3A_773 = arith.index_cast %parallel_loop3A_698 : i32 to index
        %parallel_loop3A_774 = arith.index_cast %parallel_loop3A_700 : i32 to index
        %parallel_loop3A_775 = arith.constant 128 : index
        %parallel_loop3A_776 = tpu.vector_load %arg4[%parallel_loop3A_773, %parallel_loop3A_774, %parallel_loop3A_775] {strides = array<i32>} : memref<16x8x192xf32, #tpu.memory_space<vmem>>, vector<16xf32>,
        %parallel_loop3A_777 = arith.constant 2.560000e+02 : f32
        %parallel_loop3A_778 = vector.broadcast %parallel_loop3A_777 : f32 to vector<16xf32>
        %parallel_loop3A_779 = arith.mulf %parallel_loop3A_776, %parallel_loop3A_778 : vector<16xf32>
        %parallel_loop3A_780 = arith.fptosi %parallel_loop3A_779 : vector<16xf32> to vector<16xi32>
        %parallel_loop3A_781 = arith.addi %shift_left3A_82, %parallel_loop3A_780 : vector<16xi32>
        tpu.vector_store_idx %arg7[%parallel_loop3A_781], %broadcast_in_dim3A_1 {add = true} : memref<6144xf32, #tpu.memory_space<vmem>>[vector<16xi32>], vector<16xf32>,
        %parallel_loop3A_782 = arith.index_cast %parallel_loop3A_698 : i32 to index
        %parallel_loop3A_783 = arith.index_cast %parallel_loop3A_700 : i32 to index
        %parallel_loop3A_784 = arith.constant 144 : index
        %parallel_loop3A_785 = tpu.vector_load %arg4[%parallel_loop3A_782, %parallel_loop3A_783, %parallel_loop3A_784] {strides = array<i32>} : memref<16x8x192xf32, #tpu.memory_space<vmem>>, vector<16xf32>,
        %parallel_loop3A_786 = arith.constant 2.560000e+02 : f32
        %parallel_loop3A_787 = vector.broadcast %parallel_loop3A_786 : f32 to vector<16xf32>
        %parallel_loop3A_788 = arith.mulf %parallel_loop3A_785, %parallel_loop3A_787 : vector<16xf32>
        %parallel_loop3A_789 = arith.fptosi %parallel_loop3A_788 : vector<16xf32> to vector<16xi32>
        %parallel_loop3A_790 = arith.addi %shift_left3A_91, %parallel_loop3A_789 : vector<16xi32>
        tpu.vector_store_idx %arg7[%parallel_loop3A_790], %broadcast_in_dim3A_1 {add = true} : memref<6144xf32, #tpu.memory_space<vmem>>[vector<16xi32>], vector<16xf32>,
        %parallel_loop3A_791 = arith.index_cast %parallel_loop3A_698 : i32 to index
        %parallel_loop3A_792 = arith.index_cast %parallel_loop3A_700 : i32 to index
        %parallel_loop3A_793 = arith.constant 160 : index
        %parallel_loop3A_794 = tpu.vector_load %arg4[%parallel_loop3A_791, %parallel_loop3A_792, %parallel_loop3A_793] {strides = array<i32>} : memref<16x8x192xf32, #tpu.memory_space<vmem>>, vector<16xf32>,
        %parallel_loop3A_795 = arith.constant 2.560000e+02 : f32
        %parallel_loop3A_796 = vector.broadcast %parallel_loop3A_795 : f32 to vector<16xf32>
        %parallel_loop3A_797 = arith.mulf %parallel_loop3A_794, %parallel_loop3A_796 : vector<16xf32>
        %parallel_loop3A_798 = arith.fptosi %parallel_loop3A_797 : vector<16xf32> to vector<16xi32>
        %parallel_loop3A_799 = arith.addi %shift_left3A_100, %parallel_loop3A_798 : vector<16xi32>
        tpu.vector_store_idx %arg7[%parallel_loop3A_799], %broadcast_in_dim3A_1 {add = true} : memref<6144xf32, #tpu.memory_space<vmem>>[vector<16xi32>], vector<16xf32>,
        %parallel_loop3A_800 = arith.index_cast %parallel_loop3A_698 : i32 to index
        %parallel_loop3A_801 = arith.index_cast %parallel_loop3A_700 : i32 to index
        %parallel_loop3A_802 = arith.constant 176 : index
        %parallel_loop3A_803 = tpu.vector_load %arg4[%parallel_loop3A_800, %parallel_loop3A_801, %parallel_loop3A_802] {strides = array<i32>} : memref<16x8x192xf32, #tpu.memory_space<vmem>>, vector<16xf32>,
        %parallel_loop3A_804 = arith.constant 2.560000e+02 : f32
        %parallel_loop3A_805 = vector.broadcast %parallel_loop3A_804 : f32 to vector<16xf32>
        %parallel_loop3A_806 = arith.mulf %parallel_loop3A_803, %parallel_loop3A_805 : vector<16xf32>
        %parallel_loop3A_807 = arith.fptosi %parallel_loop3A_806 : vector<16xf32> to vector<16xi32>
        %parallel_loop3A_808 = arith.addi %shift_left3A_109, %parallel_loop3A_807 : vector<16xi32>
        tpu.vector_store_idx %arg7[%parallel_loop3A_808], %broadcast_in_dim3A_1 {add = true} : memref<6144xf32, #tpu.memory_space<vmem>>[vector<16xi32>], vector<16xf32>,
      } {sc.loop_unroll_factor = 2 : i64, sc.parallel_access}
      %dma_wait3A_680 = arith.constant 0 : i32
      %dma_wait3A_681 = arith.constant 0 : i32
      %dma_wait3A_682 = arith.constant 0 : i32
      %dma_wait3A_683 = tpu.memref_slice %arg2[%dma_wait3A_680, %dma_wait3A_681, %dma_wait3A_682] : memref<192x384x384xf32, #tpu.memory_space<hbm>> -> memref<16x8x192xf32, #tpu.memory_space<hbm>>
      %dma_wait3A_684 = arith.constant 0 : i32
      %dma_wait3A_685 = arith.constant 0 : i32
      %dma_wait3A_686 = arith.constant 0 : i32
      %dma_wait3A_687 = tpu.memref_slice %arg2[%dma_wait3A_684, %dma_wait3A_685, %dma_wait3A_686] : memref<192x384x384xf32, #tpu.memory_space<hbm>> -> memref<16x8x192xf32, #tpu.memory_space<hbm>>
      tpu.wait_dma2 semaphore(%arg9 : memref<!tpu.dma_semaphore, #tpu.memory_space<semaphore_mem>>) src(%dma_wait3A_687 : memref<16x8x192xf32, #tpu.memory_space<hbm>>) dst(%arg5 : memref<16x8x192xf32, #tpu.memory_space<vmem>>)
      %add3A_688 = arith.constant 2 : i32
      %add3A_689 = arith.addi %mul3A_663, %add3A_688 : i32
      %lt3A_690 = arith.constant 12 : i32
      %lt3A_691 = arith.cmpi slt, %add3A_689, %lt3A_690 : i32
      %convert_element_type3A = arith.extui %lt3A_691 : i1 to i32
      %cond3A = arith.constant 0 : i32
      %cond3A_692 = arith.cmpi ne, %convert_element_type3A, %cond3A : i32
      scf.if %cond3A_692 {
        %add3A_696 = arith.constant 2 : i32
        %add3A_697 = arith.addi %mul3A_663, %add3A_696 : i32
        %mul3A_698 = arith.constant 16 : i32
        %mul3A_699 = arith.muli %add3A_697, %mul3A_698 : i32
        %dma_start3A_700 = tpu.memref_slice %arg2[%mul3A_699, %mul3A_321, %mul3A_323] : memref<192x384x384xf32, #tpu.memory_space<hbm>> -> memref<16x8x192xf32, #tpu.memory_space<hbm>>
        %dma_start3A_701 = tpu.memref_slice %arg2[%mul3A_699, %mul3A_321, %mul3A_323] : memref<192x384x384xf32, #tpu.memory_space<hbm>> -> memref<16x8x192xf32, #tpu.memory_space<hbm>>
        tpu.enqueue_dma source(%dma_start3A_701 : memref<16x8x192xf32, #tpu.memory_space<hbm>>) target(%arg4 : memref<16x8x192xf32, #tpu.memory_space<vmem>>) target_semaphore(%arg8 : memref<!tpu.dma_semaphore, #tpu.memory_space<semaphore_mem>>)
      } else {
      }
      %parallel_loop3A_693 = arith.constant 0 : i32
      %parallel_loop3A_694 = arith.constant 128 : i32
      %parallel_loop3A_695 = arith.constant 1 : i32
      scf.for %parallel_loop3A_696 = %parallel_loop3A_693 to %parallel_loop3A_694 step %parallel_loop3A_695  : i32 {
        %parallel_loop3A_697 = arith.constant 3 : i32
        %parallel_loop3A_698 = arith.shrsi %parallel_loop3A_696, %parallel_loop3A_697 : i32
        %parallel_loop3A_699 = arith.constant 7 : i32
        %parallel_loop3A_700 = arith.andi %parallel_loop3A_696, %parallel_loop3A_699 : i32
        %parallel_loop3A_701 = arith.index_cast %parallel_loop3A_698 : i32 to index
        %parallel_loop3A_702 = arith.index_cast %parallel_loop3A_700 : i32 to index
        %parallel_loop3A_703 = arith.constant 0 : index
        %parallel_loop3A_704 = tpu.vector_load %arg5[%parallel_loop3A_701, %parallel_loop3A_702, %parallel_loop3A_703] {strides = array<i32>} : memref<16x8x192xf32, #tpu.memory_space<vmem>>, vector<16xf32>,
        %parallel_loop3A_705 = arith.constant 2.560000e+02 : f32
        %parallel_loop3A_706 = vector.broadcast %parallel_loop3A_705 : f32 to vector<16xf32>
        %parallel_loop3A_707 = arith.mulf %parallel_loop3A_704, %parallel_loop3A_706 : vector<16xf32>
        %parallel_loop3A_708 = arith.fptosi %parallel_loop3A_707 : vector<16xf32> to vector<16xi32>
        %parallel_loop3A_709 = arith.addi %shift_left3A_10, %parallel_loop3A_708 : vector<16xi32>
        tpu.vector_store_idx %arg7[%parallel_loop3A_709], %broadcast_in_dim3A_1 {add = true} : memref<6144xf32, #tpu.memory_space<vmem>>[vector<16xi32>], vector<16xf32>,
        %parallel_loop3A_710 = arith.index_cast %parallel_loop3A_698 : i32 to index
        %parallel_loop3A_711 = arith.index_cast %parallel_loop3A_700 : i32 to index
        %parallel_loop3A_712 = arith.constant 16 : index
        %parallel_loop3A_713 = tpu.vector_load %arg5[%parallel_loop3A_710, %parallel_loop3A_711, %parallel_loop3A_712] {strides = array<i32>} : memref<16x8x192xf32, #tpu.memory_space<vmem>>, vector<16xf32>,
        %parallel_loop3A_714 = arith.constant 2.560000e+02 : f32
        %parallel_loop3A_715 = vector.broadcast %parallel_loop3A_714 : f32 to vector<16xf32>
        %parallel_loop3A_716 = arith.mulf %parallel_loop3A_713, %parallel_loop3A_715 : vector<16xf32>
        %parallel_loop3A_717 = arith.fptosi %parallel_loop3A_716 : vector<16xf32> to vector<16xi32>
        %parallel_loop3A_718 = arith.addi %shift_left3A_19, %parallel_loop3A_717 : vector<16xi32>
        tpu.vector_store_idx %arg7[%parallel_loop3A_718], %broadcast_in_dim3A_1 {add = true} : memref<6144xf32, #tpu.memory_space<vmem>>[vector<16xi32>], vector<16xf32>,
        %parallel_loop3A_719 = arith.index_cast %parallel_loop3A_698 : i32 to index
        %parallel_loop3A_720 = arith.index_cast %parallel_loop3A_700 : i32 to index
        %parallel_loop3A_721 = arith.constant 32 : index
        %parallel_loop3A_722 = tpu.vector_load %arg5[%parallel_loop3A_719, %parallel_loop3A_720, %parallel_loop3A_721] {strides = array<i32>} : memref<16x8x192xf32, #tpu.memory_space<vmem>>, vector<16xf32>,
        %parallel_loop3A_723 = arith.constant 2.560000e+02 : f32
        %parallel_loop3A_724 = vector.broadcast %parallel_loop3A_723 : f32 to vector<16xf32>
        %parallel_loop3A_725 = arith.mulf %parallel_loop3A_722, %parallel_loop3A_724 : vector<16xf32>
        %parallel_loop3A_726 = arith.fptosi %parallel_loop3A_725 : vector<16xf32> to vector<16xi32>
        %parallel_loop3A_727 = arith.addi %shift_left3A_28, %parallel_loop3A_726 : vector<16xi32>
        tpu.vector_store_idx %arg7[%parallel_loop3A_727], %broadcast_in_dim3A_1 {add = true} : memref<6144xf32, #tpu.memory_space<vmem>>[vector<16xi32>], vector<16xf32>,
        %parallel_loop3A_728 = arith.index_cast %parallel_loop3A_698 : i32 to index
        %parallel_loop3A_729 = arith.index_cast %parallel_loop3A_700 : i32 to index
        %parallel_loop3A_730 = arith.constant 48 : index
        %parallel_loop3A_731 = tpu.vector_load %arg5[%parallel_loop3A_728, %parallel_loop3A_729, %parallel_loop3A_730] {strides = array<i32>} : memref<16x8x192xf32, #tpu.memory_space<vmem>>, vector<16xf32>,
        %parallel_loop3A_732 = arith.constant 2.560000e+02 : f32
        %parallel_loop3A_733 = vector.broadcast %parallel_loop3A_732 : f32 to vector<16xf32>
        %parallel_loop3A_734 = arith.mulf %parallel_loop3A_731, %parallel_loop3A_733 : vector<16xf32>
        %parallel_loop3A_735 = arith.fptosi %parallel_loop3A_734 : vector<16xf32> to vector<16xi32>
        %parallel_loop3A_736 = arith.addi %shift_left3A_37, %parallel_loop3A_735 : vector<16xi32>
        tpu.vector_store_idx %arg7[%parallel_loop3A_736], %broadcast_in_dim3A_1 {add = true} : memref<6144xf32, #tpu.memory_space<vmem>>[vector<16xi32>], vector<16xf32>,
        %parallel_loop3A_737 = arith.index_cast %parallel_loop3A_698 : i32 to index
        %parallel_loop3A_738 = arith.index_cast %parallel_loop3A_700 : i32 to index
        %parallel_loop3A_739 = arith.constant 64 : index
        %parallel_loop3A_740 = tpu.vector_load %arg5[%parallel_loop3A_737, %parallel_loop3A_738, %parallel_loop3A_739] {strides = array<i32>} : memref<16x8x192xf32, #tpu.memory_space<vmem>>, vector<16xf32>,
        %parallel_loop3A_741 = arith.constant 2.560000e+02 : f32
        %parallel_loop3A_742 = vector.broadcast %parallel_loop3A_741 : f32 to vector<16xf32>
        %parallel_loop3A_743 = arith.mulf %parallel_loop3A_740, %parallel_loop3A_742 : vector<16xf32>
        %parallel_loop3A_744 = arith.fptosi %parallel_loop3A_743 : vector<16xf32> to vector<16xi32>
        %parallel_loop3A_745 = arith.addi %shift_left3A_46, %parallel_loop3A_744 : vector<16xi32>
        tpu.vector_store_idx %arg7[%parallel_loop3A_745], %broadcast_in_dim3A_1 {add = true} : memref<6144xf32, #tpu.memory_space<vmem>>[vector<16xi32>], vector<16xf32>,
        %parallel_loop3A_746 = arith.index_cast %parallel_loop3A_698 : i32 to index
        %parallel_loop3A_747 = arith.index_cast %parallel_loop3A_700 : i32 to index
        %parallel_loop3A_748 = arith.constant 80 : index
        %parallel_loop3A_749 = tpu.vector_load %arg5[%parallel_loop3A_746, %parallel_loop3A_747, %parallel_loop3A_748] {strides = array<i32>} : memref<16x8x192xf32, #tpu.memory_space<vmem>>, vector<16xf32>,
        %parallel_loop3A_750 = arith.constant 2.560000e+02 : f32
        %parallel_loop3A_751 = vector.broadcast %parallel_loop3A_750 : f32 to vector<16xf32>
        %parallel_loop3A_752 = arith.mulf %parallel_loop3A_749, %parallel_loop3A_751 : vector<16xf32>
        %parallel_loop3A_753 = arith.fptosi %parallel_loop3A_752 : vector<16xf32> to vector<16xi32>
        %parallel_loop3A_754 = arith.addi %shift_left3A_55, %parallel_loop3A_753 : vector<16xi32>
        tpu.vector_store_idx %arg7[%parallel_loop3A_754], %broadcast_in_dim3A_1 {add = true} : memref<6144xf32, #tpu.memory_space<vmem>>[vector<16xi32>], vector<16xf32>,
        %parallel_loop3A_755 = arith.index_cast %parallel_loop3A_698 : i32 to index
        %parallel_loop3A_756 = arith.index_cast %parallel_loop3A_700 : i32 to index
        %parallel_loop3A_757 = arith.constant 96 : index
        %parallel_loop3A_758 = tpu.vector_load %arg5[%parallel_loop3A_755, %parallel_loop3A_756, %parallel_loop3A_757] {strides = array<i32>} : memref<16x8x192xf32, #tpu.memory_space<vmem>>, vector<16xf32>,
        %parallel_loop3A_759 = arith.constant 2.560000e+02 : f32
        %parallel_loop3A_760 = vector.broadcast %parallel_loop3A_759 : f32 to vector<16xf32>
        %parallel_loop3A_761 = arith.mulf %parallel_loop3A_758, %parallel_loop3A_760 : vector<16xf32>
        %parallel_loop3A_762 = arith.fptosi %parallel_loop3A_761 : vector<16xf32> to vector<16xi32>
        %parallel_loop3A_763 = arith.addi %shift_left3A_64, %parallel_loop3A_762 : vector<16xi32>
        tpu.vector_store_idx %arg7[%parallel_loop3A_763], %broadcast_in_dim3A_1 {add = true} : memref<6144xf32, #tpu.memory_space<vmem>>[vector<16xi32>], vector<16xf32>,
        %parallel_loop3A_764 = arith.index_cast %parallel_loop3A_698 : i32 to index
        %parallel_loop3A_765 = arith.index_cast %parallel_loop3A_700 : i32 to index
        %parallel_loop3A_766 = arith.constant 112 : index
        %parallel_loop3A_767 = tpu.vector_load %arg5[%parallel_loop3A_764, %parallel_loop3A_765, %parallel_loop3A_766] {strides = array<i32>} : memref<16x8x192xf32, #tpu.memory_space<vmem>>, vector<16xf32>,
        %parallel_loop3A_768 = arith.constant 2.560000e+02 : f32
        %parallel_loop3A_769 = vector.broadcast %parallel_loop3A_768 : f32 to vector<16xf32>
        %parallel_loop3A_770 = arith.mulf %parallel_loop3A_767, %parallel_loop3A_769 : vector<16xf32>
        %parallel_loop3A_771 = arith.fptosi %parallel_loop3A_770 : vector<16xf32> to vector<16xi32>
        %parallel_loop3A_772 = arith.addi %shift_left3A_73, %parallel_loop3A_771 : vector<16xi32>
        tpu.vector_store_idx %arg7[%parallel_loop3A_772], %broadcast_in_dim3A_1 {add = true} : memref<6144xf32, #tpu.memory_space<vmem>>[vector<16xi32>], vector<16xf32>,
        %parallel_loop3A_773 = arith.index_cast %parallel_loop3A_698 : i32 to index
        %parallel_loop3A_774 = arith.index_cast %parallel_loop3A_700 : i32 to index
        %parallel_loop3A_775 = arith.constant 128 : index
        %parallel_loop3A_776 = tpu.vector_load %arg5[%parallel_loop3A_773, %parallel_loop3A_774, %parallel_loop3A_775] {strides = array<i32>} : memref<16x8x192xf32, #tpu.memory_space<vmem>>, vector<16xf32>,
        %parallel_loop3A_777 = arith.constant 2.560000e+02 : f32
        %parallel_loop3A_778 = vector.broadcast %parallel_loop3A_777 : f32 to vector<16xf32>
        %parallel_loop3A_779 = arith.mulf %parallel_loop3A_776, %parallel_loop3A_778 : vector<16xf32>
        %parallel_loop3A_780 = arith.fptosi %parallel_loop3A_779 : vector<16xf32> to vector<16xi32>
        %parallel_loop3A_781 = arith.addi %shift_left3A_82, %parallel_loop3A_780 : vector<16xi32>
        tpu.vector_store_idx %arg7[%parallel_loop3A_781], %broadcast_in_dim3A_1 {add = true} : memref<6144xf32, #tpu.memory_space<vmem>>[vector<16xi32>], vector<16xf32>,
        %parallel_loop3A_782 = arith.index_cast %parallel_loop3A_698 : i32 to index
        %parallel_loop3A_783 = arith.index_cast %parallel_loop3A_700 : i32 to index
        %parallel_loop3A_784 = arith.constant 144 : index
        %parallel_loop3A_785 = tpu.vector_load %arg5[%parallel_loop3A_782, %parallel_loop3A_783, %parallel_loop3A_784] {strides = array<i32>} : memref<16x8x192xf32, #tpu.memory_space<vmem>>, vector<16xf32>,
        %parallel_loop3A_786 = arith.constant 2.560000e+02 : f32
        %parallel_loop3A_787 = vector.broadcast %parallel_loop3A_786 : f32 to vector<16xf32>
        %parallel_loop3A_788 = arith.mulf %parallel_loop3A_785, %parallel_loop3A_787 : vector<16xf32>
        %parallel_loop3A_789 = arith.fptosi %parallel_loop3A_788 : vector<16xf32> to vector<16xi32>
        %parallel_loop3A_790 = arith.addi %shift_left3A_91, %parallel_loop3A_789 : vector<16xi32>
        tpu.vector_store_idx %arg7[%parallel_loop3A_790], %broadcast_in_dim3A_1 {add = true} : memref<6144xf32, #tpu.memory_space<vmem>>[vector<16xi32>], vector<16xf32>,
        %parallel_loop3A_791 = arith.index_cast %parallel_loop3A_698 : i32 to index
        %parallel_loop3A_792 = arith.index_cast %parallel_loop3A_700 : i32 to index
        %parallel_loop3A_793 = arith.constant 160 : index
        %parallel_loop3A_794 = tpu.vector_load %arg5[%parallel_loop3A_791, %parallel_loop3A_792, %parallel_loop3A_793] {strides = array<i32>} : memref<16x8x192xf32, #tpu.memory_space<vmem>>, vector<16xf32>,
        %parallel_loop3A_795 = arith.constant 2.560000e+02 : f32
        %parallel_loop3A_796 = vector.broadcast %parallel_loop3A_795 : f32 to vector<16xf32>
        %parallel_loop3A_797 = arith.mulf %parallel_loop3A_794, %parallel_loop3A_796 : vector<16xf32>
        %parallel_loop3A_798 = arith.fptosi %parallel_loop3A_797 : vector<16xf32> to vector<16xi32>
        %parallel_loop3A_799 = arith.addi %shift_left3A_100, %parallel_loop3A_798 : vector<16xi32>
        tpu.vector_store_idx %arg7[%parallel_loop3A_799], %broadcast_in_dim3A_1 {add = true} : memref<6144xf32, #tpu.memory_space<vmem>>[vector<16xi32>], vector<16xf32>,
        %parallel_loop3A_800 = arith.index_cast %parallel_loop3A_698 : i32 to index
        %parallel_loop3A_801 = arith.index_cast %parallel_loop3A_700 : i32 to index
        %parallel_loop3A_802 = arith.constant 176 : index
        %parallel_loop3A_803 = tpu.vector_load %arg5[%parallel_loop3A_800, %parallel_loop3A_801, %parallel_loop3A_802] {strides = array<i32>} : memref<16x8x192xf32, #tpu.memory_space<vmem>>, vector<16xf32>,
        %parallel_loop3A_804 = arith.constant 2.560000e+02 : f32
        %parallel_loop3A_805 = vector.broadcast %parallel_loop3A_804 : f32 to vector<16xf32>
        %parallel_loop3A_806 = arith.mulf %parallel_loop3A_803, %parallel_loop3A_805 : vector<16xf32>
        %parallel_loop3A_807 = arith.fptosi %parallel_loop3A_806 : vector<16xf32> to vector<16xi32>
        %parallel_loop3A_808 = arith.addi %shift_left3A_109, %parallel_loop3A_807 : vector<16xi32>
        tpu.vector_store_idx %arg7[%parallel_loop3A_808], %broadcast_in_dim3A_1 {add = true} : memref<6144xf32, #tpu.memory_space<vmem>>[vector<16xi32>], vector<16xf32>,
      } {sc.loop_unroll_factor = 2 : i64, sc.parallel_access}
    }
    %scan3A_335 = arith.constant 6 : i32
    %mul3A_336 = arith.constant 3 : i32
    %mul3A_337 = arith.muli %add3A, %mul3A_336 : i32
    %add3A_338 = arith.constant 2 : i32
    %add3A_339 = arith.addi %mul3A_337, %add3A_338 : i32
    %jit3A_340 = arith.constant 2 : i32
    %div3A_341 = arith.divsi %add3A_339, %jit3A_340 : i32
    %sign3A_342 = arith.constant 0 : i32
    %sign3A_343 = arith.cmpi sgt, %add3A_339, %sign3A_342 : i32
    %sign3A_344 = arith.extui %sign3A_343 : i1 to i32
    %sign3A_345 = arith.constant 0 : i32
    %sign3A_346 = arith.cmpi slt, %add3A_339, %sign3A_345 : i32
    %sign3A_347 = arith.extui %sign3A_346 : i1 to i32
    %sign3A_348 = arith.subi %sign3A_344, %sign3A_347 : i32
    %sign3A_349 = arith.constant 0 : i32
    %sign3A_350 = arith.cmpi sgt, %jit3A_340, %sign3A_349 : i32
    %sign3A_351 = arith.extui %sign3A_350 : i1 to i32
    %sign3A_352 = arith.constant 0 : i32
    %sign3A_353 = arith.cmpi slt, %jit3A_340, %sign3A_352 : i32
    %sign3A_354 = arith.extui %sign3A_353 : i1 to i32
    %sign3A_355 = arith.subi %sign3A_351, %sign3A_354 : i32
    %ne3A_356 = arith.cmpi ne, %sign3A_348, %sign3A_355 : i32
    %rem3A_357 = arith.remsi %add3A_339, %jit3A_340 : i32
    %ne3A_358 = arith.constant 0 : i32
    %ne3A_359 = arith.cmpi ne, %rem3A_357, %ne3A_358 : i32
    %and3A_360 = arith.andi %ne3A_356, %ne3A_359 : i1
    %sub3A_361 = arith.constant 1 : i32
    %sub3A_362 = arith.subi %div3A_341, %sub3A_361 : i32
    %select_n3A_363 = arith.select %and3A_360, %sub3A_362, %div3A_341 : i32
    %jit3A_364 = arith.constant 2 : i32
    %eq3A_365 = arith.constant 0 : i32
    %eq3A_366 = arith.cmpi eq, %jit3A_364, %eq3A_365 : i32
    %jit3A_367 = arith.constant 1 : i32
    %select_n3A_368 = arith.select %eq3A_366, %jit3A_367, %jit3A_364 : i32
    %rem3A_369 = arith.remsi %add3A_339, %select_n3A_368 : i32
    %ne3A_370 = arith.constant 0 : i32
    %ne3A_371 = arith.cmpi ne, %rem3A_369, %ne3A_370 : i32
    %lt3A_372 = arith.constant 0 : i32
    %lt3A_373 = arith.cmpi slt, %rem3A_369, %lt3A_372 : i32
    %lt3A_374 = arith.constant 0 : i32
    %lt3A_375 = arith.cmpi slt, %select_n3A_368, %lt3A_374 : i32
    %ne3A_376 = arith.xori %lt3A_373, %lt3A_375 : i1
    %and3A_377 = arith.andi %ne3A_376, %ne3A_371 : i1
    %add3A_378 = arith.addi %rem3A_369, %select_n3A_368 : i32
    %select_n3A_379 = arith.select %and3A_377, %add3A_378, %rem3A_369 : i32
    %mul3A_380 = arith.constant 8 : i32
    %mul3A_381 = arith.muli %select_n3A_363, %mul3A_380 : i32
    %mul3A_382 = arith.constant 192 : i32
    %mul3A_383 = arith.muli %select_n3A_379, %mul3A_382 : i32
    %dma_start3A_384 = arith.constant 0 : i32
    %dma_start3A_385 = tpu.memref_slice %arg2[%dma_start3A_384, %mul3A_381, %mul3A_383] : memref<192x384x384xf32, #tpu.memory_space<hbm>> -> memref<16x8x192xf32, #tpu.memory_space<hbm>>
    %dma_start3A_386 = arith.constant 0 : i32
    %dma_start3A_387 = tpu.memref_slice %arg2[%dma_start3A_386, %mul3A_381, %mul3A_383] : memref<192x384x384xf32, #tpu.memory_space<hbm>> -> memref<16x8x192xf32, #tpu.memory_space<hbm>>
    tpu.enqueue_dma source(%dma_start3A_387 : memref<16x8x192xf32, #tpu.memory_space<hbm>>) target(%arg4 : memref<16x8x192xf32, #tpu.memory_space<vmem>>) target_semaphore(%arg8 : memref<!tpu.dma_semaphore, #tpu.memory_space<semaphore_mem>>)
    %mul3A_388 = arith.constant 6144 : i32
    %mul3A_389 = arith.muli %select_n3A_319, %mul3A_388 : i32
    %dma_start3A_390 = arith.constant 0 : i32
    %dma_start3A_391 = tpu.memref_slice %arg3[%dma_start3A_390, %select_n3A_303, %mul3A_389] : memref<2x48x12288xf32, #tpu.memory_space<hbm>> -> memref<1x1x6144xf32, #tpu.memory_space<hbm>>
    %dma_start3A_392 = tpu.memref_squeeze %dma_start3A_391 : memref<1x1x6144xf32, #tpu.memory_space<hbm>> -> memref<6144xf32, #tpu.memory_space<hbm>>
    %dma_start3A_393 = tpu.memref_slice %arg3[%dma_start3A_390, %select_n3A_303, %mul3A_389] : memref<2x48x12288xf32, #tpu.memory_space<hbm>> -> memref<1x1x6144xf32, #tpu.memory_space<hbm>>
    %dma_start3A_394 = tpu.memref_squeeze %dma_start3A_393 : memref<1x1x6144xf32, #tpu.memory_space<hbm>> -> memref<6144xf32, #tpu.memory_space<hbm>>
    tpu.enqueue_dma source(%arg7 : memref<6144xf32, #tpu.memory_space<vmem>>) target(%dma_start3A_394 : memref<6144xf32, #tpu.memory_space<hbm>>) target_semaphore(%arg10 : memref<!tpu.dma_semaphore, #tpu.memory_space<semaphore_mem>>)
    %mul3A_395 = arith.constant 6144 : i32
    %mul3A_396 = arith.muli %select_n3A_319, %mul3A_395 : i32
    %dma_start3A_397 = arith.constant 1 : i32
    %dma_start3A_398 = tpu.memref_slice %arg3[%dma_start3A_397, %select_n3A_303, %mul3A_396] : memref<2x48x12288xf32, #tpu.memory_space<hbm>> -> memref<1x1x6144xf32, #tpu.memory_space<hbm>>
    %dma_start3A_399 = tpu.memref_squeeze %dma_start3A_398 : memref<1x1x6144xf32, #tpu.memory_space<hbm>> -> memref<6144xf32, #tpu.memory_space<hbm>>
    %dma_start3A_400 = tpu.memref_slice %arg3[%dma_start3A_397, %select_n3A_303, %mul3A_396] : memref<2x48x12288xf32, #tpu.memory_space<hbm>> -> memref<1x1x6144xf32, #tpu.memory_space<hbm>>
    %dma_start3A_401 = tpu.memref_squeeze %dma_start3A_400 : memref<1x1x6144xf32, #tpu.memory_space<hbm>> -> memref<6144xf32, #tpu.memory_space<hbm>>
    tpu.enqueue_dma source(%arg7 : memref<6144xf32, #tpu.memory_space<vmem>>) target(%dma_start3A_401 : memref<6144xf32, #tpu.memory_space<hbm>>) target_semaphore(%arg10 : memref<!tpu.dma_semaphore, #tpu.memory_space<semaphore_mem>>)
    %mul3A_402 = arith.constant 3 : i32
    %mul3A_403 = arith.muli %add3A, %mul3A_402 : i32
    %add3A_404 = arith.constant 2 : i32
    %add3A_405 = arith.addi %mul3A_403, %add3A_404 : i32
    %jit3A_406 = arith.constant 2 : i32
    %div3A_407 = arith.divsi %add3A_405, %jit3A_406 : i32
    %sign3A_408 = arith.constant 0 : i32
    %sign3A_409 = arith.cmpi sgt, %add3A_405, %sign3A_408 : i32
    %sign3A_410 = arith.extui %sign3A_409 : i1 to i32
    %sign3A_411 = arith.constant 0 : i32
    %sign3A_412 = arith.cmpi slt, %add3A_405, %sign3A_411 : i32
    %sign3A_413 = arith.extui %sign3A_412 : i1 to i32
    %sign3A_414 = arith.subi %sign3A_410, %sign3A_413 : i32
    %sign3A_415 = arith.constant 0 : i32
    %sign3A_416 = arith.cmpi sgt, %jit3A_406, %sign3A_415 : i32
    %sign3A_417 = arith.extui %sign3A_416 : i1 to i32
    %sign3A_418 = arith.constant 0 : i32
    %sign3A_419 = arith.cmpi slt, %jit3A_406, %sign3A_418 : i32
    %sign3A_420 = arith.extui %sign3A_419 : i1 to i32
    %sign3A_421 = arith.subi %sign3A_417, %sign3A_420 : i32
    %ne3A_422 = arith.cmpi ne, %sign3A_414, %sign3A_421 : i32
    %rem3A_423 = arith.remsi %add3A_405, %jit3A_406 : i32
    %ne3A_424 = arith.constant 0 : i32
    %ne3A_425 = arith.cmpi ne, %rem3A_423, %ne3A_424 : i32
    %and3A_426 = arith.andi %ne3A_422, %ne3A_425 : i1
    %sub3A_427 = arith.constant 1 : i32
    %sub3A_428 = arith.subi %div3A_407, %sub3A_427 : i32
    %select_n3A_429 = arith.select %and3A_426, %sub3A_428, %div3A_407 : i32
    %jit3A_430 = arith.constant 2 : i32
    %eq3A_431 = arith.constant 0 : i32
    %eq3A_432 = arith.cmpi eq, %jit3A_430, %eq3A_431 : i32
    %jit3A_433 = arith.constant 1 : i32
    %select_n3A_434 = arith.select %eq3A_432, %jit3A_433, %jit3A_430 : i32
    %rem3A_435 = arith.remsi %add3A_405, %select_n3A_434 : i32
    %ne3A_436 = arith.constant 0 : i32
    %ne3A_437 = arith.cmpi ne, %rem3A_435, %ne3A_436 : i32
    %lt3A_438 = arith.constant 0 : i32
    %lt3A_439 = arith.cmpi slt, %rem3A_435, %lt3A_438 : i32
    %lt3A_440 = arith.constant 0 : i32
    %lt3A_441 = arith.cmpi slt, %select_n3A_434, %lt3A_440 : i32
    %ne3A_442 = arith.xori %lt3A_439, %lt3A_441 : i1
    %and3A_443 = arith.andi %ne3A_442, %ne3A_437 : i1
    %add3A_444 = arith.addi %rem3A_435, %select_n3A_434 : i32
    %select_n3A_445 = arith.select %and3A_443, %add3A_444, %rem3A_435 : i32
    %mul3A_446 = arith.constant 8 : i32
    %mul3A_447 = arith.muli %select_n3A_429, %mul3A_446 : i32
    %mul3A_448 = arith.constant 192 : i32
    %mul3A_449 = arith.muli %select_n3A_445, %mul3A_448 : i32
    %mul3A_450 = arith.constant 3 : i32
    %mul3A_451 = arith.muli %add3A, %mul3A_450 : i32
    %add3A_452 = arith.constant 0 : i32
    %add3A_453 = arith.addi %mul3A_451, %add3A_452 : i32
    %jit3A_454 = arith.constant 2 : i32
    %div3A_455 = arith.divsi %add3A_453, %jit3A_454 : i32
    %sign3A_456 = arith.constant 0 : i32
    %sign3A_457 = arith.cmpi sgt, %add3A_453, %sign3A_456 : i32
    %sign3A_458 = arith.extui %sign3A_457 : i1 to i32
    %sign3A_459 = arith.constant 0 : i32
    %sign3A_460 = arith.cmpi slt, %add3A_453, %sign3A_459 : i32
    %sign3A_461 = arith.extui %sign3A_460 : i1 to i32
    %sign3A_462 = arith.subi %sign3A_458, %sign3A_461 : i32
    %sign3A_463 = arith.constant 0 : i32
    %sign3A_464 = arith.cmpi sgt, %jit3A_454, %sign3A_463 : i32
    %sign3A_465 = arith.extui %sign3A_464 : i1 to i32
    %sign3A_466 = arith.constant 0 : i32
    %sign3A_467 = arith.cmpi slt, %jit3A_454, %sign3A_466 : i32
    %sign3A_468 = arith.extui %sign3A_467 : i1 to i32
    %sign3A_469 = arith.subi %sign3A_465, %sign3A_468 : i32
    %ne3A_470 = arith.cmpi ne, %sign3A_462, %sign3A_469 : i32
    %rem3A_471 = arith.remsi %add3A_453, %jit3A_454 : i32
    %ne3A_472 = arith.constant 0 : i32
    %ne3A_473 = arith.cmpi ne, %rem3A_471, %ne3A_472 : i32
    %and3A_474 = arith.andi %ne3A_470, %ne3A_473 : i1
    %sub3A_475 = arith.constant 1 : i32
    %sub3A_476 = arith.subi %div3A_455, %sub3A_475 : i32
    %select_n3A_477 = arith.select %and3A_474, %sub3A_476, %div3A_455 : i32
    %jit3A_478 = arith.constant 2 : i32
    %eq3A_479 = arith.constant 0 : i32
    %eq3A_480 = arith.cmpi eq, %jit3A_478, %eq3A_479 : i32
    %jit3A_481 = arith.constant 1 : i32
    %select_n3A_482 = arith.select %eq3A_480, %jit3A_481, %jit3A_478 : i32
    %rem3A_483 = arith.remsi %add3A_453, %select_n3A_482 : i32
    %ne3A_484 = arith.constant 0 : i32
    %ne3A_485 = arith.cmpi ne, %rem3A_483, %ne3A_484 : i32
    %lt3A_486 = arith.constant 0 : i32
    %lt3A_487 = arith.cmpi slt, %rem3A_483, %lt3A_486 : i32
    %lt3A_488 = arith.constant 0 : i32
    %lt3A_489 = arith.cmpi slt, %select_n3A_482, %lt3A_488 : i32
    %ne3A_490 = arith.xori %lt3A_487, %lt3A_489 : i1
    %and3A_491 = arith.andi %ne3A_490, %ne3A_485 : i1
    %add3A_492 = arith.addi %rem3A_483, %select_n3A_482 : i32
    %select_n3A_493 = arith.select %and3A_491, %add3A_492, %rem3A_483 : i32
    %mul3A_494 = arith.constant 8 : i32
    %mul3A_495 = arith.muli %select_n3A_477, %mul3A_494 : i32
    %mul3A_496 = arith.constant 192 : i32
    %mul3A_497 = arith.muli %select_n3A_493, %mul3A_496 : i32
    %mul3A_498 = arith.constant 6144 : i32
    %mul3A_499 = arith.muli %select_n3A_493, %mul3A_498 : i32
    %dma_wait3A = arith.constant 0 : i32
    %dma_wait3A_500 = tpu.memref_slice %arg3[%dma_wait3A, %select_n3A_477, %mul3A_499] : memref<2x48x12288xf32, #tpu.memory_space<hbm>> -> memref<1x1x6144xf32, #tpu.memory_space<hbm>>
    %dma_wait3A_501 = tpu.memref_squeeze %dma_wait3A_500 : memref<1x1x6144xf32, #tpu.memory_space<hbm>> -> memref<6144xf32, #tpu.memory_space<hbm>>
    %dma_wait3A_502 = tpu.memref_slice %arg3[%dma_wait3A, %select_n3A_477, %mul3A_499] : memref<2x48x12288xf32, #tpu.memory_space<hbm>> -> memref<1x1x6144xf32, #tpu.memory_space<hbm>>
    %dma_wait3A_503 = tpu.memref_squeeze %dma_wait3A_502 : memref<1x1x6144xf32, #tpu.memory_space<hbm>> -> memref<6144xf32, #tpu.memory_space<hbm>>
    tpu.wait_dma2 semaphore(%arg10 : memref<!tpu.dma_semaphore, #tpu.memory_space<semaphore_mem>>) src(%arg6 : memref<6144xf32, #tpu.memory_space<vmem>>) dst(%dma_wait3A_503 : memref<6144xf32, #tpu.memory_space<hbm>>)
    %mul3A_504 = arith.constant 6144 : i32
    %mul3A_505 = arith.muli %select_n3A_493, %mul3A_504 : i32
    %dma_wait3A_506 = arith.constant 1 : i32
    %dma_wait3A_507 = tpu.memref_slice %arg3[%dma_wait3A_506, %select_n3A_477, %mul3A_505] : memref<2x48x12288xf32, #tpu.memory_space<hbm>> -> memref<1x1x6144xf32, #tpu.memory_space<hbm>>
    %dma_wait3A_508 = tpu.memref_squeeze %dma_wait3A_507 : memref<1x1x6144xf32, #tpu.memory_space<hbm>> -> memref<6144xf32, #tpu.memory_space<hbm>>
    %dma_wait3A_509 = tpu.memref_slice %arg3[%dma_wait3A_506, %select_n3A_477, %mul3A_505] : memref<2x48x12288xf32, #tpu.memory_space<hbm>> -> memref<1x1x6144xf32, #tpu.memory_space<hbm>>
    %dma_wait3A_510 = tpu.memref_squeeze %dma_wait3A_509 : memref<1x1x6144xf32, #tpu.memory_space<hbm>> -> memref<6144xf32, #tpu.memory_space<hbm>>
    tpu.wait_dma2 semaphore(%arg10 : memref<!tpu.dma_semaphore, #tpu.memory_space<semaphore_mem>>) src(%arg6 : memref<6144xf32, #tpu.memory_space<vmem>>) dst(%dma_wait3A_510 : memref<6144xf32, #tpu.memory_space<hbm>>)
    %scan3A_511 = arith.constant 0 : i32
    %scan3A_512 = arith.constant 0 : i32
    %scan3A_513 = arith.constant 48 : i32
    %scan3A_514 = arith.addi %scan3A_512, %scan3A_513 : i32
    %scan3A_515 = arith.constant 1 : i32
    scf.for %scan3A_661 = %scan3A_512 to %scan3A_514 step %scan3A_515  : i32 {
      %mul3A_662 = arith.constant 8 : i32
      %mul3A_663 = arith.muli %scan3A_661, %mul3A_662 : i32
      %add3A_664 = arith.constant 0 : i32
      %add3A_665 = arith.addi %mul3A_663, %add3A_664 : i32
      %mul3A_666 = arith.constant 16 : i32
      %mul3A_667 = arith.muli %add3A_665, %mul3A_666 : i32
      %swap3A = arith.index_cast %mul3A_667 : i32 to index
      %swap3A_668 = tpu.vector_load %arg6[%swap3A] {strides = array<i32>} : memref<6144xf32, #tpu.memory_space<vmem>>, vector<16xf32>,
      tpu.vector_store %arg6[%swap3A], %broadcast_in_dim3A_3 {strides = array<i32>} : memref<6144xf32, #tpu.memory_space<vmem>>, vector<16xf32>,
      %mul3A_669 = arith.constant 8 : i32
      %mul3A_670 = arith.muli %scan3A_661, %mul3A_669 : i32
      %add3A_671 = arith.constant 1 : i32
      %add3A_672 = arith.addi %mul3A_670, %add3A_671 : i32
      %mul3A_673 = arith.constant 16 : i32
      %mul3A_674 = arith.muli %add3A_672, %mul3A_673 : i32
      %swap3A_675 = arith.index_cast %mul3A_674 : i32 to index
      %swap3A_676 = tpu.vector_load %arg6[%swap3A_675] {strides = array<i32>} : memref<6144xf32, #tpu.memory_space<vmem>>, vector<16xf32>,
      tpu.vector_store %arg6[%swap3A_675], %broadcast_in_dim3A_3 {strides = array<i32>} : memref<6144xf32, #tpu.memory_space<vmem>>, vector<16xf32>,
      %mul3A_677 = arith.constant 8 : i32
      %mul3A_678 = arith.muli %scan3A_661, %mul3A_677 : i32
      %add3A_679 = arith.constant 2 : i32
      %add3A_680 = arith.addi %mul3A_678, %add3A_679 : i32
      %mul3A_681 = arith.constant 16 : i32
      %mul3A_682 = arith.muli %add3A_680, %mul3A_681 : i32
      %swap3A_683 = arith.index_cast %mul3A_682 : i32 to index
      %swap3A_684 = tpu.vector_load %arg6[%swap3A_683] {strides = array<i32>} : memref<6144xf32, #tpu.memory_space<vmem>>, vector<16xf32>,
      tpu.vector_store %arg6[%swap3A_683], %broadcast_in_dim3A_3 {strides = array<i32>} : memref<6144xf32, #tpu.memory_space<vmem>>, vector<16xf32>,
      %mul3A_685 = arith.constant 8 : i32
      %mul3A_686 = arith.muli %scan3A_661, %mul3A_685 : i32
      %add3A_687 = arith.constant 3 : i32
      %add3A_688 = arith.addi %mul3A_686, %add3A_687 : i32
      %mul3A_689 = arith.constant 16 : i32
      %mul3A_690 = arith.muli %add3A_688, %mul3A_689 : i32
      %swap3A_691 = arith.index_cast %mul3A_690 : i32 to index
      %swap3A_692 = tpu.vector_load %arg6[%swap3A_691] {strides = array<i32>} : memref<6144xf32, #tpu.memory_space<vmem>>, vector<16xf32>,
      tpu.vector_store %arg6[%swap3A_691], %broadcast_in_dim3A_3 {strides = array<i32>} : memref<6144xf32, #tpu.memory_space<vmem>>, vector<16xf32>,
      %mul3A_693 = arith.constant 8 : i32
      %mul3A_694 = arith.muli %scan3A_661, %mul3A_693 : i32
      %add3A_695 = arith.constant 4 : i32
      %add3A_696 = arith.addi %mul3A_694, %add3A_695 : i32
      %mul3A_697 = arith.constant 16 : i32
      %mul3A_698 = arith.muli %add3A_696, %mul3A_697 : i32
      %swap3A_699 = arith.index_cast %mul3A_698 : i32 to index
      %swap3A_700 = tpu.vector_load %arg6[%swap3A_699] {strides = array<i32>} : memref<6144xf32, #tpu.memory_space<vmem>>, vector<16xf32>,
      tpu.vector_store %arg6[%swap3A_699], %broadcast_in_dim3A_3 {strides = array<i32>} : memref<6144xf32, #tpu.memory_space<vmem>>, vector<16xf32>,
      %mul3A_701 = arith.constant 8 : i32
      %mul3A_702 = arith.muli %scan3A_661, %mul3A_701 : i32
      %add3A_703 = arith.constant 5 : i32
      %add3A_704 = arith.addi %mul3A_702, %add3A_703 : i32
      %mul3A_705 = arith.constant 16 : i32
      %mul3A_706 = arith.muli %add3A_704, %mul3A_705 : i32
      %swap3A_707 = arith.index_cast %mul3A_706 : i32 to index
      %swap3A_708 = tpu.vector_load %arg6[%swap3A_707] {strides = array<i32>} : memref<6144xf32, #tpu.memory_space<vmem>>, vector<16xf32>,
      tpu.vector_store %arg6[%swap3A_707], %broadcast_in_dim3A_3 {strides = array<i32>} : memref<6144xf32, #tpu.memory_space<vmem>>, vector<16xf32>,
      %mul3A_709 = arith.constant 8 : i32
      %mul3A_710 = arith.muli %scan3A_661, %mul3A_709 : i32
      %add3A_711 = arith.constant 6 : i32
      %add3A_712 = arith.addi %mul3A_710, %add3A_711 : i32
      %mul3A_713 = arith.constant 16 : i32
      %mul3A_714 = arith.muli %add3A_712, %mul3A_713 : i32
      %swap3A_715 = arith.index_cast %mul3A_714 : i32 to index
      %swap3A_716 = tpu.vector_load %arg6[%swap3A_715] {strides = array<i32>} : memref<6144xf32, #tpu.memory_space<vmem>>, vector<16xf32>,
      tpu.vector_store %arg6[%swap3A_715], %broadcast_in_dim3A_3 {strides = array<i32>} : memref<6144xf32, #tpu.memory_space<vmem>>, vector<16xf32>,
      %mul3A_717 = arith.constant 8 : i32
      %mul3A_718 = arith.muli %scan3A_661, %mul3A_717 : i32
      %add3A_719 = arith.constant 7 : i32
      %add3A_720 = arith.addi %mul3A_718, %add3A_719 : i32
      %mul3A_721 = arith.constant 16 : i32
      %mul3A_722 = arith.muli %add3A_720, %mul3A_721 : i32
      %swap3A_723 = arith.index_cast %mul3A_722 : i32 to index
      %swap3A_724 = tpu.vector_load %arg6[%swap3A_723] {strides = array<i32>} : memref<6144xf32, #tpu.memory_space<vmem>>, vector<16xf32>,
      tpu.vector_store %arg6[%swap3A_723], %broadcast_in_dim3A_3 {strides = array<i32>} : memref<6144xf32, #tpu.memory_space<vmem>>, vector<16xf32>,
    }
    %scan3A_516 = arith.constant 48 : i32
    %scan3A_517 = arith.constant 0 : i32
    %scan3A_518 = arith.constant 0 : i32
    %scan3A_519 = arith.constant 6 : i32
    %scan3A_520 = arith.addi %scan3A_518, %scan3A_519 : i32
    %scan3A_521 = arith.constant 1 : i32
    scf.for %scan3A_661 = %scan3A_518 to %scan3A_520 step %scan3A_521  : i32 {
      %mul3A_662 = arith.constant 2 : i32
      %mul3A_663 = arith.muli %mul3A_662, %scan3A_661 : i32
      %dma_wait3A_664 = arith.constant 0 : i32
      %dma_wait3A_665 = arith.constant 0 : i32
      %dma_wait3A_666 = arith.constant 0 : i32
      %dma_wait3A_667 = tpu.memref_slice %arg2[%dma_wait3A_664, %dma_wait3A_665, %dma_wait3A_666] : memref<192x384x384xf32, #tpu.memory_space<hbm>> -> memref<16x8x192xf32, #tpu.memory_space<hbm>>
      %dma_wait3A_668 = arith.constant 0 : i32
      %dma_wait3A_669 = arith.constant 0 : i32
      %dma_wait3A_670 = arith.constant 0 : i32
      %dma_wait3A_671 = tpu.memref_slice %arg2[%dma_wait3A_668, %dma_wait3A_669, %dma_wait3A_670] : memref<192x384x384xf32, #tpu.memory_space<hbm>> -> memref<16x8x192xf32, #tpu.memory_space<hbm>>
      tpu.wait_dma2 semaphore(%arg8 : memref<!tpu.dma_semaphore, #tpu.memory_space<semaphore_mem>>) src(%dma_wait3A_671 : memref<16x8x192xf32, #tpu.memory_space<hbm>>) dst(%arg4 : memref<16x8x192xf32, #tpu.memory_space<vmem>>)
      %add3A_672 = arith.constant 1 : i32
      %add3A_673 = arith.addi %mul3A_663, %add3A_672 : i32
      %mul3A_674 = arith.constant 16 : i32
      %mul3A_675 = arith.muli %add3A_673, %mul3A_674 : i32
      %dma_start3A_676 = tpu.memref_slice %arg2[%mul3A_675, %mul3A_447, %mul3A_449] : memref<192x384x384xf32, #tpu.memory_space<hbm>> -> memref<16x8x192xf32, #tpu.memory_space<hbm>>
      %dma_start3A_677 = tpu.memref_slice %arg2[%mul3A_675, %mul3A_447, %mul3A_449] : memref<192x384x384xf32, #tpu.memory_space<hbm>> -> memref<16x8x192xf32, #tpu.memory_space<hbm>>
      tpu.enqueue_dma source(%dma_start3A_677 : memref<16x8x192xf32, #tpu.memory_space<hbm>>) target(%arg5 : memref<16x8x192xf32, #tpu.memory_space<vmem>>) target_semaphore(%arg9 : memref<!tpu.dma_semaphore, #tpu.memory_space<semaphore_mem>>)
      %parallel_loop3A = arith.constant 0 : i32
      %parallel_loop3A_678 = arith.constant 128 : i32
      %parallel_loop3A_679 = arith.constant 1 : i32
      scf.for %parallel_loop3A_696 = %parallel_loop3A to %parallel_loop3A_678 step %parallel_loop3A_679  : i32 {
        %parallel_loop3A_697 = arith.constant 3 : i32
        %parallel_loop3A_698 = arith.shrsi %parallel_loop3A_696, %parallel_loop3A_697 : i32
        %parallel_loop3A_699 = arith.constant 7 : i32
        %parallel_loop3A_700 = arith.andi %parallel_loop3A_696, %parallel_loop3A_699 : i32
        %parallel_loop3A_701 = arith.index_cast %parallel_loop3A_698 : i32 to index
        %parallel_loop3A_702 = arith.index_cast %parallel_loop3A_700 : i32 to index
        %parallel_loop3A_703 = arith.constant 0 : index
        %parallel_loop3A_704 = tpu.vector_load %arg4[%parallel_loop3A_701, %parallel_loop3A_702, %parallel_loop3A_703] {strides = array<i32>} : memref<16x8x192xf32, #tpu.memory_space<vmem>>, vector<16xf32>,
        %parallel_loop3A_705 = arith.constant 2.560000e+02 : f32
        %parallel_loop3A_706 = vector.broadcast %parallel_loop3A_705 : f32 to vector<16xf32>
        %parallel_loop3A_707 = arith.mulf %parallel_loop3A_704, %parallel_loop3A_706 : vector<16xf32>
        %parallel_loop3A_708 = arith.fptosi %parallel_loop3A_707 : vector<16xf32> to vector<16xi32>
        %parallel_loop3A_709 = arith.addi %shift_left3A_10, %parallel_loop3A_708 : vector<16xi32>
        tpu.vector_store_idx %arg6[%parallel_loop3A_709], %broadcast_in_dim3A_1 {add = true} : memref<6144xf32, #tpu.memory_space<vmem>>[vector<16xi32>], vector<16xf32>,
        %parallel_loop3A_710 = arith.index_cast %parallel_loop3A_698 : i32 to index
        %parallel_loop3A_711 = arith.index_cast %parallel_loop3A_700 : i32 to index
        %parallel_loop3A_712 = arith.constant 16 : index
        %parallel_loop3A_713 = tpu.vector_load %arg4[%parallel_loop3A_710, %parallel_loop3A_711, %parallel_loop3A_712] {strides = array<i32>} : memref<16x8x192xf32, #tpu.memory_space<vmem>>, vector<16xf32>,
        %parallel_loop3A_714 = arith.constant 2.560000e+02 : f32
        %parallel_loop3A_715 = vector.broadcast %parallel_loop3A_714 : f32 to vector<16xf32>
        %parallel_loop3A_716 = arith.mulf %parallel_loop3A_713, %parallel_loop3A_715 : vector<16xf32>
        %parallel_loop3A_717 = arith.fptosi %parallel_loop3A_716 : vector<16xf32> to vector<16xi32>
        %parallel_loop3A_718 = arith.addi %shift_left3A_19, %parallel_loop3A_717 : vector<16xi32>
        tpu.vector_store_idx %arg6[%parallel_loop3A_718], %broadcast_in_dim3A_1 {add = true} : memref<6144xf32, #tpu.memory_space<vmem>>[vector<16xi32>], vector<16xf32>,
        %parallel_loop3A_719 = arith.index_cast %parallel_loop3A_698 : i32 to index
        %parallel_loop3A_720 = arith.index_cast %parallel_loop3A_700 : i32 to index
        %parallel_loop3A_721 = arith.constant 32 : index
        %parallel_loop3A_722 = tpu.vector_load %arg4[%parallel_loop3A_719, %parallel_loop3A_720, %parallel_loop3A_721] {strides = array<i32>} : memref<16x8x192xf32, #tpu.memory_space<vmem>>, vector<16xf32>,
        %parallel_loop3A_723 = arith.constant 2.560000e+02 : f32
        %parallel_loop3A_724 = vector.broadcast %parallel_loop3A_723 : f32 to vector<16xf32>
        %parallel_loop3A_725 = arith.mulf %parallel_loop3A_722, %parallel_loop3A_724 : vector<16xf32>
        %parallel_loop3A_726 = arith.fptosi %parallel_loop3A_725 : vector<16xf32> to vector<16xi32>
        %parallel_loop3A_727 = arith.addi %shift_left3A_28, %parallel_loop3A_726 : vector<16xi32>
        tpu.vector_store_idx %arg6[%parallel_loop3A_727], %broadcast_in_dim3A_1 {add = true} : memref<6144xf32, #tpu.memory_space<vmem>>[vector<16xi32>], vector<16xf32>,
        %parallel_loop3A_728 = arith.index_cast %parallel_loop3A_698 : i32 to index
        %parallel_loop3A_729 = arith.index_cast %parallel_loop3A_700 : i32 to index
        %parallel_loop3A_730 = arith.constant 48 : index
        %parallel_loop3A_731 = tpu.vector_load %arg4[%parallel_loop3A_728, %parallel_loop3A_729, %parallel_loop3A_730] {strides = array<i32>} : memref<16x8x192xf32, #tpu.memory_space<vmem>>, vector<16xf32>,
        %parallel_loop3A_732 = arith.constant 2.560000e+02 : f32
        %parallel_loop3A_733 = vector.broadcast %parallel_loop3A_732 : f32 to vector<16xf32>
        %parallel_loop3A_734 = arith.mulf %parallel_loop3A_731, %parallel_loop3A_733 : vector<16xf32>
        %parallel_loop3A_735 = arith.fptosi %parallel_loop3A_734 : vector<16xf32> to vector<16xi32>
        %parallel_loop3A_736 = arith.addi %shift_left3A_37, %parallel_loop3A_735 : vector<16xi32>
        tpu.vector_store_idx %arg6[%parallel_loop3A_736], %broadcast_in_dim3A_1 {add = true} : memref<6144xf32, #tpu.memory_space<vmem>>[vector<16xi32>], vector<16xf32>,
        %parallel_loop3A_737 = arith.index_cast %parallel_loop3A_698 : i32 to index
        %parallel_loop3A_738 = arith.index_cast %parallel_loop3A_700 : i32 to index
        %parallel_loop3A_739 = arith.constant 64 : index
        %parallel_loop3A_740 = tpu.vector_load %arg4[%parallel_loop3A_737, %parallel_loop3A_738, %parallel_loop3A_739] {strides = array<i32>} : memref<16x8x192xf32, #tpu.memory_space<vmem>>, vector<16xf32>,
        %parallel_loop3A_741 = arith.constant 2.560000e+02 : f32
        %parallel_loop3A_742 = vector.broadcast %parallel_loop3A_741 : f32 to vector<16xf32>
        %parallel_loop3A_743 = arith.mulf %parallel_loop3A_740, %parallel_loop3A_742 : vector<16xf32>
        %parallel_loop3A_744 = arith.fptosi %parallel_loop3A_743 : vector<16xf32> to vector<16xi32>
        %parallel_loop3A_745 = arith.addi %shift_left3A_46, %parallel_loop3A_744 : vector<16xi32>
        tpu.vector_store_idx %arg6[%parallel_loop3A_745], %broadcast_in_dim3A_1 {add = true} : memref<6144xf32, #tpu.memory_space<vmem>>[vector<16xi32>], vector<16xf32>,
        %parallel_loop3A_746 = arith.index_cast %parallel_loop3A_698 : i32 to index
        %parallel_loop3A_747 = arith.index_cast %parallel_loop3A_700 : i32 to index
        %parallel_loop3A_748 = arith.constant 80 : index
        %parallel_loop3A_749 = tpu.vector_load %arg4[%parallel_loop3A_746, %parallel_loop3A_747, %parallel_loop3A_748] {strides = array<i32>} : memref<16x8x192xf32, #tpu.memory_space<vmem>>, vector<16xf32>,
        %parallel_loop3A_750 = arith.constant 2.560000e+02 : f32
        %parallel_loop3A_751 = vector.broadcast %parallel_loop3A_750 : f32 to vector<16xf32>
        %parallel_loop3A_752 = arith.mulf %parallel_loop3A_749, %parallel_loop3A_751 : vector<16xf32>
        %parallel_loop3A_753 = arith.fptosi %parallel_loop3A_752 : vector<16xf32> to vector<16xi32>
        %parallel_loop3A_754 = arith.addi %shift_left3A_55, %parallel_loop3A_753 : vector<16xi32>
        tpu.vector_store_idx %arg6[%parallel_loop3A_754], %broadcast_in_dim3A_1 {add = true} : memref<6144xf32, #tpu.memory_space<vmem>>[vector<16xi32>], vector<16xf32>,
        %parallel_loop3A_755 = arith.index_cast %parallel_loop3A_698 : i32 to index
        %parallel_loop3A_756 = arith.index_cast %parallel_loop3A_700 : i32 to index
        %parallel_loop3A_757 = arith.constant 96 : index
        %parallel_loop3A_758 = tpu.vector_load %arg4[%parallel_loop3A_755, %parallel_loop3A_756, %parallel_loop3A_757] {strides = array<i32>} : memref<16x8x192xf32, #tpu.memory_space<vmem>>, vector<16xf32>,
        %parallel_loop3A_759 = arith.constant 2.560000e+02 : f32
        %parallel_loop3A_760 = vector.broadcast %parallel_loop3A_759 : f32 to vector<16xf32>
        %parallel_loop3A_761 = arith.mulf %parallel_loop3A_758, %parallel_loop3A_760 : vector<16xf32>
        %parallel_loop3A_762 = arith.fptosi %parallel_loop3A_761 : vector<16xf32> to vector<16xi32>
        %parallel_loop3A_763 = arith.addi %shift_left3A_64, %parallel_loop3A_762 : vector<16xi32>
        tpu.vector_store_idx %arg6[%parallel_loop3A_763], %broadcast_in_dim3A_1 {add = true} : memref<6144xf32, #tpu.memory_space<vmem>>[vector<16xi32>], vector<16xf32>,
        %parallel_loop3A_764 = arith.index_cast %parallel_loop3A_698 : i32 to index
        %parallel_loop3A_765 = arith.index_cast %parallel_loop3A_700 : i32 to index
        %parallel_loop3A_766 = arith.constant 112 : index
        %parallel_loop3A_767 = tpu.vector_load %arg4[%parallel_loop3A_764, %parallel_loop3A_765, %parallel_loop3A_766] {strides = array<i32>} : memref<16x8x192xf32, #tpu.memory_space<vmem>>, vector<16xf32>,
        %parallel_loop3A_768 = arith.constant 2.560000e+02 : f32
        %parallel_loop3A_769 = vector.broadcast %parallel_loop3A_768 : f32 to vector<16xf32>
        %parallel_loop3A_770 = arith.mulf %parallel_loop3A_767, %parallel_loop3A_769 : vector<16xf32>
        %parallel_loop3A_771 = arith.fptosi %parallel_loop3A_770 : vector<16xf32> to vector<16xi32>
        %parallel_loop3A_772 = arith.addi %shift_left3A_73, %parallel_loop3A_771 : vector<16xi32>
        tpu.vector_store_idx %arg6[%parallel_loop3A_772], %broadcast_in_dim3A_1 {add = true} : memref<6144xf32, #tpu.memory_space<vmem>>[vector<16xi32>], vector<16xf32>,
        %parallel_loop3A_773 = arith.index_cast %parallel_loop3A_698 : i32 to index
        %parallel_loop3A_774 = arith.index_cast %parallel_loop3A_700 : i32 to index
        %parallel_loop3A_775 = arith.constant 128 : index
        %parallel_loop3A_776 = tpu.vector_load %arg4[%parallel_loop3A_773, %parallel_loop3A_774, %parallel_loop3A_775] {strides = array<i32>} : memref<16x8x192xf32, #tpu.memory_space<vmem>>, vector<16xf32>,
        %parallel_loop3A_777 = arith.constant 2.560000e+02 : f32
        %parallel_loop3A_778 = vector.broadcast %parallel_loop3A_777 : f32 to vector<16xf32>
        %parallel_loop3A_779 = arith.mulf %parallel_loop3A_776, %parallel_loop3A_778 : vector<16xf32>
        %parallel_loop3A_780 = arith.fptosi %parallel_loop3A_779 : vector<16xf32> to vector<16xi32>
        %parallel_loop3A_781 = arith.addi %shift_left3A_82, %parallel_loop3A_780 : vector<16xi32>
        tpu.vector_store_idx %arg6[%parallel_loop3A_781], %broadcast_in_dim3A_1 {add = true} : memref<6144xf32, #tpu.memory_space<vmem>>[vector<16xi32>], vector<16xf32>,
        %parallel_loop3A_782 = arith.index_cast %parallel_loop3A_698 : i32 to index
        %parallel_loop3A_783 = arith.index_cast %parallel_loop3A_700 : i32 to index
        %parallel_loop3A_784 = arith.constant 144 : index
        %parallel_loop3A_785 = tpu.vector_load %arg4[%parallel_loop3A_782, %parallel_loop3A_783, %parallel_loop3A_784] {strides = array<i32>} : memref<16x8x192xf32, #tpu.memory_space<vmem>>, vector<16xf32>,
        %parallel_loop3A_786 = arith.constant 2.560000e+02 : f32
        %parallel_loop3A_787 = vector.broadcast %parallel_loop3A_786 : f32 to vector<16xf32>
        %parallel_loop3A_788 = arith.mulf %parallel_loop3A_785, %parallel_loop3A_787 : vector<16xf32>
        %parallel_loop3A_789 = arith.fptosi %parallel_loop3A_788 : vector<16xf32> to vector<16xi32>
        %parallel_loop3A_790 = arith.addi %shift_left3A_91, %parallel_loop3A_789 : vector<16xi32>
        tpu.vector_store_idx %arg6[%parallel_loop3A_790], %broadcast_in_dim3A_1 {add = true} : memref<6144xf32, #tpu.memory_space<vmem>>[vector<16xi32>], vector<16xf32>,
        %parallel_loop3A_791 = arith.index_cast %parallel_loop3A_698 : i32 to index
        %parallel_loop3A_792 = arith.index_cast %parallel_loop3A_700 : i32 to index
        %parallel_loop3A_793 = arith.constant 160 : index
        %parallel_loop3A_794 = tpu.vector_load %arg4[%parallel_loop3A_791, %parallel_loop3A_792, %parallel_loop3A_793] {strides = array<i32>} : memref<16x8x192xf32, #tpu.memory_space<vmem>>, vector<16xf32>,
        %parallel_loop3A_795 = arith.constant 2.560000e+02 : f32
        %parallel_loop3A_796 = vector.broadcast %parallel_loop3A_795 : f32 to vector<16xf32>
        %parallel_loop3A_797 = arith.mulf %parallel_loop3A_794, %parallel_loop3A_796 : vector<16xf32>
        %parallel_loop3A_798 = arith.fptosi %parallel_loop3A_797 : vector<16xf32> to vector<16xi32>
        %parallel_loop3A_799 = arith.addi %shift_left3A_100, %parallel_loop3A_798 : vector<16xi32>
        tpu.vector_store_idx %arg6[%parallel_loop3A_799], %broadcast_in_dim3A_1 {add = true} : memref<6144xf32, #tpu.memory_space<vmem>>[vector<16xi32>], vector<16xf32>,
        %parallel_loop3A_800 = arith.index_cast %parallel_loop3A_698 : i32 to index
        %parallel_loop3A_801 = arith.index_cast %parallel_loop3A_700 : i32 to index
        %parallel_loop3A_802 = arith.constant 176 : index
        %parallel_loop3A_803 = tpu.vector_load %arg4[%parallel_loop3A_800, %parallel_loop3A_801, %parallel_loop3A_802] {strides = array<i32>} : memref<16x8x192xf32, #tpu.memory_space<vmem>>, vector<16xf32>,
        %parallel_loop3A_804 = arith.constant 2.560000e+02 : f32
        %parallel_loop3A_805 = vector.broadcast %parallel_loop3A_804 : f32 to vector<16xf32>
        %parallel_loop3A_806 = arith.mulf %parallel_loop3A_803, %parallel_loop3A_805 : vector<16xf32>
        %parallel_loop3A_807 = arith.fptosi %parallel_loop3A_806 : vector<16xf32> to vector<16xi32>
        %parallel_loop3A_808 = arith.addi %shift_left3A_109, %parallel_loop3A_807 : vector<16xi32>
        tpu.vector_store_idx %arg6[%parallel_loop3A_808], %broadcast_in_dim3A_1 {add = true} : memref<6144xf32, #tpu.memory_space<vmem>>[vector<16xi32>], vector<16xf32>,
      } {sc.loop_unroll_factor = 2 : i64, sc.parallel_access}
      %dma_wait3A_680 = arith.constant 0 : i32
      %dma_wait3A_681 = arith.constant 0 : i32
      %dma_wait3A_682 = arith.constant 0 : i32
      %dma_wait3A_683 = tpu.memref_slice %arg2[%dma_wait3A_680, %dma_wait3A_681, %dma_wait3A_682] : memref<192x384x384xf32, #tpu.memory_space<hbm>> -> memref<16x8x192xf32, #tpu.memory_space<hbm>>
      %dma_wait3A_684 = arith.constant 0 : i32
      %dma_wait3A_685 = arith.constant 0 : i32
      %dma_wait3A_686 = arith.constant 0 : i32
      %dma_wait3A_687 = tpu.memref_slice %arg2[%dma_wait3A_684, %dma_wait3A_685, %dma_wait3A_686] : memref<192x384x384xf32, #tpu.memory_space<hbm>> -> memref<16x8x192xf32, #tpu.memory_space<hbm>>
      tpu.wait_dma2 semaphore(%arg9 : memref<!tpu.dma_semaphore, #tpu.memory_space<semaphore_mem>>) src(%dma_wait3A_687 : memref<16x8x192xf32, #tpu.memory_space<hbm>>) dst(%arg5 : memref<16x8x192xf32, #tpu.memory_space<vmem>>)
      %add3A_688 = arith.constant 2 : i32
      %add3A_689 = arith.addi %mul3A_663, %add3A_688 : i32
      %lt3A_690 = arith.constant 12 : i32
      %lt3A_691 = arith.cmpi slt, %add3A_689, %lt3A_690 : i32
      %convert_element_type3A = arith.extui %lt3A_691 : i1 to i32
      %cond3A = arith.constant 0 : i32
      %cond3A_692 = arith.cmpi ne, %convert_element_type3A, %cond3A : i32
      scf.if %cond3A_692 {
        %add3A_696 = arith.constant 2 : i32
        %add3A_697 = arith.addi %mul3A_663, %add3A_696 : i32
        %mul3A_698 = arith.constant 16 : i32
        %mul3A_699 = arith.muli %add3A_697, %mul3A_698 : i32
        %dma_start3A_700 = tpu.memref_slice %arg2[%mul3A_699, %mul3A_447, %mul3A_449] : memref<192x384x384xf32, #tpu.memory_space<hbm>> -> memref<16x8x192xf32, #tpu.memory_space<hbm>>
        %dma_start3A_701 = tpu.memref_slice %arg2[%mul3A_699, %mul3A_447, %mul3A_449] : memref<192x384x384xf32, #tpu.memory_space<hbm>> -> memref<16x8x192xf32, #tpu.memory_space<hbm>>
        tpu.enqueue_dma source(%dma_start3A_701 : memref<16x8x192xf32, #tpu.memory_space<hbm>>) target(%arg4 : memref<16x8x192xf32, #tpu.memory_space<vmem>>) target_semaphore(%arg8 : memref<!tpu.dma_semaphore, #tpu.memory_space<semaphore_mem>>)
      } else {
      }
      %parallel_loop3A_693 = arith.constant 0 : i32
      %parallel_loop3A_694 = arith.constant 128 : i32
      %parallel_loop3A_695 = arith.constant 1 : i32
      scf.for %parallel_loop3A_696 = %parallel_loop3A_693 to %parallel_loop3A_694 step %parallel_loop3A_695  : i32 {
        %parallel_loop3A_697 = arith.constant 3 : i32
        %parallel_loop3A_698 = arith.shrsi %parallel_loop3A_696, %parallel_loop3A_697 : i32
        %parallel_loop3A_699 = arith.constant 7 : i32
        %parallel_loop3A_700 = arith.andi %parallel_loop3A_696, %parallel_loop3A_699 : i32
        %parallel_loop3A_701 = arith.index_cast %parallel_loop3A_698 : i32 to index
        %parallel_loop3A_702 = arith.index_cast %parallel_loop3A_700 : i32 to index
        %parallel_loop3A_703 = arith.constant 0 : index
        %parallel_loop3A_704 = tpu.vector_load %arg5[%parallel_loop3A_701, %parallel_loop3A_702, %parallel_loop3A_703] {strides = array<i32>} : memref<16x8x192xf32, #tpu.memory_space<vmem>>, vector<16xf32>,
        %parallel_loop3A_705 = arith.constant 2.560000e+02 : f32
        %parallel_loop3A_706 = vector.broadcast %parallel_loop3A_705 : f32 to vector<16xf32>
        %parallel_loop3A_707 = arith.mulf %parallel_loop3A_704, %parallel_loop3A_706 : vector<16xf32>
        %parallel_loop3A_708 = arith.fptosi %parallel_loop3A_707 : vector<16xf32> to vector<16xi32>
        %parallel_loop3A_709 = arith.addi %shift_left3A_10, %parallel_loop3A_708 : vector<16xi32>
        tpu.vector_store_idx %arg6[%parallel_loop3A_709], %broadcast_in_dim3A_1 {add = true} : memref<6144xf32, #tpu.memory_space<vmem>>[vector<16xi32>], vector<16xf32>,
        %parallel_loop3A_710 = arith.index_cast %parallel_loop3A_698 : i32 to index
        %parallel_loop3A_711 = arith.index_cast %parallel_loop3A_700 : i32 to index
        %parallel_loop3A_712 = arith.constant 16 : index
        %parallel_loop3A_713 = tpu.vector_load %arg5[%parallel_loop3A_710, %parallel_loop3A_711, %parallel_loop3A_712] {strides = array<i32>} : memref<16x8x192xf32, #tpu.memory_space<vmem>>, vector<16xf32>,
        %parallel_loop3A_714 = arith.constant 2.560000e+02 : f32
        %parallel_loop3A_715 = vector.broadcast %parallel_loop3A_714 : f32 to vector<16xf32>
        %parallel_loop3A_716 = arith.mulf %parallel_loop3A_713, %parallel_loop3A_715 : vector<16xf32>
        %parallel_loop3A_717 = arith.fptosi %parallel_loop3A_716 : vector<16xf32> to vector<16xi32>
        %parallel_loop3A_718 = arith.addi %shift_left3A_19, %parallel_loop3A_717 : vector<16xi32>
        tpu.vector_store_idx %arg6[%parallel_loop3A_718], %broadcast_in_dim3A_1 {add = true} : memref<6144xf32, #tpu.memory_space<vmem>>[vector<16xi32>], vector<16xf32>,
        %parallel_loop3A_719 = arith.index_cast %parallel_loop3A_698 : i32 to index
        %parallel_loop3A_720 = arith.index_cast %parallel_loop3A_700 : i32 to index
        %parallel_loop3A_721 = arith.constant 32 : index
        %parallel_loop3A_722 = tpu.vector_load %arg5[%parallel_loop3A_719, %parallel_loop3A_720, %parallel_loop3A_721] {strides = array<i32>} : memref<16x8x192xf32, #tpu.memory_space<vmem>>, vector<16xf32>,
        %parallel_loop3A_723 = arith.constant 2.560000e+02 : f32
        %parallel_loop3A_724 = vector.broadcast %parallel_loop3A_723 : f32 to vector<16xf32>
        %parallel_loop3A_725 = arith.mulf %parallel_loop3A_722, %parallel_loop3A_724 : vector<16xf32>
        %parallel_loop3A_726 = arith.fptosi %parallel_loop3A_725 : vector<16xf32> to vector<16xi32>
        %parallel_loop3A_727 = arith.addi %shift_left3A_28, %parallel_loop3A_726 : vector<16xi32>
        tpu.vector_store_idx %arg6[%parallel_loop3A_727], %broadcast_in_dim3A_1 {add = true} : memref<6144xf32, #tpu.memory_space<vmem>>[vector<16xi32>], vector<16xf32>,
        %parallel_loop3A_728 = arith.index_cast %parallel_loop3A_698 : i32 to index
        %parallel_loop3A_729 = arith.index_cast %parallel_loop3A_700 : i32 to index
        %parallel_loop3A_730 = arith.constant 48 : index
        %parallel_loop3A_731 = tpu.vector_load %arg5[%parallel_loop3A_728, %parallel_loop3A_729, %parallel_loop3A_730] {strides = array<i32>} : memref<16x8x192xf32, #tpu.memory_space<vmem>>, vector<16xf32>,
        %parallel_loop3A_732 = arith.constant 2.560000e+02 : f32
        %parallel_loop3A_733 = vector.broadcast %parallel_loop3A_732 : f32 to vector<16xf32>
        %parallel_loop3A_734 = arith.mulf %parallel_loop3A_731, %parallel_loop3A_733 : vector<16xf32>
        %parallel_loop3A_735 = arith.fptosi %parallel_loop3A_734 : vector<16xf32> to vector<16xi32>
        %parallel_loop3A_736 = arith.addi %shift_left3A_37, %parallel_loop3A_735 : vector<16xi32>
        tpu.vector_store_idx %arg6[%parallel_loop3A_736], %broadcast_in_dim3A_1 {add = true} : memref<6144xf32, #tpu.memory_space<vmem>>[vector<16xi32>], vector<16xf32>,
        %parallel_loop3A_737 = arith.index_cast %parallel_loop3A_698 : i32 to index
        %parallel_loop3A_738 = arith.index_cast %parallel_loop3A_700 : i32 to index
        %parallel_loop3A_739 = arith.constant 64 : index
        %parallel_loop3A_740 = tpu.vector_load %arg5[%parallel_loop3A_737, %parallel_loop3A_738, %parallel_loop3A_739] {strides = array<i32>} : memref<16x8x192xf32, #tpu.memory_space<vmem>>, vector<16xf32>,
        %parallel_loop3A_741 = arith.constant 2.560000e+02 : f32
        %parallel_loop3A_742 = vector.broadcast %parallel_loop3A_741 : f32 to vector<16xf32>
        %parallel_loop3A_743 = arith.mulf %parallel_loop3A_740, %parallel_loop3A_742 : vector<16xf32>
        %parallel_loop3A_744 = arith.fptosi %parallel_loop3A_743 : vector<16xf32> to vector<16xi32>
        %parallel_loop3A_745 = arith.addi %shift_left3A_46, %parallel_loop3A_744 : vector<16xi32>
        tpu.vector_store_idx %arg6[%parallel_loop3A_745], %broadcast_in_dim3A_1 {add = true} : memref<6144xf32, #tpu.memory_space<vmem>>[vector<16xi32>], vector<16xf32>,
        %parallel_loop3A_746 = arith.index_cast %parallel_loop3A_698 : i32 to index
        %parallel_loop3A_747 = arith.index_cast %parallel_loop3A_700 : i32 to index
        %parallel_loop3A_748 = arith.constant 80 : index
        %parallel_loop3A_749 = tpu.vector_load %arg5[%parallel_loop3A_746, %parallel_loop3A_747, %parallel_loop3A_748] {strides = array<i32>} : memref<16x8x192xf32, #tpu.memory_space<vmem>>, vector<16xf32>,
        %parallel_loop3A_750 = arith.constant 2.560000e+02 : f32
        %parallel_loop3A_751 = vector.broadcast %parallel_loop3A_750 : f32 to vector<16xf32>
        %parallel_loop3A_752 = arith.mulf %parallel_loop3A_749, %parallel_loop3A_751 : vector<16xf32>
        %parallel_loop3A_753 = arith.fptosi %parallel_loop3A_752 : vector<16xf32> to vector<16xi32>
        %parallel_loop3A_754 = arith.addi %shift_left3A_55, %parallel_loop3A_753 : vector<16xi32>
        tpu.vector_store_idx %arg6[%parallel_loop3A_754], %broadcast_in_dim3A_1 {add = true} : memref<6144xf32, #tpu.memory_space<vmem>>[vector<16xi32>], vector<16xf32>,
        %parallel_loop3A_755 = arith.index_cast %parallel_loop3A_698 : i32 to index
        %parallel_loop3A_756 = arith.index_cast %parallel_loop3A_700 : i32 to index
        %parallel_loop3A_757 = arith.constant 96 : index
        %parallel_loop3A_758 = tpu.vector_load %arg5[%parallel_loop3A_755, %parallel_loop3A_756, %parallel_loop3A_757] {strides = array<i32>} : memref<16x8x192xf32, #tpu.memory_space<vmem>>, vector<16xf32>,
        %parallel_loop3A_759 = arith.constant 2.560000e+02 : f32
        %parallel_loop3A_760 = vector.broadcast %parallel_loop3A_759 : f32 to vector<16xf32>
        %parallel_loop3A_761 = arith.mulf %parallel_loop3A_758, %parallel_loop3A_760 : vector<16xf32>
        %parallel_loop3A_762 = arith.fptosi %parallel_loop3A_761 : vector<16xf32> to vector<16xi32>
        %parallel_loop3A_763 = arith.addi %shift_left3A_64, %parallel_loop3A_762 : vector<16xi32>
        tpu.vector_store_idx %arg6[%parallel_loop3A_763], %broadcast_in_dim3A_1 {add = true} : memref<6144xf32, #tpu.memory_space<vmem>>[vector<16xi32>], vector<16xf32>,
        %parallel_loop3A_764 = arith.index_cast %parallel_loop3A_698 : i32 to index
        %parallel_loop3A_765 = arith.index_cast %parallel_loop3A_700 : i32 to index
        %parallel_loop3A_766 = arith.constant 112 : index
        %parallel_loop3A_767 = tpu.vector_load %arg5[%parallel_loop3A_764, %parallel_loop3A_765, %parallel_loop3A_766] {strides = array<i32>} : memref<16x8x192xf32, #tpu.memory_space<vmem>>, vector<16xf32>,
        %parallel_loop3A_768 = arith.constant 2.560000e+02 : f32
        %parallel_loop3A_769 = vector.broadcast %parallel_loop3A_768 : f32 to vector<16xf32>
        %parallel_loop3A_770 = arith.mulf %parallel_loop3A_767, %parallel_loop3A_769 : vector<16xf32>
        %parallel_loop3A_771 = arith.fptosi %parallel_loop3A_770 : vector<16xf32> to vector<16xi32>
        %parallel_loop3A_772 = arith.addi %shift_left3A_73, %parallel_loop3A_771 : vector<16xi32>
        tpu.vector_store_idx %arg6[%parallel_loop3A_772], %broadcast_in_dim3A_1 {add = true} : memref<6144xf32, #tpu.memory_space<vmem>>[vector<16xi32>], vector<16xf32>,
        %parallel_loop3A_773 = arith.index_cast %parallel_loop3A_698 : i32 to index
        %parallel_loop3A_774 = arith.index_cast %parallel_loop3A_700 : i32 to index
        %parallel_loop3A_775 = arith.constant 128 : index
        %parallel_loop3A_776 = tpu.vector_load %arg5[%parallel_loop3A_773, %parallel_loop3A_774, %parallel_loop3A_775] {strides = array<i32>} : memref<16x8x192xf32, #tpu.memory_space<vmem>>, vector<16xf32>,
        %parallel_loop3A_777 = arith.constant 2.560000e+02 : f32
        %parallel_loop3A_778 = vector.broadcast %parallel_loop3A_777 : f32 to vector<16xf32>
        %parallel_loop3A_779 = arith.mulf %parallel_loop3A_776, %parallel_loop3A_778 : vector<16xf32>
        %parallel_loop3A_780 = arith.fptosi %parallel_loop3A_779 : vector<16xf32> to vector<16xi32>
        %parallel_loop3A_781 = arith.addi %shift_left3A_82, %parallel_loop3A_780 : vector<16xi32>
        tpu.vector_store_idx %arg6[%parallel_loop3A_781], %broadcast_in_dim3A_1 {add = true} : memref<6144xf32, #tpu.memory_space<vmem>>[vector<16xi32>], vector<16xf32>,
        %parallel_loop3A_782 = arith.index_cast %parallel_loop3A_698 : i32 to index
        %parallel_loop3A_783 = arith.index_cast %parallel_loop3A_700 : i32 to index
        %parallel_loop3A_784 = arith.constant 144 : index
        %parallel_loop3A_785 = tpu.vector_load %arg5[%parallel_loop3A_782, %parallel_loop3A_783, %parallel_loop3A_784] {strides = array<i32>} : memref<16x8x192xf32, #tpu.memory_space<vmem>>, vector<16xf32>,
        %parallel_loop3A_786 = arith.constant 2.560000e+02 : f32
        %parallel_loop3A_787 = vector.broadcast %parallel_loop3A_786 : f32 to vector<16xf32>
        %parallel_loop3A_788 = arith.mulf %parallel_loop3A_785, %parallel_loop3A_787 : vector<16xf32>
        %parallel_loop3A_789 = arith.fptosi %parallel_loop3A_788 : vector<16xf32> to vector<16xi32>
        %parallel_loop3A_790 = arith.addi %shift_left3A_91, %parallel_loop3A_789 : vector<16xi32>
        tpu.vector_store_idx %arg6[%parallel_loop3A_790], %broadcast_in_dim3A_1 {add = true} : memref<6144xf32, #tpu.memory_space<vmem>>[vector<16xi32>], vector<16xf32>,
        %parallel_loop3A_791 = arith.index_cast %parallel_loop3A_698 : i32 to index
        %parallel_loop3A_792 = arith.index_cast %parallel_loop3A_700 : i32 to index
        %parallel_loop3A_793 = arith.constant 160 : index
        %parallel_loop3A_794 = tpu.vector_load %arg5[%parallel_loop3A_791, %parallel_loop3A_792, %parallel_loop3A_793] {strides = array<i32>} : memref<16x8x192xf32, #tpu.memory_space<vmem>>, vector<16xf32>,
        %parallel_loop3A_795 = arith.constant 2.560000e+02 : f32
        %parallel_loop3A_796 = vector.broadcast %parallel_loop3A_795 : f32 to vector<16xf32>
        %parallel_loop3A_797 = arith.mulf %parallel_loop3A_794, %parallel_loop3A_796 : vector<16xf32>
        %parallel_loop3A_798 = arith.fptosi %parallel_loop3A_797 : vector<16xf32> to vector<16xi32>
        %parallel_loop3A_799 = arith.addi %shift_left3A_100, %parallel_loop3A_798 : vector<16xi32>
        tpu.vector_store_idx %arg6[%parallel_loop3A_799], %broadcast_in_dim3A_1 {add = true} : memref<6144xf32, #tpu.memory_space<vmem>>[vector<16xi32>], vector<16xf32>,
        %parallel_loop3A_800 = arith.index_cast %parallel_loop3A_698 : i32 to index
        %parallel_loop3A_801 = arith.index_cast %parallel_loop3A_700 : i32 to index
        %parallel_loop3A_802 = arith.constant 176 : index
        %parallel_loop3A_803 = tpu.vector_load %arg5[%parallel_loop3A_800, %parallel_loop3A_801, %parallel_loop3A_802] {strides = array<i32>} : memref<16x8x192xf32, #tpu.memory_space<vmem>>, vector<16xf32>,
        %parallel_loop3A_804 = arith.constant 2.560000e+02 : f32
        %parallel_loop3A_805 = vector.broadcast %parallel_loop3A_804 : f32 to vector<16xf32>
        %parallel_loop3A_806 = arith.mulf %parallel_loop3A_803, %parallel_loop3A_805 : vector<16xf32>
        %parallel_loop3A_807 = arith.fptosi %parallel_loop3A_806 : vector<16xf32> to vector<16xi32>
        %parallel_loop3A_808 = arith.addi %shift_left3A_109, %parallel_loop3A_807 : vector<16xi32>
        tpu.vector_store_idx %arg6[%parallel_loop3A_808], %broadcast_in_dim3A_1 {add = true} : memref<6144xf32, #tpu.memory_space<vmem>>[vector<16xi32>], vector<16xf32>,
      } {sc.loop_unroll_factor = 2 : i64, sc.parallel_access}
    }
    %scan3A_522 = arith.constant 6 : i32
    %mul3A_523 = arith.constant 6144 : i32
    %mul3A_524 = arith.muli %select_n3A_445, %mul3A_523 : i32
    %dma_start3A_525 = arith.constant 0 : i32
    %dma_start3A_526 = tpu.memref_slice %arg3[%dma_start3A_525, %select_n3A_429, %mul3A_524] : memref<2x48x12288xf32, #tpu.memory_space<hbm>> -> memref<1x1x6144xf32, #tpu.memory_space<hbm>>
    %dma_start3A_527 = tpu.memref_squeeze %dma_start3A_526 : memref<1x1x6144xf32, #tpu.memory_space<hbm>> -> memref<6144xf32, #tpu.memory_space<hbm>>
    %dma_start3A_528 = tpu.memref_slice %arg3[%dma_start3A_525, %select_n3A_429, %mul3A_524] : memref<2x48x12288xf32, #tpu.memory_space<hbm>> -> memref<1x1x6144xf32, #tpu.memory_space<hbm>>
    %dma_start3A_529 = tpu.memref_squeeze %dma_start3A_528 : memref<1x1x6144xf32, #tpu.memory_space<hbm>> -> memref<6144xf32, #tpu.memory_space<hbm>>
    tpu.enqueue_dma source(%arg6 : memref<6144xf32, #tpu.memory_space<vmem>>) target(%dma_start3A_529 : memref<6144xf32, #tpu.memory_space<hbm>>) target_semaphore(%arg10 : memref<!tpu.dma_semaphore, #tpu.memory_space<semaphore_mem>>)
    %mul3A_530 = arith.constant 6144 : i32
    %mul3A_531 = arith.muli %select_n3A_445, %mul3A_530 : i32
    %dma_start3A_532 = arith.constant 1 : i32
    %dma_start3A_533 = tpu.memref_slice %arg3[%dma_start3A_532, %select_n3A_429, %mul3A_531] : memref<2x48x12288xf32, #tpu.memory_space<hbm>> -> memref<1x1x6144xf32, #tpu.memory_space<hbm>>
    %dma_start3A_534 = tpu.memref_squeeze %dma_start3A_533 : memref<1x1x6144xf32, #tpu.memory_space<hbm>> -> memref<6144xf32, #tpu.memory_space<hbm>>
    %dma_start3A_535 = tpu.memref_slice %arg3[%dma_start3A_532, %select_n3A_429, %mul3A_531] : memref<2x48x12288xf32, #tpu.memory_space<hbm>> -> memref<1x1x6144xf32, #tpu.memory_space<hbm>>
    %dma_start3A_536 = tpu.memref_squeeze %dma_start3A_535 : memref<1x1x6144xf32, #tpu.memory_space<hbm>> -> memref<6144xf32, #tpu.memory_space<hbm>>
    tpu.enqueue_dma source(%arg6 : memref<6144xf32, #tpu.memory_space<vmem>>) target(%dma_start3A_536 : memref<6144xf32, #tpu.memory_space<hbm>>) target_semaphore(%arg10 : memref<!tpu.dma_semaphore, #tpu.memory_space<semaphore_mem>>)
    %mul3A_537 = arith.constant 3 : i32
    %mul3A_538 = arith.muli %add3A, %mul3A_537 : i32
    %add3A_539 = arith.constant 1 : i32
    %add3A_540 = arith.addi %mul3A_538, %add3A_539 : i32
    %jit3A_541 = arith.constant 2 : i32
    %div3A_542 = arith.divsi %add3A_540, %jit3A_541 : i32
    %sign3A_543 = arith.constant 0 : i32
    %sign3A_544 = arith.cmpi sgt, %add3A_540, %sign3A_543 : i32
    %sign3A_545 = arith.extui %sign3A_544 : i1 to i32
    %sign3A_546 = arith.constant 0 : i32
    %sign3A_547 = arith.cmpi slt, %add3A_540, %sign3A_546 : i32
    %sign3A_548 = arith.extui %sign3A_547 : i1 to i32
    %sign3A_549 = arith.subi %sign3A_545, %sign3A_548 : i32
    %sign3A_550 = arith.constant 0 : i32
    %sign3A_551 = arith.cmpi sgt, %jit3A_541, %sign3A_550 : i32
    %sign3A_552 = arith.extui %sign3A_551 : i1 to i32
    %sign3A_553 = arith.constant 0 : i32
    %sign3A_554 = arith.cmpi slt, %jit3A_541, %sign3A_553 : i32
    %sign3A_555 = arith.extui %sign3A_554 : i1 to i32
    %sign3A_556 = arith.subi %sign3A_552, %sign3A_555 : i32
    %ne3A_557 = arith.cmpi ne, %sign3A_549, %sign3A_556 : i32
    %rem3A_558 = arith.remsi %add3A_540, %jit3A_541 : i32
    %ne3A_559 = arith.constant 0 : i32
    %ne3A_560 = arith.cmpi ne, %rem3A_558, %ne3A_559 : i32
    %and3A_561 = arith.andi %ne3A_557, %ne3A_560 : i1
    %sub3A_562 = arith.constant 1 : i32
    %sub3A_563 = arith.subi %div3A_542, %sub3A_562 : i32
    %select_n3A_564 = arith.select %and3A_561, %sub3A_563, %div3A_542 : i32
    %jit3A_565 = arith.constant 2 : i32
    %eq3A_566 = arith.constant 0 : i32
    %eq3A_567 = arith.cmpi eq, %jit3A_565, %eq3A_566 : i32
    %jit3A_568 = arith.constant 1 : i32
    %select_n3A_569 = arith.select %eq3A_567, %jit3A_568, %jit3A_565 : i32
    %rem3A_570 = arith.remsi %add3A_540, %select_n3A_569 : i32
    %ne3A_571 = arith.constant 0 : i32
    %ne3A_572 = arith.cmpi ne, %rem3A_570, %ne3A_571 : i32
    %lt3A_573 = arith.constant 0 : i32
    %lt3A_574 = arith.cmpi slt, %rem3A_570, %lt3A_573 : i32
    %lt3A_575 = arith.constant 0 : i32
    %lt3A_576 = arith.cmpi slt, %select_n3A_569, %lt3A_575 : i32
    %ne3A_577 = arith.xori %lt3A_574, %lt3A_576 : i1
    %and3A_578 = arith.andi %ne3A_577, %ne3A_572 : i1
    %add3A_579 = arith.addi %rem3A_570, %select_n3A_569 : i32
    %select_n3A_580 = arith.select %and3A_578, %add3A_579, %rem3A_570 : i32
    %mul3A_581 = arith.constant 8 : i32
    %mul3A_582 = arith.muli %select_n3A_564, %mul3A_581 : i32
    %mul3A_583 = arith.constant 192 : i32
    %mul3A_584 = arith.muli %select_n3A_580, %mul3A_583 : i32
    %mul3A_585 = arith.constant 6144 : i32
    %mul3A_586 = arith.muli %select_n3A_580, %mul3A_585 : i32
    %dma_wait3A_587 = arith.constant 0 : i32
    %dma_wait3A_588 = tpu.memref_slice %arg3[%dma_wait3A_587, %select_n3A_564, %mul3A_586] : memref<2x48x12288xf32, #tpu.memory_space<hbm>> -> memref<1x1x6144xf32, #tpu.memory_space<hbm>>
    %dma_wait3A_589 = tpu.memref_squeeze %dma_wait3A_588 : memref<1x1x6144xf32, #tpu.memory_space<hbm>> -> memref<6144xf32, #tpu.memory_space<hbm>>
    %dma_wait3A_590 = tpu.memref_slice %arg3[%dma_wait3A_587, %select_n3A_564, %mul3A_586] : memref<2x48x12288xf32, #tpu.memory_space<hbm>> -> memref<1x1x6144xf32, #tpu.memory_space<hbm>>
    %dma_wait3A_591 = tpu.memref_squeeze %dma_wait3A_590 : memref<1x1x6144xf32, #tpu.memory_space<hbm>> -> memref<6144xf32, #tpu.memory_space<hbm>>
    tpu.wait_dma2 semaphore(%arg10 : memref<!tpu.dma_semaphore, #tpu.memory_space<semaphore_mem>>) src(%arg7 : memref<6144xf32, #tpu.memory_space<vmem>>) dst(%dma_wait3A_591 : memref<6144xf32, #tpu.memory_space<hbm>>)
    %mul3A_592 = arith.constant 6144 : i32
    %mul3A_593 = arith.muli %select_n3A_580, %mul3A_592 : i32
    %dma_wait3A_594 = arith.constant 1 : i32
    %dma_wait3A_595 = tpu.memref_slice %arg3[%dma_wait3A_594, %select_n3A_564, %mul3A_593] : memref<2x48x12288xf32, #tpu.memory_space<hbm>> -> memref<1x1x6144xf32, #tpu.memory_space<hbm>>
    %dma_wait3A_596 = tpu.memref_squeeze %dma_wait3A_595 : memref<1x1x6144xf32, #tpu.memory_space<hbm>> -> memref<6144xf32, #tpu.memory_space<hbm>>
    %dma_wait3A_597 = tpu.memref_slice %arg3[%dma_wait3A_594, %select_n3A_564, %mul3A_593] : memref<2x48x12288xf32, #tpu.memory_space<hbm>> -> memref<1x1x6144xf32, #tpu.memory_space<hbm>>
    %dma_wait3A_598 = tpu.memref_squeeze %dma_wait3A_597 : memref<1x1x6144xf32, #tpu.memory_space<hbm>> -> memref<6144xf32, #tpu.memory_space<hbm>>
    tpu.wait_dma2 semaphore(%arg10 : memref<!tpu.dma_semaphore, #tpu.memory_space<semaphore_mem>>) src(%arg7 : memref<6144xf32, #tpu.memory_space<vmem>>) dst(%dma_wait3A_598 : memref<6144xf32, #tpu.memory_space<hbm>>)
    %mul3A_599 = arith.constant 3 : i32
    %mul3A_600 = arith.muli %add3A, %mul3A_599 : i32
    %add3A_601 = arith.constant 2 : i32
    %add3A_602 = arith.addi %mul3A_600, %add3A_601 : i32
    %jit3A_603 = arith.constant 2 : i32
    %div3A_604 = arith.divsi %add3A_602, %jit3A_603 : i32
    %sign3A_605 = arith.constant 0 : i32
    %sign3A_606 = arith.cmpi sgt, %add3A_602, %sign3A_605 : i32
    %sign3A_607 = arith.extui %sign3A_606 : i1 to i32
    %sign3A_608 = arith.constant 0 : i32
    %sign3A_609 = arith.cmpi slt, %add3A_602, %sign3A_608 : i32
    %sign3A_610 = arith.extui %sign3A_609 : i1 to i32
    %sign3A_611 = arith.subi %sign3A_607, %sign3A_610 : i32
    %sign3A_612 = arith.constant 0 : i32
    %sign3A_613 = arith.cmpi sgt, %jit3A_603, %sign3A_612 : i32
    %sign3A_614 = arith.extui %sign3A_613 : i1 to i32
    %sign3A_615 = arith.constant 0 : i32
    %sign3A_616 = arith.cmpi slt, %jit3A_603, %sign3A_615 : i32
    %sign3A_617 = arith.extui %sign3A_616 : i1 to i32
    %sign3A_618 = arith.subi %sign3A_614, %sign3A_617 : i32
    %ne3A_619 = arith.cmpi ne, %sign3A_611, %sign3A_618 : i32
    %rem3A_620 = arith.remsi %add3A_602, %jit3A_603 : i32
    %ne3A_621 = arith.constant 0 : i32
    %ne3A_622 = arith.cmpi ne, %rem3A_620, %ne3A_621 : i32
    %and3A_623 = arith.andi %ne3A_619, %ne3A_622 : i1
    %sub3A_624 = arith.constant 1 : i32
    %sub3A_625 = arith.subi %div3A_604, %sub3A_624 : i32
    %select_n3A_626 = arith.select %and3A_623, %sub3A_625, %div3A_604 : i32
    %jit3A_627 = arith.constant 2 : i32
    %eq3A_628 = arith.constant 0 : i32
    %eq3A_629 = arith.cmpi eq, %jit3A_627, %eq3A_628 : i32
    %jit3A_630 = arith.constant 1 : i32
    %select_n3A_631 = arith.select %eq3A_629, %jit3A_630, %jit3A_627 : i32
    %rem3A_632 = arith.remsi %add3A_602, %select_n3A_631 : i32
    %ne3A_633 = arith.constant 0 : i32
    %ne3A_634 = arith.cmpi ne, %rem3A_632, %ne3A_633 : i32
    %lt3A_635 = arith.constant 0 : i32
    %lt3A_636 = arith.cmpi slt, %rem3A_632, %lt3A_635 : i32
    %lt3A_637 = arith.constant 0 : i32
    %lt3A_638 = arith.cmpi slt, %select_n3A_631, %lt3A_637 : i32
    %ne3A_639 = arith.xori %lt3A_636, %lt3A_638 : i1
    %and3A_640 = arith.andi %ne3A_639, %ne3A_634 : i1
    %add3A_641 = arith.addi %rem3A_632, %select_n3A_631 : i32
    %select_n3A_642 = arith.select %and3A_640, %add3A_641, %rem3A_632 : i32
    %mul3A_643 = arith.constant 8 : i32
    %mul3A_644 = arith.muli %select_n3A_626, %mul3A_643 : i32
    %mul3A_645 = arith.constant 192 : i32
    %mul3A_646 = arith.muli %select_n3A_642, %mul3A_645 : i32
    %mul3A_647 = arith.constant 6144 : i32
    %mul3A_648 = arith.muli %select_n3A_642, %mul3A_647 : i32
    %dma_wait3A_649 = arith.constant 0 : i32
    %dma_wait3A_650 = tpu.memref_slice %arg3[%dma_wait3A_649, %select_n3A_626, %mul3A_648] : memref<2x48x12288xf32, #tpu.memory_space<hbm>> -> memref<1x1x6144xf32, #tpu.memory_space<hbm>>
    %dma_wait3A_651 = tpu.memref_squeeze %dma_wait3A_650 : memref<1x1x6144xf32, #tpu.memory_space<hbm>> -> memref<6144xf32, #tpu.memory_space<hbm>>
    %dma_wait3A_652 = tpu.memref_slice %arg3[%dma_wait3A_649, %select_n3A_626, %mul3A_648] : memref<2x48x12288xf32, #tpu.memory_space<hbm>> -> memref<1x1x6144xf32, #tpu.memory_space<hbm>>
    %dma_wait3A_653 = tpu.memref_squeeze %dma_wait3A_652 : memref<1x1x6144xf32, #tpu.memory_space<hbm>> -> memref<6144xf32, #tpu.memory_space<hbm>>
    tpu.wait_dma2 semaphore(%arg10 : memref<!tpu.dma_semaphore, #tpu.memory_space<semaphore_mem>>) src(%arg6 : memref<6144xf32, #tpu.memory_space<vmem>>) dst(%dma_wait3A_653 : memref<6144xf32, #tpu.memory_space<hbm>>)
    %mul3A_654 = arith.constant 6144 : i32
    %mul3A_655 = arith.muli %select_n3A_642, %mul3A_654 : i32
    %dma_wait3A_656 = arith.constant 1 : i32
    %dma_wait3A_657 = tpu.memref_slice %arg3[%dma_wait3A_656, %select_n3A_626, %mul3A_655] : memref<2x48x12288xf32, #tpu.memory_space<hbm>> -> memref<1x1x6144xf32, #tpu.memory_space<hbm>>
    %dma_wait3A_658 = tpu.memref_squeeze %dma_wait3A_657 : memref<1x1x6144xf32, #tpu.memory_space<hbm>> -> memref<6144xf32, #tpu.memory_space<hbm>>
    %dma_wait3A_659 = tpu.memref_slice %arg3[%dma_wait3A_656, %select_n3A_626, %mul3A_655] : memref<2x48x12288xf32, #tpu.memory_space<hbm>> -> memref<1x1x6144xf32, #tpu.memory_space<hbm>>
    %dma_wait3A_660 = tpu.memref_squeeze %dma_wait3A_659 : memref<1x1x6144xf32, #tpu.memory_space<hbm>> -> memref<6144xf32, #tpu.memory_space<hbm>>
    tpu.wait_dma2 semaphore(%arg10 : memref<!tpu.dma_semaphore, #tpu.memory_space<semaphore_mem>>) src(%arg6 : memref<6144xf32, #tpu.memory_space<vmem>>) dst(%dma_wait3A_660 : memref<6144xf32, #tpu.memory_space<hbm>>)
    return
  }
}

</mosaic_0001>

<sc_bundles>
// kernel: kernel.3.cloned.1.call-start
scs
__scs_entry_jumppad:
0x0: {  	(pc) =	sbr.rel $0x88, $3  }
0x1: {  	(tag) =	ssettag $0x0;
	lr =	simm.s32 $0x1  }
0x2: {  	[smem:$0x3FA0] =	sst lr;
	_ =	strace $0xD0000000  }
0x3: {  	_ = 	snop  }
0x4: {  	_ = 	snop  }
0x5: {  	_ = 	snop  }
0x6: {  	_ = 	snop  }
0x7: {  	_ = 	snop  }
__scs_overlays_trampoline_lowered:
0x8: {  	[smem:$0x3FAF] =	sst s0  }
0x9: {  	[smem:$0x3FB0] =	sst s1  }
0xa: {  	[smem:$0x3FB1] =	sst s2  }
0xb: {  	[smem:$0x3FB2] =	sst s3  }
0xc: {  	[smem:$0x3FB3] =	sst s4  }
0xd: {  	[smem:$0x3FB4] =	sst s5  }
0xe: {  	[smem:$0x3FB5] =	sst s6  }
0xf: {  	[smem:$0x3FB6] =	sst s7  }
0x10: {  	[smem:$0x3FB7] =	sst s8  }
0x11: {  	[smem:$0x3FB8] =	sst s9;
	s0 =	simm.s32 @!p0 $0x0  }
0x12: {  	s1 =	sld [smem:$0x3F9E];
	s0 =	simm.s32 @p0 $0x1  }
0x13: {  	[smem:$0x3FB9] =	sst s0;
	s0 =	simm.s32 @!p1 $0x0  }
0x14: {  	s2 =	sld [smem:$0x3F9D];
	s0 =	simm.s32 @p1 $0x1  }
0x15: {  	[smem:$0x3FBA] =	sst s0;
	s0 =	simm.s32 @!p2 $0x0  }
0x16: {  	s3 =	sld [smem:$0x3FDB];
	s0 =	simm.s32 @p2 $0x1  }
0x17: {  	s4 =	simm.s32 $0x1BF5;
	[smem:$0x3FBC] =	sst s0  }
0x18: {  	s0 =	sld [smem:$0x3F9F];
	_ =	swait.ge [sflag:s4], $0x0  }
0x19: {  	s7 =	sld [smem:$0x3FA0]  }
0x1a: {  	s8 =	sadd.s32 $0xFFFFE003, lr  }
0x1b: {  	s9 =	sadd.s32 $0xFFFFFEF7, lr;
	s5 =	simm.s32 $0xFFFFFFFF;
	p2 =	slt.u32 s8, $0xFFFFF086  }
0x1c: {  	p1 =	slt.u32 s9, $0xF7A;
	s5 =	simm.s32 @!p2 $0x0  }
0x1d: {  	s5 =	simm.s32 @p1 $0x1;
	p0 =	seq.s32 s7, s2  }
0x1e: {  	s7 =	smul.u32 @!p0 $0xF7A, s2;
	p2 =	seq.s32 @!p0 s5, $0x0  }
0x1f: {  	s9 =	smul.u32 $0xF7A, s1;
	s8 =	simm.s32 @!p0 $0x1BF5;
	p2 =	por !p2, p0  }
0x20: {  	[sflag:s8] =	ssyncset.s32 @!p0 $0xFFFFF086;
	s6 =	sadd.s32 @!p0 s3, s7;
	s7 =	simm.s32 @!p0 $0x108  }
0x21: {  	s3 =	sadd.s32 s3, s9;
	s6 =	sadd.s32 @!p0 $0x88, s6;
	s7 =	simm.s32 @p2 $0x1082  }
0x22: {  	[simem:s7], [sflag:s8] =	dma.local @!p0 [hbm:s6], $0xF7A  }
0x23: {  	s9 =	sor.u32 $0xD0000000, s2;
	s6 =	simm.s32 $0x108;
	_ =	swait.ge @!p0 [sflag:s8], $0x0  }
0x24: {  	s3 =	sadd.s32 $0x88, s3;
	s6 =	simm.s32 @!p1 $0x1082;
	[sflag:s4] =	ssyncset.s32 $0xFFFFF086  }
0x25: {  	[simem:s6], [sflag:s4] =	dma.local [hbm:s3], $0xF7A  }
0x26: {  	[smem:$0x3FA0] =	sst s1;
	(tag) =	ssettag s2;
	_ =	strace s9  }
0x27: {  	s1 =	sld [smem:$0x3FB0]  }
0x28: {  	s2 =	sld [smem:$0x3FB1]  }
0x29: {  	s4 =	sld [smem:$0x3FB3]  }
0x2a: {  	p0 =	seq.s32 s5, $0x0;
	s5 =	sld [smem:$0x3FB4]  }
0x2b: {  	s6 =	sld [smem:$0x3FB5]  }
0x2c: {  	s7 =	sld [smem:$0x3FB6]  }
0x2d: {  	s3 =	simm.s32 $0x108;
	s8 =	sld [smem:$0x3FB7]  }
0x2e: {  	s3 =	simm.s32 @!p0 $0x1082;
	s9 =	sld [smem:$0x3FB8]  }
0x2f: {  	lr =	sadd.s32 s0, s3;
	s0 =	sld [smem:$0x3FAF]  }
0x30: {  	s3 =	sld [smem:$0x3FB2]  }
0x31: {  	[smem:$0x3FBB] =	sst s10  }
0x32: {  	s10 =	sld [smem:$0x3FB9];
	_ =	sdelay $0x3  }
0x33: {  	p0 =	seq.s32 s10, $0x1;
	s10 =	sld [smem:$0x3FBB];
	_ =	sdelay $0x3  }
0x34: {  	[smem:$0x3FBB] =	sst s10  }
0x35: {  	s10 =	sld [smem:$0x3FBA];
	_ =	sdelay $0x3  }
0x36: {  	p1 =	seq.s32 s10, $0x1;
	s10 =	sld [smem:$0x3FBB];
	_ =	sdelay $0x3  }
0x37: {  	[smem:$0x3FBB] =	sst s10  }
0x38: {  	s10 =	sld [smem:$0x3FBC]  }
0x39: {  	_ = 	snop;
	(pc) =	sbr.ind lr, $3  }
0x3a: {  	_ = 	snop  }
0x3b: {  	_ = 	snop  }
0x3c: {  	p2 =	seq.s32 s10, $0x1;
	s10 =	sld [smem:$0x3FBB]  }
0x3d: {  	_ =	shalt  }
0x3e: {  	_ =	shalt  }
0x3f: {  	_ =	shalt  }
0x40: {  	_ =	shalt  }
0x41: {  	_ =	shalt  }
0x42: {  	_ =	shalt  }
0x43: {  	_ =	shalt  }
0x44: {  	_ =	shalt  }
0x45: {  	_ =	shalt  }
0x46: {  	_ =	shalt  }
0x47: {  	_ =	shalt  }
0x48: {  	_ =	shalt  }
0x49: {  	_ =	shalt  }
0x4a: {  	_ =	shalt  }
0x4b: {  	_ =	shalt  }
0x4c: {  	_ =	shalt  }
0x4d: {  	_ =	shalt  }
0x4e: {  	_ =	shalt  }
0x4f: {  	_ =	shalt  }
0x50: {  	_ =	shalt  }
0x51: {  	_ =	shalt  }
0x52: {  	_ =	shalt  }
0x53: {  	_ =	shalt  }
0x54: {  	_ =	shalt  }
0x55: {  	_ =	shalt  }
0x56: {  	_ =	shalt  }
0x57: {  	_ =	shalt  }
0x58: {  	_ =	shalt  }
0x59: {  	_ =	shalt  }
0x5a: {  	_ =	shalt  }
0x5b: {  	_ =	shalt  }
0x5c: {  	_ =	shalt  }
0x5d: {  	_ =	shalt  }
0x5e: {  	_ =	shalt  }
0x5f: {  	_ =	shalt  }
0x60: {  	_ =	shalt  }
0x61: {  	_ =	shalt  }
0x62: {  	_ =	shalt  }
0x63: {  	_ =	shalt  }
0x64: {  	_ =	shalt  }
0x65: {  	_ =	shalt  }
0x66: {  	_ =	shalt  }
0x67: {  	_ =	shalt  }
0x68: {  	_ =	shalt  }
0x69: {  	_ =	shalt  }
0x6a: {  	_ =	shalt  }
0x6b: {  	_ =	shalt  }
0x6c: {  	_ =	shalt  }
0x6d: {  	_ =	shalt  }
0x6e: {  	_ =	shalt  }
0x6f: {  	_ =	shalt  }
0x70: {  	_ =	shalt  }
0x71: {  	_ =	shalt  }
0x72: {  	_ =	shalt  }
0x73: {  	_ =	shalt  }
0x74: {  	_ =	shalt  }
0x75: {  	_ =	shalt  }
0x76: {  	_ =	shalt  }
0x77: {  	_ =	shalt  }
0x78: {  	_ =	shalt  }
0x79: {  	_ =	shalt  }
0x7a: {  	_ =	shalt  }
0x7b: {  	_ =	shalt  }
0x7c: {  	_ =	shalt  }
0x7d: {  	_ =	shalt  }
0x7e: {  	_ =	shalt  }
0x7f: {  	_ =	shalt  }
0x80: {  	_ =	shalt  }
0x81: {  	_ =	shalt  }
0x82: {  	_ =	shalt  }
0x83: {  	_ =	shalt  }
0x84: {  	_ =	shalt  }
0x85: {  	_ =	shalt  }
0x86: {  	_ =	shalt  }
0x87: {  	_ =	shalt  }
.Lfunc_end0:
.L_simem_size_0:
called_computation_lowered:
.L_overlay_start_0:
0x88: {  	s2 =	sld [smem:$0x3FD9]  }
0x89: {  	s3 =	sld [smem:$0x3FFE];
	_ =	sdelay $0x1  }
0x8a: {  	s1 =	srdreg.scid  }
0x8b: {  	s0 =	sand.u32 $0x1, s1  }
0x8c: {  	s16 =	sshll.u32 s0, $0xA;
	s2 =	sadd.s32 s3, s2  }
0x8d: {  	s2 =	sadd.s32 s2, s16  }
0x8e: {  	[smem:$0x3FC7] =	sst s2  }
0x8f: {  	_ = 	snop  }
0x90: {  	(tm) =	ssettm $0x1  }
0x91: {  	s17 =	sld [smem:$0x3FFB];
	_ =	sdelay $0x3  }
0x92: {  	_ =	strace s17  }
0x93: {  	s2 =	sld [smem:$0x3FFC];
	_ =	sdelay $0x3  }
0x94: {  	_ =	strace s2  }
0x95: {  	s2 =	sld [smem:$0x3FFD];
	_ =	sdelay $0x3  }
0x96: {  	_ =	strace s2  }
0x97: {  	_ =	strace $0x8FFFFFFF  }
0x98: {  	s18 =	sld [smem:$0x3FDB];
	_ =	sdelay $0x1  }
0x99: {  	s19 =	simm.s32 $_scs_section_size  }
0x9a: {  	s4 =	simm.s32 $_size__tile_overlayer_lowered;
	s5 =	simm.s32 $_tile_overlayer_lowered  }
0x9b: {  	s22 =	simm.s32 $0x1BFF;
	s21 =	sshll.u32 s5, $0x1;
	s2 =	sadd.s32 s19, s18  }
0x9c: {  	s6 =	simm.s32 $0x0;
	s20 =	sshll.u32 s4, $0x1;
	s4 =	sadd.s32 s21, s2  }
0x9d: {  	[timem:s6], [sflag:s22] =	dma.local [hbm:s4], s20  }
0x9e: {  	_ =	swait.ge [sflag:s22], s20  }
0x9f: {  	s3 =	ssub.s32 $0x0, s20;
	[sflag:s22] =	ssyncset.done $0x0  }
0xa0: {  	[sflag:s22] =	ssyncadd.s32 s3;
	_ =	sdelay $0x1  }
0xa1: {  	s23 =	simm.s32 $0x1B8B  }
0xa2: {  	_ =	swait.ge [sflag:s23], $0x1  }
0xa3: {  	[sflag:s23] =	ssyncset.done $0x0  }
0xa4: {  	s25 =	simm.s32 $0x1B8E;
	s24 =	sld [smem:$0x3FFE];
	[sflag:s23] =	ssyncadd.s32 $0xFFFFFFFF  }
0xa5: {  	s26 =	simm.s32 $execute0_lowered;
	[smem:$0x3FD2] =	sst s25  }
0xa6: {  	s4 =	sshll.u32 s26, $0x1;
	_ =	strace $0x80000046;
	[dreg:$0x1] =	wrdreg $0xFFFFFFFF  }
0xa7: {  	s28 =	simm.s32 $_size_execute0_lowered;
	s2 =	sadd.s32 s2, s4;
	[dreg:$0x0] =	wrdreg $0x0  }
0xa8: {  	s4 =	sshll.u32 s28, $0x1;
	[dreg:$0x2] =	wrdreg s2  }
0xa9: {  	[dreg:$0x3] =	wrdreg s4  }
0xaa: {  	[dreg:$0x4] =	wrdreg $0xC0  }
0xab: {  	_ =	task [dreg:s6], $0x5FFFF  }
0xac: {  	[dreg:$0x1] =	wrdreg $0xFFFFFFFF  }
0xad: {  	[dreg:$0x0] =	wrdreg $0x60  }
0xae: {  	[dreg:$0x2] =	wrdreg s24  }
0xaf: {  	[dreg:$0x3] =	wrdreg $0x9  }
0xb0: {  	_ =	task.clear_ibuf [dreg:s6], $0x4FFFF;
	_ =	strace $0x90000046  }
0xb1: {  	s29 =	simm.s32 $0x9;
	_ =	strace $0x80000048  }
0xb2: {  	_ =	swait.ge [sflag:s29], $0x1  }
0xb3: {  	[sflag:s29] =	ssyncadd.s32 $0xFFFFFFFF  }
0xb4: {  	_ =	strace $0x90000048  }
0xb5: {  	_ =	sfence  }
0xb6: {  	s30 =	sld [smem:$0x0];
	_ =	sdelay $0x2  }
0xb7: {  	s31 =	sshll.u32 s1, $0xD;
	s1 =	sshrl.u32 s1, $0x2  }
0xb8: {  	s3 =	sand.u32 $0x4000, s31;
	s1 =	sadd.s32 s1, s30  }
0xb9: {  	s0 =	sor.u32 s3, s0;
	s1 =	sshll.u32 s1, $0x11  }
0xba: {  	s0 =	sor.u32 s1, s0  }
0xbb: {  	s0 =	sadd.s32 $0x8F2B, s0  }
0xbc: {  	[sflag:s0] =	ssyncadd.remote.s32 $0x1  }
0xbd: {  	_ =	sfence.sel $0xFFFF  }
0xbe: {  	[dreg:$0x0] =	wrdreg $0xFFFFFFFF;
	(pc) =	sbr.abs _section_cstart, $3  }
0xbf: {  	[dreg:$0x1] =	wrdreg $0xFFFFFFFF  }
0xc0: {  	_ =	task.clear_ibuf [dreg:s6], $0x2FFFF;
	_ =	strace $0x9FFFFFFF  }
0xc1: {  	(tm) =	ssettm $0x7FFFFFFF  }
tec
execute0_lowered:
.L_overlay_start_1:
0x0: {  	(tag) =	ssettag $0x1  }
0x1: {  	s0 =	srdreg.scid;
	s1 =	stileid.u32  }
0x2: {  	s0 =	sand.u32 $0x1, s0;
	s1 =	sshll.u32 s1, $0x1  }
0x3: {  	s1 =	sor.u32 s0, s1  }
0x4: {  	s1 =	smul.u32 $0x3, s1;
	_ =	sdelay $0x1  }
0x5: {  	s2 =	rddreg [dreg:$0x0];
	s13 =	simm.s32 $0x0;
	s4 =	sshrl.u32 s1, $0x1  }
0x6: {  	[smem:$0x7FF] =	sst s13;
	s5 =	sand.u32 $0x1, s1;
	s6 =	smul.u32 $0xC00, s4  }
0x7: {  	s3 =	sadd.s32 $0x400, s2;
	s2 =	sadd.s32 $0x360400, s2;
	s8 =	smul.u32 $0xC0, s5  }
0x8: {  	s0 =	ssub.s32 $0x2, s0;
	s7 =	sadd.s32 $0x1, s1;
	s4 =	smul.u32 $0x3000, s4  }
0x9: {  	s11 =	sshrl.u32 s0, $0x1;
	s9 =	sshrl.u32 s7, $0x1;
	s5 =	smul.u32 $0x1800, s5  }
0xa: {  	s1 =	sadd.s32 $0x2, s1;
	s7 =	sand.u32 $0x1, s7;
	s10 =	smul.u32 $0xC00, s9  }
0xb: {  	s0 =	ssub.s32 s0, s11;
	s1 =	sshrl.u32 s1, $0x1;
	s12 =	smul.u32 $0xC0, s7  }
0xc: {  	_ =	strace $0x80000047;
	s0 =	smax.u32 s0, $0x1;
	s19 =	smul.u32 $0xC00, s1  }
0xd: {  	[dreg:$0x11] =	wrdreg s0;
	s9 =	smul.u32 $0x3000, s9;
	s6 =	sor.u32 s8, s6  }
0xe: {  	s4 =	sadd.s32 s5, s4;
	s16 =	sshrl.u32 s6, $0x3;
	s17 =	sor.u32 $0x240000, s6  }
0xf: {  	s6 =	sor.u32 $0x480000, s6;
	s4 =	sshrl.u32 s4, $0x3;
	[dreg:$0x3] =	wrdreg s17  }
0x10: {  	s18 =	sor.u32 s12, s10;
	[dreg:$0x4] =	wrdreg s6;
	s21 =	sadd.s32 s2, s4  }
0x11: {  	s22 =	smul.u32 $0x1800, s7;
	s24 =	sadd.s32 $0x240000, s18;
	[dreg:$0x6] =	wrdreg s21  }
0x12: {  	s25 =	sor.u32 s8, s19;
	s6 =	sadd.s32 $0x480000, s18;
	[dreg:$0x8] =	wrdreg s24  }
0x13: {  	s1 =	smul.u32 $0x3000, s1;
	s8 =	sadd.s32 $0x240000, s25;
	[dreg:$0x9] =	wrdreg s6  }
0x14: {  	s4 =	sadd.s32 s22, s9;
	s9 =	sadd.s32 $0x480000, s25;
	[dreg:$0xd] =	wrdreg s8  }
0x15: {  	s14 =	sadd.s32 s3, s16;
	s20 =	sshrl.u32 s18, $0x3;
	[dreg:$0xf] =	wrdreg s9  }
0x16: {  	s1 =	sadd.s32 s5, s1;
	s11 =	sadd.s32 s3, s20;
	[dreg:$0x2] =	wrdreg s14  }
0x17: {  	s26 =	sshrl.u32 s25, $0x3;
	s23 =	sadd.s32 $0x12000, s21;
	[dreg:$0x5] =	wrdreg s11  }
0x18: {  	s1 =	sshrl.u32 s1, $0x3;
	s7 =	sadd.s32 s3, s26;
	[dreg:$0x7] =	wrdreg s23  }
0x19: {  	s1 =	sadd.s32 s2, s1;
	[dreg:$0xa] =	wrdreg s7  }
0x1a: {  	s10 =	sadd.s32 $0x4800, s14;
	[dreg:$0xe] =	wrdreg s1  }
0x1b: {  	s12 =	sadd.s32 $0xD800, s14;
	[dreg:$0x12] =	wrdreg s10  }
0x1c: {  	s15 =	sadd.s32 $0x12000, s14;
	[dreg:$0x14] =	wrdreg s12  }
0x1d: {  	s28 =	simm.s32 $0xA200;
	s16 =	sadd.s32 $0x16800, s14;
	[dreg:$0x15] =	wrdreg s15  }
0x1e: {  	s29 =	simm.s32 $0xA800;
	s17 =	sadd.s32 $0x1B000, s14;
	[dreg:$0x16] =	wrdreg s16  }
0x1f: {  	s30 =	simm.s32 $0xAE00;
	s18 =	sadd.s32 $0x1F800, s14;
	[dreg:$0x17] =	wrdreg s17  }
0x20: {  	s31 =	simm.s32 $0xB400;
	s19 =	sadd.s32 $0x24000, s14;
	[dreg:$0x18] =	wrdreg s18  }
0x21: {  	s0 =	simm.s32 $0xC000;
	s20 =	sadd.s32 $0x28800, s14;
	[dreg:$0x19] =	wrdreg s19  }
0x22: {  	s4 =	sshrl.u32 s4, $0x3;
	s21 =	sadd.s32 $0x2D000, s14;
	[dreg:$0x1a] =	wrdreg s20  }
0x23: {  	s22 =	sadd.s32 $0x31800, s14;
	s24 =	sadd.s32 $0x3A800, s14;
	[dreg:$0x1b] =	wrdreg s21  }
0x24: {  	s25 =	sadd.s32 $0x3F000, s14;
	s26 =	sadd.s32 $0x43800, s14;
	[dreg:$0x1c] =	wrdreg s22  }
0x25: {  	s8 =	simm.s32 $0x1;
	s9 =	simm.s32 $0x2;
	[dreg:$0x1e] =	wrdreg s24  }
0x26: {  	s4 =	sadd.s32 s2, s4;
	s1 =	sadd.s32 $0x12000, s1;
	[dreg:$0x1f] =	wrdreg s25  }
0x27: {  	v0 =	vlaneseq.u32;
	s11 =	sadd.s32 $0x9000, s14;
	s23 =	sadd.s32 $0x36000, s14;
	[smem:$0x7FD] =	sst s26  }
0x28: {  	v0 =	vshrl.u32 v0, $0x3;
	s18 =	simm.s32 $0xC0;
	s19 =	simm.s32 $0x180;
	s16 =	simm.s32 $0x6600  }
0x29: {  	v0 =	vmul.u32 $0x100, v0;
	s2 =	simm.s32 $0x7200;
	s20 =	simm.s32 $0x7800;
	s21 =	simm.s32 $0x7E00  }
0x2a: {  	v1 =	vimm.f32 $0.0e+00;
	s22 =	simm.s32 $0x8400;
	s24 =	simm.s32 $0x9000;
	[dreg:$0xb] =	wrdreg s4  }
0x2b: {  	v2 =	vimm.f32 $1.000000000e+00;
	v3 =	vor.u32 $0x200, v0;
	v4 =	vor.u32 $0x400, v0;
	s25 =	simm.s32 $0x9600;
	s26 =	simm.s32 $0x9C00;
	[dreg:$0x10] =	wrdreg s1  }
0x2c: {  	v5 =	vor.u32 $0x600, v0;
	v6 =	vor.u32 $0x800, v0;
	v7 =	vor.u32 $0xA00, v0;
	s14 =	simm.s32 $0xD800;
	s7 =	simm.s32 $0x0;
	[dreg:$0x13] =	wrdreg s11  }
0x2d: {  	v8 =	vor.u32 $0xC00, v0;
	v9 =	vor.u32 $0xE00, v0;
	v10 =	vor.u32 $0x1000, v0;
	s4 =	sadd.s32 $0x12000, s4;
	[dreg:$0x1d] =	wrdreg s23;
	s23 =	simm.s32 $0x8A00  }
0x2e: {  	v11 =	vor.u32 $0x1200, v0;
	v12 =	vor.u32 $0x1400, v0;
	v13 =	vor.u32 $0x1600, v0;
	s1 =	simm.s32 $0xBA00;
	[dreg:$0xc] =	wrdreg s4;
	s4 =	simm.s32 $0x6C00  }
.LBB2_1:
0x2f: {  	[smem:$0x7FC] =	sst s7  }
0x30: {  	s5 =	rddreg [dreg:$0x2]  }
0x31: {  	s11 =	rddreg [dreg:$0x12]  }
0x32: {  	[tilespmem:s13], [sflag:$0x1] =	stream.strided.gather [hbm4b:s5+s18], $0x600, s19, s18, $0x38;
	[tilespmem:$0xF000] =	vst v63  }
0x33: {  	s6 =	simm.s32 $0x600;
	s12 =	rddreg [dreg:$0x13]  }
0x34: {  	[tilespmem:s6], [sflag:$0x1] =	stream.strided.gather [hbm4b:s11+s18], $0x600, s19, s18, $0x38;
	[tilespmem:$0xF000] =	vst v63  }
0x35: {  	s15 =	rddreg [dreg:$0x14];
	s13 =	simm.s32 $0xC00  }
0x36: {  	[tilespmem:s13], [sflag:$0x1] =	stream.strided.gather [hbm4b:s12+s18], $0x600, s19, s18, $0x38;
	[tilespmem:$0xF000] =	vst v63  }
0x37: {  	s17 =	simm.s32 $0x1200;
	s10 =	rddreg [dreg:$0x16]  }
0x38: {  	[tilespmem:s17], [sflag:$0x1] =	stream.strided.gather [hbm4b:s15+s18], $0x600, s19, s18, $0x38;
	[tilespmem:$0xF000] =	vst v63  }
0x39: {  	s7 =	simm.s32 $0x1800;
	s6 =	rddreg [dreg:$0x15]  }
0x3a: {  	[tilespmem:s7], [sflag:$0x1] =	stream.strided.gather [hbm4b:s6+s18], $0x600, s19, s18, $0x38;
	[tilespmem:$0xF000] =	vst v63  }
0x3b: {  	s11 =	simm.s32 $0x1E00;
	s12 =	rddreg [dreg:$0x17]  }
0x3c: {  	[tilespmem:s11], [sflag:$0x1] =	stream.strided.gather [hbm4b:s10+s18], $0x600, s19, s18, $0x38;
	[tilespmem:$0xF000] =	vst v63  }
0x3d: {  	s13 =	simm.s32 $0x2400;
	s15 =	rddreg [dreg:$0x18]  }
0x3e: {  	[tilespmem:s13], [sflag:$0x1] =	stream.strided.gather [hbm4b:s12+s18], $0x600, s19, s18, $0x38;
	[tilespmem:$0xF000] =	vst v63  }
0x3f: {  	s17 =	simm.s32 $0x2A00;
	s6 =	rddreg [dreg:$0x19]  }
0x40: {  	[tilespmem:s17], [sflag:$0x1] =	stream.strided.gather [hbm4b:s15+s18], $0x600, s19, s18, $0x38;
	[tilespmem:$0xF000] =	vst v63  }
0x41: {  	s7 =	simm.s32 $0x3000;
	s10 =	rddreg [dreg:$0x1a]  }
0x42: {  	[tilespmem:s7], [sflag:$0x1] =	stream.strided.gather [hbm4b:s6+s18], $0x600, s19, s18, $0x38;
	[tilespmem:$0xF000] =	vst v63  }
0x43: {  	s11 =	simm.s32 $0x3600;
	s12 =	rddreg [dreg:$0x1b]  }
0x44: {  	[tilespmem:s11], [sflag:$0x1] =	stream.strided.gather [hbm4b:s10+s18], $0x600, s19, s18, $0x38;
	[tilespmem:$0xF000] =	vst v63  }
0x45: {  	s13 =	simm.s32 $0x3C00;
	s15 =	rddreg [dreg:$0x1c]  }
0x46: {  	[tilespmem:s13], [sflag:$0x1] =	stream.strided.gather [hbm4b:s12+s18], $0x600, s19, s18, $0x38;
	[tilespmem:$0xF000] =	vst v63  }
0x47: {  	s17 =	simm.s32 $0x4200;
	s6 =	rddreg [dreg:$0x1d]  }
0x48: {  	[tilespmem:s17], [sflag:$0x1] =	stream.strided.gather [hbm4b:s15+s18], $0x600, s19, s18, $0x38;
	[tilespmem:$0xF000] =	vst v63  }
0x49: {  	s7 =	simm.s32 $0x4800;
	s10 =	rddreg [dreg:$0x1e]  }
0x4a: {  	[tilespmem:s7], [sflag:$0x1] =	stream.strided.gather [hbm4b:s6+s18], $0x600, s19, s18, $0x38;
	[tilespmem:$0xF000] =	vst v63  }
0x4b: {  	s11 =	simm.s32 $0x4E00;
	s12 =	rddreg [dreg:$0x1f]  }
0x4c: {  	[tilespmem:s11], [sflag:$0x1] =	stream.strided.gather [hbm4b:s10+s18], $0x600, s19, s18, $0x38;
	[tilespmem:$0xF000] =	vst v63  }
0x4d: {  	s13 =	simm.s32 $0x5400;
	s15 =	sld [smem:$0x7FD]  }
0x4e: {  	[tilespmem:s13], [sflag:$0x1] =	stream.strided.gather [hbm4b:s12+s18], $0x600, s19, s18, $0x38;
	[tilespmem:$0xF000] =	vst v63  }
0x4f: {  	s5 =	simm.s32 $0x0;
	s17 =	simm.s32 $0x5A00;
	s6 =	simm.s32 $0x200  }
0x50: {  	[tilespmem:s17], [sflag:$0x1] =	stream.strided.gather [hbm4b:s15+s18], $0x600, s19, s18, $0x38;
	[tilespmem:$0xF000] =	vst v63  }
.LBB2_2:
0x51: {  	p0 =	sne.s32 s6, $0x5E00;
	[tilespmem:s5+$0xC070] =	vst v1  }
0x52: {  	[tilespmem:s5+$0xC000] =	vst v1  }
0x53: {  	[tilespmem:s5+$0xC010] =	vst v1  }
.Ltmp0:
0x54: {  	[tilespmem:s5+$0xC020] =	vst v1;
	(pc) =	sbr.rel @p0 .LBB2_2-.Ltmp0, $4  }
0x55: {  	[tilespmem:s5+$0xC030] =	vst v1  }
0x56: {  	[tilespmem:s5+$0xC040] =	vst v1  }
0x57: {  	[tilespmem:s5+$0xC050] =	vst v1  }
0x58: {  	[tilespmem:s5+$0xC060] =	vst v1;
	s5 =	sshra.s32 s6, $0x2;
	s6 =	sadd.s32 $0x200, s6  }
0x59: {  	[tilespmem:s5+$0xC070] =	vst v1  }
0x5a: {  	[tilespmem:s5+$0xC000] =	vst v1  }
0x5b: {  	[tilespmem:s5+$0xC010] =	vst v1  }
0x5c: {  	[tilespmem:s5+$0xC020] =	vst v1  }
0x5d: {  	[tilespmem:s5+$0xC030] =	vst v1  }
0x5e: {  	[tilespmem:s5+$0xC040] =	vst v1  }
0x5f: {  	[tilespmem:s5+$0xC050] =	vst v1  }
0x60: {  	[tilespmem:s5+$0xC060] =	vst v1;
	s7 =	simm.s32 $0x0  }
.LBB2_4:
0x61: {  	s12 =	smul.u32 $0x480000, s7;
	_ =	swait.ge [sflag:s8], $0x6000  }
0x62: {  	s5 =	rddreg [dreg:$0x3]  }
0x63: {  	s5 =	sadd.s32 s5, s12  }
0x64: {  	[sflag:s8] =	ssyncset.done $0x0;
	s5 =	sshrl.u32 s5, $0x3  }
0x65: {  	s6 =	simm.s32 $0x6000;
	[sflag:s8] =	ssyncadd.s32 $0xFFFFA000;
	s5 =	sadd.s32 s3, s5  }
0x66: {  	[tilespmem:s6], [sflag:$0x2] =	stream.strided.gather [hbm4b:s5+s18], $0x600, s19, s18, $0x38;
	[tilespmem:$0xF000] =	vst v63  }
0x67: {  	s17 =	sadd.s32 $0x4800, s5  }
0x68: {  	[tilespmem:s16], [sflag:$0x2] =	stream.strided.gather [hbm4b:s17+s18], $0x600, s19, s18, $0x38;
	[tilespmem:$0xF000] =	vst v63  }
0x69: {  	s10 =	sadd.s32 $0x9000, s5  }
0x6a: {  	[tilespmem:s4], [sflag:$0x2] =	stream.strided.gather [hbm4b:s10+s18], $0x600, s19, s18, $0x38;
	[tilespmem:$0xF000] =	vst v63  }
0x6b: {  	s11 =	sadd.s32 $0xD800, s5  }
0x6c: {  	[tilespmem:s2], [sflag:$0x2] =	stream.strided.gather [hbm4b:s11+s18], $0x600, s19, s18, $0x38;
	[tilespmem:$0xF000] =	vst v63  }
0x6d: {  	s13 =	sadd.s32 $0x12000, s5  }
0x6e: {  	[tilespmem:s20], [sflag:$0x2] =	stream.strided.gather [hbm4b:s13+s18], $0x600, s19, s18, $0x38;
	[tilespmem:$0xF000] =	vst v63  }
0x6f: {  	s15 =	sadd.s32 $0x16800, s5  }
0x70: {  	[tilespmem:s21], [sflag:$0x2] =	stream.strided.gather [hbm4b:s15+s18], $0x600, s19, s18, $0x38;
	[tilespmem:$0xF000] =	vst v63  }
0x71: {  	s17 =	sadd.s32 $0x1B000, s5  }
0x72: {  	[tilespmem:s22], [sflag:$0x2] =	stream.strided.gather [hbm4b:s17+s18], $0x600, s19, s18, $0x38;
	[tilespmem:$0xF000] =	vst v63  }
0x73: {  	s10 =	sadd.s32 $0x1F800, s5  }
0x74: {  	[tilespmem:s23], [sflag:$0x2] =	stream.strided.gather [hbm4b:s10+s18], $0x600, s19, s18, $0x38;
	[tilespmem:$0xF000] =	vst v63  }
0x75: {  	s11 =	sadd.s32 $0x24000, s5  }
0x76: {  	[tilespmem:s24], [sflag:$0x2] =	stream.strided.gather [hbm4b:s11+s18], $0x600, s19, s18, $0x38;
	[tilespmem:$0xF000] =	vst v63  }
0x77: {  	s13 =	sadd.s32 $0x28800, s5  }
0x78: {  	[tilespmem:s25], [sflag:$0x2] =	stream.strided.gather [hbm4b:s13+s18], $0x600, s19, s18, $0x38;
	[tilespmem:$0xF000] =	vst v63  }
0x79: {  	s15 =	sadd.s32 $0x2D000, s5  }
0x7a: {  	[tilespmem:s26], [sflag:$0x2] =	stream.strided.gather [hbm4b:s15+s18], $0x600, s19, s18, $0x38;
	[tilespmem:$0xF000] =	vst v63  }
0x7b: {  	s17 =	sadd.s32 $0x31800, s5;
	s15 =	simm.s32 $0x0  }
0x7c: {  	[tilespmem:s28], [sflag:$0x2] =	stream.strided.gather [hbm4b:s17+s18], $0x600, s19, s18, $0x38;
	[tilespmem:$0xF000] =	vst v63  }
0x7d: {  	s10 =	sadd.s32 $0x36000, s5;
	s6 =	sand.u32 $0x6, s15  }
0x7e: {  	[tilespmem:s29], [sflag:$0x2] =	stream.strided.gather [hbm4b:s10+s18], $0x600, s19, s18, $0x38;
	[tilespmem:$0xF000] =	vst v63  }
0x7f: {  	s6 =	smul.u32 $0x300, s6;
	s10 =	simm.s32 $0x0  }
0x80: {  	s11 =	sadd.s32 $0x3A800, s5;
	s10 =	smul.u32 $0x1800, s10  }
0x81: {  	[tilespmem:s30], [sflag:$0x2] =	stream.strided.gather [hbm4b:s11+s18], $0x600, s19, s18, $0x38;
	[tilespmem:$0xF000] =	vst v63  }
0x82: {  	s13 =	sadd.s32 $0x3F000, s5;
	s6 =	sshrl.u32 s6, $0x2;
	s17 =	sshra.s32 s10, $0x2  }
0x83: {  	[tilespmem:s31], [sflag:$0x2] =	stream.strided.gather [hbm4b:s13+s18], $0x600, s19, s18, $0x38;
	[tilespmem:$0xF000] =	vst v63  }
0x84: {  	s5 =	sadd.s32 $0x43800, s5;
	s15 =	sadd.s32 s6, s17  }
0x85: {  	[tilespmem:s1], [sflag:$0x2] =	stream.strided.gather [hbm4b:s5+s18], $0x600, s19, s18, $0x38;
	[tilespmem:$0xF000] =	vst v63  }
0x86: {  	v14 =	vld [tilespmem:s15+$0xC0];
	_ =	sdelay $0x4  }
0x87: {  	v14 =	vmul.f32 $2.560000000e+02, v14;
	_ =	sdelay $0x1  }
0x88: {  	v14 =	vtrunc.f32 v14  }
0x89: {  	v15 =	vld [tilespmem:s15+$0x0];
	v14 =	vcvt.f32.s32 v14;
	_ =	sdelay $0x1  }
0x8a: {  	v14 =	vadd.s32 v0, v14;
	_ =	sdelay $0x2  }
0x8b: {  	v15 =	vmul.f32 $2.560000000e+02, v15;
	_ =	sdelay $0x1  }
0x8c: {  	v15 =	vtrunc.f32 v15;
	[tilespmem:v14+s0+$0x0] =	vst.idx.add.f32.msk $0xffff, v2  }
0x8d: {  	v14 =	vcvt.f32.s32 v15;
	v15 =	vld [tilespmem:s15+$0xD0];
	_ =	sdelay $0x1  }
0x8e: {  	v14 =	vadd.s32 v0, v14;
	_ =	sdelay $0x2  }
0x8f: {  	v15 =	vmul.f32 $2.560000000e+02, v15;
	_ =	sdelay $0x1  }
0x90: {  	[tilespmem:v14+s0+$0x0] =	vst.idx.add.f32.msk $0xffff, v2;
	v14 =	vtrunc.f32 v15  }
0x91: {  	v15 =	vld [tilespmem:s15+$0x10];
	v14 =	vcvt.f32.s32 v14;
	_ =	sdelay $0x1  }
0x92: {  	v14 =	vadd.s32 v3, v14;
	_ =	sdelay $0x2  }
0x93: {  	v15 =	vmul.f32 $2.560000000e+02, v15;
	_ =	sdelay $0x1  }
0x94: {  	v15 =	vtrunc.f32 v15;
	[tilespmem:v14+s0+$0x0] =	vst.idx.add.f32.msk $0xffff, v2  }
0x95: {  	v14 =	vcvt.f32.s32 v15;
	v15 =	vld [tilespmem:s15+$0xE0];
	_ =	sdelay $0x1  }
0x96: {  	v14 =	vadd.s32 v3, v14;
	_ =	sdelay $0x2  }
0x97: {  	v15 =	vmul.f32 $2.560000000e+02, v15;
	_ =	sdelay $0x1  }
0x98: {  	[tilespmem:v14+s0+$0x0] =	vst.idx.add.f32.msk $0xffff, v2;
	v14 =	vtrunc.f32 v15  }
0x99: {  	s10 =	simm.s32 $0x0;
	s6 =	simm.s32 $0x2;
	v15 =	vld [tilespmem:s15+$0x20];
	v14 =	vcvt.f32.s32 v14  }
0x9a: {  	s5 =	sand.u32 $0x6, s6;
	s6 =	smul.u32 $0x1800, s10  }
0x9b: {  	s5 =	smul.u32 $0x300, s5;
	v14 =	vadd.s32 v4, v14;
	_ =	sdelay $0x1  }
0x9c: {  	s6 =	sshra.s32 s6, $0x2;
	s5 =	sshrl.u32 s5, $0x2  }
0x9d: {  	s5 =	sadd.s32 s5, s6;
	v15 =	vmul.f32 $2.560000000e+02, v15  }
0x9e: {  	v16 =	vld [tilespmem:s5+$0xC0]  }
0x9f: {  	v15 =	vtrunc.f32 v15;
	[tilespmem:v14+s0+$0x0] =	vst.idx.add.f32.msk $0xffff, v2  }
0xa0: {  	v14 =	vcvt.f32.s32 v15;
	v15 =	vld [tilespmem:s15+$0xF0];
	_ =	sdelay $0x1  }
0xa1: {  	v14 =	vadd.s32 v4, v14  }
0xa2: {  	v16 =	vmul.f32 $2.560000000e+02, v16;
	_ =	sdelay $0x1  }
0xa3: {  	v16 =	vtrunc.f32 v16;
	v15 =	vmul.f32 $2.560000000e+02, v15  }
0xa4: {  	v17 =	vld [tilespmem:s5+$0x0];
	v16 =	vcvt.f32.s32 v16  }
0xa5: {  	[tilespmem:v14+s0+$0x0] =	vst.idx.add.f32.msk $0xffff, v2;
	v14 =	vtrunc.f32 v15  }
0xa6: {  	v16 =	vadd.s32 v0, v16;
	v15 =	vld [tilespmem:s15+$0x30];
	v14 =	vcvt.f32.s32 v14;
	_ =	sdelay $0x1  }
0xa7: {  	v14 =	vadd.s32 v5, v14  }
0xa8: {  	v17 =	vmul.f32 $2.560000000e+02, v17;
	_ =	sdelay $0x1  }
0xa9: {  	v17 =	vtrunc.f32 v17;
	[tilespmem:v16+s0+$0x0] =	vst.idx.add.f32.msk $0xffff, v2;
	v15 =	vmul.f32 $2.560000000e+02, v15  }
0xaa: {  	v16 =	vcvt.f32.s32 v17;
	v17 =	vld [tilespmem:s5+$0xD0]  }
0xab: {  	v15 =	vtrunc.f32 v15;
	[tilespmem:v14+s0+$0x0] =	vst.idx.add.f32.msk $0xffff, v2  }
0xac: {  	v14 =	vadd.s32 v0, v16;
	v15 =	vcvt.f32.s32 v15;
	v16 =	vld [tilespmem:s15+$0x100];
	_ =	sdelay $0x1  }
0xad: {  	v15 =	vadd.s32 v5, v15  }
0xae: {  	v17 =	vmul.f32 $2.560000000e+02, v17;
	_ =	sdelay $0x1  }
0xaf: {  	[tilespmem:v14+s0+$0x0] =	vst.idx.add.f32.msk $0xffff, v2;
	v14 =	vtrunc.f32 v17;
	v16 =	vmul.f32 $2.560000000e+02, v16  }
0xb0: {  	v17 =	vld [tilespmem:s5+$0x10];
	v14 =	vcvt.f32.s32 v14  }
0xb1: {  	[tilespmem:v15+s0+$0x0] =	vst.idx.add.f32.msk $0xffff, v2;
	v15 =	vtrunc.f32 v16  }
0xb2: {  	v14 =	vadd.s32 v3, v14;
	v16 =	vld [tilespmem:s15+$0x40];
	v15 =	vcvt.f32.s32 v15;
	_ =	sdelay $0x1  }
0xb3: {  	v15 =	vadd.s32 v6, v15  }
0xb4: {  	v17 =	vmul.f32 $2.560000000e+02, v17;
	_ =	sdelay $0x1  }
0xb5: {  	v17 =	vtrunc.f32 v17;
	[tilespmem:v14+s0+$0x0] =	vst.idx.add.f32.msk $0xffff, v2;
	v14 =	vmul.f32 $2.560000000e+02, v16  }
0xb6: {  	v16 =	vcvt.f32.s32 v17;
	v17 =	vld [tilespmem:s5+$0xE0]  }
0xb7: {  	v14 =	vtrunc.f32 v14;
	[tilespmem:v15+s0+$0x0] =	vst.idx.add.f32.msk $0xffff, v2  }
0xb8: {  	v15 =	vadd.s32 v3, v16;
	v14 =	vcvt.f32.s32 v14;
	v16 =	vld [tilespmem:s15+$0x110];
	_ =	sdelay $0x1  }
0xb9: {  	v14 =	vadd.s32 v6, v14  }
0xba: {  	v17 =	vmul.f32 $2.560000000e+02, v17;
	_ =	sdelay $0x1  }
0xbb: {  	[tilespmem:v15+s0+$0x0] =	vst.idx.add.f32.msk $0xffff, v2;
	v15 =	vtrunc.f32 v17;
	v16 =	vmul.f32 $2.560000000e+02, v16  }
0xbc: {  	s11 =	simm.s32 $0x4;
	s13 =	simm.s32 $0x0;
	v17 =	vld [tilespmem:s5+$0x20];
	v15 =	vcvt.f32.s32 v15  }
0xbd: {  	s10 =	smul.u32 $0x1800, s13;
	s6 =	sand.u32 $0x6, s11;
	[tilespmem:v14+s0+$0x0] =	vst.idx.add.f32.msk $0xffff, v2;
	v14 =	vtrunc.f32 v16  }
0xbe: {  	s6 =	smul.u32 $0x300, s6;
	v16 =	vld [tilespmem:s15+$0x50];
	v15 =	vadd.s32 v4, v15;
	v14 =	vcvt.f32.s32 v14;
	_ =	sdelay $0x1  }
0xbf: {  	s10 =	sshra.s32 s10, $0x2;
	s6 =	sshrl.u32 s6, $0x2;
	v14 =	vadd.s32 v7, v14  }
0xc0: {  	s6 =	sadd.s32 s6, s10;
	v17 =	vmul.f32 $2.560000000e+02, v17  }
0xc1: {  	v18 =	vld [tilespmem:s6+$0xC0]  }
0xc2: {  	v16 =	vmul.f32 $2.560000000e+02, v16;
	v17 =	vtrunc.f32 v17;
	[tilespmem:v15+s0+$0x0] =	vst.idx.add.f32.msk $0xffff, v2  }
0xc3: {  	v15 =	vcvt.f32.s32 v17;
	v17 =	vld [tilespmem:s5+$0xF0]  }
0xc4: {  	v16 =	vtrunc.f32 v16;
	[tilespmem:v14+s0+$0x0] =	vst.idx.add.f32.msk $0xffff, v2  }
0xc5: {  	v14 =	vcvt.f32.s32 v16;
	v15 =	vadd.s32 v4, v15;
	v16 =	vld [tilespmem:s15+$0x120]  }
0xc6: {  	v18 =	vmul.f32 $2.560000000e+02, v18  }
0xc7: {  	v14 =	vadd.s32 v7, v14  }
0xc8: {  	v18 =	vtrunc.f32 v18;
	v17 =	vmul.f32 $2.560000000e+02, v17  }
0xc9: {  	v19 =	vld [tilespmem:s6+$0x0];
	v18 =	vcvt.f32.s32 v18  }
0xca: {  	[tilespmem:v15+s0+$0x0] =	vst.idx.add.f32.msk $0xffff, v2;
	v15 =	vtrunc.f32 v17;
	v16 =	vmul.f32 $2.560000000e+02, v16  }
0xcb: {  	v18 =	vadd.s32 v0, v18;
	v17 =	vld [tilespmem:s5+$0x30];
	v15 =	vcvt.f32.s32 v15  }
0xcc: {  	[tilespmem:v14+s0+$0x0] =	vst.idx.add.f32.msk $0xffff, v2;
	v14 =	vtrunc.f32 v16  }
0xcd: {  	v16 =	vld [tilespmem:s15+$0x60];
	v15 =	vadd.s32 v5, v15;
	v14 =	vcvt.f32.s32 v14  }
0xce: {  	v19 =	vmul.f32 $2.560000000e+02, v19  }
0xcf: {  	v14 =	vadd.s32 v8, v14  }
0xd0: {  	v19 =	vtrunc.f32 v19;
	[tilespmem:v18+s0+$0x0] =	vst.idx.add.f32.msk $0xffff, v2;
	v17 =	vmul.f32 $2.560000000e+02, v17  }
0xd1: {  	v18 =	vcvt.f32.s32 v19;
	v19 =	vld [tilespmem:s6+$0xD0]  }
0xd2: {  	v16 =	vmul.f32 $2.560000000e+02, v16;
	v17 =	vtrunc.f32 v17;
	[tilespmem:v15+s0+$0x0] =	vst.idx.add.f32.msk $0xffff, v2  }
0xd3: {  	v15 =	vadd.s32 v0, v18;
	v17 =	vcvt.f32.s32 v17;
	v18 =	vld [tilespmem:s5+$0x100]  }
0xd4: {  	v16 =	vtrunc.f32 v16;
	[tilespmem:v14+s0+$0x0] =	vst.idx.add.f32.msk $0xffff, v2  }
0xd5: {  	v14 =	vcvt.f32.s32 v16;
	v16 =	vadd.s32 v5, v17;
	v17 =	vld [tilespmem:s15+$0x130]  }
0xd6: {  	v19 =	vmul.f32 $2.560000000e+02, v19  }
0xd7: {  	v14 =	vadd.s32 v8, v14  }
0xd8: {  	[tilespmem:v15+s0+$0x0] =	vst.idx.add.f32.msk $0xffff, v2;
	v15 =	vtrunc.f32 v19;
	v18 =	vmul.f32 $2.560000000e+02, v18  }
0xd9: {  	v19 =	vld [tilespmem:s6+$0x10];
	v15 =	vcvt.f32.s32 v15  }
0xda: {  	[tilespmem:v16+s0+$0x0] =	vst.idx.add.f32.msk $0xffff, v2;
	v16 =	vtrunc.f32 v18;
	v17 =	vmul.f32 $2.560000000e+02, v17  }
0xdb: {  	v15 =	vadd.s32 v3, v15;
	v18 =	vld [tilespmem:s5+$0x40];
	v16 =	vcvt.f32.s32 v16  }
0xdc: {  	[tilespmem:v14+s0+$0x0] =	vst.idx.add.f32.msk $0xffff, v2;
	v14 =	vtrunc.f32 v17  }
0xdd: {  	v16 =	vadd.s32 v6, v16;
	v17 =	vld [tilespmem:s15+$0x70];
	v14 =	vcvt.f32.s32 v14  }
0xde: {  	v19 =	vmul.f32 $2.560000000e+02, v19  }
0xdf: {  	v14 =	vadd.s32 v9, v14  }
0xe0: {  	v19 =	vtrunc.f32 v19;
	[tilespmem:v15+s0+$0x0] =	vst.idx.add.f32.msk $0xffff, v2;
	v15 =	vmul.f32 $2.560000000e+02, v18  }
0xe1: {  	v18 =	vcvt.f32.s32 v19;
	v19 =	vld [tilespmem:s6+$0xE0]  }
0xe2: {  	v15 =	vtrunc.f32 v15;
	[tilespmem:v16+s0+$0x0] =	vst.idx.add.f32.msk $0xffff, v2;
	v16 =	vmul.f32 $2.560000000e+02, v17  }
0xe3: {  	v17 =	vadd.s32 v3, v18;
	v15 =	vcvt.f32.s32 v15;
	v18 =	vld [tilespmem:s5+$0x110]  }
0xe4: {  	v16 =	vtrunc.f32 v16;
	[tilespmem:v14+s0+$0x0] =	vst.idx.add.f32.msk $0xffff, v2  }
0xe5: {  	v14 =	vadd.s32 v6, v15;
	v15 =	vcvt.f32.s32 v16;
	v16 =	vld [tilespmem:s15+$0x140]  }
0xe6: {  	v19 =	vmul.f32 $2.560000000e+02, v19  }
0xe7: {  	v15 =	vadd.s32 v9, v15  }
0xe8: {  	[tilespmem:v17+s0+$0x0] =	vst.idx.add.f32.msk $0xffff, v2;
	v17 =	vtrunc.f32 v19;
	v18 =	vmul.f32 $2.560000000e+02, v18  }
0xe9: {  	s17 =	simm.s32 $0x6;
	s11 =	simm.s32 $0x0;
	v19 =	vld [tilespmem:s6+$0x20];
	v17 =	vcvt.f32.s32 v17  }
0xea: {  	s11 =	smul.u32 $0x1800, s11;
	s10 =	sand.u32 $0x6, s17;
	[tilespmem:v14+s0+$0x0] =	vst.idx.add.f32.msk $0xffff, v2;
	v14 =	vtrunc.f32 v18;
	v16 =	vmul.f32 $2.560000000e+02, v16  }
0xeb: {  	s10 =	smul.u32 $0x300, s10;
	v17 =	vadd.s32 v4, v17;
	v18 =	vld [tilespmem:s5+$0x50];
	v14 =	vcvt.f32.s32 v14  }
0xec: {  	[tilespmem:v15+s0+$0x0] =	vst.idx.add.f32.msk $0xffff, v2;
	v15 =	vtrunc.f32 v16  }
0xed: {  	s11 =	sshra.s32 s11, $0x2;
	s10 =	sshrl.u32 s10, $0x2;
	v16 =	vld [tilespmem:s15+$0x80];
	v14 =	vadd.s32 v7, v14;
	v15 =	vcvt.f32.s32 v15  }
0xee: {  	s10 =	sadd.s32 s10, s11;
	v19 =	vmul.f32 $2.560000000e+02, v19  }
0xef: {  	v20 =	vld [tilespmem:s10+$0xC0];
	v15 =	vadd.s32 v10, v15  }
0xf0: {  	s17 =	simm.s32 $0x8;
	v19 =	vtrunc.f32 v19;
	[tilespmem:v17+s0+$0x0] =	vst.idx.add.f32.msk $0xffff, v2;
	v18 =	vmul.f32 $2.560000000e+02, v18  }
0xf1: {  	s13 =	sand.u32 $0x6, s17;
	v17 =	vcvt.f32.s32 v19;
	v19 =	vld [tilespmem:s6+$0xF0]  }
0xf2: {  	s13 =	smul.u32 $0x300, s13;
	s11 =	simm.s32 $0x1;
	v18 =	vtrunc.f32 v18;
	[tilespmem:v14+s0+$0x0] =	vst.idx.add.f32.msk $0xffff, v2;
	v14 =	vmul.f32 $2.560000000e+02, v16  }
0xf3: {  	s11 =	smul.u32 $0x1800, s11;
	v17 =	vadd.s32 v4, v17;
	v16 =	vcvt.f32.s32 v18;
	v18 =	vld [tilespmem:s5+$0x120]  }
0xf4: {  	v14 =	vtrunc.f32 v14;
	[tilespmem:v15+s0+$0x0] =	vst.idx.add.f32.msk $0xffff, v2;
	v15 =	vmul.f32 $2.560000000e+02, v20  }
0xf5: {  	s13 =	sshrl.u32 s13, $0x2;
	s11 =	sshra.s32 s11, $0x2;
	v16 =	vadd.s32 v7, v16;
	v14 =	vcvt.f32.s32 v14;
	v20 =	vld [tilespmem:s15+$0x150]  }
0xf6: {  	v21 =	vld [tilespmem:s10+$0x0];
	s11 =	sadd.s32 s13, s11;
	v19 =	vmul.f32 $2.560000000e+02, v19;
	v15 =	vtrunc.f32 v15  }
0xf7: {  	v22 =	vld [tilespmem:s11+$0xC0];
	v14 =	vadd.s32 v10, v14;
	v15 =	vcvt.f32.s32 v15  }
0xf8: {  	[tilespmem:v17+s0+$0x0] =	vst.idx.add.f32.msk $0xffff, v2;
	v17 =	vtrunc.f32 v19;
	v18 =	vmul.f32 $2.560000000e+02, v18  }
0xf9: {  	v19 =	vld [tilespmem:s6+$0x30];
	v17 =	vcvt.f32.s32 v17;
	v15 =	vadd.s32 v0, v15  }
0xfa: {  	[tilespmem:v16+s0+$0x0] =	vst.idx.add.f32.msk $0xffff, v2;
	v16 =	vtrunc.f32 v18;
	v18 =	vmul.f32 $2.560000000e+02, v20  }
0xfb: {  	v17 =	vadd.s32 v5, v17;
	v20 =	vld [tilespmem:s5+$0x60];
	v16 =	vcvt.f32.s32 v16  }
0xfc: {  	v21 =	vmul.f32 $2.560000000e+02, v21;
	[tilespmem:v14+s0+$0x0] =	vst.idx.add.f32.msk $0xffff, v2;
	v14 =	vtrunc.f32 v18  }
0xfd: {  	v18 =	vld [tilespmem:s15+$0x90];
	v16 =	vadd.s32 v8, v16;
	v14 =	vcvt.f32.s32 v14  }
0xfe: {  	v21 =	vtrunc.f32 v21;
	[tilespmem:v15+s0+$0x0] =	vst.idx.add.f32.msk $0xffff, v2;
	v15 =	vmul.f32 $2.560000000e+02, v19  }
0xff: {  	v19 =	vcvt.f32.s32 v21;
	v21 =	vld [tilespmem:s10+$0xD0];
	v14 =	vadd.s32 v11, v14  }
0x100: {  	[tilespmem:v17+s0+$0x0] =	vst.idx.add.f32.msk $0xffff, v2;
	v20 =	vmul.f32 $2.560000000e+02, v20;
	v15 =	vtrunc.f32 v15  }
0x101: {  	v17 =	vadd.s32 v0, v19;
	v19 =	vld [tilespmem:s6+$0x100];
	v15 =	vcvt.f32.s32 v15  }
0x102: {  	v20 =	vtrunc.f32 v20;
	[tilespmem:v16+s0+$0x0] =	vst.idx.add.f32.msk $0xffff, v2;
	v16 =	vmul.f32 $2.560000000e+02, v18  }
0x103: {  	v18 =	vcvt.f32.s32 v20;
	v20 =	vld [tilespmem:s5+$0x130];
	v15 =	vadd.s32 v5, v15  }
0x104: {  	v16 =	vtrunc.f32 v16;
	v21 =	vmul.f32 $2.560000000e+02, v21;
	[tilespmem:v14+s0+$0x0] =	vst.idx.add.f32.msk $0xffff, v2  }
0x105: {  	v14 =	vadd.s32 v8, v18;
	v16 =	vcvt.f32.s32 v16;
	v18 =	vld [tilespmem:s15+$0x160]  }
0x106: {  	[tilespmem:v17+s0+$0x0] =	vst.idx.add.f32.msk $0xffff, v2;
	v19 =	vmul.f32 $2.560000000e+02, v19;
	v17 =	vtrunc.f32 v21  }
0x107: {  	v21 =	vld [tilespmem:s10+$0x10];
	v16 =	vadd.s32 v11, v16;
	v17 =	vcvt.f32.s32 v17  }
0x108: {  	[tilespmem:v15+s0+$0x0] =	vst.idx.add.f32.msk $0xffff, v2;
	v15 =	vtrunc.f32 v19;
	v19 =	vmul.f32 $2.560000000e+02, v20  }
0x109: {  	v17 =	vadd.s32 v3, v17;
	v20 =	vld [tilespmem:s6+$0x40];
	v15 =	vcvt.f32.s32 v15  }
0x10a: {  	[tilespmem:v14+s0+$0x0] =	vst.idx.add.f32.msk $0xffff, v2;
	v14 =	vtrunc.f32 v19;
	v18 =	vmul.f32 $2.560000000e+02, v18  }
0x10b: {  	v19 =	vld [tilespmem:s5+$0x70];
	v15 =	vadd.s32 v6, v15;
	v14 =	vcvt.f32.s32 v14  }
0x10c: {  	v21 =	vmul.f32 $2.560000000e+02, v21;
	[tilespmem:v16+s0+$0x0] =	vst.idx.add.f32.msk $0xffff, v2;
	v16 =	vtrunc.f32 v18  }
0x10d: {  	v18 =	vld [tilespmem:s15+$0xA0];
	v14 =	vadd.s32 v9, v14;
	v16 =	vcvt.f32.s32 v16  }
0x10e: {  	v21 =	vtrunc.f32 v21;
	[tilespmem:v17+s0+$0x0] =	vst.idx.add.f32.msk $0xffff, v2;
	v17 =	vmul.f32 $2.560000000e+02, v20  }
0x10f: {  	v20 =	vcvt.f32.s32 v21;
	v21 =	vld [tilespmem:s10+$0xE0];
	v16 =	vadd.s32 v12, v16  }
0x110: {  	v17 =	vtrunc.f32 v17;
	[tilespmem:v15+s0+$0x0] =	vst.idx.add.f32.msk $0xffff, v2;
	v15 =	vmul.f32 $2.560000000e+02, v19  }
0x111: {  	v19 =	vadd.s32 v3, v20;
	v17 =	vcvt.f32.s32 v17;
	v20 =	vld [tilespmem:s6+$0x110]  }
0x112: {  	v15 =	vtrunc.f32 v15;
	[tilespmem:v14+s0+$0x0] =	vst.idx.add.f32.msk $0xffff, v2;
	v14 =	vmul.f32 $2.560000000e+02, v18  }
0x113: {  	v17 =	vadd.s32 v6, v17;
	v15 =	vcvt.f32.s32 v15;
	v18 =	vld [tilespmem:s5+$0x140]  }
0x114: {  	v14 =	vtrunc.f32 v14;
	[tilespmem:v16+s0+$0x0] =	vst.idx.add.f32.msk $0xffff, v2;
	v16 =	vmul.f32 $2.560000000e+02, v21  }
0x115: {  	v15 =	vadd.s32 v9, v15;
	v14 =	vcvt.f32.s32 v14;
	v21 =	vld [tilespmem:s15+$0x170]  }
0x116: {  	[tilespmem:v19+s0+$0x0] =	vst.idx.add.f32.msk $0xffff, v2;
	v16 =	vtrunc.f32 v16;
	v20 =	vmul.f32 $2.560000000e+02, v20  }
0x117: {  	v19 =	vld [tilespmem:s10+$0x20];
	v14 =	vadd.s32 v12, v14;
	v16 =	vcvt.f32.s32 v16  }
0x118: {  	[tilespmem:v17+s0+$0x0] =	vst.idx.add.f32.msk $0xffff, v2;
	v20 =	vtrunc.f32 v20;
	v18 =	vmul.f32 $2.560000000e+02, v18  }
0x119: {  	v17 =	vld [tilespmem:s6+$0x50];
	v16 =	vadd.s32 v4, v16;
	v20 =	vcvt.f32.s32 v20  }
0x11a: {  	[tilespmem:v15+s0+$0x0] =	vst.idx.add.f32.msk $0xffff, v2;
	v15 =	vmul.f32 $2.560000000e+02, v21;
	v18 =	vtrunc.f32 v18  }
0x11b: {  	v21 =	vld [tilespmem:s5+$0x80];
	v20 =	vadd.s32 v7, v20;
	v18 =	vcvt.f32.s32 v18  }
0x11c: {  	v19 =	vmul.f32 $2.560000000e+02, v19;
	[tilespmem:v14+s0+$0x0] =	vst.idx.add.f32.msk $0xffff, v2;
	v15 =	vtrunc.f32 v15  }
0x11d: {  	v14 =	vld [tilespmem:s15+$0xB0];
	v15 =	vcvt.f32.s32 v15;
	v18 =	vadd.s32 v10, v18  }
0x11e: {  	v19 =	vtrunc.f32 v19;
	v17 =	vmul.f32 $2.560000000e+02, v17;
	[tilespmem:v16+s0+$0x0] =	vst.idx.add.f32.msk $0xffff, v2  }
0x11f: {  	v16 =	vcvt.f32.s32 v19;
	v15 =	vadd.s32 v13, v15;
	v19 =	vld [tilespmem:s10+$0xF0]  }
0x120: {  	v17 =	vtrunc.f32 v17;
	[tilespmem:v20+s0+$0x0] =	vst.idx.add.f32.msk $0xffff, v2;
	v20 =	vmul.f32 $2.560000000e+02, v21  }
0x121: {  	v16 =	vadd.s32 v4, v16;
	v17 =	vcvt.f32.s32 v17;
	v21 =	vld [tilespmem:s6+$0x120]  }
0x122: {  	v20 =	vtrunc.f32 v20;
	[tilespmem:v18+s0+$0x0] =	vst.idx.add.f32.msk $0xffff, v2;
	v18 =	vmul.f32 $2.560000000e+02, v22  }
0x123: {  	v17 =	vadd.s32 v7, v17;
	v20 =	vcvt.f32.s32 v20;
	v22 =	vld [tilespmem:s5+$0x150]  }
0x124: {  	[tilespmem:v15+s0+$0x0] =	vst.idx.add.f32.msk $0xffff, v2;
	v15 =	vtrunc.f32 v18;
	v18 =	vmul.f32 $2.560000000e+02, v19  }
0x125: {  	v19 =	vld [tilespmem:s11+$0x0];
	v20 =	vadd.s32 v10, v20;
	v15 =	vcvt.f32.s32 v15  }
0x126: {  	[tilespmem:v16+s0+$0x0] =	vst.idx.add.f32.msk $0xffff, v2;
	v16 =	vtrunc.f32 v18;
	v18 =	vmul.f32 $2.560000000e+02, v21  }
0x127: {  	v21 =	vld [tilespmem:s10+$0x30];
	v15 =	vadd.s32 v0, v15;
	v16 =	vcvt.f32.s32 v16  }
0x128: {  	[tilespmem:v17+s0+$0x0] =	vst.idx.add.f32.msk $0xffff, v2;
	v17 =	vtrunc.f32 v18;
	v18 =	vmul.f32 $2.560000000e+02, v22  }
0x129: {  	v22 =	vld [tilespmem:s6+$0x60];
	v16 =	vadd.s32 v5, v16;
	v17 =	vcvt.f32.s32 v17  }
0x12a: {  	v19 =	vmul.f32 $2.560000000e+02, v19;
	[tilespmem:v20+s0+$0x0] =	vst.idx.add.f32.msk $0xffff, v2;
	v18 =	vtrunc.f32 v18  }
0x12b: {  	v20 =	vld [tilespmem:s5+$0x90];
	v17 =	vadd.s32 v8, v17;
	v18 =	vcvt.f32.s32 v18  }
0x12c: {  	v19 =	vtrunc.f32 v19;
	[tilespmem:v15+s0+$0x0] =	vst.idx.add.f32.msk $0xffff, v2;
	v15 =	vmul.f32 $2.560000000e+02, v21  }
0x12d: {  	v19 =	vcvt.f32.s32 v19;
	v21 =	vld [tilespmem:s11+$0xD0];
	v18 =	vadd.s32 v11, v18  }
0x12e: {  	v22 =	vmul.f32 $2.560000000e+02, v22;
	v15 =	vtrunc.f32 v15;
	[tilespmem:v16+s0+$0x0] =	vst.idx.add.f32.msk $0xffff, v2  }
0x12f: {  	v16 =	vadd.s32 v0, v19;
	v15 =	vcvt.f32.s32 v15;
	v19 =	vld [tilespmem:s10+$0x100]  }
0x130: {  	v22 =	vtrunc.f32 v22;
	[tilespmem:v17+s0+$0x0] =	vst.idx.add.f32.msk $0xffff, v2;
	v17 =	vmul.f32 $2.560000000e+02, v20  }
0x131: {  	v20 =	vcvt.f32.s32 v22;
	v15 =	vadd.s32 v5, v15;
	v22 =	vld [tilespmem:s6+$0x130]  }
0x132: {  	v21 =	vmul.f32 $2.560000000e+02, v21;
	v17 =	vtrunc.f32 v17;
	[tilespmem:v18+s0+$0x0] =	vst.idx.add.f32.msk $0xffff, v2  }
0x133: {  	v18 =	vadd.s32 v8, v20;
	v17 =	vcvt.f32.s32 v17;
	v20 =	vld [tilespmem:s5+$0x160]  }
0x134: {  	[tilespmem:v16+s0+$0x0] =	vst.idx.add.f32.msk $0xffff, v2;
	v16 =	vtrunc.f32 v21;
	v19 =	vmul.f32 $2.560000000e+02, v19  }
0x135: {  	v21 =	vld [tilespmem:s11+$0x10];
	v16 =	vcvt.f32.s32 v16;
	v17 =	vadd.s32 v11, v17  }
0x136: {  	[tilespmem:v15+s0+$0x0] =	vst.idx.add.f32.msk $0xffff, v2;
	v15 =	vtrunc.f32 v19;
	v19 =	vmul.f32 $2.560000000e+02, v22  }
0x137: {  	v16 =	vadd.s32 v3, v16;
	v22 =	vld [tilespmem:s10+$0x40];
	v15 =	vcvt.f32.s32 v15  }
0x138: {  	[tilespmem:v18+s0+$0x0] =	vst.idx.add.f32.msk $0xffff, v2;
	v18 =	vtrunc.f32 v19;
	v19 =	vmul.f32 $2.560000000e+02, v20  }
0x139: {  	v15 =	vadd.s32 v6, v15;
	v20 =	vld [tilespmem:s6+$0x70];
	v18 =	vcvt.f32.s32 v18  }
0x13a: {  	v21 =	vmul.f32 $2.560000000e+02, v21;
	[tilespmem:v17+s0+$0x0] =	vst.idx.add.f32.msk $0xffff, v2;
	v17 =	vtrunc.f32 v19  }
0x13b: {  	v18 =	vadd.s32 v9, v18;
	v23 =	vld [tilespmem:s5+$0xA0];
	v17 =	vcvt.f32.s32 v17  }
0x13c: {  	v19 =	vtrunc.f32 v21;
	[tilespmem:v16+s0+$0x0] =	vst.idx.add.f32.msk $0xffff, v2;
	v16 =	vmul.f32 $2.560000000e+02, v22  }
0x13d: {  	v19 =	vcvt.f32.s32 v19;
	v21 =	vld [tilespmem:s11+$0xE0];
	v22 =	vadd.s32 v12, v17  }
0x13e: {  	[tilespmem:v15+s0+$0x0] =	vst.idx.add.f32.msk $0xffff, v2;
	v15 =	vtrunc.f32 v16;
	v16 =	vmul.f32 $2.560000000e+02, v20  }
0x13f: {  	v14 =	vmul.f32 $2.560000000e+02, v14;
	v24 =	vadd.s32 v3, v19;
	v19 =	vld [tilespmem:s10+$0x110];
	v15 =	vcvt.f32.s32 v15  }
0x140: {  	[tilespmem:v18+s0+$0x0] =	vst.idx.add.f32.msk $0xffff, v2;
	v16 =	vtrunc.f32 v16;
	v18 =	vmul.f32 $2.560000000e+02, v23  }
0x141: {  	v14 =	vtrunc.f32 v14;
	v17 =	vld [tilespmem:s6+$0x140];
	v16 =	vcvt.f32.s32 v16;
	v20 =	vadd.s32 v6, v15  }
0x142: {  	v14 =	vcvt.f32.s32 v14;
	[tilespmem:v22+s0+$0x0] =	vst.idx.add.f32.msk $0xffff, v2;
	v22 =	vtrunc.f32 v18  }
0x143: {  	v21 =	vmul.f32 $2.560000000e+02, v21;
	v15 =	vld [tilespmem:s5+$0x170];
	v18 =	vadd.s32 v9, v16;
	v16 =	vcvt.f32.s32 v22  }
0x144: {  	v14 =	vadd.s32 v13, v14;
	[tilespmem:v24+s0+$0x0] =	vst.idx.add.f32.msk $0xffff, v2  }
.LBB2_5:
0x145: {  	s17 =	sadd.s32 $0x2, s17;
	v22 =	vld [tilespmem:s11+$0x20];
	v21 =	vtrunc.f32 v21;
	v19 =	vmul.f32 $2.560000000e+02, v19;
	v16 =	vadd.s32 v12, v16  }
0x146: {  	s13 =	sshrl.u32 s17, $0x3;
	p0 =	slt.u32 s17, $0x7E;
	v21 =	vcvt.f32.s32 v21;
	[tilespmem:v20+s0+$0x0] =	vst.idx.add.f32.msk $0xffff, v2  }
0x147: {  	s15 =	sand.u32 $0x6, s17;
	v17 =	vmul.f32 $2.560000000e+02, v17;
	s13 =	smul.u32 $0x1800, s13;
	v20 =	vld [tilespmem:s10+$0x50];
	v19 =	vtrunc.f32 v19  }
0x148: {  	s15 =	smul.u32 $0x300, s15;
	v21 =	vadd.s32 v4, v21;
	v19 =	vcvt.f32.s32 v19;
	[tilespmem:v18+s0+$0x0] =	vst.idx.add.f32.msk $0xffff, v2;
	v15 =	vmul.f32 $2.560000000e+02, v15  }
0x149: {  	v17 =	vtrunc.f32 v17;
	v18 =	vld [tilespmem:s6+$0x80]  }
0x14a: {  	s13 =	sshra.s32 s13, $0x2;
	s15 =	sshrl.u32 s15, $0x2;
	v17 =	vcvt.f32.s32 v17;
	v19 =	vadd.s32 v7, v19;
	[tilespmem:v16+s0+$0x0] =	vst.idx.add.f32.msk $0xffff, v2;
	v15 =	vtrunc.f32 v15  }
0x14b: {  	s13 =	sadd.s32 s15, s13;
	v16 =	vmul.f32 $2.560000000e+02, v22;
	v22 =	vld [tilespmem:s5+$0xB0];
	v15 =	vcvt.f32.s32 v15;
	s5 =	smov.u32 s6;
	s6 =	smov.u32 s10  }
0x14c: {  	v17 =	vadd.s32 v10, v17;
	s10 =	smov.u32 s11;
	s11 =	smov.u32 s13;
	v23 =	vld [tilespmem:s13+$0xC0];
	v20 =	vmul.f32 $2.560000000e+02, v20  }
0x14d: {  	v16 =	vtrunc.f32 v16;
	[tilespmem:v21+s0+$0x0] =	vst.idx.add.f32.msk $0xffff, v2;
	v15 =	vadd.s32 v13, v15  }
0x14e: {  	v16 =	vcvt.f32.s32 v16;
	v21 =	vld [tilespmem:s10+$0xF0];
	v20 =	vtrunc.f32 v20  }
0x14f: {  	v18 =	vmul.f32 $2.560000000e+02, v18;
	v20 =	vcvt.f32.s32 v20;
	[tilespmem:v19+s0+$0x0] =	vst.idx.add.f32.msk $0xffff, v2  }
0x150: {  	v16 =	vadd.s32 v4, v16;
	v19 =	vld [tilespmem:s6+$0x120];
	v22 =	vmul.f32 $2.560000000e+02, v22  }
0x151: {  	v18 =	vtrunc.f32 v18;
	v20 =	vadd.s32 v7, v20;
	[tilespmem:v17+s0+$0x0] =	vst.idx.add.f32.msk $0xffff, v2  }
0x152: {  	v17 =	vmul.f32 $2.560000000e+02, v23;
	v18 =	vcvt.f32.s32 v18;
	[tilespmem:v15+s0+$0x0] =	vst.idx.add.f32.msk $0xffff, v2  }
0x153: {  	v22 =	vtrunc.f32 v22;
	v15 =	vld [tilespmem:s5+$0x150]  }
0x154: {  	v17 =	vtrunc.f32 v17;
	v21 =	vmul.f32 $2.560000000e+02, v21;
	v18 =	vadd.s32 v10, v18;
	v23 =	vld [tilespmem:s11+$0x0]  }
0x155: {  	v17 =	vcvt.f32.s32 v17;
	[tilespmem:v16+s0+$0x0] =	vst.idx.add.f32.msk $0xffff, v2;
	v16 =	vcvt.f32.s32 v22  }
0x156: {  	v21 =	vtrunc.f32 v21;
	v19 =	vmul.f32 $2.560000000e+02, v19;
	v22 =	vld [tilespmem:s10+$0x30]  }
0x157: {  	v17 =	vadd.s32 v0, v17;
	v21 =	vcvt.f32.s32 v21;
	[tilespmem:v20+s0+$0x0] =	vst.idx.add.f32.msk $0xffff, v2;
	v16 =	vadd.s32 v13, v16  }
0x158: {  	v19 =	vtrunc.f32 v19;
	v20 =	vld [tilespmem:s6+$0x60];
	v15 =	vmul.f32 $2.560000000e+02, v15  }
0x159: {  	v21 =	vadd.s32 v5, v21;
	v19 =	vcvt.f32.s32 v19;
	v23 =	vmul.f32 $2.560000000e+02, v23;
	[tilespmem:v18+s0+$0x0] =	vst.idx.add.f32.msk $0xffff, v2  }
0x15a: {  	v18 =	vld [tilespmem:s5+$0x90];
	v15 =	vtrunc.f32 v15  }
0x15b: {  	v19 =	vadd.s32 v8, v19;
	v23 =	vtrunc.f32 v23;
	v15 =	vcvt.f32.s32 v15;
	[tilespmem:v14+s0+$0x0] =	vst.idx.add.f32.msk $0xffff, v2;
	v14 =	vmovc v16  }
0x15c: {  	v16 =	vcvt.f32.s32 v23;
	[tilespmem:v17+s0+$0x0] =	vst.idx.add.f32.msk $0xffff, v2;
	v17 =	vmul.f32 $2.560000000e+02, v22  }
0x15d: {  	v22 =	vld [tilespmem:s11+$0xD0];
	v20 =	vmul.f32 $2.560000000e+02, v20;
	v15 =	vadd.s32 v11, v15  }
0x15e: {  	v16 =	vadd.s32 v0, v16;
	v17 =	vtrunc.f32 v17;
	[tilespmem:v21+s0+$0x0] =	vst.idx.add.f32.msk $0xffff, v2  }
0x15f: {  	v17 =	vcvt.f32.s32 v17;
	v21 =	vld [tilespmem:s10+$0x100];
	v20 =	vtrunc.f32 v20  }
0x160: {  	v18 =	vmul.f32 $2.560000000e+02, v18;
	v20 =	vcvt.f32.s32 v20;
	[tilespmem:v19+s0+$0x0] =	vst.idx.add.f32.msk $0xffff, v2  }
0x161: {  	v17 =	vadd.s32 v5, v17;
	v19 =	vld [tilespmem:s6+$0x130]  }
0x162: {  	v18 =	vtrunc.f32 v18;
	v22 =	vmul.f32 $2.560000000e+02, v22;
	v20 =	vadd.s32 v8, v20;
	[tilespmem:v15+s0+$0x0] =	vst.idx.add.f32.msk $0xffff, v2  }
0x163: {  	v15 =	vcvt.f32.s32 v18;
	v18 =	vld [tilespmem:s5+$0x160]  }
0x164: {  	[tilespmem:v16+s0+$0x0] =	vst.idx.add.f32.msk $0xffff, v2;
	v16 =	vtrunc.f32 v22;
	v21 =	vmul.f32 $2.560000000e+02, v21  }
0x165: {  	v15 =	vadd.s32 v11, v15;
	v22 =	vld [tilespmem:s11+$0x10];
	v16 =	vcvt.f32.s32 v16  }
0x166: {  	[tilespmem:v17+s0+$0x0] =	vst.idx.add.f32.msk $0xffff, v2;
	v17 =	vtrunc.f32 v21;
	v19 =	vmul.f32 $2.560000000e+02, v19  }
0x167: {  	v16 =	vadd.s32 v3, v16;
	v21 =	vld [tilespmem:s10+$0x40];
	v17 =	vcvt.f32.s32 v17  }
0x168: {  	[tilespmem:v20+s0+$0x0] =	vst.idx.add.f32.msk $0xffff, v2;
	v19 =	vtrunc.f32 v19;
	v18 =	vmul.f32 $2.560000000e+02, v18  }
0x169: {  	v17 =	vadd.s32 v6, v17;
	v20 =	vld [tilespmem:s6+$0x70];
	v19 =	vcvt.f32.s32 v19  }
0x16a: {  	v22 =	vmul.f32 $2.560000000e+02, v22;
	[tilespmem:v15+s0+$0x0] =	vst.idx.add.f32.msk $0xffff, v2;
	v15 =	vtrunc.f32 v18  }
0x16b: {  	v18 =	vadd.s32 v9, v19;
	v23 =	vld [tilespmem:s5+$0xA0];
	v15 =	vcvt.f32.s32 v15  }
0x16c: {  	v19 =	vtrunc.f32 v22;
	[tilespmem:v16+s0+$0x0] =	vst.idx.add.f32.msk $0xffff, v2;
	v16 =	vmul.f32 $2.560000000e+02, v21  }
0x16d: {  	v19 =	vcvt.f32.s32 v19;
	v21 =	vld [tilespmem:s11+$0xE0];
	v15 =	vadd.s32 v12, v15  }
0x16e: {  	v16 =	vtrunc.f32 v16;
	[tilespmem:v17+s0+$0x0] =	vst.idx.add.f32.msk $0xffff, v2;
	v17 =	vmul.f32 $2.560000000e+02, v20  }
0x16f: {  	v22 =	vadd.s32 v3, v19;
	v16 =	vcvt.f32.s32 v16;
	v19 =	vld [tilespmem:s10+$0x110]  }
.Ltmp1:
0x170: {  	v17 =	vtrunc.f32 v17;
	[tilespmem:v18+s0+$0x0] =	vst.idx.add.f32.msk $0xffff, v2;
	v18 =	vmul.f32 $2.560000000e+02, v23;
	(pc) =	sbr.rel @p0 .LBB2_5-.Ltmp1, $4  }
0x171: {  	v20 =	vadd.s32 v6, v16;
	v16 =	vcvt.f32.s32 v17;
	v17 =	vld [tilespmem:s6+$0x140]  }
0x172: {  	v23 =	vtrunc.f32 v18;
	[tilespmem:v15+s0+$0x0] =	vst.idx.add.f32.msk $0xffff, v2  }
0x173: {  	v21 =	vmul.f32 $2.560000000e+02, v21;
	v18 =	vadd.s32 v9, v16;
	v16 =	vcvt.f32.s32 v23;
	v15 =	vld [tilespmem:s5+$0x170]  }
0x174: {  	[tilespmem:v22+s0+$0x0] =	vst.idx.add.f32.msk $0xffff, v2  }
0x175: {  	v22 =	vld [tilespmem:s11+$0x20];
	_ =	sdelay $0x4  }
0x176: {  	v21 =	vtrunc.f32 v21;
	v22 =	vmul.f32 $2.560000000e+02, v22  }
0x177: {  	v21 =	vcvt.f32.s32 v21  }
0x178: {  	v22 =	vtrunc.f32 v22  }
0x179: {  	v21 =	vadd.s32 v4, v21;
	v22 =	vcvt.f32.s32 v22;
	_ =	sdelay $0x1  }
0x17a: {  	v22 =	vadd.s32 v4, v22;
	_ =	sdelay $0x2  }
0x17b: {  	[tilespmem:v21+s0+$0x0] =	vst.idx.add.f32.msk $0xffff, v2  }
0x17c: {  	v21 =	vld [tilespmem:s11+$0xF0]  }
0x17d: {  	[tilespmem:v22+s0+$0x0] =	vst.idx.add.f32.msk $0xffff, v2  }
0x17e: {  	v22 =	vld [tilespmem:s11+$0x30];
	_ =	sdelay $0x2  }
0x17f: {  	v21 =	vmul.f32 $2.560000000e+02, v21;
	_ =	sdelay $0x1  }
0x180: {  	v21 =	vtrunc.f32 v21;
	v22 =	vmul.f32 $2.560000000e+02, v22  }
0x181: {  	v21 =	vcvt.f32.s32 v21  }
0x182: {  	v22 =	vtrunc.f32 v22  }
0x183: {  	v21 =	vadd.s32 v5, v21;
	v22 =	vcvt.f32.s32 v22;
	_ =	sdelay $0x1  }
0x184: {  	v22 =	vadd.s32 v5, v22;
	_ =	sdelay $0x2  }
0x185: {  	[tilespmem:v21+s0+$0x0] =	vst.idx.add.f32.msk $0xffff, v2  }
0x186: {  	v21 =	vld [tilespmem:s11+$0x100]  }
0x187: {  	[tilespmem:v22+s0+$0x0] =	vst.idx.add.f32.msk $0xffff, v2  }
0x188: {  	v22 =	vld [tilespmem:s11+$0x40];
	_ =	sdelay $0x2  }
0x189: {  	[tilespmem:v20+s0+$0x0] =	vst.idx.add.f32.msk $0xffff, v2;
	v21 =	vmul.f32 $2.560000000e+02, v21  }
0x18a: {  	v20 =	vld [tilespmem:s10+$0x50]  }
0x18b: {  	v21 =	vtrunc.f32 v21;
	v22 =	vmul.f32 $2.560000000e+02, v22  }
0x18c: {  	v21 =	vcvt.f32.s32 v21  }
0x18d: {  	v19 =	vmul.f32 $2.560000000e+02, v19;
	v22 =	vtrunc.f32 v22  }
0x18e: {  	v21 =	vadd.s32 v6, v21;
	v22 =	vcvt.f32.s32 v22  }
0x18f: {  	v19 =	vtrunc.f32 v19;
	v20 =	vmul.f32 $2.560000000e+02, v20  }
0x190: {  	v19 =	vcvt.f32.s32 v19;
	v22 =	vadd.s32 v6, v22  }
0x191: {  	v20 =	vtrunc.f32 v20  }
0x192: {  	v19 =	vadd.s32 v7, v19;
	v20 =	vcvt.f32.s32 v20  }
0x193: {  	[tilespmem:v21+s0+$0x0] =	vst.idx.add.f32.msk $0xffff, v2  }
0x194: {  	v20 =	vadd.s32 v7, v20;
	v21 =	vld [tilespmem:s11+$0x110]  }
0x195: {  	[tilespmem:v22+s0+$0x0] =	vst.idx.add.f32.msk $0xffff, v2  }
0x196: {  	v22 =	vld [tilespmem:s11+$0x50]  }
0x197: {  	[tilespmem:v19+s0+$0x0] =	vst.idx.add.f32.msk $0xffff, v2  }
0x198: {  	v19 =	vld [tilespmem:s10+$0x120]  }
0x199: {  	[tilespmem:v20+s0+$0x0] =	vst.idx.add.f32.msk $0xffff, v2;
	v21 =	vmul.f32 $2.560000000e+02, v21  }
0x19a: {  	v20 =	vld [tilespmem:s10+$0x60]  }
0x19b: {  	v21 =	vtrunc.f32 v21;
	v22 =	vmul.f32 $2.560000000e+02, v22  }
0x19c: {  	v21 =	vcvt.f32.s32 v21  }
0x19d: {  	v19 =	vmul.f32 $2.560000000e+02, v19;
	v22 =	vtrunc.f32 v22  }
0x19e: {  	v21 =	vadd.s32 v7, v21;
	v22 =	vcvt.f32.s32 v22  }
0x19f: {  	v19 =	vtrunc.f32 v19;
	v20 =	vmul.f32 $2.560000000e+02, v20  }
0x1a0: {  	v19 =	vcvt.f32.s32 v19;
	v22 =	vadd.s32 v7, v22  }
0x1a1: {  	v20 =	vtrunc.f32 v20  }
0x1a2: {  	v19 =	vadd.s32 v8, v19;
	v20 =	vcvt.f32.s32 v20  }
0x1a3: {  	[tilespmem:v21+s0+$0x0] =	vst.idx.add.f32.msk $0xffff, v2  }
0x1a4: {  	v20 =	vadd.s32 v8, v20;
	v21 =	vld [tilespmem:s11+$0x120]  }
0x1a5: {  	[tilespmem:v22+s0+$0x0] =	vst.idx.add.f32.msk $0xffff, v2  }
0x1a6: {  	v22 =	vld [tilespmem:s11+$0x60]  }
0x1a7: {  	[tilespmem:v19+s0+$0x0] =	vst.idx.add.f32.msk $0xffff, v2  }
0x1a8: {  	v19 =	vld [tilespmem:s10+$0x130]  }
0x1a9: {  	[tilespmem:v20+s0+$0x0] =	vst.idx.add.f32.msk $0xffff, v2;
	v21 =	vmul.f32 $2.560000000e+02, v21  }
0x1aa: {  	v20 =	vld [tilespmem:s10+$0x70]  }
0x1ab: {  	v21 =	vtrunc.f32 v21;
	v22 =	vmul.f32 $2.560000000e+02, v22  }
0x1ac: {  	v21 =	vcvt.f32.s32 v21  }
0x1ad: {  	v19 =	vmul.f32 $2.560000000e+02, v19;
	v22 =	vtrunc.f32 v22  }
0x1ae: {  	v21 =	vadd.s32 v8, v21;
	v22 =	vcvt.f32.s32 v22  }
0x1af: {  	v19 =	vtrunc.f32 v19;
	v20 =	vmul.f32 $2.560000000e+02, v20  }
0x1b0: {  	v19 =	vcvt.f32.s32 v19;
	v22 =	vadd.s32 v8, v22  }
0x1b1: {  	v20 =	vtrunc.f32 v20  }
0x1b2: {  	v19 =	vadd.s32 v9, v19;
	v20 =	vcvt.f32.s32 v20  }
0x1b3: {  	[tilespmem:v21+s0+$0x0] =	vst.idx.add.f32.msk $0xffff, v2  }
0x1b4: {  	v20 =	vadd.s32 v9, v20;
	v21 =	vld [tilespmem:s11+$0x130]  }
0x1b5: {  	[tilespmem:v22+s0+$0x0] =	vst.idx.add.f32.msk $0xffff, v2  }
0x1b6: {  	v22 =	vld [tilespmem:s11+$0x70]  }
0x1b7: {  	[tilespmem:v19+s0+$0x0] =	vst.idx.add.f32.msk $0xffff, v2  }
0x1b8: {  	v19 =	vld [tilespmem:s10+$0x140]  }
0x1b9: {  	[tilespmem:v20+s0+$0x0] =	vst.idx.add.f32.msk $0xffff, v2;
	v21 =	vmul.f32 $2.560000000e+02, v21  }
0x1ba: {  	v20 =	vld [tilespmem:s10+$0x80]  }
0x1bb: {  	v21 =	vtrunc.f32 v21;
	v22 =	vmul.f32 $2.560000000e+02, v22  }
0x1bc: {  	v21 =	vcvt.f32.s32 v21  }
0x1bd: {  	[tilespmem:v18+s0+$0x0] =	vst.idx.add.f32.msk $0xffff, v2;
	v19 =	vmul.f32 $2.560000000e+02, v19;
	v18 =	vtrunc.f32 v22  }
0x1be: {  	v21 =	vadd.s32 v9, v21;
	v22 =	vld [tilespmem:s6+$0x80];
	v18 =	vcvt.f32.s32 v18  }
0x1bf: {  	v19 =	vtrunc.f32 v19;
	v20 =	vmul.f32 $2.560000000e+02, v20  }
0x1c0: {  	v19 =	vcvt.f32.s32 v19;
	v18 =	vadd.s32 v9, v18  }
0x1c1: {  	v17 =	vmul.f32 $2.560000000e+02, v17;
	v20 =	vtrunc.f32 v20  }
0x1c2: {  	v19 =	vadd.s32 v10, v19;
	v20 =	vcvt.f32.s32 v20  }
0x1c3: {  	v17 =	vtrunc.f32 v17;
	[tilespmem:v21+s0+$0x0] =	vst.idx.add.f32.msk $0xffff, v2;
	v22 =	vmul.f32 $2.560000000e+02, v22  }
0x1c4: {  	v17 =	vcvt.f32.s32 v17;
	v20 =	vadd.s32 v10, v20;
	v21 =	vld [tilespmem:s11+$0x140]  }
0x1c5: {  	v22 =	vtrunc.f32 v22;
	[tilespmem:v18+s0+$0x0] =	vst.idx.add.f32.msk $0xffff, v2  }
0x1c6: {  	v17 =	vadd.s32 v10, v17;
	v18 =	vcvt.f32.s32 v22;
	v22 =	vld [tilespmem:s11+$0x80]  }
0x1c7: {  	[tilespmem:v19+s0+$0x0] =	vst.idx.add.f32.msk $0xffff, v2  }
0x1c8: {  	v19 =	vld [tilespmem:s10+$0x150];
	v18 =	vadd.s32 v10, v18  }
0x1c9: {  	[tilespmem:v20+s0+$0x0] =	vst.idx.add.f32.msk $0xffff, v2;
	v21 =	vmul.f32 $2.560000000e+02, v21  }
0x1ca: {  	v20 =	vld [tilespmem:s10+$0x90]  }
0x1cb: {  	[tilespmem:v17+s0+$0x0] =	vst.idx.add.f32.msk $0xffff, v2;
	v17 =	vtrunc.f32 v21;
	v21 =	vmul.f32 $2.560000000e+02, v22  }
0x1cc: {  	v17 =	vcvt.f32.s32 v17;
	v22 =	vld [tilespmem:s6+$0x150]  }
0x1cd: {  	v19 =	vmul.f32 $2.560000000e+02, v19;
	[tilespmem:v18+s0+$0x0] =	vst.idx.add.f32.msk $0xffff, v2;
	v18 =	vtrunc.f32 v21  }
0x1ce: {  	v17 =	vadd.s32 v10, v17;
	v21 =	vld [tilespmem:s6+$0x90];
	v18 =	vcvt.f32.s32 v18  }
0x1cf: {  	v19 =	vtrunc.f32 v19;
	v20 =	vmul.f32 $2.560000000e+02, v20  }
0x1d0: {  	v19 =	vcvt.f32.s32 v19;
	v18 =	vadd.s32 v10, v18  }
0x1d1: {  	v20 =	vtrunc.f32 v20;
	v22 =	vmul.f32 $2.560000000e+02, v22  }
0x1d2: {  	v19 =	vadd.s32 v11, v19;
	v20 =	vcvt.f32.s32 v20  }
0x1d3: {  	[tilespmem:v17+s0+$0x0] =	vst.idx.add.f32.msk $0xffff, v2;
	v22 =	vtrunc.f32 v22;
	v21 =	vmul.f32 $2.560000000e+02, v21  }
0x1d4: {  	v20 =	vadd.s32 v11, v20;
	v17 =	vcvt.f32.s32 v22;
	v22 =	vld [tilespmem:s11+$0x150]  }
0x1d5: {  	v21 =	vtrunc.f32 v21;
	[tilespmem:v18+s0+$0x0] =	vst.idx.add.f32.msk $0xffff, v2  }
0x1d6: {  	v17 =	vadd.s32 v11, v17;
	v18 =	vcvt.f32.s32 v21;
	v21 =	vld [tilespmem:s11+$0x90]  }
0x1d7: {  	[tilespmem:v19+s0+$0x0] =	vst.idx.add.f32.msk $0xffff, v2  }
0x1d8: {  	v19 =	vld [tilespmem:s10+$0x160];
	v18 =	vadd.s32 v11, v18  }
0x1d9: {  	[tilespmem:v20+s0+$0x0] =	vst.idx.add.f32.msk $0xffff, v2;
	v22 =	vmul.f32 $2.560000000e+02, v22  }
0x1da: {  	v20 =	vld [tilespmem:s10+$0xA0]  }
0x1db: {  	[tilespmem:v17+s0+$0x0] =	vst.idx.add.f32.msk $0xffff, v2;
	v17 =	vtrunc.f32 v22;
	v21 =	vmul.f32 $2.560000000e+02, v21  }
0x1dc: {  	v22 =	vld [tilespmem:s6+$0x160];
	v17 =	vcvt.f32.s32 v17  }
0x1dd: {  	v16 =	vadd.s32 v12, v16;
	[tilespmem:v18+s0+$0x0] =	vst.idx.add.f32.msk $0xffff, v2;
	v18 =	vtrunc.f32 v21  }
0x1de: {  	v21 =	vld [tilespmem:s6+$0xA0];
	v17 =	vadd.s32 v11, v17;
	v18 =	vcvt.f32.s32 v18  }
0x1df: {  	v19 =	vmul.f32 $2.560000000e+02, v19  }
0x1e0: {  	v18 =	vadd.s32 v11, v18  }
0x1e1: {  	v19 =	vtrunc.f32 v19;
	v22 =	vmul.f32 $2.560000000e+02, v22  }
0x1e2: {  	[tilespmem:v16+s0+$0x0] =	vst.idx.add.f32.msk $0xffff, v2;
	v19 =	vcvt.f32.s32 v19;
	v20 =	vmul.f32 $2.560000000e+02, v20  }
0x1e3: {  	v22 =	vtrunc.f32 v22;
	v21 =	vmul.f32 $2.560000000e+02, v21;
	[tilespmem:v17+s0+$0x0] =	vst.idx.add.f32.msk $0xffff, v2  }
0x1e4: {  	v19 =	vadd.s32 v12, v19;
	v16 =	vtrunc.f32 v20;
	v17 =	vcvt.f32.s32 v22;
	v22 =	vld [tilespmem:s11+$0x160]  }
0x1e5: {  	v16 =	vcvt.f32.s32 v16;
	v21 =	vtrunc.f32 v21;
	[tilespmem:v18+s0+$0x0] =	vst.idx.add.f32.msk $0xffff, v2  }
0x1e6: {  	v17 =	vadd.s32 v12, v17;
	v18 =	vcvt.f32.s32 v21;
	v21 =	vld [tilespmem:s11+$0xA0]  }
0x1e7: {  	v16 =	vadd.s32 v12, v16  }
0x1e8: {  	v18 =	vadd.s32 v12, v18  }
0x1e9: {  	[tilespmem:v19+s0+$0x0] =	vst.idx.add.f32.msk $0xffff, v2;
	v20 =	vmul.f32 $2.560000000e+02, v22  }
0x1ea: {  	v19 =	vld [tilespmem:s10+$0x170]  }
0x1eb: {  	[tilespmem:v17+s0+$0x0] =	vst.idx.add.f32.msk $0xffff, v2;
	v17 =	vtrunc.f32 v20;
	v20 =	vmul.f32 $2.560000000e+02, v21  }
0x1ec: {  	[tilespmem:v16+s0+$0x0] =	vst.idx.add.f32.msk $0xffff, v2;
	v17 =	vcvt.f32.s32 v17  }
0x1ed: {  	[tilespmem:v18+s0+$0x0] =	vst.idx.add.f32.msk $0xffff, v2;
	v18 =	vtrunc.f32 v20  }
0x1ee: {  	v22 =	vld [tilespmem:s5+$0xB0];
	v17 =	vadd.s32 v12, v17;
	v18 =	vcvt.f32.s32 v18  }
0x1ef: {  	v21 =	vld [tilespmem:s6+$0x170]  }
0x1f0: {  	v15 =	vmul.f32 $2.560000000e+02, v15;
	v16 =	vld [tilespmem:s10+$0xB0];
	v18 =	vadd.s32 v12, v18;
	_ =	sdelay $0x1  }
0x1f1: {  	v15 =	vtrunc.f32 v15;
	v20 =	vld [tilespmem:s6+$0xB0]  }
0x1f2: {  	v15 =	vcvt.f32.s32 v15;
	v22 =	vmul.f32 $2.560000000e+02, v22;
	[tilespmem:v17+s0+$0x0] =	vst.idx.add.f32.msk $0xffff, v2  }
0x1f3: {  	v19 =	vmul.f32 $2.560000000e+02, v19;
	v17 =	vmul.f32 $2.560000000e+02, v21;
	v21 =	vld [tilespmem:s11+$0x170]  }
0x1f4: {  	v16 =	vmul.f32 $2.560000000e+02, v16;
	v22 =	vtrunc.f32 v22;
	[tilespmem:v18+s0+$0x0] =	vst.idx.add.f32.msk $0xffff, v2  }
0x1f5: {  	v19 =	vtrunc.f32 v19;
	v18 =	vcvt.f32.s32 v22;
	v22 =	vld [tilespmem:s11+$0xB0]  }
0x1f6: {  	v19 =	vcvt.f32.s32 v19;
	v16 =	vtrunc.f32 v16  }
0x1f7: {  	v15 =	vadd.s32 v13, v15;
	v20 =	vmul.f32 $2.560000000e+02, v20;
	v17 =	vtrunc.f32 v17  }
0x1f8: {  	v16 =	vcvt.f32.s32 v16;
	v17 =	vcvt.f32.s32 v17  }
0x1f9: {  	v19 =	vadd.s32 v13, v19;
	v20 =	vtrunc.f32 v20;
	v21 =	vmul.f32 $2.560000000e+02, v21  }
0x1fa: {  	v20 =	vcvt.f32.s32 v20;
	v17 =	vadd.s32 v13, v17;
	v22 =	vmul.f32 $2.560000000e+02, v22  }
0x1fb: {  	v16 =	vadd.s32 v13, v16;
	v18 =	vadd.s32 v13, v18;
	v21 =	vtrunc.f32 v21  }
0x1fc: {  	[tilespmem:v15+s0+$0x0] =	vst.idx.add.f32.msk $0xffff, v2;
	v15 =	vadd.s32 v13, v20;
	v21 =	vcvt.f32.s32 v21;
	v20 =	vtrunc.f32 v22  }
0x1fd: {  	[tilespmem:v14+s0+$0x0] =	vst.idx.add.f32.msk $0xffff, v2;
	v20 =	vcvt.f32.s32 v20  }
0x1fe: {  	[tilespmem:v19+s0+$0x0] =	vst.idx.add.f32.msk $0xffff, v2;
	v14 =	vadd.s32 v13, v21  }
0x1ff: {  	[tilespmem:v17+s0+$0x0] =	vst.idx.add.f32.msk $0xffff, v2;
	v17 =	vadd.s32 v13, v20  }
0x200: {  	[tilespmem:v16+s0+$0x0] =	vst.idx.add.f32.msk $0xffff, v2  }
0x201: {  	[tilespmem:v18+s0+$0x0] =	vst.idx.add.f32.msk $0xffff, v2  }
0x202: {  	[tilespmem:v15+s0+$0x0] =	vst.idx.add.f32.msk $0xffff, v2  }
0x203: {  	[tilespmem:v14+s0+$0x0] =	vst.idx.add.f32.msk $0xffff, v2  }
0x204: {  	[tilespmem:v17+s0+$0x0] =	vst.idx.add.f32.msk $0xffff, v2  }
0x205: {  	_ =	swait.ge [sflag:s9], $0x6000  }
0x206: {  	p0 =	seq.s32 s7, $0x5;
	s5 =	rddreg [dreg:$0x4]  }
0x207: {  	s10 =	simm.s32 @!p0 $0x180;
	s5 =	sadd.s32 @!p0 s5, s12  }
0x208: {  	s6 =	simm.s32 @!p0 $0xC0;
	[sflag:s9] =	ssyncset.done $0x0;
	s5 =	sshrl.u32 @!p0 s5, $0x3  }
0x209: {  	s11 =	simm.s32 @!p0 $0x0;
	[sflag:s9] =	ssyncadd.s32 $0xFFFFA000;
	s5 =	sadd.s32 @!p0 s3, s5  }
0x20a: {  	[tilespmem:s11], [sflag:$0x1] =	stream.strided.gather @!p0 [hbm4b:s5+s6], $0x600, s10, s6, $0x38;
	[tilespmem:$0xF000] =	vst v63  }
0x20b: {  	s12 =	simm.s32 @!p0 $0x600;
	s11 =	sadd.s32 @!p0 $0x4800, s5  }
0x20c: {  	[tilespmem:s12], [sflag:$0x1] =	stream.strided.gather @!p0 [hbm4b:s11+s6], $0x600, s10, s6, $0x38;
	[tilespmem:$0xF000] =	vst v63  }
0x20d: {  	s11 =	sadd.s32 @!p0 $0x9000, s5;
	s12 =	simm.s32 @!p0 $0xC00  }
0x20e: {  	[tilespmem:s12], [sflag:$0x1] =	stream.strided.gather @!p0 [hbm4b:s11+s6], $0x600, s10, s6, $0x38;
	[tilespmem:$0xF000] =	vst v63  }
0x20f: {  	s11 =	sadd.s32 @!p0 $0xD800, s5;
	s12 =	simm.s32 @!p0 $0x1200  }
0x210: {  	[tilespmem:s12], [sflag:$0x1] =	stream.strided.gather @!p0 [hbm4b:s11+s6], $0x600, s10, s6, $0x38;
	[tilespmem:$0xF000] =	vst v63  }
0x211: {  	s11 =	sadd.s32 @!p0 $0x12000, s5;
	s12 =	simm.s32 @!p0 $0x1800  }
0x212: {  	[tilespmem:s12], [sflag:$0x1] =	stream.strided.gather @!p0 [hbm4b:s11+s6], $0x600, s10, s6, $0x38;
	[tilespmem:$0xF000] =	vst v63  }
0x213: {  	s11 =	sadd.s32 @!p0 $0x16800, s5;
	s12 =	simm.s32 @!p0 $0x1E00  }
0x214: {  	[tilespmem:s12], [sflag:$0x1] =	stream.strided.gather @!p0 [hbm4b:s11+s6], $0x600, s10, s6, $0x38;
	[tilespmem:$0xF000] =	vst v63  }
0x215: {  	s11 =	sadd.s32 @!p0 $0x1B000, s5;
	s12 =	simm.s32 @!p0 $0x2400  }
0x216: {  	[tilespmem:s12], [sflag:$0x1] =	stream.strided.gather @!p0 [hbm4b:s11+s6], $0x600, s10, s6, $0x38;
	[tilespmem:$0xF000] =	vst v63  }
0x217: {  	s11 =	sadd.s32 @!p0 $0x1F800, s5;
	s12 =	simm.s32 @!p0 $0x2A00  }
0x218: {  	[tilespmem:s12], [sflag:$0x1] =	stream.strided.gather @!p0 [hbm4b:s11+s6], $0x600, s10, s6, $0x38;
	[tilespmem:$0xF000] =	vst v63  }
0x219: {  	s11 =	sadd.s32 @!p0 $0x24000, s5;
	s12 =	simm.s32 @!p0 $0x3000  }
0x21a: {  	[tilespmem:s12], [sflag:$0x1] =	stream.strided.gather @!p0 [hbm4b:s11+s6], $0x600, s10, s6, $0x38;
	[tilespmem:$0xF000] =	vst v63  }
0x21b: {  	s11 =	sadd.s32 @!p0 $0x28800, s5;
	s12 =	simm.s32 @!p0 $0x3600  }
0x21c: {  	[tilespmem:s12], [sflag:$0x1] =	stream.strided.gather @!p0 [hbm4b:s11+s6], $0x600, s10, s6, $0x38;
	[tilespmem:$0xF000] =	vst v63  }
0x21d: {  	s11 =	sadd.s32 @!p0 $0x2D000, s5;
	s12 =	simm.s32 @!p0 $0x3C00  }
0x21e: {  	[tilespmem:s12], [sflag:$0x1] =	stream.strided.gather @!p0 [hbm4b:s11+s6], $0x600, s10, s6, $0x38;
	[tilespmem:$0xF000] =	vst v63  }
0x21f: {  	s11 =	sadd.s32 @!p0 $0x31800, s5;
	s12 =	simm.s32 @!p0 $0x4200  }
0x220: {  	[tilespmem:s12], [sflag:$0x1] =	stream.strided.gather @!p0 [hbm4b:s11+s6], $0x600, s10, s6, $0x38;
	[tilespmem:$0xF000] =	vst v63  }
0x221: {  	s11 =	sadd.s32 @!p0 $0x36000, s5;
	s12 =	simm.s32 @!p0 $0x4800  }
0x222: {  	[tilespmem:s12], [sflag:$0x1] =	stream.strided.gather @!p0 [hbm4b:s11+s6], $0x600, s10, s6, $0x38;
	[tilespmem:$0xF000] =	vst v63  }
0x223: {  	s11 =	sadd.s32 @!p0 $0x3A800, s5;
	s12 =	simm.s32 @!p0 $0x4E00  }
0x224: {  	[tilespmem:s12], [sflag:$0x1] =	stream.strided.gather @!p0 [hbm4b:s11+s6], $0x600, s10, s6, $0x38;
	[tilespmem:$0xF000] =	vst v63  }
0x225: {  	s11 =	sadd.s32 @!p0 $0x3F000, s5;
	s12 =	simm.s32 @!p0 $0x5400  }
0x226: {  	[tilespmem:s12], [sflag:$0x1] =	stream.strided.gather @!p0 [hbm4b:s11+s6], $0x600, s10, s6, $0x38;
	[tilespmem:$0xF000] =	vst v63  }
0x227: {  	s13 =	simm.s32 $0x0;
	s12 =	simm.s32 $0x0  }
0x228: {  	s11 =	sand.u32 $0x6, s12;
	s12 =	smul.u32 $0x1800, s13  }
0x229: {  	s5 =	sadd.s32 @!p0 $0x43800, s5;
	s13 =	simm.s32 @!p0 $0x5A00;
	s11 =	smul.u32 $0x300, s11  }
0x22a: {  	[tilespmem:s13], [sflag:$0x1] =	stream.strided.gather @!p0 [hbm4b:s5+s6], $0x600, s10, s6, $0x38;
	[tilespmem:$0xF000] =	vst v63  }
0x22b: {  	s15 =	sshra.s32 s12, $0x2;
	s17 =	sshrl.u32 s11, $0x2  }
0x22c: {  	s12 =	sadd.s32 s17, s15  }
0x22d: {  	v14 =	vld [tilespmem:s12+$0x60C0];
	_ =	sdelay $0x4  }
0x22e: {  	v14 =	vmul.f32 $2.560000000e+02, v14;
	_ =	sdelay $0x1  }
0x22f: {  	v14 =	vtrunc.f32 v14  }
0x230: {  	v15 =	vld [tilespmem:s12+$0x6000];
	v14 =	vcvt.f32.s32 v14;
	_ =	sdelay $0x1  }
0x231: {  	v14 =	vadd.s32 v0, v14;
	_ =	sdelay $0x2  }
0x232: {  	v15 =	vmul.f32 $2.560000000e+02, v15;
	_ =	sdelay $0x1  }
0x233: {  	v15 =	vtrunc.f32 v15;
	[tilespmem:v14+s0+$0x0] =	vst.idx.add.f32.msk $0xffff, v2  }
0x234: {  	v14 =	vcvt.f32.s32 v15;
	v15 =	vld [tilespmem:s12+$0x60D0];
	_ =	sdelay $0x1  }
0x235: {  	v14 =	vadd.s32 v0, v14;
	_ =	sdelay $0x2  }
0x236: {  	v15 =	vmul.f32 $2.560000000e+02, v15;
	_ =	sdelay $0x1  }
0x237: {  	[tilespmem:v14+s0+$0x0] =	vst.idx.add.f32.msk $0xffff, v2;
	v14 =	vtrunc.f32 v15  }
0x238: {  	v15 =	vld [tilespmem:s12+$0x6010];
	v14 =	vcvt.f32.s32 v14;
	_ =	sdelay $0x1  }
0x239: {  	v14 =	vadd.s32 v3, v14;
	_ =	sdelay $0x2  }
0x23a: {  	v15 =	vmul.f32 $2.560000000e+02, v15;
	_ =	sdelay $0x1  }
0x23b: {  	v15 =	vtrunc.f32 v15;
	[tilespmem:v14+s0+$0x0] =	vst.idx.add.f32.msk $0xffff, v2  }
0x23c: {  	v14 =	vcvt.f32.s32 v15;
	v15 =	vld [tilespmem:s12+$0x60E0];
	_ =	sdelay $0x1  }
0x23d: {  	v14 =	vadd.s32 v3, v14;
	_ =	sdelay $0x2  }
0x23e: {  	v15 =	vmul.f32 $2.560000000e+02, v15;
	_ =	sdelay $0x1  }
0x23f: {  	[tilespmem:v14+s0+$0x0] =	vst.idx.add.f32.msk $0xffff, v2;
	v14 =	vtrunc.f32 v15  }
0x240: {  	s6 =	simm.s32 $0x2;
	s10 =	simm.s32 $0x0;
	v15 =	vld [tilespmem:s12+$0x6020];
	v14 =	vcvt.f32.s32 v14  }
0x241: {  	s5 =	sand.u32 $0x6, s6;
	s6 =	smul.u32 $0x1800, s10  }
0x242: {  	s5 =	smul.u32 $0x300, s5;
	v14 =	vadd.s32 v4, v14;
	_ =	sdelay $0x1  }
0x243: {  	s6 =	sshra.s32 s6, $0x2;
	s5 =	sshrl.u32 s5, $0x2  }
0x244: {  	s5 =	sadd.s32 s5, s6;
	v15 =	vmul.f32 $2.560000000e+02, v15  }
0x245: {  	v16 =	vld [tilespmem:s5+$0x60C0]  }
0x246: {  	v15 =	vtrunc.f32 v15;
	[tilespmem:v14+s0+$0x0] =	vst.idx.add.f32.msk $0xffff, v2  }
0x247: {  	v14 =	vcvt.f32.s32 v15;
	v15 =	vld [tilespmem:s12+$0x60F0];
	_ =	sdelay $0x1  }
0x248: {  	v14 =	vadd.s32 v4, v14  }
0x249: {  	v16 =	vmul.f32 $2.560000000e+02, v16;
	_ =	sdelay $0x1  }
0x24a: {  	v16 =	vtrunc.f32 v16;
	v15 =	vmul.f32 $2.560000000e+02, v15  }
0x24b: {  	v17 =	vld [tilespmem:s5+$0x6000];
	v16 =	vcvt.f32.s32 v16  }
0x24c: {  	[tilespmem:v14+s0+$0x0] =	vst.idx.add.f32.msk $0xffff, v2;
	v14 =	vtrunc.f32 v15  }
0x24d: {  	v16 =	vadd.s32 v0, v16;
	v15 =	vld [tilespmem:s12+$0x6030];
	v14 =	vcvt.f32.s32 v14;
	_ =	sdelay $0x1  }
0x24e: {  	v14 =	vadd.s32 v5, v14  }
0x24f: {  	v17 =	vmul.f32 $2.560000000e+02, v17;
	_ =	sdelay $0x1  }
0x250: {  	v17 =	vtrunc.f32 v17;
	[tilespmem:v16+s0+$0x0] =	vst.idx.add.f32.msk $0xffff, v2;
	v15 =	vmul.f32 $2.560000000e+02, v15  }
0x251: {  	v16 =	vcvt.f32.s32 v17;
	v17 =	vld [tilespmem:s5+$0x60D0]  }
0x252: {  	v15 =	vtrunc.f32 v15;
	[tilespmem:v14+s0+$0x0] =	vst.idx.add.f32.msk $0xffff, v2  }
0x253: {  	v14 =	vadd.s32 v0, v16;
	v15 =	vcvt.f32.s32 v15;
	v16 =	vld [tilespmem:s12+$0x6100];
	_ =	sdelay $0x1  }
0x254: {  	v15 =	vadd.s32 v5, v15  }
0x255: {  	v17 =	vmul.f32 $2.560000000e+02, v17;
	_ =	sdelay $0x1  }
0x256: {  	[tilespmem:v14+s0+$0x0] =	vst.idx.add.f32.msk $0xffff, v2;
	v14 =	vtrunc.f32 v17;
	v16 =	vmul.f32 $2.560000000e+02, v16  }
0x257: {  	v17 =	vld [tilespmem:s5+$0x6010];
	v14 =	vcvt.f32.s32 v14  }
0x258: {  	[tilespmem:v15+s0+$0x0] =	vst.idx.add.f32.msk $0xffff, v2;
	v15 =	vtrunc.f32 v16  }
0x259: {  	v14 =	vadd.s32 v3, v14;
	v16 =	vld [tilespmem:s12+$0x6040];
	v15 =	vcvt.f32.s32 v15;
	_ =	sdelay $0x1  }
0x25a: {  	v15 =	vadd.s32 v6, v15  }
0x25b: {  	v17 =	vmul.f32 $2.560000000e+02, v17;
	_ =	sdelay $0x1  }
0x25c: {  	v17 =	vtrunc.f32 v17;
	[tilespmem:v14+s0+$0x0] =	vst.idx.add.f32.msk $0xffff, v2;
	v14 =	vmul.f32 $2.560000000e+02, v16  }
0x25d: {  	v16 =	vcvt.f32.s32 v17;
	v17 =	vld [tilespmem:s5+$0x60E0]  }
0x25e: {  	v14 =	vtrunc.f32 v14;
	[tilespmem:v15+s0+$0x0] =	vst.idx.add.f32.msk $0xffff, v2  }
0x25f: {  	v15 =	vadd.s32 v3, v16;
	v14 =	vcvt.f32.s32 v14;
	v16 =	vld [tilespmem:s12+$0x6110];
	_ =	sdelay $0x1  }
0x260: {  	v14 =	vadd.s32 v6, v14  }
0x261: {  	v17 =	vmul.f32 $2.560000000e+02, v17;
	_ =	sdelay $0x1  }
0x262: {  	[tilespmem:v15+s0+$0x0] =	vst.idx.add.f32.msk $0xffff, v2;
	v15 =	vtrunc.f32 v17;
	v16 =	vmul.f32 $2.560000000e+02, v16  }
0x263: {  	s13 =	simm.s32 $0x0;
	s11 =	simm.s32 $0x4;
	v17 =	vld [tilespmem:s5+$0x6020];
	v15 =	vcvt.f32.s32 v15  }
0x264: {  	s10 =	smul.u32 $0x1800, s13;
	s6 =	sand.u32 $0x6, s11;
	[tilespmem:v14+s0+$0x0] =	vst.idx.add.f32.msk $0xffff, v2;
	v14 =	vtrunc.f32 v16  }
0x265: {  	s6 =	smul.u32 $0x300, s6;
	v16 =	vld [tilespmem:s12+$0x6050];
	v15 =	vadd.s32 v4, v15;
	v14 =	vcvt.f32.s32 v14;
	_ =	sdelay $0x1  }
0x266: {  	s10 =	sshra.s32 s10, $0x2;
	s6 =	sshrl.u32 s6, $0x2;
	v14 =	vadd.s32 v7, v14  }
0x267: {  	s6 =	sadd.s32 s6, s10;
	v17 =	vmul.f32 $2.560000000e+02, v17  }
0x268: {  	v18 =	vld [tilespmem:s6+$0x60C0]  }
0x269: {  	v16 =	vmul.f32 $2.560000000e+02, v16;
	v17 =	vtrunc.f32 v17;
	[tilespmem:v15+s0+$0x0] =	vst.idx.add.f32.msk $0xffff, v2  }
0x26a: {  	v15 =	vcvt.f32.s32 v17;
	v17 =	vld [tilespmem:s5+$0x60F0]  }
0x26b: {  	v16 =	vtrunc.f32 v16;
	[tilespmem:v14+s0+$0x0] =	vst.idx.add.f32.msk $0xffff, v2  }
0x26c: {  	v14 =	vcvt.f32.s32 v16;
	v15 =	vadd.s32 v4, v15;
	v16 =	vld [tilespmem:s12+$0x6120]  }
0x26d: {  	v18 =	vmul.f32 $2.560000000e+02, v18  }
0x26e: {  	v14 =	vadd.s32 v7, v14  }
0x26f: {  	v18 =	vtrunc.f32 v18;
	v17 =	vmul.f32 $2.560000000e+02, v17  }
0x270: {  	v19 =	vld [tilespmem:s6+$0x6000];
	v18 =	vcvt.f32.s32 v18  }
0x271: {  	[tilespmem:v15+s0+$0x0] =	vst.idx.add.f32.msk $0xffff, v2;
	v15 =	vtrunc.f32 v17;
	v16 =	vmul.f32 $2.560000000e+02, v16  }
0x272: {  	v18 =	vadd.s32 v0, v18;
	v17 =	vld [tilespmem:s5+$0x6030];
	v15 =	vcvt.f32.s32 v15  }
0x273: {  	[tilespmem:v14+s0+$0x0] =	vst.idx.add.f32.msk $0xffff, v2;
	v14 =	vtrunc.f32 v16  }
0x274: {  	v16 =	vld [tilespmem:s12+$0x6060];
	v15 =	vadd.s32 v5, v15;
	v14 =	vcvt.f32.s32 v14  }
0x275: {  	v19 =	vmul.f32 $2.560000000e+02, v19  }
0x276: {  	v14 =	vadd.s32 v8, v14  }
0x277: {  	v19 =	vtrunc.f32 v19;
	[tilespmem:v18+s0+$0x0] =	vst.idx.add.f32.msk $0xffff, v2;
	v17 =	vmul.f32 $2.560000000e+02, v17  }
0x278: {  	v18 =	vcvt.f32.s32 v19;
	v19 =	vld [tilespmem:s6+$0x60D0]  }
0x279: {  	v16 =	vmul.f32 $2.560000000e+02, v16;
	v17 =	vtrunc.f32 v17;
	[tilespmem:v15+s0+$0x0] =	vst.idx.add.f32.msk $0xffff, v2  }
0x27a: {  	v15 =	vadd.s32 v0, v18;
	v17 =	vcvt.f32.s32 v17;
	v18 =	vld [tilespmem:s5+$0x6100]  }
0x27b: {  	v16 =	vtrunc.f32 v16;
	[tilespmem:v14+s0+$0x0] =	vst.idx.add.f32.msk $0xffff, v2  }
0x27c: {  	v14 =	vcvt.f32.s32 v16;
	v16 =	vadd.s32 v5, v17;
	v17 =	vld [tilespmem:s12+$0x6130]  }
0x27d: {  	v19 =	vmul.f32 $2.560000000e+02, v19  }
0x27e: {  	v14 =	vadd.s32 v8, v14  }
0x27f: {  	[tilespmem:v15+s0+$0x0] =	vst.idx.add.f32.msk $0xffff, v2;
	v15 =	vtrunc.f32 v19;
	v18 =	vmul.f32 $2.560000000e+02, v18  }
0x280: {  	v19 =	vld [tilespmem:s6+$0x6010];
	v15 =	vcvt.f32.s32 v15  }
0x281: {  	[tilespmem:v16+s0+$0x0] =	vst.idx.add.f32.msk $0xffff, v2;
	v16 =	vtrunc.f32 v18;
	v17 =	vmul.f32 $2.560000000e+02, v17  }
0x282: {  	v15 =	vadd.s32 v3, v15;
	v18 =	vld [tilespmem:s5+$0x6040];
	v16 =	vcvt.f32.s32 v16  }
0x283: {  	[tilespmem:v14+s0+$0x0] =	vst.idx.add.f32.msk $0xffff, v2;
	v14 =	vtrunc.f32 v17  }
0x284: {  	v16 =	vadd.s32 v6, v16;
	v17 =	vld [tilespmem:s12+$0x6070];
	v14 =	vcvt.f32.s32 v14  }
0x285: {  	v19 =	vmul.f32 $2.560000000e+02, v19  }
0x286: {  	v14 =	vadd.s32 v9, v14  }
0x287: {  	v19 =	vtrunc.f32 v19;
	[tilespmem:v15+s0+$0x0] =	vst.idx.add.f32.msk $0xffff, v2;
	v15 =	vmul.f32 $2.560000000e+02, v18  }
0x288: {  	v18 =	vcvt.f32.s32 v19;
	v19 =	vld [tilespmem:s6+$0x60E0]  }
0x289: {  	v15 =	vtrunc.f32 v15;
	[tilespmem:v16+s0+$0x0] =	vst.idx.add.f32.msk $0xffff, v2;
	v16 =	vmul.f32 $2.560000000e+02, v17  }
0x28a: {  	v17 =	vadd.s32 v3, v18;
	v15 =	vcvt.f32.s32 v15;
	v18 =	vld [tilespmem:s5+$0x6110]  }
0x28b: {  	v16 =	vtrunc.f32 v16;
	[tilespmem:v14+s0+$0x0] =	vst.idx.add.f32.msk $0xffff, v2  }
0x28c: {  	v14 =	vadd.s32 v6, v15;
	v15 =	vcvt.f32.s32 v16;
	v16 =	vld [tilespmem:s12+$0x6140]  }
0x28d: {  	v19 =	vmul.f32 $2.560000000e+02, v19  }
0x28e: {  	v15 =	vadd.s32 v9, v15  }
0x28f: {  	[tilespmem:v17+s0+$0x0] =	vst.idx.add.f32.msk $0xffff, v2;
	v17 =	vtrunc.f32 v19;
	v18 =	vmul.f32 $2.560000000e+02, v18  }
0x290: {  	s15 =	simm.s32 $0x6;
	s17 =	simm.s32 $0x0;
	v19 =	vld [tilespmem:s6+$0x6020];
	v17 =	vcvt.f32.s32 v17  }
0x291: {  	s11 =	smul.u32 $0x1800, s17;
	s10 =	sand.u32 $0x6, s15;
	[tilespmem:v14+s0+$0x0] =	vst.idx.add.f32.msk $0xffff, v2;
	v14 =	vtrunc.f32 v18;
	v16 =	vmul.f32 $2.560000000e+02, v16  }
0x292: {  	s10 =	smul.u32 $0x300, s10;
	v17 =	vadd.s32 v4, v17;
	v18 =	vld [tilespmem:s5+$0x6050];
	v14 =	vcvt.f32.s32 v14  }
0x293: {  	[tilespmem:v15+s0+$0x0] =	vst.idx.add.f32.msk $0xffff, v2;
	v15 =	vtrunc.f32 v16  }
0x294: {  	s11 =	sshra.s32 s11, $0x2;
	s10 =	sshrl.u32 s10, $0x2;
	v16 =	vld [tilespmem:s12+$0x6080];
	v14 =	vadd.s32 v7, v14;
	v15 =	vcvt.f32.s32 v15  }
0x295: {  	s10 =	sadd.s32 s10, s11;
	v19 =	vmul.f32 $2.560000000e+02, v19  }
0x296: {  	v20 =	vld [tilespmem:s10+$0x60C0];
	v15 =	vadd.s32 v10, v15  }
0x297: {  	v19 =	vtrunc.f32 v19;
	[tilespmem:v17+s0+$0x0] =	vst.idx.add.f32.msk $0xffff, v2;
	v18 =	vmul.f32 $2.560000000e+02, v18  }
0x298: {  	s13 =	simm.s32 $0x1;
	s15 =	simm.s32 $0x8;
	v17 =	vcvt.f32.s32 v19;
	v19 =	vld [tilespmem:s6+$0x60F0]  }
0x299: {  	s17 =	sand.u32 $0x6, s15;
	s11 =	smul.u32 $0x1800, s13;
	v18 =	vtrunc.f32 v18;
	[tilespmem:v14+s0+$0x0] =	vst.idx.add.f32.msk $0xffff, v2;
	v14 =	vmul.f32 $2.560000000e+02, v16  }
0x29a: {  	s13 =	smul.u32 $0x300, s17;
	v17 =	vadd.s32 v4, v17;
	v16 =	vcvt.f32.s32 v18;
	v18 =	vld [tilespmem:s5+$0x6120]  }
0x29b: {  	v14 =	vtrunc.f32 v14;
	[tilespmem:v15+s0+$0x0] =	vst.idx.add.f32.msk $0xffff, v2;
	v15 =	vmul.f32 $2.560000000e+02, v20  }
0x29c: {  	s11 =	sshra.s32 s11, $0x2;
	s13 =	sshrl.u32 s13, $0x2;
	v16 =	vadd.s32 v7, v16;
	v14 =	vcvt.f32.s32 v14;
	v20 =	vld [tilespmem:s12+$0x6150]  }
0x29d: {  	v21 =	vld [tilespmem:s10+$0x6000];
	s11 =	sadd.s32 s13, s11;
	v19 =	vmul.f32 $2.560000000e+02, v19;
	v15 =	vtrunc.f32 v15  }
0x29e: {  	v22 =	vld [tilespmem:s11+$0x60C0];
	v14 =	vadd.s32 v10, v14;
	v15 =	vcvt.f32.s32 v15  }
0x29f: {  	[tilespmem:v17+s0+$0x0] =	vst.idx.add.f32.msk $0xffff, v2;
	v17 =	vtrunc.f32 v19;
	v18 =	vmul.f32 $2.560000000e+02, v18  }
0x2a0: {  	v19 =	vld [tilespmem:s6+$0x6030];
	v17 =	vcvt.f32.s32 v17;
	v15 =	vadd.s32 v0, v15  }
0x2a1: {  	[tilespmem:v16+s0+$0x0] =	vst.idx.add.f32.msk $0xffff, v2;
	v16 =	vtrunc.f32 v18;
	v18 =	vmul.f32 $2.560000000e+02, v20  }
0x2a2: {  	v17 =	vadd.s32 v5, v17;
	v20 =	vld [tilespmem:s5+$0x6060];
	v16 =	vcvt.f32.s32 v16  }
0x2a3: {  	v21 =	vmul.f32 $2.560000000e+02, v21;
	[tilespmem:v14+s0+$0x0] =	vst.idx.add.f32.msk $0xffff, v2;
	v14 =	vtrunc.f32 v18  }
0x2a4: {  	v18 =	vld [tilespmem:s12+$0x6090];
	v16 =	vadd.s32 v8, v16;
	v14 =	vcvt.f32.s32 v14  }
0x2a5: {  	v21 =	vtrunc.f32 v21;
	[tilespmem:v15+s0+$0x0] =	vst.idx.add.f32.msk $0xffff, v2;
	v15 =	vmul.f32 $2.560000000e+02, v19  }
0x2a6: {  	v19 =	vcvt.f32.s32 v21;
	v21 =	vld [tilespmem:s10+$0x60D0];
	v14 =	vadd.s32 v11, v14  }
0x2a7: {  	[tilespmem:v17+s0+$0x0] =	vst.idx.add.f32.msk $0xffff, v2;
	v20 =	vmul.f32 $2.560000000e+02, v20;
	v15 =	vtrunc.f32 v15  }
0x2a8: {  	v17 =	vadd.s32 v0, v19;
	v19 =	vld [tilespmem:s6+$0x6100];
	v15 =	vcvt.f32.s32 v15  }
0x2a9: {  	v20 =	vtrunc.f32 v20;
	[tilespmem:v16+s0+$0x0] =	vst.idx.add.f32.msk $0xffff, v2;
	v16 =	vmul.f32 $2.560000000e+02, v18  }
0x2aa: {  	v18 =	vcvt.f32.s32 v20;
	v20 =	vld [tilespmem:s5+$0x6130];
	v15 =	vadd.s32 v5, v15  }
0x2ab: {  	v16 =	vtrunc.f32 v16;
	v21 =	vmul.f32 $2.560000000e+02, v21;
	[tilespmem:v14+s0+$0x0] =	vst.idx.add.f32.msk $0xffff, v2  }
0x2ac: {  	v14 =	vadd.s32 v8, v18;
	v16 =	vcvt.f32.s32 v16;
	v18 =	vld [tilespmem:s12+$0x6160]  }
0x2ad: {  	[tilespmem:v17+s0+$0x0] =	vst.idx.add.f32.msk $0xffff, v2;
	v19 =	vmul.f32 $2.560000000e+02, v19;
	v17 =	vtrunc.f32 v21  }
0x2ae: {  	v21 =	vld [tilespmem:s10+$0x6010];
	v16 =	vadd.s32 v11, v16;
	v17 =	vcvt.f32.s32 v17  }
0x2af: {  	[tilespmem:v15+s0+$0x0] =	vst.idx.add.f32.msk $0xffff, v2;
	v15 =	vtrunc.f32 v19;
	v19 =	vmul.f32 $2.560000000e+02, v20  }
0x2b0: {  	v17 =	vadd.s32 v3, v17;
	v20 =	vld [tilespmem:s6+$0x6040];
	v15 =	vcvt.f32.s32 v15  }
0x2b1: {  	[tilespmem:v14+s0+$0x0] =	vst.idx.add.f32.msk $0xffff, v2;
	v14 =	vtrunc.f32 v19;
	v18 =	vmul.f32 $2.560000000e+02, v18  }
0x2b2: {  	v19 =	vld [tilespmem:s5+$0x6070];
	v15 =	vadd.s32 v6, v15;
	v14 =	vcvt.f32.s32 v14  }
0x2b3: {  	v21 =	vmul.f32 $2.560000000e+02, v21;
	[tilespmem:v16+s0+$0x0] =	vst.idx.add.f32.msk $0xffff, v2;
	v16 =	vtrunc.f32 v18  }
0x2b4: {  	v18 =	vld [tilespmem:s12+$0x60A0];
	v14 =	vadd.s32 v9, v14;
	v16 =	vcvt.f32.s32 v16  }
0x2b5: {  	v21 =	vtrunc.f32 v21;
	[tilespmem:v17+s0+$0x0] =	vst.idx.add.f32.msk $0xffff, v2;
	v17 =	vmul.f32 $2.560000000e+02, v20  }
0x2b6: {  	v20 =	vcvt.f32.s32 v21;
	v21 =	vld [tilespmem:s10+$0x60E0];
	v16 =	vadd.s32 v12, v16  }
0x2b7: {  	v17 =	vtrunc.f32 v17;
	[tilespmem:v15+s0+$0x0] =	vst.idx.add.f32.msk $0xffff, v2;
	v15 =	vmul.f32 $2.560000000e+02, v19  }
0x2b8: {  	v19 =	vadd.s32 v3, v20;
	v17 =	vcvt.f32.s32 v17;
	v20 =	vld [tilespmem:s6+$0x6110]  }
0x2b9: {  	v15 =	vtrunc.f32 v15;
	[tilespmem:v14+s0+$0x0] =	vst.idx.add.f32.msk $0xffff, v2;
	v14 =	vmul.f32 $2.560000000e+02, v18  }
0x2ba: {  	v17 =	vadd.s32 v6, v17;
	v15 =	vcvt.f32.s32 v15;
	v18 =	vld [tilespmem:s5+$0x6140]  }
0x2bb: {  	v14 =	vtrunc.f32 v14;
	[tilespmem:v16+s0+$0x0] =	vst.idx.add.f32.msk $0xffff, v2;
	v16 =	vmul.f32 $2.560000000e+02, v21  }
0x2bc: {  	v15 =	vadd.s32 v9, v15;
	v14 =	vcvt.f32.s32 v14;
	v21 =	vld [tilespmem:s12+$0x6170]  }
0x2bd: {  	[tilespmem:v19+s0+$0x0] =	vst.idx.add.f32.msk $0xffff, v2;
	v16 =	vtrunc.f32 v16;
	v20 =	vmul.f32 $2.560000000e+02, v20  }
0x2be: {  	v19 =	vld [tilespmem:s10+$0x6020];
	v14 =	vadd.s32 v12, v14;
	v16 =	vcvt.f32.s32 v16  }
0x2bf: {  	[tilespmem:v17+s0+$0x0] =	vst.idx.add.f32.msk $0xffff, v2;
	v20 =	vtrunc.f32 v20;
	v18 =	vmul.f32 $2.560000000e+02, v18  }
0x2c0: {  	v17 =	vld [tilespmem:s6+$0x6050];
	v16 =	vadd.s32 v4, v16;
	v20 =	vcvt.f32.s32 v20  }
0x2c1: {  	[tilespmem:v15+s0+$0x0] =	vst.idx.add.f32.msk $0xffff, v2;
	v15 =	vmul.f32 $2.560000000e+02, v21;
	v18 =	vtrunc.f32 v18  }
0x2c2: {  	v21 =	vld [tilespmem:s5+$0x6080];
	v20 =	vadd.s32 v7, v20;
	v18 =	vcvt.f32.s32 v18  }
0x2c3: {  	[tilespmem:v14+s0+$0x0] =	vst.idx.add.f32.msk $0xffff, v2;
	v14 =	vtrunc.f32 v15;
	v15 =	vmul.f32 $2.560000000e+02, v19  }
0x2c4: {  	v19 =	vld [tilespmem:s12+$0x60B0];
	v14 =	vcvt.f32.s32 v14;
	v18 =	vadd.s32 v10, v18  }
0x2c5: {  	v17 =	vmul.f32 $2.560000000e+02, v17;
	v15 =	vtrunc.f32 v15;
	[tilespmem:v16+s0+$0x0] =	vst.idx.add.f32.msk $0xffff, v2  }
0x2c6: {  	v14 =	vadd.s32 v13, v14;
	v15 =	vcvt.f32.s32 v15;
	v16 =	vld [tilespmem:s10+$0x60F0]  }
0x2c7: {  	v17 =	vtrunc.f32 v17;
	[tilespmem:v20+s0+$0x0] =	vst.idx.add.f32.msk $0xffff, v2;
	v20 =	vmul.f32 $2.560000000e+02, v21  }
0x2c8: {  	v17 =	vcvt.f32.s32 v17;
	v15 =	vadd.s32 v4, v15;
	v21 =	vld [tilespmem:s6+$0x6120]  }
0x2c9: {  	v20 =	vtrunc.f32 v20;
	[tilespmem:v18+s0+$0x0] =	vst.idx.add.f32.msk $0xffff, v2;
	v18 =	vmul.f32 $2.560000000e+02, v22  }
0x2ca: {  	v17 =	vadd.s32 v7, v17;
	v20 =	vcvt.f32.s32 v20;
	v22 =	vld [tilespmem:s5+$0x6150]  }
0x2cb: {  	[tilespmem:v14+s0+$0x0] =	vst.idx.add.f32.msk $0xffff, v2;
	v14 =	vtrunc.f32 v18;
	v16 =	vmul.f32 $2.560000000e+02, v16  }
0x2cc: {  	v18 =	vld [tilespmem:s11+$0x6000];
	v20 =	vadd.s32 v10, v20;
	v14 =	vcvt.f32.s32 v14  }
0x2cd: {  	[tilespmem:v15+s0+$0x0] =	vst.idx.add.f32.msk $0xffff, v2;
	v15 =	vtrunc.f32 v16;
	v16 =	vmul.f32 $2.560000000e+02, v21  }
0x2ce: {  	v21 =	vld [tilespmem:s10+$0x6030];
	v14 =	vadd.s32 v0, v14;
	v15 =	vcvt.f32.s32 v15  }
0x2cf: {  	[tilespmem:v17+s0+$0x0] =	vst.idx.add.f32.msk $0xffff, v2;
	v16 =	vtrunc.f32 v16;
	v17 =	vmul.f32 $2.560000000e+02, v22  }
0x2d0: {  	v22 =	vld [tilespmem:s6+$0x6060];
	v15 =	vadd.s32 v5, v15;
	v16 =	vcvt.f32.s32 v16  }
0x2d1: {  	v18 =	vmul.f32 $2.560000000e+02, v18;
	[tilespmem:v20+s0+$0x0] =	vst.idx.add.f32.msk $0xffff, v2;
	v17 =	vtrunc.f32 v17  }
0x2d2: {  	v20 =	vld [tilespmem:s5+$0x6090];
	v16 =	vadd.s32 v8, v16;
	v17 =	vcvt.f32.s32 v17  }
0x2d3: {  	v18 =	vtrunc.f32 v18;
	[tilespmem:v14+s0+$0x0] =	vst.idx.add.f32.msk $0xffff, v2;
	v14 =	vmul.f32 $2.560000000e+02, v21  }
0x2d4: {  	v18 =	vcvt.f32.s32 v18;
	v21 =	vld [tilespmem:s11+$0x60D0];
	v17 =	vadd.s32 v11, v17  }
0x2d5: {  	v22 =	vmul.f32 $2.560000000e+02, v22;
	v14 =	vtrunc.f32 v14;
	[tilespmem:v15+s0+$0x0] =	vst.idx.add.f32.msk $0xffff, v2  }
0x2d6: {  	v15 =	vadd.s32 v0, v18;
	v14 =	vcvt.f32.s32 v14;
	v18 =	vld [tilespmem:s10+$0x6100]  }
0x2d7: {  	v22 =	vtrunc.f32 v22;
	[tilespmem:v16+s0+$0x0] =	vst.idx.add.f32.msk $0xffff, v2;
	v16 =	vmul.f32 $2.560000000e+02, v20  }
0x2d8: {  	v20 =	vcvt.f32.s32 v22;
	v14 =	vadd.s32 v5, v14;
	v22 =	vld [tilespmem:s6+$0x6130]  }
0x2d9: {  	v21 =	vmul.f32 $2.560000000e+02, v21;
	v16 =	vtrunc.f32 v16;
	[tilespmem:v17+s0+$0x0] =	vst.idx.add.f32.msk $0xffff, v2  }
0x2da: {  	v17 =	vadd.s32 v8, v20;
	v16 =	vcvt.f32.s32 v16;
	v20 =	vld [tilespmem:s5+$0x6160]  }
0x2db: {  	[tilespmem:v15+s0+$0x0] =	vst.idx.add.f32.msk $0xffff, v2;
	v15 =	vtrunc.f32 v21;
	v18 =	vmul.f32 $2.560000000e+02, v18  }
0x2dc: {  	v21 =	vld [tilespmem:s11+$0x6010];
	v15 =	vcvt.f32.s32 v15;
	v16 =	vadd.s32 v11, v16  }
0x2dd: {  	[tilespmem:v14+s0+$0x0] =	vst.idx.add.f32.msk $0xffff, v2;
	v14 =	vtrunc.f32 v18;
	v18 =	vmul.f32 $2.560000000e+02, v22  }
0x2de: {  	v15 =	vadd.s32 v3, v15;
	v22 =	vld [tilespmem:s10+$0x6040];
	v14 =	vcvt.f32.s32 v14  }
0x2df: {  	[tilespmem:v17+s0+$0x0] =	vst.idx.add.f32.msk $0xffff, v2;
	v17 =	vtrunc.f32 v18;
	v18 =	vmul.f32 $2.560000000e+02, v20  }
0x2e0: {  	v14 =	vadd.s32 v6, v14;
	v20 =	vld [tilespmem:s6+$0x6070];
	v17 =	vcvt.f32.s32 v17  }
0x2e1: {  	v21 =	vmul.f32 $2.560000000e+02, v21;
	[tilespmem:v16+s0+$0x0] =	vst.idx.add.f32.msk $0xffff, v2;
	v16 =	vtrunc.f32 v18  }
0x2e2: {  	v19 =	vmul.f32 $2.560000000e+02, v19;
	v17 =	vadd.s32 v9, v17;
	v18 =	vld [tilespmem:s5+$0x60A0];
	v16 =	vcvt.f32.s32 v16  }
0x2e3: {  	v21 =	vtrunc.f32 v21;
	[tilespmem:v15+s0+$0x0] =	vst.idx.add.f32.msk $0xffff, v2;
	v15 =	vmul.f32 $2.560000000e+02, v22  }
0x2e4: {  	v23 =	vtrunc.f32 v19;
	v21 =	vcvt.f32.s32 v21;
	v22 =	vld [tilespmem:s11+$0x60E0];
	v16 =	vadd.s32 v12, v16  }
0x2e5: {  	[tilespmem:v14+s0+$0x0] =	vst.idx.add.f32.msk $0xffff, v2;
	v14 =	vtrunc.f32 v15;
	v15 =	vmul.f32 $2.560000000e+02, v20  }
0x2e6: {  	v24 =	vadd.s32 v3, v21;
	v20 =	vcvt.f32.s32 v23;
	v19 =	vld [tilespmem:s10+$0x6110];
	v21 =	vcvt.f32.s32 v14  }
0x2e7: {  	[tilespmem:v17+s0+$0x0] =	vst.idx.add.f32.msk $0xffff, v2;
	v14 =	vtrunc.f32 v15;
	v15 =	vmul.f32 $2.560000000e+02, v18  }
0x2e8: {  	v17 =	vld [tilespmem:s6+$0x6140];
	v18 =	vcvt.f32.s32 v14;
	v14 =	vadd.s32 v13, v20;
	v20 =	vadd.s32 v6, v21  }
0x2e9: {  	[tilespmem:v16+s0+$0x0] =	vst.idx.add.f32.msk $0xffff, v2;
	v16 =	vtrunc.f32 v15  }
0x2ea: {  	v21 =	vmul.f32 $2.560000000e+02, v22;
	v15 =	vld [tilespmem:s5+$0x6170];
	v18 =	vadd.s32 v9, v18;
	v16 =	vcvt.f32.s32 v16  }
0x2eb: {  	[tilespmem:v24+s0+$0x0] =	vst.idx.add.f32.msk $0xffff, v2  }
.LBB2_7:
0x2ec: {  	s15 =	sadd.s32 $0x2, s15;
	v22 =	vld [tilespmem:s11+$0x6020];
	v21 =	vtrunc.f32 v21;
	v19 =	vmul.f32 $2.560000000e+02, v19;
	v16 =	vadd.s32 v12, v16  }
0x2ed: {  	s12 =	sshrl.u32 s15, $0x3;
	p0 =	slt.u32 s15, $0x7E;
	v21 =	vcvt.f32.s32 v21;
	[tilespmem:v20+s0+$0x0] =	vst.idx.add.f32.msk $0xffff, v2  }
0x2ee: {  	s13 =	sand.u32 $0x6, s15;
	v17 =	vmul.f32 $2.560000000e+02, v17;
	s12 =	smul.u32 $0x1800, s12;
	v20 =	vld [tilespmem:s10+$0x6050];
	v19 =	vtrunc.f32 v19  }
0x2ef: {  	s13 =	smul.u32 $0x300, s13;
	v21 =	vadd.s32 v4, v21;
	v19 =	vcvt.f32.s32 v19;
	[tilespmem:v18+s0+$0x0] =	vst.idx.add.f32.msk $0xffff, v2;
	v15 =	vmul.f32 $2.560000000e+02, v15  }
0x2f0: {  	v17 =	vtrunc.f32 v17;
	v18 =	vld [tilespmem:s6+$0x6080]  }
0x2f1: {  	s12 =	sshra.s32 s12, $0x2;
	s13 =	sshrl.u32 s13, $0x2;
	v17 =	vcvt.f32.s32 v17;
	v19 =	vadd.s32 v7, v19;
	[tilespmem:v16+s0+$0x0] =	vst.idx.add.f32.msk $0xffff, v2;
	v15 =	vtrunc.f32 v15  }
0x2f2: {  	s12 =	sadd.s32 s13, s12;
	v16 =	vmul.f32 $2.560000000e+02, v22;
	v22 =	vld [tilespmem:s5+$0x60B0];
	v15 =	vcvt.f32.s32 v15;
	s5 =	smov.u32 s6;
	s6 =	smov.u32 s10  }
0x2f3: {  	v17 =	vadd.s32 v10, v17;
	s10 =	smov.u32 s11;
	s11 =	smov.u32 s12;
	v23 =	vld [tilespmem:s12+$0x60C0];
	v20 =	vmul.f32 $2.560000000e+02, v20  }
0x2f4: {  	v16 =	vtrunc.f32 v16;
	[tilespmem:v21+s0+$0x0] =	vst.idx.add.f32.msk $0xffff, v2;
	v15 =	vadd.s32 v13, v15  }
0x2f5: {  	v16 =	vcvt.f32.s32 v16;
	v21 =	vld [tilespmem:s10+$0x60F0];
	v20 =	vtrunc.f32 v20  }
0x2f6: {  	v18 =	vmul.f32 $2.560000000e+02, v18;
	v20 =	vcvt.f32.s32 v20;
	[tilespmem:v19+s0+$0x0] =	vst.idx.add.f32.msk $0xffff, v2  }
0x2f7: {  	v16 =	vadd.s32 v4, v16;
	v19 =	vld [tilespmem:s6+$0x6120];
	v22 =	vmul.f32 $2.560000000e+02, v22  }
0x2f8: {  	v18 =	vtrunc.f32 v18;
	v20 =	vadd.s32 v7, v20;
	[tilespmem:v17+s0+$0x0] =	vst.idx.add.f32.msk $0xffff, v2  }
0x2f9: {  	v17 =	vmul.f32 $2.560000000e+02, v23;
	v18 =	vcvt.f32.s32 v18;
	[tilespmem:v15+s0+$0x0] =	vst.idx.add.f32.msk $0xffff, v2  }
0x2fa: {  	v22 =	vtrunc.f32 v22;
	v15 =	vld [tilespmem:s5+$0x6150]  }
0x2fb: {  	v17 =	vtrunc.f32 v17;
	v21 =	vmul.f32 $2.560000000e+02, v21;
	v18 =	vadd.s32 v10, v18;
	v23 =	vld [tilespmem:s11+$0x6000]  }
0x2fc: {  	v17 =	vcvt.f32.s32 v17;
	[tilespmem:v16+s0+$0x0] =	vst.idx.add.f32.msk $0xffff, v2;
	v16 =	vcvt.f32.s32 v22  }
0x2fd: {  	v21 =	vtrunc.f32 v21;
	v19 =	vmul.f32 $2.560000000e+02, v19;
	v22 =	vld [tilespmem:s10+$0x6030]  }
0x2fe: {  	v17 =	vadd.s32 v0, v17;
	v21 =	vcvt.f32.s32 v21;
	[tilespmem:v20+s0+$0x0] =	vst.idx.add.f32.msk $0xffff, v2;
	v16 =	vadd.s32 v13, v16  }
0x2ff: {  	v19 =	vtrunc.f32 v19;
	v20 =	vld [tilespmem:s6+$0x6060];
	v15 =	vmul.f32 $2.560000000e+02, v15  }
0x300: {  	v21 =	vadd.s32 v5, v21;
	v19 =	vcvt.f32.s32 v19;
	v23 =	vmul.f32 $2.560000000e+02, v23;
	[tilespmem:v18+s0+$0x0] =	vst.idx.add.f32.msk $0xffff, v2  }
0x301: {  	v18 =	vld [tilespmem:s5+$0x6090];
	v15 =	vtrunc.f32 v15  }
0x302: {  	v19 =	vadd.s32 v8, v19;
	v23 =	vtrunc.f32 v23;
	v15 =	vcvt.f32.s32 v15;
	[tilespmem:v14+s0+$0x0] =	vst.idx.add.f32.msk $0xffff, v2;
	v14 =	vmovc v16  }
0x303: {  	v16 =	vcvt.f32.s32 v23;
	[tilespmem:v17+s0+$0x0] =	vst.idx.add.f32.msk $0xffff, v2;
	v17 =	vmul.f32 $2.560000000e+02, v22  }
0x304: {  	v22 =	vld [tilespmem:s11+$0x60D0];
	v20 =	vmul.f32 $2.560000000e+02, v20;
	v15 =	vadd.s32 v11, v15  }
0x305: {  	v16 =	vadd.s32 v0, v16;
	v17 =	vtrunc.f32 v17;
	[tilespmem:v21+s0+$0x0] =	vst.idx.add.f32.msk $0xffff, v2  }
0x306: {  	v17 =	vcvt.f32.s32 v17;
	v21 =	vld [tilespmem:s10+$0x6100];
	v20 =	vtrunc.f32 v20  }
0x307: {  	v18 =	vmul.f32 $2.560000000e+02, v18;
	v20 =	vcvt.f32.s32 v20;
	[tilespmem:v19+s0+$0x0] =	vst.idx.add.f32.msk $0xffff, v2  }
0x308: {  	v17 =	vadd.s32 v5, v17;
	v19 =	vld [tilespmem:s6+$0x6130]  }
0x309: {  	v18 =	vtrunc.f32 v18;
	v22 =	vmul.f32 $2.560000000e+02, v22;
	v20 =	vadd.s32 v8, v20;
	[tilespmem:v15+s0+$0x0] =	vst.idx.add.f32.msk $0xffff, v2  }
0x30a: {  	v15 =	vcvt.f32.s32 v18;
	v18 =	vld [tilespmem:s5+$0x6160]  }
0x30b: {  	[tilespmem:v16+s0+$0x0] =	vst.idx.add.f32.msk $0xffff, v2;
	v16 =	vtrunc.f32 v22;
	v21 =	vmul.f32 $2.560000000e+02, v21  }
0x30c: {  	v15 =	vadd.s32 v11, v15;
	v22 =	vld [tilespmem:s11+$0x6010];
	v16 =	vcvt.f32.s32 v16  }
0x30d: {  	[tilespmem:v17+s0+$0x0] =	vst.idx.add.f32.msk $0xffff, v2;
	v17 =	vtrunc.f32 v21;
	v19 =	vmul.f32 $2.560000000e+02, v19  }
0x30e: {  	v16 =	vadd.s32 v3, v16;
	v21 =	vld [tilespmem:s10+$0x6040];
	v17 =	vcvt.f32.s32 v17  }
0x30f: {  	[tilespmem:v20+s0+$0x0] =	vst.idx.add.f32.msk $0xffff, v2;
	v19 =	vtrunc.f32 v19;
	v18 =	vmul.f32 $2.560000000e+02, v18  }
0x310: {  	v17 =	vadd.s32 v6, v17;
	v20 =	vld [tilespmem:s6+$0x6070];
	v19 =	vcvt.f32.s32 v19  }
0x311: {  	v22 =	vmul.f32 $2.560000000e+02, v22;
	[tilespmem:v15+s0+$0x0] =	vst.idx.add.f32.msk $0xffff, v2;
	v15 =	vtrunc.f32 v18  }
0x312: {  	v18 =	vadd.s32 v9, v19;
	v23 =	vld [tilespmem:s5+$0x60A0];
	v15 =	vcvt.f32.s32 v15  }
0x313: {  	v19 =	vtrunc.f32 v22;
	[tilespmem:v16+s0+$0x0] =	vst.idx.add.f32.msk $0xffff, v2;
	v16 =	vmul.f32 $2.560000000e+02, v21  }
0x314: {  	v19 =	vcvt.f32.s32 v19;
	v21 =	vld [tilespmem:s11+$0x60E0];
	v15 =	vadd.s32 v12, v15  }
0x315: {  	v16 =	vtrunc.f32 v16;
	[tilespmem:v17+s0+$0x0] =	vst.idx.add.f32.msk $0xffff, v2;
	v17 =	vmul.f32 $2.560000000e+02, v20  }
0x316: {  	v22 =	vadd.s32 v3, v19;
	v16 =	vcvt.f32.s32 v16;
	v19 =	vld [tilespmem:s10+$0x6110]  }
.Ltmp2:
0x317: {  	v17 =	vtrunc.f32 v17;
	[tilespmem:v18+s0+$0x0] =	vst.idx.add.f32.msk $0xffff, v2;
	v18 =	vmul.f32 $2.560000000e+02, v23;
	(pc) =	sbr.rel @p0 .LBB2_7-.Ltmp2, $4  }
0x318: {  	v20 =	vadd.s32 v6, v16;
	v16 =	vcvt.f32.s32 v17;
	v17 =	vld [tilespmem:s6+$0x6140]  }
0x319: {  	v23 =	vtrunc.f32 v18;
	[tilespmem:v15+s0+$0x0] =	vst.idx.add.f32.msk $0xffff, v2  }
0x31a: {  	v21 =	vmul.f32 $2.560000000e+02, v21;
	v18 =	vadd.s32 v9, v16;
	v16 =	vcvt.f32.s32 v23;
	v15 =	vld [tilespmem:s5+$0x6170]  }
0x31b: {  	[tilespmem:v22+s0+$0x0] =	vst.idx.add.f32.msk $0xffff, v2  }
0x31c: {  	v22 =	vld [tilespmem:s11+$0x6020];
	_ =	sdelay $0x4  }
0x31d: {  	v21 =	vtrunc.f32 v21;
	v22 =	vmul.f32 $2.560000000e+02, v22  }
0x31e: {  	v21 =	vcvt.f32.s32 v21  }
0x31f: {  	v22 =	vtrunc.f32 v22  }
0x320: {  	v21 =	vadd.s32 v4, v21;
	v22 =	vcvt.f32.s32 v22;
	_ =	sdelay $0x1  }
0x321: {  	v22 =	vadd.s32 v4, v22;
	_ =	sdelay $0x2  }
0x322: {  	[tilespmem:v21+s0+$0x0] =	vst.idx.add.f32.msk $0xffff, v2  }
0x323: {  	v21 =	vld [tilespmem:s11+$0x60F0]  }
0x324: {  	[tilespmem:v22+s0+$0x0] =	vst.idx.add.f32.msk $0xffff, v2  }
0x325: {  	v22 =	vld [tilespmem:s11+$0x6030];
	_ =	sdelay $0x2  }
0x326: {  	v21 =	vmul.f32 $2.560000000e+02, v21;
	_ =	sdelay $0x1  }
0x327: {  	v21 =	vtrunc.f32 v21;
	v22 =	vmul.f32 $2.560000000e+02, v22  }
0x328: {  	v21 =	vcvt.f32.s32 v21  }
0x329: {  	v22 =	vtrunc.f32 v22  }
0x32a: {  	v21 =	vadd.s32 v5, v21;
	v22 =	vcvt.f32.s32 v22;
	_ =	sdelay $0x1  }
0x32b: {  	v22 =	vadd.s32 v5, v22;
	_ =	sdelay $0x2  }
0x32c: {  	[tilespmem:v21+s0+$0x0] =	vst.idx.add.f32.msk $0xffff, v2  }
0x32d: {  	v21 =	vld [tilespmem:s11+$0x6100]  }
0x32e: {  	[tilespmem:v22+s0+$0x0] =	vst.idx.add.f32.msk $0xffff, v2  }
0x32f: {  	v22 =	vld [tilespmem:s11+$0x6040];
	_ =	sdelay $0x2  }
0x330: {  	v21 =	vmul.f32 $2.560000000e+02, v21  }
0x331: {  	[tilespmem:v20+s0+$0x0] =	vst.idx.add.f32.msk $0xffff, v2  }
0x332: {  	v20 =	vld [tilespmem:s10+$0x6050];
	v21 =	vtrunc.f32 v21;
	v22 =	vmul.f32 $2.560000000e+02, v22  }
0x333: {  	v21 =	vcvt.f32.s32 v21  }
0x334: {  	v22 =	vtrunc.f32 v22  }
0x335: {  	v19 =	vmul.f32 $2.560000000e+02, v19;
	v21 =	vadd.s32 v6, v21;
	v22 =	vcvt.f32.s32 v22;
	_ =	sdelay $0x1  }
0x336: {  	v19 =	vtrunc.f32 v19;
	v20 =	vmul.f32 $2.560000000e+02, v20;
	v22 =	vadd.s32 v6, v22  }
0x337: {  	v19 =	vcvt.f32.s32 v19  }
0x338: {  	v20 =	vtrunc.f32 v20  }
0x339: {  	v19 =	vadd.s32 v7, v19;
	v20 =	vcvt.f32.s32 v20;
	[tilespmem:v21+s0+$0x0] =	vst.idx.add.f32.msk $0xffff, v2  }
0x33a: {  	v21 =	vld [tilespmem:s11+$0x6110]  }
0x33b: {  	v20 =	vadd.s32 v7, v20;
	[tilespmem:v22+s0+$0x0] =	vst.idx.add.f32.msk $0xffff, v2  }
0x33c: {  	v22 =	vld [tilespmem:s11+$0x6050];
	_ =	sdelay $0x1  }
0x33d: {  	[tilespmem:v19+s0+$0x0] =	vst.idx.add.f32.msk $0xffff, v2  }
0x33e: {  	v19 =	vld [tilespmem:s10+$0x6120];
	v21 =	vmul.f32 $2.560000000e+02, v21  }
0x33f: {  	[tilespmem:v20+s0+$0x0] =	vst.idx.add.f32.msk $0xffff, v2  }
0x340: {  	v20 =	vld [tilespmem:s10+$0x6060];
	v21 =	vtrunc.f32 v21;
	v22 =	vmul.f32 $2.560000000e+02, v22  }
0x341: {  	v21 =	vcvt.f32.s32 v21  }
0x342: {  	v22 =	vtrunc.f32 v22  }
0x343: {  	v19 =	vmul.f32 $2.560000000e+02, v19;
	v21 =	vadd.s32 v7, v21;
	v22 =	vcvt.f32.s32 v22;
	_ =	sdelay $0x1  }
0x344: {  	v19 =	vtrunc.f32 v19;
	v20 =	vmul.f32 $2.560000000e+02, v20;
	v22 =	vadd.s32 v7, v22  }
0x345: {  	v19 =	vcvt.f32.s32 v19  }
0x346: {  	v20 =	vtrunc.f32 v20  }
0x347: {  	v19 =	vadd.s32 v8, v19;
	v20 =	vcvt.f32.s32 v20;
	[tilespmem:v21+s0+$0x0] =	vst.idx.add.f32.msk $0xffff, v2  }
0x348: {  	v21 =	vld [tilespmem:s11+$0x6120]  }
0x349: {  	v20 =	vadd.s32 v8, v20;
	[tilespmem:v22+s0+$0x0] =	vst.idx.add.f32.msk $0xffff, v2  }
0x34a: {  	v22 =	vld [tilespmem:s11+$0x6060];
	_ =	sdelay $0x1  }
0x34b: {  	[tilespmem:v19+s0+$0x0] =	vst.idx.add.f32.msk $0xffff, v2  }
0x34c: {  	v19 =	vld [tilespmem:s10+$0x6130];
	v21 =	vmul.f32 $2.560000000e+02, v21  }
0x34d: {  	[tilespmem:v20+s0+$0x0] =	vst.idx.add.f32.msk $0xffff, v2  }
0x34e: {  	v20 =	vld [tilespmem:s10+$0x6070];
	v21 =	vtrunc.f32 v21;
	v22 =	vmul.f32 $2.560000000e+02, v22  }
0x34f: {  	v21 =	vcvt.f32.s32 v21  }
0x350: {  	v22 =	vtrunc.f32 v22  }
0x351: {  	v19 =	vmul.f32 $2.560000000e+02, v19;
	v21 =	vadd.s32 v8, v21;
	v22 =	vcvt.f32.s32 v22;
	_ =	sdelay $0x1  }
0x352: {  	v19 =	vtrunc.f32 v19;
	v20 =	vmul.f32 $2.560000000e+02, v20;
	v22 =	vadd.s32 v8, v22  }
0x353: {  	v19 =	vcvt.f32.s32 v19  }
0x354: {  	v20 =	vtrunc.f32 v20  }
0x355: {  	v19 =	vadd.s32 v9, v19;
	v20 =	vcvt.f32.s32 v20;
	[tilespmem:v21+s0+$0x0] =	vst.idx.add.f32.msk $0xffff, v2  }
0x356: {  	v21 =	vld [tilespmem:s11+$0x6130]  }
0x357: {  	v20 =	vadd.s32 v9, v20;
	[tilespmem:v22+s0+$0x0] =	vst.idx.add.f32.msk $0xffff, v2  }
0x358: {  	v22 =	vld [tilespmem:s11+$0x6070];
	_ =	sdelay $0x1  }
0x359: {  	[tilespmem:v19+s0+$0x0] =	vst.idx.add.f32.msk $0xffff, v2  }
0x35a: {  	v19 =	vld [tilespmem:s10+$0x6140];
	v21 =	vmul.f32 $2.560000000e+02, v21  }
0x35b: {  	[tilespmem:v20+s0+$0x0] =	vst.idx.add.f32.msk $0xffff, v2  }
0x35c: {  	v20 =	vld [tilespmem:s10+$0x6080];
	v21 =	vtrunc.f32 v21;
	v22 =	vmul.f32 $2.560000000e+02, v22  }
0x35d: {  	v21 =	vcvt.f32.s32 v21  }
0x35e: {  	v29 =	vtrunc.f32 v22  }
0x35f: {  	[tilespmem:v18+s0+$0x0] =	vst.idx.add.f32.msk $0xffff, v2;
	v19 =	vmul.f32 $2.560000000e+02, v19;
	v21 =	vadd.s32 v9, v21;
	v18 =	vcvt.f32.s32 v29  }
0x360: {  	v30 =	vld [tilespmem:s6+$0x6080]  }
0x361: {  	v19 =	vtrunc.f32 v19;
	v20 =	vmul.f32 $2.560000000e+02, v20;
	v18 =	vadd.s32 v9, v18  }
0x362: {  	v19 =	vcvt.f32.s32 v19  }
0x363: {  	v17 =	vmul.f32 $2.560000000e+02, v17;
	v20 =	vtrunc.f32 v20  }
0x364: {  	v19 =	vadd.s32 v10, v19;
	v20 =	vcvt.f32.s32 v20;
	[tilespmem:v21+s0+$0x0] =	vst.idx.add.f32.msk $0xffff, v2  }
0x365: {  	v17 =	vtrunc.f32 v17;
	v22 =	vmul.f32 $2.560000000e+02, v30;
	v21 =	vld [tilespmem:s11+$0x6140]  }
0x366: {  	v17 =	vcvt.f32.s32 v17;
	v20 =	vadd.s32 v10, v20;
	[tilespmem:v18+s0+$0x0] =	vst.idx.add.f32.msk $0xffff, v2  }
0x367: {  	v22 =	vtrunc.f32 v22;
	v32 =	vld [tilespmem:s11+$0x6080]  }
0x368: {  	v17 =	vadd.s32 v10, v17;
	v31 =	vcvt.f32.s32 v22  }
0x369: {  	[tilespmem:v19+s0+$0x0] =	vst.idx.add.f32.msk $0xffff, v2  }
0x36a: {  	v19 =	vld [tilespmem:s10+$0x6150];
	v21 =	vmul.f32 $2.560000000e+02, v21;
	v18 =	vadd.s32 v10, v31  }
0x36b: {  	[tilespmem:v20+s0+$0x0] =	vst.idx.add.f32.msk $0xffff, v2  }
0x36c: {  	v20 =	vld [tilespmem:s10+$0x6090];
	v33 =	vtrunc.f32 v21;
	v34 =	vmul.f32 $2.560000000e+02, v32  }
0x36d: {  	[tilespmem:v17+s0+$0x0] =	vst.idx.add.f32.msk $0xffff, v2;
	v17 =	vcvt.f32.s32 v33  }
0x36e: {  	v35 =	vld [tilespmem:s6+$0x6150];
	v36 =	vtrunc.f32 v34  }
0x36f: {  	v19 =	vmul.f32 $2.560000000e+02, v19;
	v17 =	vadd.s32 v10, v17;
	[tilespmem:v18+s0+$0x0] =	vst.idx.add.f32.msk $0xffff, v2;
	v18 =	vcvt.f32.s32 v36  }
0x370: {  	v37 =	vld [tilespmem:s6+$0x6090]  }
0x371: {  	v19 =	vtrunc.f32 v19;
	v20 =	vmul.f32 $2.560000000e+02, v20;
	v18 =	vadd.s32 v10, v18  }
0x372: {  	v19 =	vcvt.f32.s32 v19  }
0x373: {  	v20 =	vtrunc.f32 v20;
	v22 =	vmul.f32 $2.560000000e+02, v35  }
0x374: {  	v19 =	vadd.s32 v11, v19;
	v20 =	vcvt.f32.s32 v20;
	[tilespmem:v17+s0+$0x0] =	vst.idx.add.f32.msk $0xffff, v2  }
0x375: {  	v22 =	vtrunc.f32 v22;
	v39 =	vld [tilespmem:s11+$0x6150];
	v21 =	vmul.f32 $2.560000000e+02, v37  }
0x376: {  	v20 =	vadd.s32 v11, v20;
	v38 =	vcvt.f32.s32 v22;
	[tilespmem:v18+s0+$0x0] =	vst.idx.add.f32.msk $0xffff, v2  }
0x377: {  	v21 =	vtrunc.f32 v21;
	v41 =	vld [tilespmem:s11+$0x6090]  }
0x378: {  	v17 =	vadd.s32 v11, v38;
	v40 =	vcvt.f32.s32 v21  }
0x379: {  	[tilespmem:v19+s0+$0x0] =	vst.idx.add.f32.msk $0xffff, v2  }
0x37a: {  	v19 =	vld [tilespmem:s10+$0x6160];
	v22 =	vmul.f32 $2.560000000e+02, v39;
	v18 =	vadd.s32 v11, v40  }
0x37b: {  	[tilespmem:v20+s0+$0x0] =	vst.idx.add.f32.msk $0xffff, v2  }
0x37c: {  	v20 =	vld [tilespmem:s10+$0x60A0];
	v42 =	vtrunc.f32 v22;
	v21 =	vmul.f32 $2.560000000e+02, v41  }
0x37d: {  	[tilespmem:v17+s0+$0x0] =	vst.idx.add.f32.msk $0xffff, v2;
	v17 =	vcvt.f32.s32 v42  }
0x37e: {  	v16 =	vadd.s32 v12, v16;
	v43 =	vld [tilespmem:s6+$0x6160];
	v44 =	vtrunc.f32 v21  }
0x37f: {  	v17 =	vadd.s32 v11, v17;
	[tilespmem:v18+s0+$0x0] =	vst.idx.add.f32.msk $0xffff, v2;
	v18 =	vcvt.f32.s32 v44  }
0x380: {  	v45 =	vld [tilespmem:s6+$0x60A0]  }
0x381: {  	v19 =	vmul.f32 $2.560000000e+02, v19;
	v18 =	vadd.s32 v11, v18;
	_ =	sdelay $0x1  }
0x382: {  	[tilespmem:v16+s0+$0x0] =	vst.idx.add.f32.msk $0xffff, v2;
	v19 =	vtrunc.f32 v19;
	v22 =	vmul.f32 $2.560000000e+02, v43  }
0x383: {  	v19 =	vcvt.f32.s32 v19;
	v20 =	vmul.f32 $2.560000000e+02, v20;
	[tilespmem:v17+s0+$0x0] =	vst.idx.add.f32.msk $0xffff, v2  }
0x384: {  	v22 =	vtrunc.f32 v22;
	v47 =	vld [tilespmem:s11+$0x6160];
	v21 =	vmul.f32 $2.560000000e+02, v45  }
0x385: {  	v19 =	vadd.s32 v12, v19;
	v50 =	vtrunc.f32 v20;
	v46 =	vcvt.f32.s32 v22;
	[tilespmem:v18+s0+$0x0] =	vst.idx.add.f32.msk $0xffff, v2  }
0x386: {  	v16 =	vcvt.f32.s32 v50;
	v21 =	vtrunc.f32 v21;
	v49 =	vld [tilespmem:s11+$0x60A0]  }
0x387: {  	v17 =	vadd.s32 v12, v46;
	v48 =	vcvt.f32.s32 v21  }
0x388: {  	v16 =	vadd.s32 v12, v16  }
0x389: {  	v51 =	vmul.f32 $2.560000000e+02, v47;
	v18 =	vadd.s32 v12, v48  }
0x38a: {  	[tilespmem:v19+s0+$0x0] =	vst.idx.add.f32.msk $0xffff, v2  }
0x38b: {  	v19 =	vld [tilespmem:s10+$0x6170];
	v53 =	vtrunc.f32 v51;
	v54 =	vmul.f32 $2.560000000e+02, v49  }
0x38c: {  	[tilespmem:v17+s0+$0x0] =	vst.idx.add.f32.msk $0xffff, v2;
	v17 =	vcvt.f32.s32 v53  }
0x38d: {  	[tilespmem:v16+s0+$0x0] =	vst.idx.add.f32.msk $0xffff, v2;
	v56 =	vtrunc.f32 v54  }
0x38e: {  	v17 =	vadd.s32 v12, v17;
	[tilespmem:v18+s0+$0x0] =	vst.idx.add.f32.msk $0xffff, v2;
	v18 =	vcvt.f32.s32 v56  }
0x38f: {  	v16 =	vld [tilespmem:s10+$0x60B0]  }
0x390: {  	v52 =	vld [tilespmem:s5+$0x60B0];
	v18 =	vadd.s32 v12, v18  }
0x391: {  	v15 =	vmul.f32 $2.560000000e+02, v15;
	v55 =	vld [tilespmem:s6+$0x6170]  }
0x392: {  	v57 =	vld [tilespmem:s6+$0x60B0]  }
0x393: {  	v15 =	vtrunc.f32 v15;
	v19 =	vmul.f32 $2.560000000e+02, v19;
	[tilespmem:v17+s0+$0x0] =	vst.idx.add.f32.msk $0xffff, v2  }
0x394: {  	v15 =	vcvt.f32.s32 v15;
	v16 =	vmul.f32 $2.560000000e+02, v16;
	v59 =	vld [tilespmem:s11+$0x6170]  }
0x395: {  	v19 =	vtrunc.f32 v19;
	v22 =	vmul.f32 $2.560000000e+02, v52;
	[tilespmem:v18+s0+$0x0] =	vst.idx.add.f32.msk $0xffff, v2  }
0x396: {  	v19 =	vcvt.f32.s32 v19;
	v16 =	vtrunc.f32 v16;
	v61 =	vld [tilespmem:s11+$0x60B0]  }
0x397: {  	v22 =	vtrunc.f32 v22;
	v58 =	vmul.f32 $2.560000000e+02, v55  }
0x398: {  	v16 =	vcvt.f32.s32 v16;
	v60 =	vcvt.f32.s32 v22  }
0x399: {  	v15 =	vadd.s32 v13, v15;
	v17 =	vtrunc.f32 v58;
	v20 =	vmul.f32 $2.560000000e+02, v57  }
0x39a: {  	v19 =	vadd.s32 v13, v19;
	v17 =	vcvt.f32.s32 v17;
	v21 =	vmul.f32 $2.560000000e+02, v59  }
0x39b: {  	v16 =	vadd.s32 v13, v16;
	v20 =	vtrunc.f32 v20;
	v22 =	vmul.f32 $2.560000000e+02, v61  }
0x39c: {  	v17 =	vadd.s32 v13, v17;
	v20 =	vcvt.f32.s32 v20;
	v21 =	vtrunc.f32 v21  }
0x39d: {  	[tilespmem:v14+s0+$0x0] =	vst.idx.add.f32.msk $0xffff, v2;
	v18 =	vadd.s32 v13, v60;
	v21 =	vcvt.f32.s32 v21;
	v62 =	vtrunc.f32 v22  }
0x39e: {  	[tilespmem:v15+s0+$0x0] =	vst.idx.add.f32.msk $0xffff, v2;
	v15 =	vadd.s32 v13, v20;
	v20 =	vcvt.f32.s32 v62  }
0x39f: {  	s7 =	sadd.s32 $0x1, s7;
	[tilespmem:v19+s0+$0x0] =	vst.idx.add.f32.msk $0xffff, v2;
	v14 =	vadd.s32 v13, v21  }
0x3a0: {  	p0 =	sne.s32 s7, $0x6;
	[tilespmem:v16+s0+$0x0] =	vst.idx.add.f32.msk $0xffff, v2;
	v63 =	vadd.s32 v13, v20  }
.Ltmp3:
0x3a1: {  	[tilespmem:v17+s0+$0x0] =	vst.idx.add.f32.msk $0xffff, v2;
	(pc) =	sbr.rel @p0 .LBB2_4-.Ltmp3, $4  }
0x3a2: {  	[tilespmem:v18+s0+$0x0] =	vst.idx.add.f32.msk $0xffff, v2  }
0x3a3: {  	[tilespmem:v15+s0+$0x0] =	vst.idx.add.f32.msk $0xffff, v2  }
0x3a4: {  	[tilespmem:v14+s0+$0x0] =	vst.idx.add.f32.msk $0xffff, v2  }
0x3a5: {  	[tilespmem:v63+s0+$0x0] =	vst.idx.add.f32.msk $0xffff, v2  }
0x3a6: {  	s7 =	simm.s32 $0x0;
	s6 =	rddreg [dreg:$0x5]  }
0x3a7: {  	[tilespmem:s7], [sflag:$0x1] =	stream.strided.gather [hbm4b:s6+s18], $0x600, s19, s18, $0x38;
	[tilespmem:$0xF000] =	vst v63  }
0x3a8: {  	s10 =	simm.s32 $0x600;
	s5 =	sadd.s32 $0x4800, s6  }
0x3a9: {  	[tilespmem:s10], [sflag:$0x1] =	stream.strided.gather [hbm4b:s5+s18], $0x600, s19, s18, $0x38;
	[tilespmem:$0xF000] =	vst v63  }
0x3aa: {  	s11 =	simm.s32 $0xC00;
	s10 =	sadd.s32 $0x9000, s6  }
0x3ab: {  	[tilespmem:s11], [sflag:$0x1] =	stream.strided.gather [hbm4b:s10+s18], $0x600, s19, s18, $0x38;
	[tilespmem:$0xF000] =	vst v63  }
0x3ac: {  	s13 =	simm.s32 $0x1200;
	s12 =	sadd.s32 $0xD800, s6  }
0x3ad: {  	[tilespmem:s13], [sflag:$0x1] =	stream.strided.gather [hbm4b:s12+s18], $0x600, s19, s18, $0x38;
	[tilespmem:$0xF000] =	vst v63  }
0x3ae: {  	s17 =	simm.s32 $0x1800;
	s15 =	sadd.s32 $0x12000, s6  }
0x3af: {  	[tilespmem:s17], [sflag:$0x1] =	stream.strided.gather [hbm4b:s15+s18], $0x600, s19, s18, $0x38;
	[tilespmem:$0xF000] =	vst v63  }
0x3b0: {  	s10 =	sadd.s32 $0x16800, s6;
	s11 =	simm.s32 $0x1E00  }
0x3b1: {  	[tilespmem:s11], [sflag:$0x1] =	stream.strided.gather [hbm4b:s10+s18], $0x600, s19, s18, $0x38;
	[tilespmem:$0xF000] =	vst v63  }
0x3b2: {  	s12 =	sadd.s32 $0x1B000, s6;
	s13 =	simm.s32 $0x2400  }
0x3b3: {  	[tilespmem:s13], [sflag:$0x1] =	stream.strided.gather [hbm4b:s12+s18], $0x600, s19, s18, $0x38;
	[tilespmem:$0xF000] =	vst v63  }
0x3b4: {  	s15 =	sadd.s32 $0x1F800, s6;
	s17 =	simm.s32 $0x2A00  }
0x3b5: {  	[tilespmem:s17], [sflag:$0x1] =	stream.strided.gather [hbm4b:s15+s18], $0x600, s19, s18, $0x38;
	[tilespmem:$0xF000] =	vst v63  }
0x3b6: {  	s10 =	sadd.s32 $0x24000, s6;
	s11 =	simm.s32 $0x3000  }
0x3b7: {  	[tilespmem:s11], [sflag:$0x1] =	stream.strided.gather [hbm4b:s10+s18], $0x600, s19, s18, $0x38;
	[tilespmem:$0xF000] =	vst v63  }
0x3b8: {  	s12 =	sadd.s32 $0x28800, s6;
	s13 =	simm.s32 $0x3600  }
0x3b9: {  	[tilespmem:s13], [sflag:$0x1] =	stream.strided.gather [hbm4b:s12+s18], $0x600, s19, s18, $0x38;
	[tilespmem:$0xF000] =	vst v63  }
0x3ba: {  	s15 =	sadd.s32 $0x2D000, s6;
	s17 =	simm.s32 $0x3C00  }
0x3bb: {  	[tilespmem:s17], [sflag:$0x1] =	stream.strided.gather [hbm4b:s15+s18], $0x600, s19, s18, $0x38;
	[tilespmem:$0xF000] =	vst v63  }
0x3bc: {  	s10 =	sadd.s32 $0x31800, s6;
	s11 =	simm.s32 $0x4200  }
0x3bd: {  	[tilespmem:s11], [sflag:$0x1] =	stream.strided.gather [hbm4b:s10+s18], $0x600, s19, s18, $0x38;
	[tilespmem:$0xF000] =	vst v63  }
0x3be: {  	s12 =	sadd.s32 $0x36000, s6;
	s13 =	simm.s32 $0x4800  }
0x3bf: {  	[tilespmem:s13], [sflag:$0x1] =	stream.strided.gather [hbm4b:s12+s18], $0x600, s19, s18, $0x38;
	[tilespmem:$0xF000] =	vst v63  }
0x3c0: {  	s15 =	sadd.s32 $0x3A800, s6;
	s17 =	simm.s32 $0x4E00  }
0x3c1: {  	[tilespmem:s17], [sflag:$0x1] =	stream.strided.gather [hbm4b:s15+s18], $0x600, s19, s18, $0x38;
	[tilespmem:$0xF000] =	vst v63  }
0x3c2: {  	s10 =	sadd.s32 $0x3F000, s6;
	s11 =	simm.s32 $0x5400  }
0x3c3: {  	[tilespmem:s11], [sflag:$0x1] =	stream.strided.gather [hbm4b:s10+s18], $0x600, s19, s18, $0x38;
	[tilespmem:$0xF000] =	vst v63  }
0x3c4: {  	s12 =	sadd.s32 $0x43800, s6;
	s13 =	simm.s32 $0x5A00  }
0x3c5: {  	[tilespmem:s13], [sflag:$0x1] =	stream.strided.gather [hbm4b:s12+s18], $0x600, s19, s18, $0x38;
	[tilespmem:$0xF000] =	vst v63  }
0x3c6: {  	s15 =	rddreg [dreg:$0x6]  }
0x3c7: {  	[hbm4b:s15+s7] =	stream.linear.scatter [tilespmem:s0], [sflag:$0x3], $0x1800, $0x38;
	[tilespmem:$0xF000] =	vst v63  }
0x3c8: {  	s5 =	simm.s32 $0x0;
	s6 =	simm.s32 $0x200;
	s17 =	rddreg [dreg:$0x7]  }
0x3c9: {  	[hbm4b:s17+s7] =	stream.linear.scatter [tilespmem:s0], [sflag:$0x3], $0x1800, $0x38;
	[tilespmem:$0xF000] =	vst v63  }
.LBB2_10:
0x3ca: {  	p0 =	sne.s32 s6, $0x5E00;
	[tilespmem:s5+$0xD870] =	vst v1  }
0x3cb: {  	[tilespmem:s5+$0xD800] =	vst v1  }
0x3cc: {  	[tilespmem:s5+$0xD810] =	vst v1  }
.Ltmp4:
0x3cd: {  	[tilespmem:s5+$0xD820] =	vst v1;
	(pc) =	sbr.rel @p0 .LBB2_10-.Ltmp4, $4  }
0x3ce: {  	[tilespmem:s5+$0xD830] =	vst v1  }
0x3cf: {  	[tilespmem:s5+$0xD840] =	vst v1  }
0x3d0: {  	[tilespmem:s5+$0xD850] =	vst v1  }
0x3d1: {  	[tilespmem:s5+$0xD860] =	vst v1;
	s5 =	sshra.s32 s6, $0x2;
	s6 =	sadd.s32 $0x200, s6  }
0x3d2: {  	[tilespmem:s5+$0xD870] =	vst v1  }
0x3d3: {  	[tilespmem:s5+$0xD800] =	vst v1  }
0x3d4: {  	[tilespmem:s5+$0xD810] =	vst v1  }
0x3d5: {  	[tilespmem:s5+$0xD820] =	vst v1  }
0x3d6: {  	[tilespmem:s5+$0xD830] =	vst v1  }
0x3d7: {  	[tilespmem:s5+$0xD840] =	vst v1  }
0x3d8: {  	[tilespmem:s5+$0xD850] =	vst v1  }
0x3d9: {  	[tilespmem:s5+$0xD860] =	vst v1  }
.LBB2_12:
0x3da: {  	s12 =	smul.u32 $0x480000, s7;
	_ =	swait.ge [sflag:s8], $0x6000  }
0x3db: {  	s5 =	rddreg [dreg:$0x8]  }
0x3dc: {  	s5 =	sadd.s32 s12, s5  }
0x3dd: {  	[sflag:s8] =	ssyncset.done $0x0;
	s5 =	sshrl.u32 s5, $0x3  }
0x3de: {  	s6 =	simm.s32 $0x6000;
	[sflag:s8] =	ssyncadd.s32 $0xFFFFA000;
	s5 =	sadd.s32 s3, s5  }
0x3df: {  	[tilespmem:s6], [sflag:$0x2] =	stream.strided.gather [hbm4b:s5+s18], $0x600, s19, s18, $0x38;
	[tilespmem:$0xF000] =	vst v63  }
0x3e0: {  	s17 =	sadd.s32 $0x4800, s5  }
0x3e1: {  	[tilespmem:s16], [sflag:$0x2] =	stream.strided.gather [hbm4b:s17+s18], $0x600, s19, s18, $0x38;
	[tilespmem:$0xF000] =	vst v63  }
0x3e2: {  	s10 =	sadd.s32 $0x9000, s5  }
0x3e3: {  	[tilespmem:s4], [sflag:$0x2] =	stream.strided.gather [hbm4b:s10+s18], $0x600, s19, s18, $0x38;
	[tilespmem:$0xF000] =	vst v63  }
0x3e4: {  	s11 =	sadd.s32 $0xD800, s5  }
0x3e5: {  	[tilespmem:s2], [sflag:$0x2] =	stream.strided.gather [hbm4b:s11+s18], $0x600, s19, s18, $0x38;
	[tilespmem:$0xF000] =	vst v63  }
0x3e6: {  	s13 =	sadd.s32 $0x12000, s5  }
0x3e7: {  	[tilespmem:s20], [sflag:$0x2] =	stream.strided.gather [hbm4b:s13+s18], $0x600, s19, s18, $0x38;
	[tilespmem:$0xF000] =	vst v63  }
0x3e8: {  	s15 =	sadd.s32 $0x16800, s5  }
0x3e9: {  	[tilespmem:s21], [sflag:$0x2] =	stream.strided.gather [hbm4b:s15+s18], $0x600, s19, s18, $0x38;
	[tilespmem:$0xF000] =	vst v63  }
0x3ea: {  	s17 =	sadd.s32 $0x1B000, s5  }
0x3eb: {  	[tilespmem:s22], [sflag:$0x2] =	stream.strided.gather [hbm4b:s17+s18], $0x600, s19, s18, $0x38;
	[tilespmem:$0xF000] =	vst v63  }
0x3ec: {  	s10 =	sadd.s32 $0x1F800, s5  }
0x3ed: {  	[tilespmem:s23], [sflag:$0x2] =	stream.strided.gather [hbm4b:s10+s18], $0x600, s19, s18, $0x38;
	[tilespmem:$0xF000] =	vst v63  }
0x3ee: {  	s11 =	sadd.s32 $0x24000, s5  }
0x3ef: {  	[tilespmem:s24], [sflag:$0x2] =	stream.strided.gather [hbm4b:s11+s18], $0x600, s19, s18, $0x38;
	[tilespmem:$0xF000] =	vst v63  }
0x3f0: {  	s13 =	sadd.s32 $0x28800, s5  }
0x3f1: {  	[tilespmem:s25], [sflag:$0x2] =	stream.strided.gather [hbm4b:s13+s18], $0x600, s19, s18, $0x38;
	[tilespmem:$0xF000] =	vst v63  }
0x3f2: {  	s15 =	sadd.s32 $0x2D000, s5  }
0x3f3: {  	[tilespmem:s26], [sflag:$0x2] =	stream.strided.gather [hbm4b:s15+s18], $0x600, s19, s18, $0x38;
	[tilespmem:$0xF000] =	vst v63  }
0x3f4: {  	s17 =	sadd.s32 $0x31800, s5;
	s15 =	simm.s32 $0x0  }
0x3f5: {  	[tilespmem:s28], [sflag:$0x2] =	stream.strided.gather [hbm4b:s17+s18], $0x600, s19, s18, $0x38;
	[tilespmem:$0xF000] =	vst v63  }
0x3f6: {  	s10 =	sadd.s32 $0x36000, s5;
	s6 =	sand.u32 $0x6, s15  }
0x3f7: {  	[tilespmem:s29], [sflag:$0x2] =	stream.strided.gather [hbm4b:s10+s18], $0x600, s19, s18, $0x38;
	[tilespmem:$0xF000] =	vst v63  }
0x3f8: {  	s6 =	smul.u32 $0x300, s6;
	s10 =	simm.s32 $0x0  }
0x3f9: {  	s11 =	sadd.s32 $0x3A800, s5;
	s10 =	smul.u32 $0x1800, s10  }
0x3fa: {  	[tilespmem:s30], [sflag:$0x2] =	stream.strided.gather [hbm4b:s11+s18], $0x600, s19, s18, $0x38;
	[tilespmem:$0xF000] =	vst v63  }
0x3fb: {  	s13 =	sadd.s32 $0x3F000, s5;
	s6 =	sshrl.u32 s6, $0x2;
	s17 =	sshra.s32 s10, $0x2  }
0x3fc: {  	[tilespmem:s31], [sflag:$0x2] =	stream.strided.gather [hbm4b:s13+s18], $0x600, s19, s18, $0x38;
	[tilespmem:$0xF000] =	vst v63  }
0x3fd: {  	s5 =	sadd.s32 $0x43800, s5;
	s15 =	sadd.s32 s6, s17  }
0x3fe: {  	[tilespmem:s1], [sflag:$0x2] =	stream.strided.gather [hbm4b:s5+s18], $0x600, s19, s18, $0x38;
	[tilespmem:$0xF000] =	vst v63  }
0x3ff: {  	v14 =	vld [tilespmem:s15+$0xC0];
	_ =	sdelay $0x4  }
0x400: {  	v14 =	vmul.f32 $2.560000000e+02, v14;
	_ =	sdelay $0x1  }
0x401: {  	v14 =	vtrunc.f32 v14  }
0x402: {  	v15 =	vld [tilespmem:s15+$0x0];
	v14 =	vcvt.f32.s32 v14;
	_ =	sdelay $0x1  }
0x403: {  	v14 =	vadd.s32 v0, v14;
	_ =	sdelay $0x2  }
0x404: {  	v15 =	vmul.f32 $2.560000000e+02, v15;
	_ =	sdelay $0x1  }
0x405: {  	v15 =	vtrunc.f32 v15;
	[tilespmem:v14+s14+$0x0] =	vst.idx.add.f32.msk $0xffff, v2  }
0x406: {  	v14 =	vcvt.f32.s32 v15;
	v15 =	vld [tilespmem:s15+$0xD0];
	_ =	sdelay $0x1  }
0x407: {  	v14 =	vadd.s32 v0, v14;
	_ =	sdelay $0x2  }
0x408: {  	v15 =	vmul.f32 $2.560000000e+02, v15;
	_ =	sdelay $0x1  }
0x409: {  	[tilespmem:v14+s14+$0x0] =	vst.idx.add.f32.msk $0xffff, v2;
	v14 =	vtrunc.f32 v15  }
0x40a: {  	v15 =	vld [tilespmem:s15+$0x10];
	v14 =	vcvt.f32.s32 v14;
	_ =	sdelay $0x1  }
0x40b: {  	v14 =	vadd.s32 v3, v14;
	_ =	sdelay $0x2  }
0x40c: {  	v15 =	vmul.f32 $2.560000000e+02, v15;
	_ =	sdelay $0x1  }
0x40d: {  	v15 =	vtrunc.f32 v15;
	[tilespmem:v14+s14+$0x0] =	vst.idx.add.f32.msk $0xffff, v2  }
0x40e: {  	v14 =	vcvt.f32.s32 v15;
	v15 =	vld [tilespmem:s15+$0xE0];
	_ =	sdelay $0x1  }
0x40f: {  	v14 =	vadd.s32 v3, v14;
	_ =	sdelay $0x2  }
0x410: {  	v15 =	vmul.f32 $2.560000000e+02, v15;
	_ =	sdelay $0x1  }
0x411: {  	[tilespmem:v14+s14+$0x0] =	vst.idx.add.f32.msk $0xffff, v2;
	v14 =	vtrunc.f32 v15  }
0x412: {  	s10 =	simm.s32 $0x0;
	s6 =	simm.s32 $0x2;
	v15 =	vld [tilespmem:s15+$0x20];
	v14 =	vcvt.f32.s32 v14  }
0x413: {  	s5 =	sand.u32 $0x6, s6;
	s6 =	smul.u32 $0x1800, s10  }
0x414: {  	s5 =	smul.u32 $0x300, s5;
	v14 =	vadd.s32 v4, v14;
	_ =	sdelay $0x1  }
0x415: {  	s6 =	sshra.s32 s6, $0x2;
	s5 =	sshrl.u32 s5, $0x2  }
0x416: {  	s5 =	sadd.s32 s5, s6;
	v15 =	vmul.f32 $2.560000000e+02, v15  }
0x417: {  	v16 =	vld [tilespmem:s5+$0xC0]  }
0x418: {  	v15 =	vtrunc.f32 v15;
	[tilespmem:v14+s14+$0x0] =	vst.idx.add.f32.msk $0xffff, v2  }
0x419: {  	v14 =	vcvt.f32.s32 v15;
	v15 =	vld [tilespmem:s15+$0xF0];
	_ =	sdelay $0x1  }
0x41a: {  	v14 =	vadd.s32 v4, v14  }
0x41b: {  	v16 =	vmul.f32 $2.560000000e+02, v16;
	_ =	sdelay $0x1  }
0x41c: {  	v16 =	vtrunc.f32 v16;
	v15 =	vmul.f32 $2.560000000e+02, v15  }
0x41d: {  	v17 =	vld [tilespmem:s5+$0x0];
	v16 =	vcvt.f32.s32 v16  }
0x41e: {  	[tilespmem:v14+s14+$0x0] =	vst.idx.add.f32.msk $0xffff, v2;
	v14 =	vtrunc.f32 v15  }
0x41f: {  	v16 =	vadd.s32 v0, v16;
	v15 =	vld [tilespmem:s15+$0x30];
	v14 =	vcvt.f32.s32 v14;
	_ =	sdelay $0x1  }
0x420: {  	v14 =	vadd.s32 v5, v14  }
0x421: {  	v17 =	vmul.f32 $2.560000000e+02, v17;
	_ =	sdelay $0x1  }
0x422: {  	v17 =	vtrunc.f32 v17;
	[tilespmem:v16+s14+$0x0] =	vst.idx.add.f32.msk $0xffff, v2;
	v15 =	vmul.f32 $2.560000000e+02, v15  }
0x423: {  	v16 =	vcvt.f32.s32 v17;
	v17 =	vld [tilespmem:s5+$0xD0]  }
0x424: {  	v15 =	vtrunc.f32 v15;
	[tilespmem:v14+s14+$0x0] =	vst.idx.add.f32.msk $0xffff, v2  }
0x425: {  	v14 =	vadd.s32 v0, v16;
	v15 =	vcvt.f32.s32 v15;
	v16 =	vld [tilespmem:s15+$0x100];
	_ =	sdelay $0x1  }
0x426: {  	v15 =	vadd.s32 v5, v15  }
0x427: {  	v17 =	vmul.f32 $2.560000000e+02, v17;
	_ =	sdelay $0x1  }
0x428: {  	[tilespmem:v14+s14+$0x0] =	vst.idx.add.f32.msk $0xffff, v2;
	v14 =	vtrunc.f32 v17;
	v16 =	vmul.f32 $2.560000000e+02, v16  }
0x429: {  	v17 =	vld [tilespmem:s5+$0x10];
	v14 =	vcvt.f32.s32 v14  }
0x42a: {  	[tilespmem:v15+s14+$0x0] =	vst.idx.add.f32.msk $0xffff, v2;
	v15 =	vtrunc.f32 v16  }
0x42b: {  	v14 =	vadd.s32 v3, v14;
	v16 =	vld [tilespmem:s15+$0x40];
	v15 =	vcvt.f32.s32 v15;
	_ =	sdelay $0x1  }
0x42c: {  	v15 =	vadd.s32 v6, v15  }
0x42d: {  	v17 =	vmul.f32 $2.560000000e+02, v17;
	_ =	sdelay $0x1  }
0x42e: {  	v17 =	vtrunc.f32 v17;
	[tilespmem:v14+s14+$0x0] =	vst.idx.add.f32.msk $0xffff, v2;
	v14 =	vmul.f32 $2.560000000e+02, v16  }
0x42f: {  	v16 =	vcvt.f32.s32 v17;
	v17 =	vld [tilespmem:s5+$0xE0]  }
0x430: {  	v14 =	vtrunc.f32 v14;
	[tilespmem:v15+s14+$0x0] =	vst.idx.add.f32.msk $0xffff, v2  }
0x431: {  	v15 =	vadd.s32 v3, v16;
	v14 =	vcvt.f32.s32 v14;
	v16 =	vld [tilespmem:s15+$0x110];
	_ =	sdelay $0x1  }
0x432: {  	v14 =	vadd.s32 v6, v14  }
0x433: {  	v17 =	vmul.f32 $2.560000000e+02, v17;
	_ =	sdelay $0x1  }
0x434: {  	[tilespmem:v15+s14+$0x0] =	vst.idx.add.f32.msk $0xffff, v2;
	v15 =	vtrunc.f32 v17;
	v16 =	vmul.f32 $2.560000000e+02, v16  }
0x435: {  	s11 =	simm.s32 $0x4;
	s13 =	simm.s32 $0x0;
	v17 =	vld [tilespmem:s5+$0x20];
	v15 =	vcvt.f32.s32 v15  }
0x436: {  	s10 =	smul.u32 $0x1800, s13;
	s6 =	sand.u32 $0x6, s11;
	[tilespmem:v14+s14+$0x0] =	vst.idx.add.f32.msk $0xffff, v2;
	v14 =	vtrunc.f32 v16  }
0x437: {  	s6 =	smul.u32 $0x300, s6;
	v16 =	vld [tilespmem:s15+$0x50];
	v15 =	vadd.s32 v4, v15;
	v14 =	vcvt.f32.s32 v14;
	_ =	sdelay $0x1  }
0x438: {  	s10 =	sshra.s32 s10, $0x2;
	s6 =	sshrl.u32 s6, $0x2;
	v14 =	vadd.s32 v7, v14  }
0x439: {  	s6 =	sadd.s32 s6, s10;
	v17 =	vmul.f32 $2.560000000e+02, v17  }
0x43a: {  	v18 =	vld [tilespmem:s6+$0xC0]  }
0x43b: {  	v16 =	vmul.f32 $2.560000000e+02, v16;
	v17 =	vtrunc.f32 v17;
	[tilespmem:v15+s14+$0x0] =	vst.idx.add.f32.msk $0xffff, v2  }
0x43c: {  	v15 =	vcvt.f32.s32 v17;
	v17 =	vld [tilespmem:s5+$0xF0]  }
0x43d: {  	v16 =	vtrunc.f32 v16;
	[tilespmem:v14+s14+$0x0] =	vst.idx.add.f32.msk $0xffff, v2  }
0x43e: {  	v14 =	vcvt.f32.s32 v16;
	v15 =	vadd.s32 v4, v15;
	v16 =	vld [tilespmem:s15+$0x120]  }
0x43f: {  	v18 =	vmul.f32 $2.560000000e+02, v18  }
0x440: {  	v14 =	vadd.s32 v7, v14  }
0x441: {  	v18 =	vtrunc.f32 v18;
	v17 =	vmul.f32 $2.560000000e+02, v17  }
0x442: {  	v19 =	vld [tilespmem:s6+$0x0];
	v18 =	vcvt.f32.s32 v18  }
0x443: {  	[tilespmem:v15+s14+$0x0] =	vst.idx.add.f32.msk $0xffff, v2;
	v15 =	vtrunc.f32 v17;
	v16 =	vmul.f32 $2.560000000e+02, v16  }
0x444: {  	v18 =	vadd.s32 v0, v18;
	v17 =	vld [tilespmem:s5+$0x30];
	v15 =	vcvt.f32.s32 v15  }
0x445: {  	[tilespmem:v14+s14+$0x0] =	vst.idx.add.f32.msk $0xffff, v2;
	v14 =	vtrunc.f32 v16  }
0x446: {  	v16 =	vld [tilespmem:s15+$0x60];
	v15 =	vadd.s32 v5, v15;
	v14 =	vcvt.f32.s32 v14  }
0x447: {  	v19 =	vmul.f32 $2.560000000e+02, v19  }
0x448: {  	v14 =	vadd.s32 v8, v14  }
0x449: {  	v19 =	vtrunc.f32 v19;
	[tilespmem:v18+s14+$0x0] =	vst.idx.add.f32.msk $0xffff, v2;
	v17 =	vmul.f32 $2.560000000e+02, v17  }
0x44a: {  	v18 =	vcvt.f32.s32 v19;
	v19 =	vld [tilespmem:s6+$0xD0]  }
0x44b: {  	v16 =	vmul.f32 $2.560000000e+02, v16;
	v17 =	vtrunc.f32 v17;
	[tilespmem:v15+s14+$0x0] =	vst.idx.add.f32.msk $0xffff, v2  }
0x44c: {  	v15 =	vadd.s32 v0, v18;
	v17 =	vcvt.f32.s32 v17;
	v18 =	vld [tilespmem:s5+$0x100]  }
0x44d: {  	v16 =	vtrunc.f32 v16;
	[tilespmem:v14+s14+$0x0] =	vst.idx.add.f32.msk $0xffff, v2  }
0x44e: {  	v14 =	vcvt.f32.s32 v16;
	v16 =	vadd.s32 v5, v17;
	v17 =	vld [tilespmem:s15+$0x130]  }
0x44f: {  	v19 =	vmul.f32 $2.560000000e+02, v19  }
0x450: {  	v14 =	vadd.s32 v8, v14  }
0x451: {  	[tilespmem:v15+s14+$0x0] =	vst.idx.add.f32.msk $0xffff, v2;
	v15 =	vtrunc.f32 v19;
	v18 =	vmul.f32 $2.560000000e+02, v18  }
0x452: {  	v19 =	vld [tilespmem:s6+$0x10];
	v15 =	vcvt.f32.s32 v15  }
0x453: {  	[tilespmem:v16+s14+$0x0] =	vst.idx.add.f32.msk $0xffff, v2;
	v16 =	vtrunc.f32 v18;
	v17 =	vmul.f32 $2.560000000e+02, v17  }
0x454: {  	v15 =	vadd.s32 v3, v15;
	v18 =	vld [tilespmem:s5+$0x40];
	v16 =	vcvt.f32.s32 v16  }
0x455: {  	[tilespmem:v14+s14+$0x0] =	vst.idx.add.f32.msk $0xffff, v2;
	v14 =	vtrunc.f32 v17  }
0x456: {  	v16 =	vadd.s32 v6, v16;
	v17 =	vld [tilespmem:s15+$0x70];
	v14 =	vcvt.f32.s32 v14  }
0x457: {  	v19 =	vmul.f32 $2.560000000e+02, v19  }
0x458: {  	v14 =	vadd.s32 v9, v14  }
0x459: {  	v19 =	vtrunc.f32 v19;
	[tilespmem:v15+s14+$0x0] =	vst.idx.add.f32.msk $0xffff, v2;
	v15 =	vmul.f32 $2.560000000e+02, v18  }
0x45a: {  	v18 =	vcvt.f32.s32 v19;
	v19 =	vld [tilespmem:s6+$0xE0]  }
0x45b: {  	v15 =	vtrunc.f32 v15;
	[tilespmem:v16+s14+$0x0] =	vst.idx.add.f32.msk $0xffff, v2;
	v16 =	vmul.f32 $2.560000000e+02, v17  }
0x45c: {  	v17 =	vadd.s32 v3, v18;
	v15 =	vcvt.f32.s32 v15;
	v18 =	vld [tilespmem:s5+$0x110]  }
0x45d: {  	v16 =	vtrunc.f32 v16;
	[tilespmem:v14+s14+$0x0] =	vst.idx.add.f32.msk $0xffff, v2  }
0x45e: {  	v14 =	vadd.s32 v6, v15;
	v15 =	vcvt.f32.s32 v16;
	v16 =	vld [tilespmem:s15+$0x140]  }
0x45f: {  	v19 =	vmul.f32 $2.560000000e+02, v19  }
0x460: {  	v15 =	vadd.s32 v9, v15  }
0x461: {  	[tilespmem:v17+s14+$0x0] =	vst.idx.add.f32.msk $0xffff, v2;
	v17 =	vtrunc.f32 v19;
	v18 =	vmul.f32 $2.560000000e+02, v18  }
0x462: {  	s17 =	simm.s32 $0x6;
	s11 =	simm.s32 $0x0;
	v19 =	vld [tilespmem:s6+$0x20];
	v17 =	vcvt.f32.s32 v17  }
0x463: {  	s11 =	smul.u32 $0x1800, s11;
	s10 =	sand.u32 $0x6, s17;
	[tilespmem:v14+s14+$0x0] =	vst.idx.add.f32.msk $0xffff, v2;
	v14 =	vtrunc.f32 v18;
	v16 =	vmul.f32 $2.560000000e+02, v16  }
0x464: {  	s10 =	smul.u32 $0x300, s10;
	v17 =	vadd.s32 v4, v17;
	v18 =	vld [tilespmem:s5+$0x50];
	v14 =	vcvt.f32.s32 v14  }
0x465: {  	[tilespmem:v15+s14+$0x0] =	vst.idx.add.f32.msk $0xffff, v2;
	v15 =	vtrunc.f32 v16  }
0x466: {  	s11 =	sshra.s32 s11, $0x2;
	s10 =	sshrl.u32 s10, $0x2;
	v16 =	vld [tilespmem:s15+$0x80];
	v14 =	vadd.s32 v7, v14;
	v15 =	vcvt.f32.s32 v15  }
0x467: {  	s10 =	sadd.s32 s10, s11;
	v19 =	vmul.f32 $2.560000000e+02, v19  }
0x468: {  	v20 =	vld [tilespmem:s10+$0xC0];
	v15 =	vadd.s32 v10, v15  }
0x469: {  	s17 =	simm.s32 $0x8;
	v19 =	vtrunc.f32 v19;
	[tilespmem:v17+s14+$0x0] =	vst.idx.add.f32.msk $0xffff, v2;
	v18 =	vmul.f32 $2.560000000e+02, v18  }
0x46a: {  	s13 =	sand.u32 $0x6, s17;
	v17 =	vcvt.f32.s32 v19;
	v19 =	vld [tilespmem:s6+$0xF0]  }
0x46b: {  	s13 =	smul.u32 $0x300, s13;
	s11 =	simm.s32 $0x1;
	v18 =	vtrunc.f32 v18;
	[tilespmem:v14+s14+$0x0] =	vst.idx.add.f32.msk $0xffff, v2;
	v14 =	vmul.f32 $2.560000000e+02, v16  }
0x46c: {  	s11 =	smul.u32 $0x1800, s11;
	v17 =	vadd.s32 v4, v17;
	v16 =	vcvt.f32.s32 v18;
	v18 =	vld [tilespmem:s5+$0x120]  }
0x46d: {  	v14 =	vtrunc.f32 v14;
	[tilespmem:v15+s14+$0x0] =	vst.idx.add.f32.msk $0xffff, v2;
	v15 =	vmul.f32 $2.560000000e+02, v20  }
0x46e: {  	s13 =	sshrl.u32 s13, $0x2;
	s11 =	sshra.s32 s11, $0x2;
	v16 =	vadd.s32 v7, v16;
	v14 =	vcvt.f32.s32 v14;
	v20 =	vld [tilespmem:s15+$0x150]  }
0x46f: {  	v21 =	vld [tilespmem:s10+$0x0];
	s11 =	sadd.s32 s13, s11;
	v19 =	vmul.f32 $2.560000000e+02, v19;
	v15 =	vtrunc.f32 v15  }
0x470: {  	v22 =	vld [tilespmem:s11+$0xC0];
	v14 =	vadd.s32 v10, v14;
	v15 =	vcvt.f32.s32 v15  }
0x471: {  	[tilespmem:v17+s14+$0x0] =	vst.idx.add.f32.msk $0xffff, v2;
	v17 =	vtrunc.f32 v19;
	v18 =	vmul.f32 $2.560000000e+02, v18  }
0x472: {  	v19 =	vld [tilespmem:s6+$0x30];
	v17 =	vcvt.f32.s32 v17;
	v15 =	vadd.s32 v0, v15  }
0x473: {  	[tilespmem:v16+s14+$0x0] =	vst.idx.add.f32.msk $0xffff, v2;
	v16 =	vtrunc.f32 v18;
	v18 =	vmul.f32 $2.560000000e+02, v20  }
0x474: {  	v17 =	vadd.s32 v5, v17;
	v20 =	vld [tilespmem:s5+$0x60];
	v16 =	vcvt.f32.s32 v16  }
0x475: {  	v21 =	vmul.f32 $2.560000000e+02, v21;
	[tilespmem:v14+s14+$0x0] =	vst.idx.add.f32.msk $0xffff, v2;
	v14 =	vtrunc.f32 v18  }
0x476: {  	v18 =	vld [tilespmem:s15+$0x90];
	v16 =	vadd.s32 v8, v16;
	v14 =	vcvt.f32.s32 v14  }
0x477: {  	v21 =	vtrunc.f32 v21;
	[tilespmem:v15+s14+$0x0] =	vst.idx.add.f32.msk $0xffff, v2;
	v15 =	vmul.f32 $2.560000000e+02, v19  }
0x478: {  	v19 =	vcvt.f32.s32 v21;
	v21 =	vld [tilespmem:s10+$0xD0];
	v14 =	vadd.s32 v11, v14  }
0x479: {  	[tilespmem:v17+s14+$0x0] =	vst.idx.add.f32.msk $0xffff, v2;
	v20 =	vmul.f32 $2.560000000e+02, v20;
	v15 =	vtrunc.f32 v15  }
0x47a: {  	v17 =	vadd.s32 v0, v19;
	v19 =	vld [tilespmem:s6+$0x100];
	v15 =	vcvt.f32.s32 v15  }
0x47b: {  	v20 =	vtrunc.f32 v20;
	[tilespmem:v16+s14+$0x0] =	vst.idx.add.f32.msk $0xffff, v2;
	v16 =	vmul.f32 $2.560000000e+02, v18  }
0x47c: {  	v18 =	vcvt.f32.s32 v20;
	v20 =	vld [tilespmem:s5+$0x130];
	v15 =	vadd.s32 v5, v15  }
0x47d: {  	v16 =	vtrunc.f32 v16;
	v21 =	vmul.f32 $2.560000000e+02, v21;
	[tilespmem:v14+s14+$0x0] =	vst.idx.add.f32.msk $0xffff, v2  }
0x47e: {  	v14 =	vadd.s32 v8, v18;
	v16 =	vcvt.f32.s32 v16;
	v18 =	vld [tilespmem:s15+$0x160]  }
0x47f: {  	[tilespmem:v17+s14+$0x0] =	vst.idx.add.f32.msk $0xffff, v2;
	v19 =	vmul.f32 $2.560000000e+02, v19;
	v17 =	vtrunc.f32 v21  }
0x480: {  	v21 =	vld [tilespmem:s10+$0x10];
	v16 =	vadd.s32 v11, v16;
	v17 =	vcvt.f32.s32 v17  }
0x481: {  	[tilespmem:v15+s14+$0x0] =	vst.idx.add.f32.msk $0xffff, v2;
	v15 =	vtrunc.f32 v19;
	v19 =	vmul.f32 $2.560000000e+02, v20  }
0x482: {  	v17 =	vadd.s32 v3, v17;
	v20 =	vld [tilespmem:s6+$0x40];
	v15 =	vcvt.f32.s32 v15  }
0x483: {  	[tilespmem:v14+s14+$0x0] =	vst.idx.add.f32.msk $0xffff, v2;
	v14 =	vtrunc.f32 v19;
	v18 =	vmul.f32 $2.560000000e+02, v18  }
0x484: {  	v19 =	vld [tilespmem:s5+$0x70];
	v15 =	vadd.s32 v6, v15;
	v14 =	vcvt.f32.s32 v14  }
0x485: {  	v21 =	vmul.f32 $2.560000000e+02, v21;
	[tilespmem:v16+s14+$0x0] =	vst.idx.add.f32.msk $0xffff, v2;
	v16 =	vtrunc.f32 v18  }
0x486: {  	v18 =	vld [tilespmem:s15+$0xA0];
	v14 =	vadd.s32 v9, v14;
	v16 =	vcvt.f32.s32 v16  }
0x487: {  	v21 =	vtrunc.f32 v21;
	[tilespmem:v17+s14+$0x0] =	vst.idx.add.f32.msk $0xffff, v2;
	v17 =	vmul.f32 $2.560000000e+02, v20  }
0x488: {  	v20 =	vcvt.f32.s32 v21;
	v21 =	vld [tilespmem:s10+$0xE0];
	v16 =	vadd.s32 v12, v16  }
0x489: {  	v17 =	vtrunc.f32 v17;
	[tilespmem:v15+s14+$0x0] =	vst.idx.add.f32.msk $0xffff, v2;
	v15 =	vmul.f32 $2.560000000e+02, v19  }
0x48a: {  	v19 =	vadd.s32 v3, v20;
	v17 =	vcvt.f32.s32 v17;
	v20 =	vld [tilespmem:s6+$0x110]  }
0x48b: {  	v15 =	vtrunc.f32 v15;
	[tilespmem:v14+s14+$0x0] =	vst.idx.add.f32.msk $0xffff, v2;
	v14 =	vmul.f32 $2.560000000e+02, v18  }
0x48c: {  	v17 =	vadd.s32 v6, v17;
	v15 =	vcvt.f32.s32 v15;
	v18 =	vld [tilespmem:s5+$0x140]  }
0x48d: {  	v14 =	vtrunc.f32 v14;
	[tilespmem:v16+s14+$0x0] =	vst.idx.add.f32.msk $0xffff, v2;
	v16 =	vmul.f32 $2.560000000e+02, v21  }
0x48e: {  	v15 =	vadd.s32 v9, v15;
	v14 =	vcvt.f32.s32 v14;
	v21 =	vld [tilespmem:s15+$0x170]  }
0x48f: {  	[tilespmem:v19+s14+$0x0] =	vst.idx.add.f32.msk $0xffff, v2;
	v16 =	vtrunc.f32 v16;
	v20 =	vmul.f32 $2.560000000e+02, v20  }
0x490: {  	v19 =	vld [tilespmem:s10+$0x20];
	v14 =	vadd.s32 v12, v14;
	v16 =	vcvt.f32.s32 v16  }
0x491: {  	[tilespmem:v17+s14+$0x0] =	vst.idx.add.f32.msk $0xffff, v2;
	v20 =	vtrunc.f32 v20;
	v18 =	vmul.f32 $2.560000000e+02, v18  }
0x492: {  	v17 =	vld [tilespmem:s6+$0x50];
	v16 =	vadd.s32 v4, v16;
	v20 =	vcvt.f32.s32 v20  }
0x493: {  	[tilespmem:v15+s14+$0x0] =	vst.idx.add.f32.msk $0xffff, v2;
	v15 =	vmul.f32 $2.560000000e+02, v21;
	v18 =	vtrunc.f32 v18  }
0x494: {  	v21 =	vld [tilespmem:s5+$0x80];
	v20 =	vadd.s32 v7, v20;
	v18 =	vcvt.f32.s32 v18  }
0x495: {  	v19 =	vmul.f32 $2.560000000e+02, v19;
	[tilespmem:v14+s14+$0x0] =	vst.idx.add.f32.msk $0xffff, v2;
	v15 =	vtrunc.f32 v15  }
0x496: {  	v14 =	vld [tilespmem:s15+$0xB0];
	v15 =	vcvt.f32.s32 v15;
	v18 =	vadd.s32 v10, v18  }
0x497: {  	v19 =	vtrunc.f32 v19;
	v17 =	vmul.f32 $2.560000000e+02, v17;
	[tilespmem:v16+s14+$0x0] =	vst.idx.add.f32.msk $0xffff, v2  }
0x498: {  	v16 =	vcvt.f32.s32 v19;
	v15 =	vadd.s32 v13, v15;
	v19 =	vld [tilespmem:s10+$0xF0]  }
0x499: {  	v17 =	vtrunc.f32 v17;
	[tilespmem:v20+s14+$0x0] =	vst.idx.add.f32.msk $0xffff, v2;
	v20 =	vmul.f32 $2.560000000e+02, v21  }
0x49a: {  	v16 =	vadd.s32 v4, v16;
	v17 =	vcvt.f32.s32 v17;
	v21 =	vld [tilespmem:s6+$0x120]  }
0x49b: {  	v20 =	vtrunc.f32 v20;
	[tilespmem:v18+s14+$0x0] =	vst.idx.add.f32.msk $0xffff, v2;
	v18 =	vmul.f32 $2.560000000e+02, v22  }
0x49c: {  	v17 =	vadd.s32 v7, v17;
	v20 =	vcvt.f32.s32 v20;
	v22 =	vld [tilespmem:s5+$0x150]  }
0x49d: {  	[tilespmem:v15+s14+$0x0] =	vst.idx.add.f32.msk $0xffff, v2;
	v15 =	vtrunc.f32 v18;
	v18 =	vmul.f32 $2.560000000e+02, v19  }
0x49e: {  	v19 =	vld [tilespmem:s11+$0x0];
	v20 =	vadd.s32 v10, v20;
	v15 =	vcvt.f32.s32 v15  }
0x49f: {  	[tilespmem:v16+s14+$0x0] =	vst.idx.add.f32.msk $0xffff, v2;
	v16 =	vtrunc.f32 v18;
	v18 =	vmul.f32 $2.560000000e+02, v21  }
0x4a0: {  	v21 =	vld [tilespmem:s10+$0x30];
	v15 =	vadd.s32 v0, v15;
	v16 =	vcvt.f32.s32 v16  }
0x4a1: {  	[tilespmem:v17+s14+$0x0] =	vst.idx.add.f32.msk $0xffff, v2;
	v17 =	vtrunc.f32 v18;
	v18 =	vmul.f32 $2.560000000e+02, v22  }
0x4a2: {  	v22 =	vld [tilespmem:s6+$0x60];
	v16 =	vadd.s32 v5, v16;
	v17 =	vcvt.f32.s32 v17  }
0x4a3: {  	v19 =	vmul.f32 $2.560000000e+02, v19;
	[tilespmem:v20+s14+$0x0] =	vst.idx.add.f32.msk $0xffff, v2;
	v18 =	vtrunc.f32 v18  }
0x4a4: {  	v20 =	vld [tilespmem:s5+$0x90];
	v17 =	vadd.s32 v8, v17;
	v18 =	vcvt.f32.s32 v18  }
0x4a5: {  	v19 =	vtrunc.f32 v19;
	[tilespmem:v15+s14+$0x0] =	vst.idx.add.f32.msk $0xffff, v2;
	v15 =	vmul.f32 $2.560000000e+02, v21  }
0x4a6: {  	v19 =	vcvt.f32.s32 v19;
	v21 =	vld [tilespmem:s11+$0xD0];
	v18 =	vadd.s32 v11, v18  }
0x4a7: {  	v22 =	vmul.f32 $2.560000000e+02, v22;
	v15 =	vtrunc.f32 v15;
	[tilespmem:v16+s14+$0x0] =	vst.idx.add.f32.msk $0xffff, v2  }
0x4a8: {  	v16 =	vadd.s32 v0, v19;
	v15 =	vcvt.f32.s32 v15;
	v19 =	vld [tilespmem:s10+$0x100]  }
0x4a9: {  	v22 =	vtrunc.f32 v22;
	[tilespmem:v17+s14+$0x0] =	vst.idx.add.f32.msk $0xffff, v2;
	v17 =	vmul.f32 $2.560000000e+02, v20  }
0x4aa: {  	v20 =	vcvt.f32.s32 v22;
	v15 =	vadd.s32 v5, v15;
	v22 =	vld [tilespmem:s6+$0x130]  }
0x4ab: {  	v21 =	vmul.f32 $2.560000000e+02, v21;
	v17 =	vtrunc.f32 v17;
	[tilespmem:v18+s14+$0x0] =	vst.idx.add.f32.msk $0xffff, v2  }
0x4ac: {  	v18 =	vadd.s32 v8, v20;
	v17 =	vcvt.f32.s32 v17;
	v20 =	vld [tilespmem:s5+$0x160]  }
0x4ad: {  	[tilespmem:v16+s14+$0x0] =	vst.idx.add.f32.msk $0xffff, v2;
	v16 =	vtrunc.f32 v21;
	v19 =	vmul.f32 $2.560000000e+02, v19  }
0x4ae: {  	v21 =	vld [tilespmem:s11+$0x10];
	v16 =	vcvt.f32.s32 v16;
	v17 =	vadd.s32 v11, v17  }
0x4af: {  	[tilespmem:v15+s14+$0x0] =	vst.idx.add.f32.msk $0xffff, v2;
	v15 =	vtrunc.f32 v19;
	v19 =	vmul.f32 $2.560000000e+02, v22  }
0x4b0: {  	v16 =	vadd.s32 v3, v16;
	v22 =	vld [tilespmem:s10+$0x40];
	v15 =	vcvt.f32.s32 v15  }
0x4b1: {  	[tilespmem:v18+s14+$0x0] =	vst.idx.add.f32.msk $0xffff, v2;
	v18 =	vtrunc.f32 v19;
	v19 =	vmul.f32 $2.560000000e+02, v20  }
0x4b2: {  	v15 =	vadd.s32 v6, v15;
	v20 =	vld [tilespmem:s6+$0x70];
	v18 =	vcvt.f32.s32 v18  }
0x4b3: {  	v21 =	vmul.f32 $2.560000000e+02, v21;
	[tilespmem:v17+s14+$0x0] =	vst.idx.add.f32.msk $0xffff, v2;
	v17 =	vtrunc.f32 v19  }
0x4b4: {  	v18 =	vadd.s32 v9, v18;
	v23 =	vld [tilespmem:s5+$0xA0];
	v17 =	vcvt.f32.s32 v17  }
0x4b5: {  	v19 =	vtrunc.f32 v21;
	[tilespmem:v16+s14+$0x0] =	vst.idx.add.f32.msk $0xffff, v2;
	v16 =	vmul.f32 $2.560000000e+02, v22  }
0x4b6: {  	v19 =	vcvt.f32.s32 v19;
	v21 =	vld [tilespmem:s11+$0xE0];
	v22 =	vadd.s32 v12, v17  }
0x4b7: {  	[tilespmem:v15+s14+$0x0] =	vst.idx.add.f32.msk $0xffff, v2;
	v15 =	vtrunc.f32 v16;
	v16 =	vmul.f32 $2.560000000e+02, v20  }
0x4b8: {  	v14 =	vmul.f32 $2.560000000e+02, v14;
	v24 =	vadd.s32 v3, v19;
	v19 =	vld [tilespmem:s10+$0x110];
	v15 =	vcvt.f32.s32 v15  }
0x4b9: {  	[tilespmem:v18+s14+$0x0] =	vst.idx.add.f32.msk $0xffff, v2;
	v16 =	vtrunc.f32 v16;
	v18 =	vmul.f32 $2.560000000e+02, v23  }
0x4ba: {  	v14 =	vtrunc.f32 v14;
	v17 =	vld [tilespmem:s6+$0x140];
	v16 =	vcvt.f32.s32 v16;
	v20 =	vadd.s32 v6, v15  }
0x4bb: {  	v14 =	vcvt.f32.s32 v14;
	[tilespmem:v22+s14+$0x0] =	vst.idx.add.f32.msk $0xffff, v2;
	v22 =	vtrunc.f32 v18  }
0x4bc: {  	v21 =	vmul.f32 $2.560000000e+02, v21;
	v15 =	vld [tilespmem:s5+$0x170];
	v18 =	vadd.s32 v9, v16;
	v16 =	vcvt.f32.s32 v22  }
0x4bd: {  	v14 =	vadd.s32 v13, v14;
	[tilespmem:v24+s14+$0x0] =	vst.idx.add.f32.msk $0xffff, v2  }
.LBB2_13:
0x4be: {  	s17 =	sadd.s32 $0x2, s17;
	v22 =	vld [tilespmem:s11+$0x20];
	v21 =	vtrunc.f32 v21;
	v19 =	vmul.f32 $2.560000000e+02, v19;
	v16 =	vadd.s32 v12, v16  }
0x4bf: {  	s13 =	sshrl.u32 s17, $0x3;
	p0 =	slt.u32 s17, $0x7E;
	v21 =	vcvt.f32.s32 v21;
	[tilespmem:v20+s14+$0x0] =	vst.idx.add.f32.msk $0xffff, v2  }
0x4c0: {  	s15 =	sand.u32 $0x6, s17;
	v17 =	vmul.f32 $2.560000000e+02, v17;
	s13 =	smul.u32 $0x1800, s13;
	v20 =	vld [tilespmem:s10+$0x50];
	v19 =	vtrunc.f32 v19  }
0x4c1: {  	s15 =	smul.u32 $0x300, s15;
	v21 =	vadd.s32 v4, v21;
	v19 =	vcvt.f32.s32 v19;
	[tilespmem:v18+s14+$0x0] =	vst.idx.add.f32.msk $0xffff, v2;
	v15 =	vmul.f32 $2.560000000e+02, v15  }
0x4c2: {  	v17 =	vtrunc.f32 v17;
	v18 =	vld [tilespmem:s6+$0x80]  }
0x4c3: {  	s13 =	sshra.s32 s13, $0x2;
	s15 =	sshrl.u32 s15, $0x2;
	v17 =	vcvt.f32.s32 v17;
	v19 =	vadd.s32 v7, v19;
	[tilespmem:v16+s14+$0x0] =	vst.idx.add.f32.msk $0xffff, v2;
	v15 =	vtrunc.f32 v15  }
0x4c4: {  	s13 =	sadd.s32 s15, s13;
	v16 =	vmul.f32 $2.560000000e+02, v22;
	v22 =	vld [tilespmem:s5+$0xB0];
	v15 =	vcvt.f32.s32 v15;
	s5 =	smov.u32 s6;
	s6 =	smov.u32 s10  }
0x4c5: {  	v17 =	vadd.s32 v10, v17;
	s10 =	smov.u32 s11;
	s11 =	smov.u32 s13;
	v23 =	vld [tilespmem:s13+$0xC0];
	v20 =	vmul.f32 $2.560000000e+02, v20  }
0x4c6: {  	v16 =	vtrunc.f32 v16;
	[tilespmem:v21+s14+$0x0] =	vst.idx.add.f32.msk $0xffff, v2;
	v15 =	vadd.s32 v13, v15  }
0x4c7: {  	v16 =	vcvt.f32.s32 v16;
	v21 =	vld [tilespmem:s10+$0xF0];
	v20 =	vtrunc.f32 v20  }
0x4c8: {  	v18 =	vmul.f32 $2.560000000e+02, v18;
	v20 =	vcvt.f32.s32 v20;
	[tilespmem:v19+s14+$0x0] =	vst.idx.add.f32.msk $0xffff, v2  }
0x4c9: {  	v16 =	vadd.s32 v4, v16;
	v19 =	vld [tilespmem:s6+$0x120];
	v22 =	vmul.f32 $2.560000000e+02, v22  }
0x4ca: {  	v18 =	vtrunc.f32 v18;
	v20 =	vadd.s32 v7, v20;
	[tilespmem:v17+s14+$0x0] =	vst.idx.add.f32.msk $0xffff, v2  }
0x4cb: {  	v17 =	vmul.f32 $2.560000000e+02, v23;
	v18 =	vcvt.f32.s32 v18;
	[tilespmem:v15+s14+$0x0] =	vst.idx.add.f32.msk $0xffff, v2  }
0x4cc: {  	v22 =	vtrunc.f32 v22;
	v15 =	vld [tilespmem:s5+$0x150]  }
0x4cd: {  	v17 =	vtrunc.f32 v17;
	v21 =	vmul.f32 $2.560000000e+02, v21;
	v18 =	vadd.s32 v10, v18;
	v23 =	vld [tilespmem:s11+$0x0]  }
0x4ce: {  	v17 =	vcvt.f32.s32 v17;
	[tilespmem:v16+s14+$0x0] =	vst.idx.add.f32.msk $0xffff, v2;
	v16 =	vcvt.f32.s32 v22  }
0x4cf: {  	v21 =	vtrunc.f32 v21;
	v19 =	vmul.f32 $2.560000000e+02, v19;
	v22 =	vld [tilespmem:s10+$0x30]  }
0x4d0: {  	v17 =	vadd.s32 v0, v17;
	v21 =	vcvt.f32.s32 v21;
	[tilespmem:v20+s14+$0x0] =	vst.idx.add.f32.msk $0xffff, v2;
	v16 =	vadd.s32 v13, v16  }
0x4d1: {  	v19 =	vtrunc.f32 v19;
	v20 =	vld [tilespmem:s6+$0x60];
	v15 =	vmul.f32 $2.560000000e+02, v15  }
0x4d2: {  	v21 =	vadd.s32 v5, v21;
	v19 =	vcvt.f32.s32 v19;
	v23 =	vmul.f32 $2.560000000e+02, v23;
	[tilespmem:v18+s14+$0x0] =	vst.idx.add.f32.msk $0xffff, v2  }
0x4d3: {  	v18 =	vld [tilespmem:s5+$0x90];
	v15 =	vtrunc.f32 v15  }
0x4d4: {  	v19 =	vadd.s32 v8, v19;
	v23 =	vtrunc.f32 v23;
	v15 =	vcvt.f32.s32 v15;
	[tilespmem:v14+s14+$0x0] =	vst.idx.add.f32.msk $0xffff, v2;
	v14 =	vmovc v16  }
0x4d5: {  	v16 =	vcvt.f32.s32 v23;
	[tilespmem:v17+s14+$0x0] =	vst.idx.add.f32.msk $0xffff, v2;
	v17 =	vmul.f32 $2.560000000e+02, v22  }
0x4d6: {  	v22 =	vld [tilespmem:s11+$0xD0];
	v20 =	vmul.f32 $2.560000000e+02, v20;
	v15 =	vadd.s32 v11, v15  }
0x4d7: {  	v16 =	vadd.s32 v0, v16;
	v17 =	vtrunc.f32 v17;
	[tilespmem:v21+s14+$0x0] =	vst.idx.add.f32.msk $0xffff, v2  }
0x4d8: {  	v17 =	vcvt.f32.s32 v17;
	v21 =	vld [tilespmem:s10+$0x100];
	v20 =	vtrunc.f32 v20  }
0x4d9: {  	v18 =	vmul.f32 $2.560000000e+02, v18;
	v20 =	vcvt.f32.s32 v20;
	[tilespmem:v19+s14+$0x0] =	vst.idx.add.f32.msk $0xffff, v2  }
0x4da: {  	v17 =	vadd.s32 v5, v17;
	v19 =	vld [tilespmem:s6+$0x130]  }
0x4db: {  	v18 =	vtrunc.f32 v18;
	v22 =	vmul.f32 $2.560000000e+02, v22;
	v20 =	vadd.s32 v8, v20;
	[tilespmem:v15+s14+$0x0] =	vst.idx.add.f32.msk $0xffff, v2  }
0x4dc: {  	v15 =	vcvt.f32.s32 v18;
	v18 =	vld [tilespmem:s5+$0x160]  }
0x4dd: {  	[tilespmem:v16+s14+$0x0] =	vst.idx.add.f32.msk $0xffff, v2;
	v16 =	vtrunc.f32 v22;
	v21 =	vmul.f32 $2.560000000e+02, v21  }
0x4de: {  	v15 =	vadd.s32 v11, v15;
	v22 =	vld [tilespmem:s11+$0x10];
	v16 =	vcvt.f32.s32 v16  }
0x4df: {  	[tilespmem:v17+s14+$0x0] =	vst.idx.add.f32.msk $0xffff, v2;
	v17 =	vtrunc.f32 v21;
	v19 =	vmul.f32 $2.560000000e+02, v19  }
0x4e0: {  	v16 =	vadd.s32 v3, v16;
	v21 =	vld [tilespmem:s10+$0x40];
	v17 =	vcvt.f32.s32 v17  }
0x4e1: {  	[tilespmem:v20+s14+$0x0] =	vst.idx.add.f32.msk $0xffff, v2;
	v19 =	vtrunc.f32 v19;
	v18 =	vmul.f32 $2.560000000e+02, v18  }
0x4e2: {  	v17 =	vadd.s32 v6, v17;
	v20 =	vld [tilespmem:s6+$0x70];
	v19 =	vcvt.f32.s32 v19  }
0x4e3: {  	v22 =	vmul.f32 $2.560000000e+02, v22;
	[tilespmem:v15+s14+$0x0] =	vst.idx.add.f32.msk $0xffff, v2;
	v15 =	vtrunc.f32 v18  }
0x4e4: {  	v18 =	vadd.s32 v9, v19;
	v23 =	vld [tilespmem:s5+$0xA0];
	v15 =	vcvt.f32.s32 v15  }
0x4e5: {  	v19 =	vtrunc.f32 v22;
	[tilespmem:v16+s14+$0x0] =	vst.idx.add.f32.msk $0xffff, v2;
	v16 =	vmul.f32 $2.560000000e+02, v21  }
0x4e6: {  	v19 =	vcvt.f32.s32 v19;
	v21 =	vld [tilespmem:s11+$0xE0];
	v15 =	vadd.s32 v12, v15  }
0x4e7: {  	v16 =	vtrunc.f32 v16;
	[tilespmem:v17+s14+$0x0] =	vst.idx.add.f32.msk $0xffff, v2;
	v17 =	vmul.f32 $2.560000000e+02, v20  }
0x4e8: {  	v22 =	vadd.s32 v3, v19;
	v16 =	vcvt.f32.s32 v16;
	v19 =	vld [tilespmem:s10+$0x110]  }
.Ltmp5:
0x4e9: {  	v17 =	vtrunc.f32 v17;
	[tilespmem:v18+s14+$0x0] =	vst.idx.add.f32.msk $0xffff, v2;
	v18 =	vmul.f32 $2.560000000e+02, v23;
	(pc) =	sbr.rel @p0 .LBB2_13-.Ltmp5, $4  }
0x4ea: {  	v20 =	vadd.s32 v6, v16;
	v16 =	vcvt.f32.s32 v17;
	v17 =	vld [tilespmem:s6+$0x140]  }
0x4eb: {  	v23 =	vtrunc.f32 v18;
	[tilespmem:v15+s14+$0x0] =	vst.idx.add.f32.msk $0xffff, v2  }
0x4ec: {  	v21 =	vmul.f32 $2.560000000e+02, v21;
	v18 =	vadd.s32 v9, v16;
	v16 =	vcvt.f32.s32 v23;
	v15 =	vld [tilespmem:s5+$0x170]  }
0x4ed: {  	[tilespmem:v22+s14+$0x0] =	vst.idx.add.f32.msk $0xffff, v2  }
0x4ee: {  	v22 =	vld [tilespmem:s11+$0x20];
	_ =	sdelay $0x4  }
0x4ef: {  	v21 =	vtrunc.f32 v21;
	v22 =	vmul.f32 $2.560000000e+02, v22  }
0x4f0: {  	v21 =	vcvt.f32.s32 v21  }
0x4f1: {  	v22 =	vtrunc.f32 v22  }
0x4f2: {  	v21 =	vadd.s32 v4, v21;
	v22 =	vcvt.f32.s32 v22;
	_ =	sdelay $0x1  }
0x4f3: {  	v22 =	vadd.s32 v4, v22;
	_ =	sdelay $0x2  }
0x4f4: {  	[tilespmem:v21+s14+$0x0] =	vst.idx.add.f32.msk $0xffff, v2  }
0x4f5: {  	v21 =	vld [tilespmem:s11+$0xF0]  }
0x4f6: {  	[tilespmem:v22+s14+$0x0] =	vst.idx.add.f32.msk $0xffff, v2  }
0x4f7: {  	v22 =	vld [tilespmem:s11+$0x30];
	_ =	sdelay $0x2  }
0x4f8: {  	v21 =	vmul.f32 $2.560000000e+02, v21;
	_ =	sdelay $0x1  }
0x4f9: {  	v21 =	vtrunc.f32 v21;
	v22 =	vmul.f32 $2.560000000e+02, v22  }
0x4fa: {  	v21 =	vcvt.f32.s32 v21  }
0x4fb: {  	v22 =	vtrunc.f32 v22  }
0x4fc: {  	v21 =	vadd.s32 v5, v21;
	v22 =	vcvt.f32.s32 v22;
	_ =	sdelay $0x1  }
0x4fd: {  	v22 =	vadd.s32 v5, v22;
	_ =	sdelay $0x2  }
0x4fe: {  	[tilespmem:v21+s14+$0x0] =	vst.idx.add.f32.msk $0xffff, v2  }
0x4ff: {  	v21 =	vld [tilespmem:s11+$0x100]  }
0x500: {  	[tilespmem:v22+s14+$0x0] =	vst.idx.add.f32.msk $0xffff, v2  }
0x501: {  	v22 =	vld [tilespmem:s11+$0x40];
	_ =	sdelay $0x2  }
0x502: {  	[tilespmem:v20+s14+$0x0] =	vst.idx.add.f32.msk $0xffff, v2;
	v21 =	vmul.f32 $2.560000000e+02, v21  }
0x503: {  	v20 =	vld [tilespmem:s10+$0x50]  }
0x504: {  	v21 =	vtrunc.f32 v21;
	v22 =	vmul.f32 $2.560000000e+02, v22  }
0x505: {  	v21 =	vcvt.f32.s32 v21  }
0x506: {  	v19 =	vmul.f32 $2.560000000e+02, v19;
	v22 =	vtrunc.f32 v22  }
0x507: {  	v21 =	vadd.s32 v6, v21;
	v22 =	vcvt.f32.s32 v22  }
0x508: {  	v19 =	vtrunc.f32 v19;
	v20 =	vmul.f32 $2.560000000e+02, v20  }
0x509: {  	v19 =	vcvt.f32.s32 v19;
	v22 =	vadd.s32 v6, v22  }
0x50a: {  	v20 =	vtrunc.f32 v20  }
0x50b: {  	v19 =	vadd.s32 v7, v19;
	v20 =	vcvt.f32.s32 v20  }
0x50c: {  	[tilespmem:v21+s14+$0x0] =	vst.idx.add.f32.msk $0xffff, v2  }
0x50d: {  	v20 =	vadd.s32 v7, v20;
	v21 =	vld [tilespmem:s11+$0x110]  }
0x50e: {  	[tilespmem:v22+s14+$0x0] =	vst.idx.add.f32.msk $0xffff, v2  }
0x50f: {  	v22 =	vld [tilespmem:s11+$0x50]  }
0x510: {  	[tilespmem:v19+s14+$0x0] =	vst.idx.add.f32.msk $0xffff, v2  }
0x511: {  	v19 =	vld [tilespmem:s10+$0x120]  }
0x512: {  	[tilespmem:v20+s14+$0x0] =	vst.idx.add.f32.msk $0xffff, v2;
	v21 =	vmul.f32 $2.560000000e+02, v21  }
0x513: {  	v20 =	vld [tilespmem:s10+$0x60]  }
0x514: {  	v21 =	vtrunc.f32 v21;
	v22 =	vmul.f32 $2.560000000e+02, v22  }
0x515: {  	v21 =	vcvt.f32.s32 v21  }
0x516: {  	v19 =	vmul.f32 $2.560000000e+02, v19;
	v22 =	vtrunc.f32 v22  }
0x517: {  	v21 =	vadd.s32 v7, v21;
	v22 =	vcvt.f32.s32 v22  }
0x518: {  	v19 =	vtrunc.f32 v19;
	v20 =	vmul.f32 $2.560000000e+02, v20  }
0x519: {  	v19 =	vcvt.f32.s32 v19;
	v22 =	vadd.s32 v7, v22  }
0x51a: {  	v20 =	vtrunc.f32 v20  }
0x51b: {  	v19 =	vadd.s32 v8, v19;
	v20 =	vcvt.f32.s32 v20  }
0x51c: {  	[tilespmem:v21+s14+$0x0] =	vst.idx.add.f32.msk $0xffff, v2  }
0x51d: {  	v20 =	vadd.s32 v8, v20;
	v21 =	vld [tilespmem:s11+$0x120]  }
0x51e: {  	[tilespmem:v22+s14+$0x0] =	vst.idx.add.f32.msk $0xffff, v2  }
0x51f: {  	v22 =	vld [tilespmem:s11+$0x60]  }
0x520: {  	[tilespmem:v19+s14+$0x0] =	vst.idx.add.f32.msk $0xffff, v2  }
0x521: {  	v19 =	vld [tilespmem:s10+$0x130]  }
0x522: {  	[tilespmem:v20+s14+$0x0] =	vst.idx.add.f32.msk $0xffff, v2;
	v21 =	vmul.f32 $2.560000000e+02, v21  }
0x523: {  	v20 =	vld [tilespmem:s10+$0x70]  }
0x524: {  	v21 =	vtrunc.f32 v21;
	v22 =	vmul.f32 $2.560000000e+02, v22  }
0x525: {  	v21 =	vcvt.f32.s32 v21  }
0x526: {  	v19 =	vmul.f32 $2.560000000e+02, v19;
	v22 =	vtrunc.f32 v22  }
0x527: {  	v21 =	vadd.s32 v8, v21;
	v22 =	vcvt.f32.s32 v22  }
0x528: {  	v19 =	vtrunc.f32 v19;
	v20 =	vmul.f32 $2.560000000e+02, v20  }
0x529: {  	v19 =	vcvt.f32.s32 v19;
	v22 =	vadd.s32 v8, v22  }
0x52a: {  	v20 =	vtrunc.f32 v20  }
0x52b: {  	v19 =	vadd.s32 v9, v19;
	v20 =	vcvt.f32.s32 v20  }
0x52c: {  	[tilespmem:v21+s14+$0x0] =	vst.idx.add.f32.msk $0xffff, v2  }
0x52d: {  	v20 =	vadd.s32 v9, v20;
	v21 =	vld [tilespmem:s11+$0x130]  }
0x52e: {  	[tilespmem:v22+s14+$0x0] =	vst.idx.add.f32.msk $0xffff, v2  }
0x52f: {  	v22 =	vld [tilespmem:s11+$0x70]  }
0x530: {  	[tilespmem:v19+s14+$0x0] =	vst.idx.add.f32.msk $0xffff, v2  }
0x531: {  	v19 =	vld [tilespmem:s10+$0x140]  }
0x532: {  	[tilespmem:v20+s14+$0x0] =	vst.idx.add.f32.msk $0xffff, v2;
	v21 =	vmul.f32 $2.560000000e+02, v21  }
0x533: {  	v20 =	vld [tilespmem:s10+$0x80]  }
0x534: {  	v21 =	vtrunc.f32 v21;
	v22 =	vmul.f32 $2.560000000e+02, v22  }
0x535: {  	v21 =	vcvt.f32.s32 v21  }
0x536: {  	[tilespmem:v18+s14+$0x0] =	vst.idx.add.f32.msk $0xffff, v2;
	v19 =	vmul.f32 $2.560000000e+02, v19;
	v18 =	vtrunc.f32 v22  }
0x537: {  	v21 =	vadd.s32 v9, v21;
	v22 =	vld [tilespmem:s6+$0x80];
	v18 =	vcvt.f32.s32 v18  }
0x538: {  	v19 =	vtrunc.f32 v19;
	v20 =	vmul.f32 $2.560000000e+02, v20  }
0x539: {  	v19 =	vcvt.f32.s32 v19;
	v18 =	vadd.s32 v9, v18  }
0x53a: {  	v17 =	vmul.f32 $2.560000000e+02, v17;
	v20 =	vtrunc.f32 v20  }
0x53b: {  	v19 =	vadd.s32 v10, v19;
	v20 =	vcvt.f32.s32 v20  }
0x53c: {  	v17 =	vtrunc.f32 v17;
	[tilespmem:v21+s14+$0x0] =	vst.idx.add.f32.msk $0xffff, v2;
	v22 =	vmul.f32 $2.560000000e+02, v22  }
0x53d: {  	v17 =	vcvt.f32.s32 v17;
	v20 =	vadd.s32 v10, v20;
	v21 =	vld [tilespmem:s11+$0x140]  }
0x53e: {  	v22 =	vtrunc.f32 v22;
	[tilespmem:v18+s14+$0x0] =	vst.idx.add.f32.msk $0xffff, v2  }
0x53f: {  	v17 =	vadd.s32 v10, v17;
	v18 =	vcvt.f32.s32 v22;
	v22 =	vld [tilespmem:s11+$0x80]  }
0x540: {  	[tilespmem:v19+s14+$0x0] =	vst.idx.add.f32.msk $0xffff, v2  }
0x541: {  	v19 =	vld [tilespmem:s10+$0x150];
	v18 =	vadd.s32 v10, v18  }
0x542: {  	[tilespmem:v20+s14+$0x0] =	vst.idx.add.f32.msk $0xffff, v2;
	v21 =	vmul.f32 $2.560000000e+02, v21  }
0x543: {  	v20 =	vld [tilespmem:s10+$0x90]  }
0x544: {  	[tilespmem:v17+s14+$0x0] =	vst.idx.add.f32.msk $0xffff, v2;
	v17 =	vtrunc.f32 v21;
	v21 =	vmul.f32 $2.560000000e+02, v22  }
0x545: {  	v17 =	vcvt.f32.s32 v17;
	v22 =	vld [tilespmem:s6+$0x150]  }
0x546: {  	v19 =	vmul.f32 $2.560000000e+02, v19;
	[tilespmem:v18+s14+$0x0] =	vst.idx.add.f32.msk $0xffff, v2;
	v18 =	vtrunc.f32 v21  }
0x547: {  	v17 =	vadd.s32 v10, v17;
	v21 =	vld [tilespmem:s6+$0x90];
	v18 =	vcvt.f32.s32 v18  }
0x548: {  	v19 =	vtrunc.f32 v19;
	v20 =	vmul.f32 $2.560000000e+02, v20  }
0x549: {  	v19 =	vcvt.f32.s32 v19;
	v18 =	vadd.s32 v10, v18  }
0x54a: {  	v20 =	vtrunc.f32 v20;
	v22 =	vmul.f32 $2.560000000e+02, v22  }
0x54b: {  	v19 =	vadd.s32 v11, v19;
	v20 =	vcvt.f32.s32 v20  }
0x54c: {  	[tilespmem:v17+s14+$0x0] =	vst.idx.add.f32.msk $0xffff, v2;
	v22 =	vtrunc.f32 v22;
	v21 =	vmul.f32 $2.560000000e+02, v21  }
0x54d: {  	v20 =	vadd.s32 v11, v20;
	v17 =	vcvt.f32.s32 v22;
	v22 =	vld [tilespmem:s11+$0x150]  }
0x54e: {  	v21 =	vtrunc.f32 v21;
	[tilespmem:v18+s14+$0x0] =	vst.idx.add.f32.msk $0xffff, v2  }
0x54f: {  	v17 =	vadd.s32 v11, v17;
	v18 =	vcvt.f32.s32 v21;
	v21 =	vld [tilespmem:s11+$0x90]  }
0x550: {  	[tilespmem:v19+s14+$0x0] =	vst.idx.add.f32.msk $0xffff, v2  }
0x551: {  	v19 =	vld [tilespmem:s10+$0x160];
	v18 =	vadd.s32 v11, v18  }
0x552: {  	[tilespmem:v20+s14+$0x0] =	vst.idx.add.f32.msk $0xffff, v2;
	v22 =	vmul.f32 $2.560000000e+02, v22  }
0x553: {  	v20 =	vld [tilespmem:s10+$0xA0]  }
0x554: {  	[tilespmem:v17+s14+$0x0] =	vst.idx.add.f32.msk $0xffff, v2;
	v17 =	vtrunc.f32 v22;
	v21 =	vmul.f32 $2.560000000e+02, v21  }
0x555: {  	v22 =	vld [tilespmem:s6+$0x160];
	v17 =	vcvt.f32.s32 v17  }
0x556: {  	v16 =	vadd.s32 v12, v16;
	[tilespmem:v18+s14+$0x0] =	vst.idx.add.f32.msk $0xffff, v2;
	v18 =	vtrunc.f32 v21  }
0x557: {  	v21 =	vld [tilespmem:s6+$0xA0];
	v17 =	vadd.s32 v11, v17;
	v18 =	vcvt.f32.s32 v18  }
0x558: {  	v19 =	vmul.f32 $2.560000000e+02, v19  }
0x559: {  	v18 =	vadd.s32 v11, v18  }
0x55a: {  	v19 =	vtrunc.f32 v19;
	v22 =	vmul.f32 $2.560000000e+02, v22  }
0x55b: {  	[tilespmem:v16+s14+$0x0] =	vst.idx.add.f32.msk $0xffff, v2;
	v19 =	vcvt.f32.s32 v19;
	v20 =	vmul.f32 $2.560000000e+02, v20  }
0x55c: {  	v22 =	vtrunc.f32 v22;
	v21 =	vmul.f32 $2.560000000e+02, v21;
	[tilespmem:v17+s14+$0x0] =	vst.idx.add.f32.msk $0xffff, v2  }
0x55d: {  	v19 =	vadd.s32 v12, v19;
	v16 =	vtrunc.f32 v20;
	v17 =	vcvt.f32.s32 v22;
	v22 =	vld [tilespmem:s11+$0x160]  }
0x55e: {  	v16 =	vcvt.f32.s32 v16;
	v21 =	vtrunc.f32 v21;
	[tilespmem:v18+s14+$0x0] =	vst.idx.add.f32.msk $0xffff, v2  }
0x55f: {  	v17 =	vadd.s32 v12, v17;
	v18 =	vcvt.f32.s32 v21;
	v21 =	vld [tilespmem:s11+$0xA0]  }
0x560: {  	v16 =	vadd.s32 v12, v16  }
0x561: {  	v18 =	vadd.s32 v12, v18  }
0x562: {  	[tilespmem:v19+s14+$0x0] =	vst.idx.add.f32.msk $0xffff, v2;
	v20 =	vmul.f32 $2.560000000e+02, v22  }
0x563: {  	v19 =	vld [tilespmem:s10+$0x170]  }
0x564: {  	[tilespmem:v17+s14+$0x0] =	vst.idx.add.f32.msk $0xffff, v2;
	v17 =	vtrunc.f32 v20;
	v20 =	vmul.f32 $2.560000000e+02, v21  }
0x565: {  	[tilespmem:v16+s14+$0x0] =	vst.idx.add.f32.msk $0xffff, v2;
	v17 =	vcvt.f32.s32 v17  }
0x566: {  	[tilespmem:v18+s14+$0x0] =	vst.idx.add.f32.msk $0xffff, v2;
	v18 =	vtrunc.f32 v20  }
0x567: {  	v22 =	vld [tilespmem:s5+$0xB0];
	v17 =	vadd.s32 v12, v17;
	v18 =	vcvt.f32.s32 v18  }
0x568: {  	v21 =	vld [tilespmem:s6+$0x170]  }
0x569: {  	v15 =	vmul.f32 $2.560000000e+02, v15;
	v16 =	vld [tilespmem:s10+$0xB0];
	v18 =	vadd.s32 v12, v18;
	_ =	sdelay $0x1  }
0x56a: {  	v15 =	vtrunc.f32 v15;
	v20 =	vld [tilespmem:s6+$0xB0]  }
0x56b: {  	v15 =	vcvt.f32.s32 v15;
	v22 =	vmul.f32 $2.560000000e+02, v22;
	[tilespmem:v17+s14+$0x0] =	vst.idx.add.f32.msk $0xffff, v2  }
0x56c: {  	v19 =	vmul.f32 $2.560000000e+02, v19;
	v17 =	vmul.f32 $2.560000000e+02, v21;
	v21 =	vld [tilespmem:s11+$0x170]  }
0x56d: {  	v16 =	vmul.f32 $2.560000000e+02, v16;
	v22 =	vtrunc.f32 v22;
	[tilespmem:v18+s14+$0x0] =	vst.idx.add.f32.msk $0xffff, v2  }
0x56e: {  	v19 =	vtrunc.f32 v19;
	v18 =	vcvt.f32.s32 v22;
	v22 =	vld [tilespmem:s11+$0xB0]  }
0x56f: {  	v19 =	vcvt.f32.s32 v19;
	v16 =	vtrunc.f32 v16  }
0x570: {  	v15 =	vadd.s32 v13, v15;
	v20 =	vmul.f32 $2.560000000e+02, v20;
	v17 =	vtrunc.f32 v17  }
0x571: {  	v16 =	vcvt.f32.s32 v16;
	v17 =	vcvt.f32.s32 v17  }
0x572: {  	v19 =	vadd.s32 v13, v19;
	v20 =	vtrunc.f32 v20;
	v21 =	vmul.f32 $2.560000000e+02, v21  }
0x573: {  	v20 =	vcvt.f32.s32 v20;
	v17 =	vadd.s32 v13, v17;
	v22 =	vmul.f32 $2.560000000e+02, v22  }
0x574: {  	v16 =	vadd.s32 v13, v16;
	v18 =	vadd.s32 v13, v18;
	v21 =	vtrunc.f32 v21  }
0x575: {  	[tilespmem:v15+s14+$0x0] =	vst.idx.add.f32.msk $0xffff, v2;
	v15 =	vadd.s32 v13, v20;
	v21 =	vcvt.f32.s32 v21;
	v20 =	vtrunc.f32 v22  }
0x576: {  	[tilespmem:v14+s14+$0x0] =	vst.idx.add.f32.msk $0xffff, v2;
	v20 =	vcvt.f32.s32 v20  }
0x577: {  	[tilespmem:v19+s14+$0x0] =	vst.idx.add.f32.msk $0xffff, v2;
	v14 =	vadd.s32 v13, v21  }
0x578: {  	[tilespmem:v17+s14+$0x0] =	vst.idx.add.f32.msk $0xffff, v2;
	v17 =	vadd.s32 v13, v20  }
0x579: {  	[tilespmem:v16+s14+$0x0] =	vst.idx.add.f32.msk $0xffff, v2  }
0x57a: {  	[tilespmem:v18+s14+$0x0] =	vst.idx.add.f32.msk $0xffff, v2  }
0x57b: {  	[tilespmem:v15+s14+$0x0] =	vst.idx.add.f32.msk $0xffff, v2  }
0x57c: {  	[tilespmem:v14+s14+$0x0] =	vst.idx.add.f32.msk $0xffff, v2  }
0x57d: {  	[tilespmem:v17+s14+$0x0] =	vst.idx.add.f32.msk $0xffff, v2  }
0x57e: {  	_ =	swait.ge [sflag:s9], $0x6000  }
0x57f: {  	p0 =	seq.s32 s7, $0x5;
	s5 =	rddreg [dreg:$0x9]  }
0x580: {  	s10 =	simm.s32 @!p0 $0x180;
	s5 =	sadd.s32 @!p0 s12, s5  }
0x581: {  	s6 =	simm.s32 @!p0 $0xC0;
	[sflag:s9] =	ssyncset.done $0x0;
	s5 =	sshrl.u32 @!p0 s5, $0x3  }
0x582: {  	s11 =	simm.s32 @!p0 $0x0;
	[sflag:s9] =	ssyncadd.s32 $0xFFFFA000;
	s5 =	sadd.s32 @!p0 s3, s5  }
0x583: {  	[tilespmem:s11], [sflag:$0x1] =	stream.strided.gather @!p0 [hbm4b:s5+s6], $0x600, s10, s6, $0x38;
	[tilespmem:$0xF000] =	vst v63  }
0x584: {  	s12 =	simm.s32 @!p0 $0x600;
	s11 =	sadd.s32 @!p0 $0x4800, s5  }
0x585: {  	[tilespmem:s12], [sflag:$0x1] =	stream.strided.gather @!p0 [hbm4b:s11+s6], $0x600, s10, s6, $0x38;
	[tilespmem:$0xF000] =	vst v63  }
0x586: {  	s11 =	sadd.s32 @!p0 $0x9000, s5;
	s12 =	simm.s32 @!p0 $0xC00  }
0x587: {  	[tilespmem:s12], [sflag:$0x1] =	stream.strided.gather @!p0 [hbm4b:s11+s6], $0x600, s10, s6, $0x38;
	[tilespmem:$0xF000] =	vst v63  }
0x588: {  	s11 =	sadd.s32 @!p0 $0xD800, s5;
	s12 =	simm.s32 @!p0 $0x1200  }
0x589: {  	[tilespmem:s12], [sflag:$0x1] =	stream.strided.gather @!p0 [hbm4b:s11+s6], $0x600, s10, s6, $0x38;
	[tilespmem:$0xF000] =	vst v63  }
0x58a: {  	s11 =	sadd.s32 @!p0 $0x12000, s5;
	s12 =	simm.s32 @!p0 $0x1800  }
0x58b: {  	[tilespmem:s12], [sflag:$0x1] =	stream.strided.gather @!p0 [hbm4b:s11+s6], $0x600, s10, s6, $0x38;
	[tilespmem:$0xF000] =	vst v63  }
0x58c: {  	s11 =	sadd.s32 @!p0 $0x16800, s5;
	s12 =	simm.s32 @!p0 $0x1E00  }
0x58d: {  	[tilespmem:s12], [sflag:$0x1] =	stream.strided.gather @!p0 [hbm4b:s11+s6], $0x600, s10, s6, $0x38;
	[tilespmem:$0xF000] =	vst v63  }
0x58e: {  	s11 =	sadd.s32 @!p0 $0x1B000, s5;
	s12 =	simm.s32 @!p0 $0x2400  }
0x58f: {  	[tilespmem:s12], [sflag:$0x1] =	stream.strided.gather @!p0 [hbm4b:s11+s6], $0x600, s10, s6, $0x38;
	[tilespmem:$0xF000] =	vst v63  }
0x590: {  	s11 =	sadd.s32 @!p0 $0x1F800, s5;
	s12 =	simm.s32 @!p0 $0x2A00  }
0x591: {  	[tilespmem:s12], [sflag:$0x1] =	stream.strided.gather @!p0 [hbm4b:s11+s6], $0x600, s10, s6, $0x38;
	[tilespmem:$0xF000] =	vst v63  }
0x592: {  	s11 =	sadd.s32 @!p0 $0x24000, s5;
	s12 =	simm.s32 @!p0 $0x3000  }
0x593: {  	[tilespmem:s12], [sflag:$0x1] =	stream.strided.gather @!p0 [hbm4b:s11+s6], $0x600, s10, s6, $0x38;
	[tilespmem:$0xF000] =	vst v63  }
0x594: {  	s11 =	sadd.s32 @!p0 $0x28800, s5;
	s12 =	simm.s32 @!p0 $0x3600  }
0x595: {  	[tilespmem:s12], [sflag:$0x1] =	stream.strided.gather @!p0 [hbm4b:s11+s6], $0x600, s10, s6, $0x38;
	[tilespmem:$0xF000] =	vst v63  }
0x596: {  	s11 =	sadd.s32 @!p0 $0x2D000, s5;
	s12 =	simm.s32 @!p0 $0x3C00  }
0x597: {  	[tilespmem:s12], [sflag:$0x1] =	stream.strided.gather @!p0 [hbm4b:s11+s6], $0x600, s10, s6, $0x38;
	[tilespmem:$0xF000] =	vst v63  }
0x598: {  	s11 =	sadd.s32 @!p0 $0x31800, s5;
	s12 =	simm.s32 @!p0 $0x4200  }
0x599: {  	[tilespmem:s12], [sflag:$0x1] =	stream.strided.gather @!p0 [hbm4b:s11+s6], $0x600, s10, s6, $0x38;
	[tilespmem:$0xF000] =	vst v63  }
0x59a: {  	s11 =	sadd.s32 @!p0 $0x36000, s5;
	s12 =	simm.s32 @!p0 $0x4800  }
0x59b: {  	[tilespmem:s12], [sflag:$0x1] =	stream.strided.gather @!p0 [hbm4b:s11+s6], $0x600, s10, s6, $0x38;
	[tilespmem:$0xF000] =	vst v63  }
0x59c: {  	s11 =	sadd.s32 @!p0 $0x3A800, s5;
	s12 =	simm.s32 @!p0 $0x4E00  }
0x59d: {  	[tilespmem:s12], [sflag:$0x1] =	stream.strided.gather @!p0 [hbm4b:s11+s6], $0x600, s10, s6, $0x38;
	[tilespmem:$0xF000] =	vst v63  }
0x59e: {  	s11 =	sadd.s32 @!p0 $0x3F000, s5;
	s12 =	simm.s32 @!p0 $0x5400  }
0x59f: {  	[tilespmem:s12], [sflag:$0x1] =	stream.strided.gather @!p0 [hbm4b:s11+s6], $0x600, s10, s6, $0x38;
	[tilespmem:$0xF000] =	vst v63  }
0x5a0: {  	s13 =	simm.s32 $0x0;
	s12 =	simm.s32 $0x0  }
0x5a1: {  	s11 =	sand.u32 $0x6, s12;
	s12 =	smul.u32 $0x1800, s13  }
0x5a2: {  	s5 =	sadd.s32 @!p0 $0x43800, s5;
	s13 =	simm.s32 @!p0 $0x5A00;
	s11 =	smul.u32 $0x300, s11  }
0x5a3: {  	[tilespmem:s13], [sflag:$0x1] =	stream.strided.gather @!p0 [hbm4b:s5+s6], $0x600, s10, s6, $0x38;
	[tilespmem:$0xF000] =	vst v63  }
0x5a4: {  	s15 =	sshra.s32 s12, $0x2;
	s17 =	sshrl.u32 s11, $0x2  }
0x5a5: {  	s12 =	sadd.s32 s17, s15  }
0x5a6: {  	v14 =	vld [tilespmem:s12+$0x60C0];
	_ =	sdelay $0x4  }
0x5a7: {  	v14 =	vmul.f32 $2.560000000e+02, v14;
	_ =	sdelay $0x1  }
0x5a8: {  	v14 =	vtrunc.f32 v14  }
0x5a9: {  	v15 =	vld [tilespmem:s12+$0x6000];
	v14 =	vcvt.f32.s32 v14;
	_ =	sdelay $0x1  }
0x5aa: {  	v14 =	vadd.s32 v0, v14;
	_ =	sdelay $0x2  }
0x5ab: {  	v15 =	vmul.f32 $2.560000000e+02, v15;
	_ =	sdelay $0x1  }
0x5ac: {  	v15 =	vtrunc.f32 v15;
	[tilespmem:v14+s14+$0x0] =	vst.idx.add.f32.msk $0xffff, v2  }
0x5ad: {  	v14 =	vcvt.f32.s32 v15;
	v15 =	vld [tilespmem:s12+$0x60D0];
	_ =	sdelay $0x1  }
0x5ae: {  	v14 =	vadd.s32 v0, v14;
	_ =	sdelay $0x2  }
0x5af: {  	v15 =	vmul.f32 $2.560000000e+02, v15;
	_ =	sdelay $0x1  }
0x5b0: {  	[tilespmem:v14+s14+$0x0] =	vst.idx.add.f32.msk $0xffff, v2;
	v14 =	vtrunc.f32 v15  }
0x5b1: {  	v15 =	vld [tilespmem:s12+$0x6010];
	v14 =	vcvt.f32.s32 v14;
	_ =	sdelay $0x1  }
0x5b2: {  	v14 =	vadd.s32 v3, v14;
	_ =	sdelay $0x2  }
0x5b3: {  	v15 =	vmul.f32 $2.560000000e+02, v15;
	_ =	sdelay $0x1  }
0x5b4: {  	v15 =	vtrunc.f32 v15;
	[tilespmem:v14+s14+$0x0] =	vst.idx.add.f32.msk $0xffff, v2  }
0x5b5: {  	v14 =	vcvt.f32.s32 v15;
	v15 =	vld [tilespmem:s12+$0x60E0];
	_ =	sdelay $0x1  }
0x5b6: {  	v14 =	vadd.s32 v3, v14;
	_ =	sdelay $0x2  }
0x5b7: {  	v15 =	vmul.f32 $2.560000000e+02, v15;
	_ =	sdelay $0x1  }
0x5b8: {  	[tilespmem:v14+s14+$0x0] =	vst.idx.add.f32.msk $0xffff, v2;
	v14 =	vtrunc.f32 v15  }
0x5b9: {  	s6 =	simm.s32 $0x2;
	s10 =	simm.s32 $0x0;
	v15 =	vld [tilespmem:s12+$0x6020];
	v14 =	vcvt.f32.s32 v14  }
0x5ba: {  	s5 =	sand.u32 $0x6, s6;
	s6 =	smul.u32 $0x1800, s10  }
0x5bb: {  	s5 =	smul.u32 $0x300, s5;
	v14 =	vadd.s32 v4, v14;
	_ =	sdelay $0x1  }
0x5bc: {  	s6 =	sshra.s32 s6, $0x2;
	s5 =	sshrl.u32 s5, $0x2  }
0x5bd: {  	s5 =	sadd.s32 s5, s6;
	v15 =	vmul.f32 $2.560000000e+02, v15  }
0x5be: {  	v16 =	vld [tilespmem:s5+$0x60C0]  }
0x5bf: {  	v15 =	vtrunc.f32 v15;
	[tilespmem:v14+s14+$0x0] =	vst.idx.add.f32.msk $0xffff, v2  }
0x5c0: {  	v14 =	vcvt.f32.s32 v15;
	v15 =	vld [tilespmem:s12+$0x60F0];
	_ =	sdelay $0x1  }
0x5c1: {  	v14 =	vadd.s32 v4, v14  }
0x5c2: {  	v16 =	vmul.f32 $2.560000000e+02, v16;
	_ =	sdelay $0x1  }
0x5c3: {  	v16 =	vtrunc.f32 v16;
	v15 =	vmul.f32 $2.560000000e+02, v15  }
0x5c4: {  	v17 =	vld [tilespmem:s5+$0x6000];
	v16 =	vcvt.f32.s32 v16  }
0x5c5: {  	[tilespmem:v14+s14+$0x0] =	vst.idx.add.f32.msk $0xffff, v2;
	v14 =	vtrunc.f32 v15  }
0x5c6: {  	v16 =	vadd.s32 v0, v16;
	v15 =	vld [tilespmem:s12+$0x6030];
	v14 =	vcvt.f32.s32 v14;
	_ =	sdelay $0x1  }
0x5c7: {  	v14 =	vadd.s32 v5, v14  }
0x5c8: {  	v17 =	vmul.f32 $2.560000000e+02, v17;
	_ =	sdelay $0x1  }
0x5c9: {  	v17 =	vtrunc.f32 v17;
	[tilespmem:v16+s14+$0x0] =	vst.idx.add.f32.msk $0xffff, v2;
	v15 =	vmul.f32 $2.560000000e+02, v15  }
0x5ca: {  	v16 =	vcvt.f32.s32 v17;
	v17 =	vld [tilespmem:s5+$0x60D0]  }
0x5cb: {  	v15 =	vtrunc.f32 v15;
	[tilespmem:v14+s14+$0x0] =	vst.idx.add.f32.msk $0xffff, v2  }
0x5cc: {  	v14 =	vadd.s32 v0, v16;
	v15 =	vcvt.f32.s32 v15;
	v16 =	vld [tilespmem:s12+$0x6100];
	_ =	sdelay $0x1  }
0x5cd: {  	v15 =	vadd.s32 v5, v15  }
0x5ce: {  	v17 =	vmul.f32 $2.560000000e+02, v17;
	_ =	sdelay $0x1  }
0x5cf: {  	[tilespmem:v14+s14+$0x0] =	vst.idx.add.f32.msk $0xffff, v2;
	v14 =	vtrunc.f32 v17;
	v16 =	vmul.f32 $2.560000000e+02, v16  }
0x5d0: {  	v17 =	vld [tilespmem:s5+$0x6010];
	v14 =	vcvt.f32.s32 v14  }
0x5d1: {  	[tilespmem:v15+s14+$0x0] =	vst.idx.add.f32.msk $0xffff, v2;
	v15 =	vtrunc.f32 v16  }
0x5d2: {  	v14 =	vadd.s32 v3, v14;
	v16 =	vld [tilespmem:s12+$0x6040];
	v15 =	vcvt.f32.s32 v15;
	_ =	sdelay $0x1  }
0x5d3: {  	v15 =	vadd.s32 v6, v15  }
0x5d4: {  	v17 =	vmul.f32 $2.560000000e+02, v17;
	_ =	sdelay $0x1  }
0x5d5: {  	v17 =	vtrunc.f32 v17;
	[tilespmem:v14+s14+$0x0] =	vst.idx.add.f32.msk $0xffff, v2;
	v14 =	vmul.f32 $2.560000000e+02, v16  }
0x5d6: {  	v16 =	vcvt.f32.s32 v17;
	v17 =	vld [tilespmem:s5+$0x60E0]  }
0x5d7: {  	v14 =	vtrunc.f32 v14;
	[tilespmem:v15+s14+$0x0] =	vst.idx.add.f32.msk $0xffff, v2  }
0x5d8: {  	v15 =	vadd.s32 v3, v16;
	v14 =	vcvt.f32.s32 v14;
	v16 =	vld [tilespmem:s12+$0x6110];
	_ =	sdelay $0x1  }
0x5d9: {  	v14 =	vadd.s32 v6, v14  }
0x5da: {  	v17 =	vmul.f32 $2.560000000e+02, v17;
	_ =	sdelay $0x1  }
0x5db: {  	[tilespmem:v15+s14+$0x0] =	vst.idx.add.f32.msk $0xffff, v2;
	v15 =	vtrunc.f32 v17;
	v16 =	vmul.f32 $2.560000000e+02, v16  }
0x5dc: {  	s13 =	simm.s32 $0x0;
	s11 =	simm.s32 $0x4;
	v17 =	vld [tilespmem:s5+$0x6020];
	v15 =	vcvt.f32.s32 v15  }
0x5dd: {  	s10 =	smul.u32 $0x1800, s13;
	s6 =	sand.u32 $0x6, s11;
	[tilespmem:v14+s14+$0x0] =	vst.idx.add.f32.msk $0xffff, v2;
	v14 =	vtrunc.f32 v16  }
0x5de: {  	s6 =	smul.u32 $0x300, s6;
	v16 =	vld [tilespmem:s12+$0x6050];
	v15 =	vadd.s32 v4, v15;
	v14 =	vcvt.f32.s32 v14;
	_ =	sdelay $0x1  }
0x5df: {  	s10 =	sshra.s32 s10, $0x2;
	s6 =	sshrl.u32 s6, $0x2;
	v14 =	vadd.s32 v7, v14  }
0x5e0: {  	s6 =	sadd.s32 s6, s10;
	v17 =	vmul.f32 $2.560000000e+02, v17  }
0x5e1: {  	v18 =	vld [tilespmem:s6+$0x60C0]  }
0x5e2: {  	v16 =	vmul.f32 $2.560000000e+02, v16;
	v17 =	vtrunc.f32 v17;
	[tilespmem:v15+s14+$0x0] =	vst.idx.add.f32.msk $0xffff, v2  }
0x5e3: {  	v15 =	vcvt.f32.s32 v17;
	v17 =	vld [tilespmem:s5+$0x60F0]  }
0x5e4: {  	v16 =	vtrunc.f32 v16;
	[tilespmem:v14+s14+$0x0] =	vst.idx.add.f32.msk $0xffff, v2  }
0x5e5: {  	v14 =	vcvt.f32.s32 v16;
	v15 =	vadd.s32 v4, v15;
	v16 =	vld [tilespmem:s12+$0x6120]  }
0x5e6: {  	v18 =	vmul.f32 $2.560000000e+02, v18  }
0x5e7: {  	v14 =	vadd.s32 v7, v14  }
0x5e8: {  	v18 =	vtrunc.f32 v18;
	v17 =	vmul.f32 $2.560000000e+02, v17  }
0x5e9: {  	v19 =	vld [tilespmem:s6+$0x6000];
	v18 =	vcvt.f32.s32 v18  }
0x5ea: {  	[tilespmem:v15+s14+$0x0] =	vst.idx.add.f32.msk $0xffff, v2;
	v15 =	vtrunc.f32 v17;
	v16 =	vmul.f32 $2.560000000e+02, v16  }
0x5eb: {  	v18 =	vadd.s32 v0, v18;
	v17 =	vld [tilespmem:s5+$0x6030];
	v15 =	vcvt.f32.s32 v15  }
0x5ec: {  	[tilespmem:v14+s14+$0x0] =	vst.idx.add.f32.msk $0xffff, v2;
	v14 =	vtrunc.f32 v16  }
0x5ed: {  	v16 =	vld [tilespmem:s12+$0x6060];
	v15 =	vadd.s32 v5, v15;
	v14 =	vcvt.f32.s32 v14  }
0x5ee: {  	v19 =	vmul.f32 $2.560000000e+02, v19  }
0x5ef: {  	v14 =	vadd.s32 v8, v14  }
0x5f0: {  	v19 =	vtrunc.f32 v19;
	[tilespmem:v18+s14+$0x0] =	vst.idx.add.f32.msk $0xffff, v2;
	v17 =	vmul.f32 $2.560000000e+02, v17  }
0x5f1: {  	v18 =	vcvt.f32.s32 v19;
	v19 =	vld [tilespmem:s6+$0x60D0]  }
0x5f2: {  	v16 =	vmul.f32 $2.560000000e+02, v16;
	v17 =	vtrunc.f32 v17;
	[tilespmem:v15+s14+$0x0] =	vst.idx.add.f32.msk $0xffff, v2  }
0x5f3: {  	v15 =	vadd.s32 v0, v18;
	v17 =	vcvt.f32.s32 v17;
	v18 =	vld [tilespmem:s5+$0x6100]  }
0x5f4: {  	v16 =	vtrunc.f32 v16;
	[tilespmem:v14+s14+$0x0] =	vst.idx.add.f32.msk $0xffff, v2  }
0x5f5: {  	v14 =	vcvt.f32.s32 v16;
	v16 =	vadd.s32 v5, v17;
	v17 =	vld [tilespmem:s12+$0x6130]  }
0x5f6: {  	v19 =	vmul.f32 $2.560000000e+02, v19  }
0x5f7: {  	v14 =	vadd.s32 v8, v14  }
0x5f8: {  	[tilespmem:v15+s14+$0x0] =	vst.idx.add.f32.msk $0xffff, v2;
	v15 =	vtrunc.f32 v19;
	v18 =	vmul.f32 $2.560000000e+02, v18  }
0x5f9: {  	v19 =	vld [tilespmem:s6+$0x6010];
	v15 =	vcvt.f32.s32 v15  }
0x5fa: {  	[tilespmem:v16+s14+$0x0] =	vst.idx.add.f32.msk $0xffff, v2;
	v16 =	vtrunc.f32 v18;
	v17 =	vmul.f32 $2.560000000e+02, v17  }
0x5fb: {  	v15 =	vadd.s32 v3, v15;
	v18 =	vld [tilespmem:s5+$0x6040];
	v16 =	vcvt.f32.s32 v16  }
0x5fc: {  	[tilespmem:v14+s14+$0x0] =	vst.idx.add.f32.msk $0xffff, v2;
	v14 =	vtrunc.f32 v17  }
0x5fd: {  	v16 =	vadd.s32 v6, v16;
	v17 =	vld [tilespmem:s12+$0x6070];
	v14 =	vcvt.f32.s32 v14  }
0x5fe: {  	v19 =	vmul.f32 $2.560000000e+02, v19  }
0x5ff: {  	v14 =	vadd.s32 v9, v14  }
0x600: {  	v19 =	vtrunc.f32 v19;
	[tilespmem:v15+s14+$0x0] =	vst.idx.add.f32.msk $0xffff, v2;
	v15 =	vmul.f32 $2.560000000e+02, v18  }
0x601: {  	v18 =	vcvt.f32.s32 v19;
	v19 =	vld [tilespmem:s6+$0x60E0]  }
0x602: {  	v15 =	vtrunc.f32 v15;
	[tilespmem:v16+s14+$0x0] =	vst.idx.add.f32.msk $0xffff, v2;
	v16 =	vmul.f32 $2.560000000e+02, v17  }
0x603: {  	v17 =	vadd.s32 v3, v18;
	v15 =	vcvt.f32.s32 v15;
	v18 =	vld [tilespmem:s5+$0x6110]  }
0x604: {  	v16 =	vtrunc.f32 v16;
	[tilespmem:v14+s14+$0x0] =	vst.idx.add.f32.msk $0xffff, v2  }
0x605: {  	v14 =	vadd.s32 v6, v15;
	v15 =	vcvt.f32.s32 v16;
	v16 =	vld [tilespmem:s12+$0x6140]  }
0x606: {  	v19 =	vmul.f32 $2.560000000e+02, v19  }
0x607: {  	v15 =	vadd.s32 v9, v15  }
0x608: {  	[tilespmem:v17+s14+$0x0] =	vst.idx.add.f32.msk $0xffff, v2;
	v17 =	vtrunc.f32 v19;
	v18 =	vmul.f32 $2.560000000e+02, v18  }
0x609: {  	s15 =	simm.s32 $0x6;
	s17 =	simm.s32 $0x0;
	v19 =	vld [tilespmem:s6+$0x6020];
	v17 =	vcvt.f32.s32 v17  }
0x60a: {  	s11 =	smul.u32 $0x1800, s17;
	s10 =	sand.u32 $0x6, s15;
	[tilespmem:v14+s14+$0x0] =	vst.idx.add.f32.msk $0xffff, v2;
	v14 =	vtrunc.f32 v18;
	v16 =	vmul.f32 $2.560000000e+02, v16  }
0x60b: {  	s10 =	smul.u32 $0x300, s10;
	v17 =	vadd.s32 v4, v17;
	v18 =	vld [tilespmem:s5+$0x6050];
	v14 =	vcvt.f32.s32 v14  }
0x60c: {  	[tilespmem:v15+s14+$0x0] =	vst.idx.add.f32.msk $0xffff, v2;
	v15 =	vtrunc.f32 v16  }
0x60d: {  	s11 =	sshra.s32 s11, $0x2;
	s10 =	sshrl.u32 s10, $0x2;
	v16 =	vld [tilespmem:s12+$0x6080];
	v14 =	vadd.s32 v7, v14;
	v15 =	vcvt.f32.s32 v15  }
0x60e: {  	s10 =	sadd.s32 s10, s11;
	v19 =	vmul.f32 $2.560000000e+02, v19  }
0x60f: {  	v20 =	vld [tilespmem:s10+$0x60C0];
	v15 =	vadd.s32 v10, v15  }
0x610: {  	v19 =	vtrunc.f32 v19;
	[tilespmem:v17+s14+$0x0] =	vst.idx.add.f32.msk $0xffff, v2;
	v18 =	vmul.f32 $2.560000000e+02, v18  }
0x611: {  	s13 =	simm.s32 $0x1;
	s15 =	simm.s32 $0x8;
	v17 =	vcvt.f32.s32 v19;
	v19 =	vld [tilespmem:s6+$0x60F0]  }
0x612: {  	s17 =	sand.u32 $0x6, s15;
	s11 =	smul.u32 $0x1800, s13;
	v18 =	vtrunc.f32 v18;
	[tilespmem:v14+s14+$0x0] =	vst.idx.add.f32.msk $0xffff, v2;
	v14 =	vmul.f32 $2.560000000e+02, v16  }
0x613: {  	s13 =	smul.u32 $0x300, s17;
	v17 =	vadd.s32 v4, v17;
	v16 =	vcvt.f32.s32 v18;
	v18 =	vld [tilespmem:s5+$0x6120]  }
0x614: {  	v14 =	vtrunc.f32 v14;
	[tilespmem:v15+s14+$0x0] =	vst.idx.add.f32.msk $0xffff, v2;
	v15 =	vmul.f32 $2.560000000e+02, v20  }
0x615: {  	s11 =	sshra.s32 s11, $0x2;
	s13 =	sshrl.u32 s13, $0x2;
	v16 =	vadd.s32 v7, v16;
	v14 =	vcvt.f32.s32 v14;
	v20 =	vld [tilespmem:s12+$0x6150]  }
0x616: {  	v21 =	vld [tilespmem:s10+$0x6000];
	s11 =	sadd.s32 s13, s11;
	v19 =	vmul.f32 $2.560000000e+02, v19;
	v15 =	vtrunc.f32 v15  }
0x617: {  	v22 =	vld [tilespmem:s11+$0x60C0];
	v14 =	vadd.s32 v10, v14;
	v15 =	vcvt.f32.s32 v15  }
0x618: {  	[tilespmem:v17+s14+$0x0] =	vst.idx.add.f32.msk $0xffff, v2;
	v17 =	vtrunc.f32 v19;
	v18 =	vmul.f32 $2.560000000e+02, v18  }
0x619: {  	v19 =	vld [tilespmem:s6+$0x6030];
	v17 =	vcvt.f32.s32 v17;
	v15 =	vadd.s32 v0, v15  }
0x61a: {  	[tilespmem:v16+s14+$0x0] =	vst.idx.add.f32.msk $0xffff, v2;
	v16 =	vtrunc.f32 v18;
	v18 =	vmul.f32 $2.560000000e+02, v20  }
0x61b: {  	v17 =	vadd.s32 v5, v17;
	v20 =	vld [tilespmem:s5+$0x6060];
	v16 =	vcvt.f32.s32 v16  }
0x61c: {  	v21 =	vmul.f32 $2.560000000e+02, v21;
	[tilespmem:v14+s14+$0x0] =	vst.idx.add.f32.msk $0xffff, v2;
	v14 =	vtrunc.f32 v18  }
0x61d: {  	v18 =	vld [tilespmem:s12+$0x6090];
	v16 =	vadd.s32 v8, v16;
	v14 =	vcvt.f32.s32 v14  }
0x61e: {  	v21 =	vtrunc.f32 v21;
	[tilespmem:v15+s14+$0x0] =	vst.idx.add.f32.msk $0xffff, v2;
	v15 =	vmul.f32 $2.560000000e+02, v19  }
0x61f: {  	v19 =	vcvt.f32.s32 v21;
	v21 =	vld [tilespmem:s10+$0x60D0];
	v14 =	vadd.s32 v11, v14  }
0x620: {  	[tilespmem:v17+s14+$0x0] =	vst.idx.add.f32.msk $0xffff, v2;
	v20 =	vmul.f32 $2.560000000e+02, v20;
	v15 =	vtrunc.f32 v15  }
0x621: {  	v17 =	vadd.s32 v0, v19;
	v19 =	vld [tilespmem:s6+$0x6100];
	v15 =	vcvt.f32.s32 v15  }
0x622: {  	v20 =	vtrunc.f32 v20;
	[tilespmem:v16+s14+$0x0] =	vst.idx.add.f32.msk $0xffff, v2;
	v16 =	vmul.f32 $2.560000000e+02, v18  }
0x623: {  	v18 =	vcvt.f32.s32 v20;
	v20 =	vld [tilespmem:s5+$0x6130];
	v15 =	vadd.s32 v5, v15  }
0x624: {  	v16 =	vtrunc.f32 v16;
	v21 =	vmul.f32 $2.560000000e+02, v21;
	[tilespmem:v14+s14+$0x0] =	vst.idx.add.f32.msk $0xffff, v2  }
0x625: {  	v14 =	vadd.s32 v8, v18;
	v16 =	vcvt.f32.s32 v16;
	v18 =	vld [tilespmem:s12+$0x6160]  }
0x626: {  	[tilespmem:v17+s14+$0x0] =	vst.idx.add.f32.msk $0xffff, v2;
	v19 =	vmul.f32 $2.560000000e+02, v19;
	v17 =	vtrunc.f32 v21  }
0x627: {  	v21 =	vld [tilespmem:s10+$0x6010];
	v16 =	vadd.s32 v11, v16;
	v17 =	vcvt.f32.s32 v17  }
0x628: {  	[tilespmem:v15+s14+$0x0] =	vst.idx.add.f32.msk $0xffff, v2;
	v15 =	vtrunc.f32 v19;
	v19 =	vmul.f32 $2.560000000e+02, v20  }
0x629: {  	v17 =	vadd.s32 v3, v17;
	v20 =	vld [tilespmem:s6+$0x6040];
	v15 =	vcvt.f32.s32 v15  }
0x62a: {  	[tilespmem:v14+s14+$0x0] =	vst.idx.add.f32.msk $0xffff, v2;
	v14 =	vtrunc.f32 v19;
	v18 =	vmul.f32 $2.560000000e+02, v18  }
0x62b: {  	v19 =	vld [tilespmem:s5+$0x6070];
	v15 =	vadd.s32 v6, v15;
	v14 =	vcvt.f32.s32 v14  }
0x62c: {  	v21 =	vmul.f32 $2.560000000e+02, v21;
	[tilespmem:v16+s14+$0x0] =	vst.idx.add.f32.msk $0xffff, v2;
	v16 =	vtrunc.f32 v18  }
0x62d: {  	v18 =	vld [tilespmem:s12+$0x60A0];
	v14 =	vadd.s32 v9, v14;
	v16 =	vcvt.f32.s32 v16  }
0x62e: {  	v21 =	vtrunc.f32 v21;
	[tilespmem:v17+s14+$0x0] =	vst.idx.add.f32.msk $0xffff, v2;
	v17 =	vmul.f32 $2.560000000e+02, v20  }
0x62f: {  	v20 =	vcvt.f32.s32 v21;
	v21 =	vld [tilespmem:s10+$0x60E0];
	v16 =	vadd.s32 v12, v16  }
0x630: {  	v17 =	vtrunc.f32 v17;
	[tilespmem:v15+s14+$0x0] =	vst.idx.add.f32.msk $0xffff, v2;
	v15 =	vmul.f32 $2.560000000e+02, v19  }
0x631: {  	v19 =	vadd.s32 v3, v20;
	v17 =	vcvt.f32.s32 v17;
	v20 =	vld [tilespmem:s6+$0x6110]  }
0x632: {  	v15 =	vtrunc.f32 v15;
	[tilespmem:v14+s14+$0x0] =	vst.idx.add.f32.msk $0xffff, v2;
	v14 =	vmul.f32 $2.560000000e+02, v18  }
0x633: {  	v17 =	vadd.s32 v6, v17;
	v15 =	vcvt.f32.s32 v15;
	v18 =	vld [tilespmem:s5+$0x6140]  }
0x634: {  	v14 =	vtrunc.f32 v14;
	[tilespmem:v16+s14+$0x0] =	vst.idx.add.f32.msk $0xffff, v2;
	v16 =	vmul.f32 $2.560000000e+02, v21  }
0x635: {  	v15 =	vadd.s32 v9, v15;
	v14 =	vcvt.f32.s32 v14;
	v21 =	vld [tilespmem:s12+$0x6170]  }
0x636: {  	[tilespmem:v19+s14+$0x0] =	vst.idx.add.f32.msk $0xffff, v2;
	v16 =	vtrunc.f32 v16;
	v20 =	vmul.f32 $2.560000000e+02, v20  }
0x637: {  	v19 =	vld [tilespmem:s10+$0x6020];
	v14 =	vadd.s32 v12, v14;
	v16 =	vcvt.f32.s32 v16  }
0x638: {  	[tilespmem:v17+s14+$0x0] =	vst.idx.add.f32.msk $0xffff, v2;
	v20 =	vtrunc.f32 v20;
	v18 =	vmul.f32 $2.560000000e+02, v18  }
0x639: {  	v17 =	vld [tilespmem:s6+$0x6050];
	v16 =	vadd.s32 v4, v16;
	v20 =	vcvt.f32.s32 v20  }
0x63a: {  	[tilespmem:v15+s14+$0x0] =	vst.idx.add.f32.msk $0xffff, v2;
	v15 =	vmul.f32 $2.560000000e+02, v21;
	v18 =	vtrunc.f32 v18  }
0x63b: {  	v21 =	vld [tilespmem:s5+$0x6080];
	v20 =	vadd.s32 v7, v20;
	v18 =	vcvt.f32.s32 v18  }
0x63c: {  	[tilespmem:v14+s14+$0x0] =	vst.idx.add.f32.msk $0xffff, v2;
	v14 =	vtrunc.f32 v15;
	v15 =	vmul.f32 $2.560000000e+02, v19  }
0x63d: {  	v19 =	vld [tilespmem:s12+$0x60B0];
	v14 =	vcvt.f32.s32 v14;
	v18 =	vadd.s32 v10, v18  }
0x63e: {  	v17 =	vmul.f32 $2.560000000e+02, v17;
	v15 =	vtrunc.f32 v15;
	[tilespmem:v16+s14+$0x0] =	vst.idx.add.f32.msk $0xffff, v2  }
0x63f: {  	v14 =	vadd.s32 v13, v14;
	v15 =	vcvt.f32.s32 v15;
	v16 =	vld [tilespmem:s10+$0x60F0]  }
0x640: {  	v17 =	vtrunc.f32 v17;
	[tilespmem:v20+s14+$0x0] =	vst.idx.add.f32.msk $0xffff, v2;
	v20 =	vmul.f32 $2.560000000e+02, v21  }
0x641: {  	v17 =	vcvt.f32.s32 v17;
	v15 =	vadd.s32 v4, v15;
	v21 =	vld [tilespmem:s6+$0x6120]  }
0x642: {  	v20 =	vtrunc.f32 v20;
	[tilespmem:v18+s14+$0x0] =	vst.idx.add.f32.msk $0xffff, v2;
	v18 =	vmul.f32 $2.560000000e+02, v22  }
0x643: {  	v17 =	vadd.s32 v7, v17;
	v20 =	vcvt.f32.s32 v20;
	v22 =	vld [tilespmem:s5+$0x6150]  }
0x644: {  	[tilespmem:v14+s14+$0x0] =	vst.idx.add.f32.msk $0xffff, v2;
	v14 =	vtrunc.f32 v18;
	v16 =	vmul.f32 $2.560000000e+02, v16  }
0x645: {  	v18 =	vld [tilespmem:s11+$0x6000];
	v20 =	vadd.s32 v10, v20;
	v14 =	vcvt.f32.s32 v14  }
0x646: {  	[tilespmem:v15+s14+$0x0] =	vst.idx.add.f32.msk $0xffff, v2;
	v15 =	vtrunc.f32 v16;
	v16 =	vmul.f32 $2.560000000e+02, v21  }
0x647: {  	v21 =	vld [tilespmem:s10+$0x6030];
	v14 =	vadd.s32 v0, v14;
	v15 =	vcvt.f32.s32 v15  }
0x648: {  	[tilespmem:v17+s14+$0x0] =	vst.idx.add.f32.msk $0xffff, v2;
	v16 =	vtrunc.f32 v16;
	v17 =	vmul.f32 $2.560000000e+02, v22  }
0x649: {  	v22 =	vld [tilespmem:s6+$0x6060];
	v15 =	vadd.s32 v5, v15;
	v16 =	vcvt.f32.s32 v16  }
0x64a: {  	v18 =	vmul.f32 $2.560000000e+02, v18;
	[tilespmem:v20+s14+$0x0] =	vst.idx.add.f32.msk $0xffff, v2;
	v17 =	vtrunc.f32 v17  }
0x64b: {  	v20 =	vld [tilespmem:s5+$0x6090];
	v16 =	vadd.s32 v8, v16;
	v17 =	vcvt.f32.s32 v17  }
0x64c: {  	v18 =	vtrunc.f32 v18;
	[tilespmem:v14+s14+$0x0] =	vst.idx.add.f32.msk $0xffff, v2;
	v14 =	vmul.f32 $2.560000000e+02, v21  }
0x64d: {  	v18 =	vcvt.f32.s32 v18;
	v21 =	vld [tilespmem:s11+$0x60D0];
	v17 =	vadd.s32 v11, v17  }
0x64e: {  	v22 =	vmul.f32 $2.560000000e+02, v22;
	v14 =	vtrunc.f32 v14;
	[tilespmem:v15+s14+$0x0] =	vst.idx.add.f32.msk $0xffff, v2  }
0x64f: {  	v15 =	vadd.s32 v0, v18;
	v14 =	vcvt.f32.s32 v14;
	v18 =	vld [tilespmem:s10+$0x6100]  }
0x650: {  	v22 =	vtrunc.f32 v22;
	[tilespmem:v16+s14+$0x0] =	vst.idx.add.f32.msk $0xffff, v2;
	v16 =	vmul.f32 $2.560000000e+02, v20  }
0x651: {  	v20 =	vcvt.f32.s32 v22;
	v14 =	vadd.s32 v5, v14;
	v22 =	vld [tilespmem:s6+$0x6130]  }
0x652: {  	v21 =	vmul.f32 $2.560000000e+02, v21;
	v16 =	vtrunc.f32 v16;
	[tilespmem:v17+s14+$0x0] =	vst.idx.add.f32.msk $0xffff, v2  }
0x653: {  	v17 =	vadd.s32 v8, v20;
	v16 =	vcvt.f32.s32 v16;
	v20 =	vld [tilespmem:s5+$0x6160]  }
0x654: {  	[tilespmem:v15+s14+$0x0] =	vst.idx.add.f32.msk $0xffff, v2;
	v15 =	vtrunc.f32 v21;
	v18 =	vmul.f32 $2.560000000e+02, v18  }
0x655: {  	v21 =	vld [tilespmem:s11+$0x6010];
	v15 =	vcvt.f32.s32 v15;
	v16 =	vadd.s32 v11, v16  }
0x656: {  	[tilespmem:v14+s14+$0x0] =	vst.idx.add.f32.msk $0xffff, v2;
	v14 =	vtrunc.f32 v18;
	v18 =	vmul.f32 $2.560000000e+02, v22  }
0x657: {  	v15 =	vadd.s32 v3, v15;
	v22 =	vld [tilespmem:s10+$0x6040];
	v14 =	vcvt.f32.s32 v14  }
0x658: {  	[tilespmem:v17+s14+$0x0] =	vst.idx.add.f32.msk $0xffff, v2;
	v17 =	vtrunc.f32 v18;
	v18 =	vmul.f32 $2.560000000e+02, v20  }
0x659: {  	v14 =	vadd.s32 v6, v14;
	v20 =	vld [tilespmem:s6+$0x6070];
	v17 =	vcvt.f32.s32 v17  }
0x65a: {  	v21 =	vmul.f32 $2.560000000e+02, v21;
	[tilespmem:v16+s14+$0x0] =	vst.idx.add.f32.msk $0xffff, v2;
	v16 =	vtrunc.f32 v18  }
0x65b: {  	v19 =	vmul.f32 $2.560000000e+02, v19;
	v17 =	vadd.s32 v9, v17;
	v18 =	vld [tilespmem:s5+$0x60A0];
	v16 =	vcvt.f32.s32 v16  }
0x65c: {  	v21 =	vtrunc.f32 v21;
	[tilespmem:v15+s14+$0x0] =	vst.idx.add.f32.msk $0xffff, v2;
	v15 =	vmul.f32 $2.560000000e+02, v22  }
0x65d: {  	v23 =	vtrunc.f32 v19;
	v21 =	vcvt.f32.s32 v21;
	v22 =	vld [tilespmem:s11+$0x60E0];
	v16 =	vadd.s32 v12, v16  }
0x65e: {  	[tilespmem:v14+s14+$0x0] =	vst.idx.add.f32.msk $0xffff, v2;
	v14 =	vtrunc.f32 v15;
	v15 =	vmul.f32 $2.560000000e+02, v20  }
0x65f: {  	v24 =	vadd.s32 v3, v21;
	v20 =	vcvt.f32.s32 v23;
	v19 =	vld [tilespmem:s10+$0x6110];
	v21 =	vcvt.f32.s32 v14  }
0x660: {  	[tilespmem:v17+s14+$0x0] =	vst.idx.add.f32.msk $0xffff, v2;
	v14 =	vtrunc.f32 v15;
	v15 =	vmul.f32 $2.560000000e+02, v18  }
0x661: {  	v17 =	vld [tilespmem:s6+$0x6140];
	v18 =	vcvt.f32.s32 v14;
	v14 =	vadd.s32 v13, v20;
	v20 =	vadd.s32 v6, v21  }
0x662: {  	[tilespmem:v16+s14+$0x0] =	vst.idx.add.f32.msk $0xffff, v2;
	v16 =	vtrunc.f32 v15  }
0x663: {  	v21 =	vmul.f32 $2.560000000e+02, v22;
	v15 =	vld [tilespmem:s5+$0x6170];
	v18 =	vadd.s32 v9, v18;
	v16 =	vcvt.f32.s32 v16  }
0x664: {  	[tilespmem:v24+s14+$0x0] =	vst.idx.add.f32.msk $0xffff, v2  }
.LBB2_15:
0x665: {  	s15 =	sadd.s32 $0x2, s15;
	v22 =	vld [tilespmem:s11+$0x6020];
	v21 =	vtrunc.f32 v21;
	v19 =	vmul.f32 $2.560000000e+02, v19;
	v16 =	vadd.s32 v12, v16  }
0x666: {  	s12 =	sshrl.u32 s15, $0x3;
	p0 =	slt.u32 s15, $0x7E;
	v21 =	vcvt.f32.s32 v21;
	[tilespmem:v20+s14+$0x0] =	vst.idx.add.f32.msk $0xffff, v2  }
0x667: {  	s13 =	sand.u32 $0x6, s15;
	v17 =	vmul.f32 $2.560000000e+02, v17;
	s12 =	smul.u32 $0x1800, s12;
	v20 =	vld [tilespmem:s10+$0x6050];
	v19 =	vtrunc.f32 v19  }
0x668: {  	s13 =	smul.u32 $0x300, s13;
	v21 =	vadd.s32 v4, v21;
	v19 =	vcvt.f32.s32 v19;
	[tilespmem:v18+s14+$0x0] =	vst.idx.add.f32.msk $0xffff, v2;
	v15 =	vmul.f32 $2.560000000e+02, v15  }
0x669: {  	v17 =	vtrunc.f32 v17;
	v18 =	vld [tilespmem:s6+$0x6080]  }
0x66a: {  	s12 =	sshra.s32 s12, $0x2;
	s13 =	sshrl.u32 s13, $0x2;
	v17 =	vcvt.f32.s32 v17;
	v19 =	vadd.s32 v7, v19;
	[tilespmem:v16+s14+$0x0] =	vst.idx.add.f32.msk $0xffff, v2;
	v15 =	vtrunc.f32 v15  }
0x66b: {  	s12 =	sadd.s32 s13, s12;
	v16 =	vmul.f32 $2.560000000e+02, v22;
	v22 =	vld [tilespmem:s5+$0x60B0];
	v15 =	vcvt.f32.s32 v15;
	s5 =	smov.u32 s6;
	s6 =	smov.u32 s10  }
0x66c: {  	v17 =	vadd.s32 v10, v17;
	s10 =	smov.u32 s11;
	s11 =	smov.u32 s12;
	v23 =	vld [tilespmem:s12+$0x60C0];
	v20 =	vmul.f32 $2.560000000e+02, v20  }
0x66d: {  	v16 =	vtrunc.f32 v16;
	[tilespmem:v21+s14+$0x0] =	vst.idx.add.f32.msk $0xffff, v2;
	v15 =	vadd.s32 v13, v15  }
0x66e: {  	v16 =	vcvt.f32.s32 v16;
	v21 =	vld [tilespmem:s10+$0x60F0];
	v20 =	vtrunc.f32 v20  }
0x66f: {  	v18 =	vmul.f32 $2.560000000e+02, v18;
	v20 =	vcvt.f32.s32 v20;
	[tilespmem:v19+s14+$0x0] =	vst.idx.add.f32.msk $0xffff, v2  }
0x670: {  	v16 =	vadd.s32 v4, v16;
	v19 =	vld [tilespmem:s6+$0x6120];
	v22 =	vmul.f32 $2.560000000e+02, v22  }
0x671: {  	v18 =	vtrunc.f32 v18;
	v20 =	vadd.s32 v7, v20;
	[tilespmem:v17+s14+$0x0] =	vst.idx.add.f32.msk $0xffff, v2  }
0x672: {  	v17 =	vmul.f32 $2.560000000e+02, v23;
	v18 =	vcvt.f32.s32 v18;
	[tilespmem:v15+s14+$0x0] =	vst.idx.add.f32.msk $0xffff, v2  }
0x673: {  	v22 =	vtrunc.f32 v22;
	v15 =	vld [tilespmem:s5+$0x6150]  }
0x674: {  	v17 =	vtrunc.f32 v17;
	v21 =	vmul.f32 $2.560000000e+02, v21;
	v18 =	vadd.s32 v10, v18;
	v23 =	vld [tilespmem:s11+$0x6000]  }
0x675: {  	v17 =	vcvt.f32.s32 v17;
	[tilespmem:v16+s14+$0x0] =	vst.idx.add.f32.msk $0xffff, v2;
	v16 =	vcvt.f32.s32 v22  }
0x676: {  	v21 =	vtrunc.f32 v21;
	v19 =	vmul.f32 $2.560000000e+02, v19;
	v22 =	vld [tilespmem:s10+$0x6030]  }
0x677: {  	v17 =	vadd.s32 v0, v17;
	v21 =	vcvt.f32.s32 v21;
	[tilespmem:v20+s14+$0x0] =	vst.idx.add.f32.msk $0xffff, v2;
	v16 =	vadd.s32 v13, v16  }
0x678: {  	v19 =	vtrunc.f32 v19;
	v20 =	vld [tilespmem:s6+$0x6060];
	v15 =	vmul.f32 $2.560000000e+02, v15  }
0x679: {  	v21 =	vadd.s32 v5, v21;
	v19 =	vcvt.f32.s32 v19;
	v23 =	vmul.f32 $2.560000000e+02, v23;
	[tilespmem:v18+s14+$0x0] =	vst.idx.add.f32.msk $0xffff, v2  }
0x67a: {  	v18 =	vld [tilespmem:s5+$0x6090];
	v15 =	vtrunc.f32 v15  }
0x67b: {  	v19 =	vadd.s32 v8, v19;
	v23 =	vtrunc.f32 v23;
	v15 =	vcvt.f32.s32 v15;
	[tilespmem:v14+s14+$0x0] =	vst.idx.add.f32.msk $0xffff, v2;
	v14 =	vmovc v16  }
0x67c: {  	v16 =	vcvt.f32.s32 v23;
	[tilespmem:v17+s14+$0x0] =	vst.idx.add.f32.msk $0xffff, v2;
	v17 =	vmul.f32 $2.560000000e+02, v22  }
0x67d: {  	v22 =	vld [tilespmem:s11+$0x60D0];
	v20 =	vmul.f32 $2.560000000e+02, v20;
	v15 =	vadd.s32 v11, v15  }
0x67e: {  	v16 =	vadd.s32 v0, v16;
	v17 =	vtrunc.f32 v17;
	[tilespmem:v21+s14+$0x0] =	vst.idx.add.f32.msk $0xffff, v2  }
0x67f: {  	v17 =	vcvt.f32.s32 v17;
	v21 =	vld [tilespmem:s10+$0x6100];
	v20 =	vtrunc.f32 v20  }
0x680: {  	v18 =	vmul.f32 $2.560000000e+02, v18;
	v20 =	vcvt.f32.s32 v20;
	[tilespmem:v19+s14+$0x0] =	vst.idx.add.f32.msk $0xffff, v2  }
0x681: {  	v17 =	vadd.s32 v5, v17;
	v19 =	vld [tilespmem:s6+$0x6130]  }
0x682: {  	v18 =	vtrunc.f32 v18;
	v22 =	vmul.f32 $2.560000000e+02, v22;
	v20 =	vadd.s32 v8, v20;
	[tilespmem:v15+s14+$0x0] =	vst.idx.add.f32.msk $0xffff, v2  }
0x683: {  	v15 =	vcvt.f32.s32 v18;
	v18 =	vld [tilespmem:s5+$0x6160]  }
0x684: {  	[tilespmem:v16+s14+$0x0] =	vst.idx.add.f32.msk $0xffff, v2;
	v16 =	vtrunc.f32 v22;
	v21 =	vmul.f32 $2.560000000e+02, v21  }
0x685: {  	v15 =	vadd.s32 v11, v15;
	v22 =	vld [tilespmem:s11+$0x6010];
	v16 =	vcvt.f32.s32 v16  }
0x686: {  	[tilespmem:v17+s14+$0x0] =	vst.idx.add.f32.msk $0xffff, v2;
	v17 =	vtrunc.f32 v21;
	v19 =	vmul.f32 $2.560000000e+02, v19  }
0x687: {  	v16 =	vadd.s32 v3, v16;
	v21 =	vld [tilespmem:s10+$0x6040];
	v17 =	vcvt.f32.s32 v17  }
0x688: {  	[tilespmem:v20+s14+$0x0] =	vst.idx.add.f32.msk $0xffff, v2;
	v19 =	vtrunc.f32 v19;
	v18 =	vmul.f32 $2.560000000e+02, v18  }
0x689: {  	v17 =	vadd.s32 v6, v17;
	v20 =	vld [tilespmem:s6+$0x6070];
	v19 =	vcvt.f32.s32 v19  }
0x68a: {  	v22 =	vmul.f32 $2.560000000e+02, v22;
	[tilespmem:v15+s14+$0x0] =	vst.idx.add.f32.msk $0xffff, v2;
	v15 =	vtrunc.f32 v18  }
0x68b: {  	v18 =	vadd.s32 v9, v19;
	v23 =	vld [tilespmem:s5+$0x60A0];
	v15 =	vcvt.f32.s32 v15  }
0x68c: {  	v19 =	vtrunc.f32 v22;
	[tilespmem:v16+s14+$0x0] =	vst.idx.add.f32.msk $0xffff, v2;
	v16 =	vmul.f32 $2.560000000e+02, v21  }
0x68d: {  	v19 =	vcvt.f32.s32 v19;
	v21 =	vld [tilespmem:s11+$0x60E0];
	v15 =	vadd.s32 v12, v15  }
0x68e: {  	v16 =	vtrunc.f32 v16;
	[tilespmem:v17+s14+$0x0] =	vst.idx.add.f32.msk $0xffff, v2;
	v17 =	vmul.f32 $2.560000000e+02, v20  }
0x68f: {  	v22 =	vadd.s32 v3, v19;
	v16 =	vcvt.f32.s32 v16;
	v19 =	vld [tilespmem:s10+$0x6110]  }
.Ltmp6:
0x690: {  	v17 =	vtrunc.f32 v17;
	[tilespmem:v18+s14+$0x0] =	vst.idx.add.f32.msk $0xffff, v2;
	v18 =	vmul.f32 $2.560000000e+02, v23;
	(pc) =	sbr.rel @p0 .LBB2_15-.Ltmp6, $4  }
0x691: {  	v20 =	vadd.s32 v6, v16;
	v16 =	vcvt.f32.s32 v17;
	v17 =	vld [tilespmem:s6+$0x6140]  }
0x692: {  	v23 =	vtrunc.f32 v18;
	[tilespmem:v15+s14+$0x0] =	vst.idx.add.f32.msk $0xffff, v2  }
0x693: {  	v21 =	vmul.f32 $2.560000000e+02, v21;
	v18 =	vadd.s32 v9, v16;
	v16 =	vcvt.f32.s32 v23;
	v15 =	vld [tilespmem:s5+$0x6170]  }
0x694: {  	[tilespmem:v22+s14+$0x0] =	vst.idx.add.f32.msk $0xffff, v2  }
0x695: {  	v22 =	vld [tilespmem:s11+$0x6020];
	_ =	sdelay $0x4  }
0x696: {  	v21 =	vtrunc.f32 v21;
	v22 =	vmul.f32 $2.560000000e+02, v22  }
0x697: {  	v21 =	vcvt.f32.s32 v21  }
0x698: {  	v22 =	vtrunc.f32 v22  }
0x699: {  	v21 =	vadd.s32 v4, v21;
	v22 =	vcvt.f32.s32 v22;
	_ =	sdelay $0x1  }
0x69a: {  	v22 =	vadd.s32 v4, v22;
	_ =	sdelay $0x2  }
0x69b: {  	[tilespmem:v21+s14+$0x0] =	vst.idx.add.f32.msk $0xffff, v2  }
0x69c: {  	v21 =	vld [tilespmem:s11+$0x60F0]  }
0x69d: {  	[tilespmem:v22+s14+$0x0] =	vst.idx.add.f32.msk $0xffff, v2  }
0x69e: {  	v22 =	vld [tilespmem:s11+$0x6030];
	_ =	sdelay $0x2  }
0x69f: {  	v21 =	vmul.f32 $2.560000000e+02, v21;
	_ =	sdelay $0x1  }
0x6a0: {  	v21 =	vtrunc.f32 v21;
	v22 =	vmul.f32 $2.560000000e+02, v22  }
0x6a1: {  	v21 =	vcvt.f32.s32 v21  }
0x6a2: {  	v22 =	vtrunc.f32 v22  }
0x6a3: {  	v21 =	vadd.s32 v5, v21;
	v22 =	vcvt.f32.s32 v22;
	_ =	sdelay $0x1  }
0x6a4: {  	v22 =	vadd.s32 v5, v22;
	_ =	sdelay $0x2  }
0x6a5: {  	[tilespmem:v21+s14+$0x0] =	vst.idx.add.f32.msk $0xffff, v2  }
0x6a6: {  	v21 =	vld [tilespmem:s11+$0x6100]  }
0x6a7: {  	[tilespmem:v22+s14+$0x0] =	vst.idx.add.f32.msk $0xffff, v2  }
0x6a8: {  	v22 =	vld [tilespmem:s11+$0x6040];
	_ =	sdelay $0x2  }
0x6a9: {  	v21 =	vmul.f32 $2.560000000e+02, v21  }
0x6aa: {  	[tilespmem:v20+s14+$0x0] =	vst.idx.add.f32.msk $0xffff, v2  }
0x6ab: {  	v20 =	vld [tilespmem:s10+$0x6050];
	v21 =	vtrunc.f32 v21;
	v22 =	vmul.f32 $2.560000000e+02, v22  }
0x6ac: {  	v21 =	vcvt.f32.s32 v21  }
0x6ad: {  	v22 =	vtrunc.f32 v22  }
0x6ae: {  	v19 =	vmul.f32 $2.560000000e+02, v19;
	v21 =	vadd.s32 v6, v21;
	v22 =	vcvt.f32.s32 v22;
	_ =	sdelay $0x1  }
0x6af: {  	v19 =	vtrunc.f32 v19;
	v20 =	vmul.f32 $2.560000000e+02, v20;
	v22 =	vadd.s32 v6, v22  }
0x6b0: {  	v19 =	vcvt.f32.s32 v19  }
0x6b1: {  	v20 =	vtrunc.f32 v20  }
0x6b2: {  	v19 =	vadd.s32 v7, v19;
	v20 =	vcvt.f32.s32 v20;
	[tilespmem:v21+s14+$0x0] =	vst.idx.add.f32.msk $0xffff, v2  }
0x6b3: {  	v21 =	vld [tilespmem:s11+$0x6110]  }
0x6b4: {  	v20 =	vadd.s32 v7, v20;
	[tilespmem:v22+s14+$0x0] =	vst.idx.add.f32.msk $0xffff, v2  }
0x6b5: {  	v22 =	vld [tilespmem:s11+$0x6050];
	_ =	sdelay $0x1  }
0x6b6: {  	[tilespmem:v19+s14+$0x0] =	vst.idx.add.f32.msk $0xffff, v2  }
0x6b7: {  	v19 =	vld [tilespmem:s10+$0x6120];
	v21 =	vmul.f32 $2.560000000e+02, v21  }
0x6b8: {  	[tilespmem:v20+s14+$0x0] =	vst.idx.add.f32.msk $0xffff, v2  }
0x6b9: {  	v20 =	vld [tilespmem:s10+$0x6060];
	v21 =	vtrunc.f32 v21;
	v22 =	vmul.f32 $2.560000000e+02, v22  }
0x6ba: {  	v21 =	vcvt.f32.s32 v21  }
0x6bb: {  	v22 =	vtrunc.f32 v22  }
0x6bc: {  	v19 =	vmul.f32 $2.560000000e+02, v19;
	v21 =	vadd.s32 v7, v21;
	v22 =	vcvt.f32.s32 v22;
	_ =	sdelay $0x1  }
0x6bd: {  	v19 =	vtrunc.f32 v19;
	v20 =	vmul.f32 $2.560000000e+02, v20;
	v22 =	vadd.s32 v7, v22  }
0x6be: {  	v19 =	vcvt.f32.s32 v19  }
0x6bf: {  	v20 =	vtrunc.f32 v20  }
0x6c0: {  	v19 =	vadd.s32 v8, v19;
	v20 =	vcvt.f32.s32 v20;
	[tilespmem:v21+s14+$0x0] =	vst.idx.add.f32.msk $0xffff, v2  }
0x6c1: {  	v21 =	vld [tilespmem:s11+$0x6120]  }
0x6c2: {  	v20 =	vadd.s32 v8, v20;
	[tilespmem:v22+s14+$0x0] =	vst.idx.add.f32.msk $0xffff, v2  }
0x6c3: {  	v22 =	vld [tilespmem:s11+$0x6060];
	_ =	sdelay $0x1  }
0x6c4: {  	[tilespmem:v19+s14+$0x0] =	vst.idx.add.f32.msk $0xffff, v2  }
0x6c5: {  	v19 =	vld [tilespmem:s10+$0x6130];
	v21 =	vmul.f32 $2.560000000e+02, v21  }
0x6c6: {  	[tilespmem:v20+s14+$0x0] =	vst.idx.add.f32.msk $0xffff, v2  }
0x6c7: {  	v20 =	vld [tilespmem:s10+$0x6070];
	v21 =	vtrunc.f32 v21;
	v22 =	vmul.f32 $2.560000000e+02, v22  }
0x6c8: {  	v21 =	vcvt.f32.s32 v21  }
0x6c9: {  	v22 =	vtrunc.f32 v22  }
0x6ca: {  	v19 =	vmul.f32 $2.560000000e+02, v19;
	v21 =	vadd.s32 v8, v21;
	v22 =	vcvt.f32.s32 v22;
	_ =	sdelay $0x1  }
0x6cb: {  	v19 =	vtrunc.f32 v19;
	v20 =	vmul.f32 $2.560000000e+02, v20;
	v22 =	vadd.s32 v8, v22  }
0x6cc: {  	v19 =	vcvt.f32.s32 v19  }
0x6cd: {  	v20 =	vtrunc.f32 v20  }
0x6ce: {  	v19 =	vadd.s32 v9, v19;
	v20 =	vcvt.f32.s32 v20;
	[tilespmem:v21+s14+$0x0] =	vst.idx.add.f32.msk $0xffff, v2  }
0x6cf: {  	v21 =	vld [tilespmem:s11+$0x6130]  }
0x6d0: {  	v20 =	vadd.s32 v9, v20;
	[tilespmem:v22+s14+$0x0] =	vst.idx.add.f32.msk $0xffff, v2  }
0x6d1: {  	v22 =	vld [tilespmem:s11+$0x6070];
	_ =	sdelay $0x1  }
0x6d2: {  	[tilespmem:v19+s14+$0x0] =	vst.idx.add.f32.msk $0xffff, v2  }
0x6d3: {  	v19 =	vld [tilespmem:s10+$0x6140];
	v21 =	vmul.f32 $2.560000000e+02, v21  }
0x6d4: {  	[tilespmem:v20+s14+$0x0] =	vst.idx.add.f32.msk $0xffff, v2  }
0x6d5: {  	v20 =	vld [tilespmem:s10+$0x6080];
	v21 =	vtrunc.f32 v21;
	v22 =	vmul.f32 $2.560000000e+02, v22  }
0x6d6: {  	v21 =	vcvt.f32.s32 v21  }
0x6d7: {  	v29 =	vtrunc.f32 v22  }
0x6d8: {  	[tilespmem:v18+s14+$0x0] =	vst.idx.add.f32.msk $0xffff, v2;
	v19 =	vmul.f32 $2.560000000e+02, v19;
	v21 =	vadd.s32 v9, v21;
	v18 =	vcvt.f32.s32 v29  }
0x6d9: {  	v30 =	vld [tilespmem:s6+$0x6080]  }
0x6da: {  	v19 =	vtrunc.f32 v19;
	v20 =	vmul.f32 $2.560000000e+02, v20;
	v18 =	vadd.s32 v9, v18  }
0x6db: {  	v19 =	vcvt.f32.s32 v19  }
0x6dc: {  	v17 =	vmul.f32 $2.560000000e+02, v17;
	v20 =	vtrunc.f32 v20  }
0x6dd: {  	v19 =	vadd.s32 v10, v19;
	v20 =	vcvt.f32.s32 v20;
	[tilespmem:v21+s14+$0x0] =	vst.idx.add.f32.msk $0xffff, v2  }
0x6de: {  	v17 =	vtrunc.f32 v17;
	v22 =	vmul.f32 $2.560000000e+02, v30;
	v21 =	vld [tilespmem:s11+$0x6140]  }
0x6df: {  	v17 =	vcvt.f32.s32 v17;
	v20 =	vadd.s32 v10, v20;
	[tilespmem:v18+s14+$0x0] =	vst.idx.add.f32.msk $0xffff, v2  }
0x6e0: {  	v22 =	vtrunc.f32 v22;
	v32 =	vld [tilespmem:s11+$0x6080]  }
0x6e1: {  	v17 =	vadd.s32 v10, v17;
	v31 =	vcvt.f32.s32 v22  }
0x6e2: {  	[tilespmem:v19+s14+$0x0] =	vst.idx.add.f32.msk $0xffff, v2  }
0x6e3: {  	v19 =	vld [tilespmem:s10+$0x6150];
	v21 =	vmul.f32 $2.560000000e+02, v21;
	v18 =	vadd.s32 v10, v31  }
0x6e4: {  	[tilespmem:v20+s14+$0x0] =	vst.idx.add.f32.msk $0xffff, v2  }
0x6e5: {  	v20 =	vld [tilespmem:s10+$0x6090];
	v33 =	vtrunc.f32 v21;
	v34 =	vmul.f32 $2.560000000e+02, v32  }
0x6e6: {  	[tilespmem:v17+s14+$0x0] =	vst.idx.add.f32.msk $0xffff, v2;
	v17 =	vcvt.f32.s32 v33  }
0x6e7: {  	v35 =	vld [tilespmem:s6+$0x6150];
	v36 =	vtrunc.f32 v34  }
0x6e8: {  	v19 =	vmul.f32 $2.560000000e+02, v19;
	v17 =	vadd.s32 v10, v17;
	[tilespmem:v18+s14+$0x0] =	vst.idx.add.f32.msk $0xffff, v2;
	v18 =	vcvt.f32.s32 v36  }
0x6e9: {  	v37 =	vld [tilespmem:s6+$0x6090]  }
0x6ea: {  	v19 =	vtrunc.f32 v19;
	v20 =	vmul.f32 $2.560000000e+02, v20;
	v18 =	vadd.s32 v10, v18  }
0x6eb: {  	v19 =	vcvt.f32.s32 v19  }
0x6ec: {  	v20 =	vtrunc.f32 v20;
	v22 =	vmul.f32 $2.560000000e+02, v35  }
0x6ed: {  	v19 =	vadd.s32 v11, v19;
	v20 =	vcvt.f32.s32 v20;
	[tilespmem:v17+s14+$0x0] =	vst.idx.add.f32.msk $0xffff, v2  }
0x6ee: {  	v22 =	vtrunc.f32 v22;
	v39 =	vld [tilespmem:s11+$0x6150];
	v21 =	vmul.f32 $2.560000000e+02, v37  }
0x6ef: {  	v20 =	vadd.s32 v11, v20;
	v38 =	vcvt.f32.s32 v22;
	[tilespmem:v18+s14+$0x0] =	vst.idx.add.f32.msk $0xffff, v2  }
0x6f0: {  	v21 =	vtrunc.f32 v21;
	v41 =	vld [tilespmem:s11+$0x6090]  }
0x6f1: {  	v17 =	vadd.s32 v11, v38;
	v40 =	vcvt.f32.s32 v21  }
0x6f2: {  	[tilespmem:v19+s14+$0x0] =	vst.idx.add.f32.msk $0xffff, v2  }
0x6f3: {  	v19 =	vld [tilespmem:s10+$0x6160];
	v22 =	vmul.f32 $2.560000000e+02, v39;
	v18 =	vadd.s32 v11, v40  }
0x6f4: {  	[tilespmem:v20+s14+$0x0] =	vst.idx.add.f32.msk $0xffff, v2  }
0x6f5: {  	v20 =	vld [tilespmem:s10+$0x60A0];
	v42 =	vtrunc.f32 v22;
	v21 =	vmul.f32 $2.560000000e+02, v41  }
0x6f6: {  	[tilespmem:v17+s14+$0x0] =	vst.idx.add.f32.msk $0xffff, v2;
	v17 =	vcvt.f32.s32 v42  }
0x6f7: {  	v16 =	vadd.s32 v12, v16;
	v43 =	vld [tilespmem:s6+$0x6160];
	v44 =	vtrunc.f32 v21  }
0x6f8: {  	v17 =	vadd.s32 v11, v17;
	[tilespmem:v18+s14+$0x0] =	vst.idx.add.f32.msk $0xffff, v2;
	v18 =	vcvt.f32.s32 v44  }
0x6f9: {  	v45 =	vld [tilespmem:s6+$0x60A0]  }
0x6fa: {  	v19 =	vmul.f32 $2.560000000e+02, v19;
	v18 =	vadd.s32 v11, v18;
	_ =	sdelay $0x1  }
0x6fb: {  	[tilespmem:v16+s14+$0x0] =	vst.idx.add.f32.msk $0xffff, v2;
	v19 =	vtrunc.f32 v19;
	v22 =	vmul.f32 $2.560000000e+02, v43  }
0x6fc: {  	v19 =	vcvt.f32.s32 v19;
	v20 =	vmul.f32 $2.560000000e+02, v20;
	[tilespmem:v17+s14+$0x0] =	vst.idx.add.f32.msk $0xffff, v2  }
0x6fd: {  	v22 =	vtrunc.f32 v22;
	v47 =	vld [tilespmem:s11+$0x6160];
	v21 =	vmul.f32 $2.560000000e+02, v45  }
0x6fe: {  	v19 =	vadd.s32 v12, v19;
	v50 =	vtrunc.f32 v20;
	v46 =	vcvt.f32.s32 v22;
	[tilespmem:v18+s14+$0x0] =	vst.idx.add.f32.msk $0xffff, v2  }
0x6ff: {  	v16 =	vcvt.f32.s32 v50;
	v21 =	vtrunc.f32 v21;
	v49 =	vld [tilespmem:s11+$0x60A0]  }
0x700: {  	v17 =	vadd.s32 v12, v46;
	v48 =	vcvt.f32.s32 v21  }
0x701: {  	v16 =	vadd.s32 v12, v16  }
0x702: {  	v51 =	vmul.f32 $2.560000000e+02, v47;
	v18 =	vadd.s32 v12, v48  }
0x703: {  	[tilespmem:v19+s14+$0x0] =	vst.idx.add.f32.msk $0xffff, v2  }
0x704: {  	v19 =	vld [tilespmem:s10+$0x6170];
	v53 =	vtrunc.f32 v51;
	v54 =	vmul.f32 $2.560000000e+02, v49  }
0x705: {  	[tilespmem:v17+s14+$0x0] =	vst.idx.add.f32.msk $0xffff, v2;
	v17 =	vcvt.f32.s32 v53  }
0x706: {  	[tilespmem:v16+s14+$0x0] =	vst.idx.add.f32.msk $0xffff, v2;
	v56 =	vtrunc.f32 v54  }
0x707: {  	v17 =	vadd.s32 v12, v17;
	[tilespmem:v18+s14+$0x0] =	vst.idx.add.f32.msk $0xffff, v2;
	v18 =	vcvt.f32.s32 v56  }
0x708: {  	v16 =	vld [tilespmem:s10+$0x60B0]  }
0x709: {  	v52 =	vld [tilespmem:s5+$0x60B0];
	v18 =	vadd.s32 v12, v18  }
0x70a: {  	v15 =	vmul.f32 $2.560000000e+02, v15;
	v55 =	vld [tilespmem:s6+$0x6170]  }
0x70b: {  	v57 =	vld [tilespmem:s6+$0x60B0]  }
0x70c: {  	v15 =	vtrunc.f32 v15;
	v19 =	vmul.f32 $2.560000000e+02, v19;
	[tilespmem:v17+s14+$0x0] =	vst.idx.add.f32.msk $0xffff, v2  }
0x70d: {  	v15 =	vcvt.f32.s32 v15;
	v16 =	vmul.f32 $2.560000000e+02, v16;
	v59 =	vld [tilespmem:s11+$0x6170]  }
0x70e: {  	v19 =	vtrunc.f32 v19;
	v22 =	vmul.f32 $2.560000000e+02, v52;
	[tilespmem:v18+s14+$0x0] =	vst.idx.add.f32.msk $0xffff, v2  }
0x70f: {  	v19 =	vcvt.f32.s32 v19;
	v16 =	vtrunc.f32 v16;
	v61 =	vld [tilespmem:s11+$0x60B0]  }
0x710: {  	v22 =	vtrunc.f32 v22;
	v58 =	vmul.f32 $2.560000000e+02, v55  }
0x711: {  	v16 =	vcvt.f32.s32 v16;
	v60 =	vcvt.f32.s32 v22  }
0x712: {  	v15 =	vadd.s32 v13, v15;
	v17 =	vtrunc.f32 v58;
	v20 =	vmul.f32 $2.560000000e+02, v57  }
0x713: {  	v19 =	vadd.s32 v13, v19;
	v17 =	vcvt.f32.s32 v17;
	v21 =	vmul.f32 $2.560000000e+02, v59  }
0x714: {  	v16 =	vadd.s32 v13, v16;
	v20 =	vtrunc.f32 v20;
	v22 =	vmul.f32 $2.560000000e+02, v61  }
0x715: {  	v17 =	vadd.s32 v13, v17;
	v20 =	vcvt.f32.s32 v20;
	v21 =	vtrunc.f32 v21  }
0x716: {  	[tilespmem:v14+s14+$0x0] =	vst.idx.add.f32.msk $0xffff, v2;
	v18 =	vadd.s32 v13, v60;
	v21 =	vcvt.f32.s32 v21;
	v62 =	vtrunc.f32 v22  }
0x717: {  	[tilespmem:v15+s14+$0x0] =	vst.idx.add.f32.msk $0xffff, v2;
	v15 =	vadd.s32 v13, v20;
	v20 =	vcvt.f32.s32 v62  }
0x718: {  	s7 =	sadd.s32 $0x1, s7;
	[tilespmem:v19+s14+$0x0] =	vst.idx.add.f32.msk $0xffff, v2;
	v14 =	vadd.s32 v13, v21  }
0x719: {  	p0 =	sne.s32 s7, $0x6;
	[tilespmem:v16+s14+$0x0] =	vst.idx.add.f32.msk $0xffff, v2;
	v63 =	vadd.s32 v13, v20  }
.Ltmp7:
0x71a: {  	[tilespmem:v17+s14+$0x0] =	vst.idx.add.f32.msk $0xffff, v2;
	(pc) =	sbr.rel @p0 .LBB2_12-.Ltmp7, $4  }
0x71b: {  	[tilespmem:v18+s14+$0x0] =	vst.idx.add.f32.msk $0xffff, v2  }
0x71c: {  	[tilespmem:v15+s14+$0x0] =	vst.idx.add.f32.msk $0xffff, v2  }
0x71d: {  	[tilespmem:v14+s14+$0x0] =	vst.idx.add.f32.msk $0xffff, v2  }
0x71e: {  	[tilespmem:v63+s14+$0x0] =	vst.idx.add.f32.msk $0xffff, v2  }
0x71f: {  	s7 =	simm.s32 $0x0;
	s6 =	rddreg [dreg:$0xa]  }
0x720: {  	[tilespmem:s7], [sflag:$0x1] =	stream.strided.gather [hbm4b:s6+s18], $0x600, s19, s18, $0x38;
	[tilespmem:$0xF000] =	vst v63  }
0x721: {  	s10 =	simm.s32 $0x600;
	s5 =	sadd.s32 $0x4800, s6  }
0x722: {  	[tilespmem:s10], [sflag:$0x1] =	stream.strided.gather [hbm4b:s5+s18], $0x600, s19, s18, $0x38;
	[tilespmem:$0xF000] =	vst v63  }
0x723: {  	s17 =	simm.s32 $0xC00;
	s15 =	sadd.s32 $0x9000, s6  }
0x724: {  	[tilespmem:s17], [sflag:$0x1] =	stream.strided.gather [hbm4b:s15+s18], $0x600, s19, s18, $0x38;
	[tilespmem:$0xF000] =	vst v63  }
0x725: {  	s11 =	simm.s32 $0x1200;
	s10 =	sadd.s32 $0xD800, s6  }
0x726: {  	[tilespmem:s11], [sflag:$0x1] =	stream.strided.gather [hbm4b:s10+s18], $0x600, s19, s18, $0x38;
	[tilespmem:$0xF000] =	vst v63  }
0x727: {  	s13 =	simm.s32 $0x1800;
	s12 =	sadd.s32 $0x12000, s6  }
0x728: {  	[tilespmem:s13], [sflag:$0x1] =	stream.strided.gather [hbm4b:s12+s18], $0x600, s19, s18, $0x38;
	[tilespmem:$0xF000] =	vst v63  }
0x729: {  	s15 =	sadd.s32 $0x16800, s6;
	s17 =	simm.s32 $0x1E00  }
0x72a: {  	[tilespmem:s17], [sflag:$0x1] =	stream.strided.gather [hbm4b:s15+s18], $0x600, s19, s18, $0x38;
	[tilespmem:$0xF000] =	vst v63  }
0x72b: {  	s10 =	sadd.s32 $0x1B000, s6;
	s11 =	simm.s32 $0x2400  }
0x72c: {  	[tilespmem:s11], [sflag:$0x1] =	stream.strided.gather [hbm4b:s10+s18], $0x600, s19, s18, $0x38;
	[tilespmem:$0xF000] =	vst v63  }
0x72d: {  	s12 =	sadd.s32 $0x1F800, s6;
	s13 =	simm.s32 $0x2A00  }
0x72e: {  	[tilespmem:s13], [sflag:$0x1] =	stream.strided.gather [hbm4b:s12+s18], $0x600, s19, s18, $0x38;
	[tilespmem:$0xF000] =	vst v63  }
0x72f: {  	s15 =	sadd.s32 $0x24000, s6;
	s17 =	simm.s32 $0x3000  }
0x730: {  	[tilespmem:s17], [sflag:$0x1] =	stream.strided.gather [hbm4b:s15+s18], $0x600, s19, s18, $0x38;
	[tilespmem:$0xF000] =	vst v63  }
0x731: {  	s10 =	sadd.s32 $0x28800, s6;
	s11 =	simm.s32 $0x3600  }
0x732: {  	[tilespmem:s11], [sflag:$0x1] =	stream.strided.gather [hbm4b:s10+s18], $0x600, s19, s18, $0x38;
	[tilespmem:$0xF000] =	vst v63  }
0x733: {  	s12 =	sadd.s32 $0x2D000, s6;
	s13 =	simm.s32 $0x3C00  }
0x734: {  	[tilespmem:s13], [sflag:$0x1] =	stream.strided.gather [hbm4b:s12+s18], $0x600, s19, s18, $0x38;
	[tilespmem:$0xF000] =	vst v63  }
0x735: {  	s15 =	sadd.s32 $0x31800, s6;
	s17 =	simm.s32 $0x4200  }
0x736: {  	[tilespmem:s17], [sflag:$0x1] =	stream.strided.gather [hbm4b:s15+s18], $0x600, s19, s18, $0x38;
	[tilespmem:$0xF000] =	vst v63  }
0x737: {  	s10 =	sadd.s32 $0x36000, s6;
	s11 =	simm.s32 $0x4800  }
0x738: {  	[tilespmem:s11], [sflag:$0x1] =	stream.strided.gather [hbm4b:s10+s18], $0x600, s19, s18, $0x38;
	[tilespmem:$0xF000] =	vst v63  }
0x739: {  	s12 =	sadd.s32 $0x3A800, s6;
	s13 =	simm.s32 $0x4E00  }
0x73a: {  	[tilespmem:s13], [sflag:$0x1] =	stream.strided.gather [hbm4b:s12+s18], $0x600, s19, s18, $0x38;
	[tilespmem:$0xF000] =	vst v63  }
0x73b: {  	s15 =	sadd.s32 $0x3F000, s6;
	s17 =	simm.s32 $0x5400  }
0x73c: {  	[tilespmem:s17], [sflag:$0x1] =	stream.strided.gather [hbm4b:s15+s18], $0x600, s19, s18, $0x38;
	[tilespmem:$0xF000] =	vst v63  }
0x73d: {  	s11 =	sadd.s32 $0x43800, s6;
	s12 =	simm.s32 $0x5A00  }
0x73e: {  	[tilespmem:s12], [sflag:$0x1] =	stream.strided.gather [hbm4b:s11+s18], $0x600, s19, s18, $0x38;
	[tilespmem:$0xF000] =	vst v63  }
0x73f: {  	s13 =	rddreg [dreg:$0xb]  }
0x740: {  	[hbm4b:s13+s7] =	stream.linear.scatter [tilespmem:s14], [sflag:$0x3], $0x1800, $0x38;
	[tilespmem:$0xF000] =	vst v63  }
0x741: {  	s15 =	rddreg [dreg:$0xc];
	s17 =	simm.s32 $0x3  }
0x742: {  	[hbm4b:s15+s7] =	stream.linear.scatter [tilespmem:s14], [sflag:$0x3], $0x1800, $0x38;
	[tilespmem:$0xF000] =	vst v63  }
0x743: {  	_ =	swait.ge [sflag:s17], $0x1800  }
0x744: {  	[sflag:s17] =	ssyncset.done $0x0  }
0x745: {  	[sflag:s17] =	ssyncadd.s32 $0xFFFFE800  }
0x746: {  	_ =	swait.ge [sflag:s17], $0x1800  }
0x747: {  	[sflag:s17] =	ssyncset.done $0x0  }
0x748: {  	s5 =	simm.s32 $0x0;
	s6 =	simm.s32 $0x200;
	[sflag:s17] =	ssyncadd.s32 $0xFFFFE800  }
.LBB2_18:
0x749: {  	p0 =	sne.s32 s6, $0x5E00;
	[tilespmem:s5+$0xC070] =	vst v1  }
0x74a: {  	[tilespmem:s5+$0xC000] =	vst v1  }
0x74b: {  	[tilespmem:s5+$0xC010] =	vst v1  }
.Ltmp8:
0x74c: {  	[tilespmem:s5+$0xC020] =	vst v1;
	(pc) =	sbr.rel @p0 .LBB2_18-.Ltmp8, $4  }
0x74d: {  	[tilespmem:s5+$0xC030] =	vst v1  }
0x74e: {  	[tilespmem:s5+$0xC040] =	vst v1  }
0x74f: {  	[tilespmem:s5+$0xC050] =	vst v1  }
0x750: {  	[tilespmem:s5+$0xC060] =	vst v1;
	s5 =	sshra.s32 s6, $0x2;
	s6 =	sadd.s32 $0x200, s6  }
0x751: {  	[tilespmem:s5+$0xC070] =	vst v1  }
0x752: {  	[tilespmem:s5+$0xC000] =	vst v1  }
0x753: {  	[tilespmem:s5+$0xC010] =	vst v1  }
0x754: {  	[tilespmem:s5+$0xC020] =	vst v1  }
0x755: {  	[tilespmem:s5+$0xC030] =	vst v1  }
0x756: {  	[tilespmem:s5+$0xC040] =	vst v1  }
0x757: {  	[tilespmem:s5+$0xC050] =	vst v1  }
0x758: {  	[tilespmem:s5+$0xC060] =	vst v1  }
.LBB2_20:
0x759: {  	s12 =	smul.u32 $0x480000, s7;
	_ =	swait.ge [sflag:s8], $0x6000  }
0x75a: {  	s5 =	rddreg [dreg:$0xd]  }
0x75b: {  	s5 =	sadd.s32 s12, s5  }
0x75c: {  	[sflag:s8] =	ssyncset.done $0x0;
	s5 =	sshrl.u32 s5, $0x3  }
0x75d: {  	s6 =	simm.s32 $0x6000;
	[sflag:s8] =	ssyncadd.s32 $0xFFFFA000;
	s5 =	sadd.s32 s3, s5  }
0x75e: {  	[tilespmem:s6], [sflag:$0x2] =	stream.strided.gather [hbm4b:s5+s18], $0x600, s19, s18, $0x38;
	[tilespmem:$0xF000] =	vst v63  }
0x75f: {  	s17 =	sadd.s32 $0x4800, s5  }
0x760: {  	[tilespmem:s16], [sflag:$0x2] =	stream.strided.gather [hbm4b:s17+s18], $0x600, s19, s18, $0x38;
	[tilespmem:$0xF000] =	vst v63  }
0x761: {  	s10 =	sadd.s32 $0x9000, s5  }
0x762: {  	[tilespmem:s4], [sflag:$0x2] =	stream.strided.gather [hbm4b:s10+s18], $0x600, s19, s18, $0x38;
	[tilespmem:$0xF000] =	vst v63  }
0x763: {  	s11 =	sadd.s32 $0xD800, s5  }
0x764: {  	[tilespmem:s2], [sflag:$0x2] =	stream.strided.gather [hbm4b:s11+s18], $0x600, s19, s18, $0x38;
	[tilespmem:$0xF000] =	vst v63  }
0x765: {  	s13 =	sadd.s32 $0x12000, s5  }
0x766: {  	[tilespmem:s20], [sflag:$0x2] =	stream.strided.gather [hbm4b:s13+s18], $0x600, s19, s18, $0x38;
	[tilespmem:$0xF000] =	vst v63  }
0x767: {  	s15 =	sadd.s32 $0x16800, s5  }
0x768: {  	[tilespmem:s21], [sflag:$0x2] =	stream.strided.gather [hbm4b:s15+s18], $0x600, s19, s18, $0x38;
	[tilespmem:$0xF000] =	vst v63  }
0x769: {  	s17 =	sadd.s32 $0x1B000, s5  }
0x76a: {  	[tilespmem:s22], [sflag:$0x2] =	stream.strided.gather [hbm4b:s17+s18], $0x600, s19, s18, $0x38;
	[tilespmem:$0xF000] =	vst v63  }
0x76b: {  	s10 =	sadd.s32 $0x1F800, s5  }
0x76c: {  	[tilespmem:s23], [sflag:$0x2] =	stream.strided.gather [hbm4b:s10+s18], $0x600, s19, s18, $0x38;
	[tilespmem:$0xF000] =	vst v63  }
0x76d: {  	s11 =	sadd.s32 $0x24000, s5  }
0x76e: {  	[tilespmem:s24], [sflag:$0x2] =	stream.strided.gather [hbm4b:s11+s18], $0x600, s19, s18, $0x38;
	[tilespmem:$0xF000] =	vst v63  }
0x76f: {  	s13 =	sadd.s32 $0x28800, s5  }
0x770: {  	[tilespmem:s25], [sflag:$0x2] =	stream.strided.gather [hbm4b:s13+s18], $0x600, s19, s18, $0x38;
	[tilespmem:$0xF000] =	vst v63  }
0x771: {  	s15 =	sadd.s32 $0x2D000, s5  }
0x772: {  	[tilespmem:s26], [sflag:$0x2] =	stream.strided.gather [hbm4b:s15+s18], $0x600, s19, s18, $0x38;
	[tilespmem:$0xF000] =	vst v63  }
0x773: {  	s17 =	sadd.s32 $0x31800, s5;
	s15 =	simm.s32 $0x0  }
0x774: {  	[tilespmem:s28], [sflag:$0x2] =	stream.strided.gather [hbm4b:s17+s18], $0x600, s19, s18, $0x38;
	[tilespmem:$0xF000] =	vst v63  }
0x775: {  	s10 =	sadd.s32 $0x36000, s5;
	s6 =	sand.u32 $0x6, s15  }
0x776: {  	[tilespmem:s29], [sflag:$0x2] =	stream.strided.gather [hbm4b:s10+s18], $0x600, s19, s18, $0x38;
	[tilespmem:$0xF000] =	vst v63  }
0x777: {  	s6 =	smul.u32 $0x300, s6;
	s10 =	simm.s32 $0x0  }
0x778: {  	s11 =	sadd.s32 $0x3A800, s5;
	s10 =	smul.u32 $0x1800, s10  }
0x779: {  	[tilespmem:s30], [sflag:$0x2] =	stream.strided.gather [hbm4b:s11+s18], $0x600, s19, s18, $0x38;
	[tilespmem:$0xF000] =	vst v63  }
0x77a: {  	s13 =	sadd.s32 $0x3F000, s5;
	s6 =	sshrl.u32 s6, $0x2;
	s17 =	sshra.s32 s10, $0x2  }
0x77b: {  	[tilespmem:s31], [sflag:$0x2] =	stream.strided.gather [hbm4b:s13+s18], $0x600, s19, s18, $0x38;
	[tilespmem:$0xF000] =	vst v63  }
0x77c: {  	s5 =	sadd.s32 $0x43800, s5;
	s15 =	sadd.s32 s6, s17  }
0x77d: {  	[tilespmem:s1], [sflag:$0x2] =	stream.strided.gather [hbm4b:s5+s18], $0x600, s19, s18, $0x38;
	[tilespmem:$0xF000] =	vst v63  }
0x77e: {  	v14 =	vld [tilespmem:s15+$0xC0];
	_ =	sdelay $0x4  }
0x77f: {  	v14 =	vmul.f32 $2.560000000e+02, v14;
	_ =	sdelay $0x1  }
0x780: {  	v14 =	vtrunc.f32 v14  }
0x781: {  	v15 =	vld [tilespmem:s15+$0x0];
	v14 =	vcvt.f32.s32 v14;
	_ =	sdelay $0x1  }
0x782: {  	v14 =	vadd.s32 v0, v14;
	_ =	sdelay $0x2  }
0x783: {  	v15 =	vmul.f32 $2.560000000e+02, v15;
	_ =	sdelay $0x1  }
0x784: {  	v15 =	vtrunc.f32 v15;
	[tilespmem:v14+s0+$0x0] =	vst.idx.add.f32.msk $0xffff, v2  }
0x785: {  	v14 =	vcvt.f32.s32 v15;
	v15 =	vld [tilespmem:s15+$0xD0];
	_ =	sdelay $0x1  }
0x786: {  	v14 =	vadd.s32 v0, v14;
	_ =	sdelay $0x2  }
0x787: {  	v15 =	vmul.f32 $2.560000000e+02, v15;
	_ =	sdelay $0x1  }
0x788: {  	[tilespmem:v14+s0+$0x0] =	vst.idx.add.f32.msk $0xffff, v2;
	v14 =	vtrunc.f32 v15  }
0x789: {  	v15 =	vld [tilespmem:s15+$0x10];
	v14 =	vcvt.f32.s32 v14;
	_ =	sdelay $0x1  }
0x78a: {  	v14 =	vadd.s32 v3, v14;
	_ =	sdelay $0x2  }
0x78b: {  	v15 =	vmul.f32 $2.560000000e+02, v15;
	_ =	sdelay $0x1  }
0x78c: {  	v15 =	vtrunc.f32 v15;
	[tilespmem:v14+s0+$0x0] =	vst.idx.add.f32.msk $0xffff, v2  }
0x78d: {  	v14 =	vcvt.f32.s32 v15;
	v15 =	vld [tilespmem:s15+$0xE0];
	_ =	sdelay $0x1  }
0x78e: {  	v14 =	vadd.s32 v3, v14;
	_ =	sdelay $0x2  }
0x78f: {  	v15 =	vmul.f32 $2.560000000e+02, v15;
	_ =	sdelay $0x1  }
0x790: {  	[tilespmem:v14+s0+$0x0] =	vst.idx.add.f32.msk $0xffff, v2;
	v14 =	vtrunc.f32 v15  }
0x791: {  	s10 =	simm.s32 $0x0;
	s6 =	simm.s32 $0x2;
	v15 =	vld [tilespmem:s15+$0x20];
	v14 =	vcvt.f32.s32 v14  }
0x792: {  	s5 =	sand.u32 $0x6, s6;
	s6 =	smul.u32 $0x1800, s10  }
0x793: {  	s5 =	smul.u32 $0x300, s5;
	v14 =	vadd.s32 v4, v14;
	_ =	sdelay $0x1  }
0x794: {  	s6 =	sshra.s32 s6, $0x2;
	s5 =	sshrl.u32 s5, $0x2  }
0x795: {  	s5 =	sadd.s32 s5, s6;
	v15 =	vmul.f32 $2.560000000e+02, v15  }
0x796: {  	v16 =	vld [tilespmem:s5+$0xC0]  }
0x797: {  	v15 =	vtrunc.f32 v15;
	[tilespmem:v14+s0+$0x0] =	vst.idx.add.f32.msk $0xffff, v2  }
0x798: {  	v14 =	vcvt.f32.s32 v15;
	v15 =	vld [tilespmem:s15+$0xF0];
	_ =	sdelay $0x1  }
0x799: {  	v14 =	vadd.s32 v4, v14  }
0x79a: {  	v16 =	vmul.f32 $2.560000000e+02, v16;
	_ =	sdelay $0x1  }
0x79b: {  	v16 =	vtrunc.f32 v16;
	v15 =	vmul.f32 $2.560000000e+02, v15  }
0x79c: {  	v17 =	vld [tilespmem:s5+$0x0];
	v16 =	vcvt.f32.s32 v16  }
0x79d: {  	[tilespmem:v14+s0+$0x0] =	vst.idx.add.f32.msk $0xffff, v2;
	v14 =	vtrunc.f32 v15  }
0x79e: {  	v16 =	vadd.s32 v0, v16;
	v15 =	vld [tilespmem:s15+$0x30];
	v14 =	vcvt.f32.s32 v14;
	_ =	sdelay $0x1  }
0x79f: {  	v14 =	vadd.s32 v5, v14  }
0x7a0: {  	v17 =	vmul.f32 $2.560000000e+02, v17;
	_ =	sdelay $0x1  }
0x7a1: {  	v17 =	vtrunc.f32 v17;
	[tilespmem:v16+s0+$0x0] =	vst.idx.add.f32.msk $0xffff, v2;
	v15 =	vmul.f32 $2.560000000e+02, v15  }
0x7a2: {  	v16 =	vcvt.f32.s32 v17;
	v17 =	vld [tilespmem:s5+$0xD0]  }
0x7a3: {  	v15 =	vtrunc.f32 v15;
	[tilespmem:v14+s0+$0x0] =	vst.idx.add.f32.msk $0xffff, v2  }
0x7a4: {  	v14 =	vadd.s32 v0, v16;
	v15 =	vcvt.f32.s32 v15;
	v16 =	vld [tilespmem:s15+$0x100];
	_ =	sdelay $0x1  }
0x7a5: {  	v15 =	vadd.s32 v5, v15  }
0x7a6: {  	v17 =	vmul.f32 $2.560000000e+02, v17;
	_ =	sdelay $0x1  }
0x7a7: {  	[tilespmem:v14+s0+$0x0] =	vst.idx.add.f32.msk $0xffff, v2;
	v14 =	vtrunc.f32 v17;
	v16 =	vmul.f32 $2.560000000e+02, v16  }
0x7a8: {  	v17 =	vld [tilespmem:s5+$0x10];
	v14 =	vcvt.f32.s32 v14  }
0x7a9: {  	[tilespmem:v15+s0+$0x0] =	vst.idx.add.f32.msk $0xffff, v2;
	v15 =	vtrunc.f32 v16  }
0x7aa: {  	v14 =	vadd.s32 v3, v14;
	v16 =	vld [tilespmem:s15+$0x40];
	v15 =	vcvt.f32.s32 v15;
	_ =	sdelay $0x1  }
0x7ab: {  	v15 =	vadd.s32 v6, v15  }
0x7ac: {  	v17 =	vmul.f32 $2.560000000e+02, v17;
	_ =	sdelay $0x1  }
0x7ad: {  	v17 =	vtrunc.f32 v17;
	[tilespmem:v14+s0+$0x0] =	vst.idx.add.f32.msk $0xffff, v2;
	v14 =	vmul.f32 $2.560000000e+02, v16  }
0x7ae: {  	v16 =	vcvt.f32.s32 v17;
	v17 =	vld [tilespmem:s5+$0xE0]  }
0x7af: {  	v14 =	vtrunc.f32 v14;
	[tilespmem:v15+s0+$0x0] =	vst.idx.add.f32.msk $0xffff, v2  }
0x7b0: {  	v15 =	vadd.s32 v3, v16;
	v14 =	vcvt.f32.s32 v14;
	v16 =	vld [tilespmem:s15+$0x110];
	_ =	sdelay $0x1  }
0x7b1: {  	v14 =	vadd.s32 v6, v14  }
0x7b2: {  	v17 =	vmul.f32 $2.560000000e+02, v17;
	_ =	sdelay $0x1  }
0x7b3: {  	[tilespmem:v15+s0+$0x0] =	vst.idx.add.f32.msk $0xffff, v2;
	v15 =	vtrunc.f32 v17;
	v16 =	vmul.f32 $2.560000000e+02, v16  }
0x7b4: {  	s11 =	simm.s32 $0x4;
	s13 =	simm.s32 $0x0;
	v17 =	vld [tilespmem:s5+$0x20];
	v15 =	vcvt.f32.s32 v15  }
0x7b5: {  	s10 =	smul.u32 $0x1800, s13;
	s6 =	sand.u32 $0x6, s11;
	[tilespmem:v14+s0+$0x0] =	vst.idx.add.f32.msk $0xffff, v2;
	v14 =	vtrunc.f32 v16  }
0x7b6: {  	s6 =	smul.u32 $0x300, s6;
	v16 =	vld [tilespmem:s15+$0x50];
	v15 =	vadd.s32 v4, v15;
	v14 =	vcvt.f32.s32 v14;
	_ =	sdelay $0x1  }
0x7b7: {  	s10 =	sshra.s32 s10, $0x2;
	s6 =	sshrl.u32 s6, $0x2;
	v14 =	vadd.s32 v7, v14  }
0x7b8: {  	s6 =	sadd.s32 s6, s10;
	v17 =	vmul.f32 $2.560000000e+02, v17  }
0x7b9: {  	v18 =	vld [tilespmem:s6+$0xC0]  }
0x7ba: {  	v16 =	vmul.f32 $2.560000000e+02, v16;
	v17 =	vtrunc.f32 v17;
	[tilespmem:v15+s0+$0x0] =	vst.idx.add.f32.msk $0xffff, v2  }
0x7bb: {  	v15 =	vcvt.f32.s32 v17;
	v17 =	vld [tilespmem:s5+$0xF0]  }
0x7bc: {  	v16 =	vtrunc.f32 v16;
	[tilespmem:v14+s0+$0x0] =	vst.idx.add.f32.msk $0xffff, v2  }
0x7bd: {  	v14 =	vcvt.f32.s32 v16;
	v15 =	vadd.s32 v4, v15;
	v16 =	vld [tilespmem:s15+$0x120]  }
0x7be: {  	v18 =	vmul.f32 $2.560000000e+02, v18  }
0x7bf: {  	v14 =	vadd.s32 v7, v14  }
0x7c0: {  	v18 =	vtrunc.f32 v18;
	v17 =	vmul.f32 $2.560000000e+02, v17  }
0x7c1: {  	v19 =	vld [tilespmem:s6+$0x0];
	v18 =	vcvt.f32.s32 v18  }
0x7c2: {  	[tilespmem:v15+s0+$0x0] =	vst.idx.add.f32.msk $0xffff, v2;
	v15 =	vtrunc.f32 v17;
	v16 =	vmul.f32 $2.560000000e+02, v16  }
0x7c3: {  	v18 =	vadd.s32 v0, v18;
	v17 =	vld [tilespmem:s5+$0x30];
	v15 =	vcvt.f32.s32 v15  }
0x7c4: {  	[tilespmem:v14+s0+$0x0] =	vst.idx.add.f32.msk $0xffff, v2;
	v14 =	vtrunc.f32 v16  }
0x7c5: {  	v16 =	vld [tilespmem:s15+$0x60];
	v15 =	vadd.s32 v5, v15;
	v14 =	vcvt.f32.s32 v14  }
0x7c6: {  	v19 =	vmul.f32 $2.560000000e+02, v19  }
0x7c7: {  	v14 =	vadd.s32 v8, v14  }
0x7c8: {  	v19 =	vtrunc.f32 v19;
	[tilespmem:v18+s0+$0x0] =	vst.idx.add.f32.msk $0xffff, v2;
	v17 =	vmul.f32 $2.560000000e+02, v17  }
0x7c9: {  	v18 =	vcvt.f32.s32 v19;
	v19 =	vld [tilespmem:s6+$0xD0]  }
0x7ca: {  	v16 =	vmul.f32 $2.560000000e+02, v16;
	v17 =	vtrunc.f32 v17;
	[tilespmem:v15+s0+$0x0] =	vst.idx.add.f32.msk $0xffff, v2  }
0x7cb: {  	v15 =	vadd.s32 v0, v18;
	v17 =	vcvt.f32.s32 v17;
	v18 =	vld [tilespmem:s5+$0x100]  }
0x7cc: {  	v16 =	vtrunc.f32 v16;
	[tilespmem:v14+s0+$0x0] =	vst.idx.add.f32.msk $0xffff, v2  }
0x7cd: {  	v14 =	vcvt.f32.s32 v16;
	v16 =	vadd.s32 v5, v17;
	v17 =	vld [tilespmem:s15+$0x130]  }
0x7ce: {  	v19 =	vmul.f32 $2.560000000e+02, v19  }
0x7cf: {  	v14 =	vadd.s32 v8, v14  }
0x7d0: {  	[tilespmem:v15+s0+$0x0] =	vst.idx.add.f32.msk $0xffff, v2;
	v15 =	vtrunc.f32 v19;
	v18 =	vmul.f32 $2.560000000e+02, v18  }
0x7d1: {  	v19 =	vld [tilespmem:s6+$0x10];
	v15 =	vcvt.f32.s32 v15  }
0x7d2: {  	[tilespmem:v16+s0+$0x0] =	vst.idx.add.f32.msk $0xffff, v2;
	v16 =	vtrunc.f32 v18;
	v17 =	vmul.f32 $2.560000000e+02, v17  }
0x7d3: {  	v15 =	vadd.s32 v3, v15;
	v18 =	vld [tilespmem:s5+$0x40];
	v16 =	vcvt.f32.s32 v16  }
0x7d4: {  	[tilespmem:v14+s0+$0x0] =	vst.idx.add.f32.msk $0xffff, v2;
	v14 =	vtrunc.f32 v17  }
0x7d5: {  	v16 =	vadd.s32 v6, v16;
	v17 =	vld [tilespmem:s15+$0x70];
	v14 =	vcvt.f32.s32 v14  }
0x7d6: {  	v19 =	vmul.f32 $2.560000000e+02, v19  }
0x7d7: {  	v14 =	vadd.s32 v9, v14  }
0x7d8: {  	v19 =	vtrunc.f32 v19;
	[tilespmem:v15+s0+$0x0] =	vst.idx.add.f32.msk $0xffff, v2;
	v15 =	vmul.f32 $2.560000000e+02, v18  }
0x7d9: {  	v18 =	vcvt.f32.s32 v19;
	v19 =	vld [tilespmem:s6+$0xE0]  }
0x7da: {  	v15 =	vtrunc.f32 v15;
	[tilespmem:v16+s0+$0x0] =	vst.idx.add.f32.msk $0xffff, v2;
	v16 =	vmul.f32 $2.560000000e+02, v17  }
0x7db: {  	v17 =	vadd.s32 v3, v18;
	v15 =	vcvt.f32.s32 v15;
	v18 =	vld [tilespmem:s5+$0x110]  }
0x7dc: {  	v16 =	vtrunc.f32 v16;
	[tilespmem:v14+s0+$0x0] =	vst.idx.add.f32.msk $0xffff, v2  }
0x7dd: {  	v14 =	vadd.s32 v6, v15;
	v15 =	vcvt.f32.s32 v16;
	v16 =	vld [tilespmem:s15+$0x140]  }
0x7de: {  	v19 =	vmul.f32 $2.560000000e+02, v19  }
0x7df: {  	v15 =	vadd.s32 v9, v15  }
0x7e0: {  	[tilespmem:v17+s0+$0x0] =	vst.idx.add.f32.msk $0xffff, v2;
	v17 =	vtrunc.f32 v19;
	v18 =	vmul.f32 $2.560000000e+02, v18  }
0x7e1: {  	s17 =	simm.s32 $0x6;
	s11 =	simm.s32 $0x0;
	v19 =	vld [tilespmem:s6+$0x20];
	v17 =	vcvt.f32.s32 v17  }
0x7e2: {  	s11 =	smul.u32 $0x1800, s11;
	s10 =	sand.u32 $0x6, s17;
	[tilespmem:v14+s0+$0x0] =	vst.idx.add.f32.msk $0xffff, v2;
	v14 =	vtrunc.f32 v18;
	v16 =	vmul.f32 $2.560000000e+02, v16  }
0x7e3: {  	s10 =	smul.u32 $0x300, s10;
	v17 =	vadd.s32 v4, v17;
	v18 =	vld [tilespmem:s5+$0x50];
	v14 =	vcvt.f32.s32 v14  }
0x7e4: {  	[tilespmem:v15+s0+$0x0] =	vst.idx.add.f32.msk $0xffff, v2;
	v15 =	vtrunc.f32 v16  }
0x7e5: {  	s11 =	sshra.s32 s11, $0x2;
	s10 =	sshrl.u32 s10, $0x2;
	v16 =	vld [tilespmem:s15+$0x80];
	v14 =	vadd.s32 v7, v14;
	v15 =	vcvt.f32.s32 v15  }
0x7e6: {  	s10 =	sadd.s32 s10, s11;
	v19 =	vmul.f32 $2.560000000e+02, v19  }
0x7e7: {  	v20 =	vld [tilespmem:s10+$0xC0];
	v15 =	vadd.s32 v10, v15  }
0x7e8: {  	s17 =	simm.s32 $0x8;
	v19 =	vtrunc.f32 v19;
	[tilespmem:v17+s0+$0x0] =	vst.idx.add.f32.msk $0xffff, v2;
	v18 =	vmul.f32 $2.560000000e+02, v18  }
0x7e9: {  	s13 =	sand.u32 $0x6, s17;
	v17 =	vcvt.f32.s32 v19;
	v19 =	vld [tilespmem:s6+$0xF0]  }
0x7ea: {  	s13 =	smul.u32 $0x300, s13;
	s11 =	simm.s32 $0x1;
	v18 =	vtrunc.f32 v18;
	[tilespmem:v14+s0+$0x0] =	vst.idx.add.f32.msk $0xffff, v2;
	v14 =	vmul.f32 $2.560000000e+02, v16  }
0x7eb: {  	s11 =	smul.u32 $0x1800, s11;
	v17 =	vadd.s32 v4, v17;
	v16 =	vcvt.f32.s32 v18;
	v18 =	vld [tilespmem:s5+$0x120]  }
0x7ec: {  	v14 =	vtrunc.f32 v14;
	[tilespmem:v15+s0+$0x0] =	vst.idx.add.f32.msk $0xffff, v2;
	v15 =	vmul.f32 $2.560000000e+02, v20  }
0x7ed: {  	s13 =	sshrl.u32 s13, $0x2;
	s11 =	sshra.s32 s11, $0x2;
	v16 =	vadd.s32 v7, v16;
	v14 =	vcvt.f32.s32 v14;
	v20 =	vld [tilespmem:s15+$0x150]  }
0x7ee: {  	v21 =	vld [tilespmem:s10+$0x0];
	s11 =	sadd.s32 s13, s11;
	v19 =	vmul.f32 $2.560000000e+02, v19;
	v15 =	vtrunc.f32 v15  }
0x7ef: {  	v22 =	vld [tilespmem:s11+$0xC0];
	v14 =	vadd.s32 v10, v14;
	v15 =	vcvt.f32.s32 v15  }
0x7f0: {  	[tilespmem:v17+s0+$0x0] =	vst.idx.add.f32.msk $0xffff, v2;
	v17 =	vtrunc.f32 v19;
	v18 =	vmul.f32 $2.560000000e+02, v18  }
0x7f1: {  	v19 =	vld [tilespmem:s6+$0x30];
	v17 =	vcvt.f32.s32 v17;
	v15 =	vadd.s32 v0, v15  }
0x7f2: {  	[tilespmem:v16+s0+$0x0] =	vst.idx.add.f32.msk $0xffff, v2;
	v16 =	vtrunc.f32 v18;
	v18 =	vmul.f32 $2.560000000e+02, v20  }
0x7f3: {  	v17 =	vadd.s32 v5, v17;
	v20 =	vld [tilespmem:s5+$0x60];
	v16 =	vcvt.f32.s32 v16  }
0x7f4: {  	v21 =	vmul.f32 $2.560000000e+02, v21;
	[tilespmem:v14+s0+$0x0] =	vst.idx.add.f32.msk $0xffff, v2;
	v14 =	vtrunc.f32 v18  }
0x7f5: {  	v18 =	vld [tilespmem:s15+$0x90];
	v16 =	vadd.s32 v8, v16;
	v14 =	vcvt.f32.s32 v14  }
0x7f6: {  	v21 =	vtrunc.f32 v21;
	[tilespmem:v15+s0+$0x0] =	vst.idx.add.f32.msk $0xffff, v2;
	v15 =	vmul.f32 $2.560000000e+02, v19  }
0x7f7: {  	v19 =	vcvt.f32.s32 v21;
	v21 =	vld [tilespmem:s10+$0xD0];
	v14 =	vadd.s32 v11, v14  }
0x7f8: {  	[tilespmem:v17+s0+$0x0] =	vst.idx.add.f32.msk $0xffff, v2;
	v20 =	vmul.f32 $2.560000000e+02, v20;
	v15 =	vtrunc.f32 v15  }
0x7f9: {  	v17 =	vadd.s32 v0, v19;
	v19 =	vld [tilespmem:s6+$0x100];
	v15 =	vcvt.f32.s32 v15  }
0x7fa: {  	v20 =	vtrunc.f32 v20;
	[tilespmem:v16+s0+$0x0] =	vst.idx.add.f32.msk $0xffff, v2;
	v16 =	vmul.f32 $2.560000000e+02, v18  }
0x7fb: {  	v18 =	vcvt.f32.s32 v20;
	v20 =	vld [tilespmem:s5+$0x130];
	v15 =	vadd.s32 v5, v15  }
0x7fc: {  	v16 =	vtrunc.f32 v16;
	v21 =	vmul.f32 $2.560000000e+02, v21;
	[tilespmem:v14+s0+$0x0] =	vst.idx.add.f32.msk $0xffff, v2  }
0x7fd: {  	v14 =	vadd.s32 v8, v18;
	v16 =	vcvt.f32.s32 v16;
	v18 =	vld [tilespmem:s15+$0x160]  }
0x7fe: {  	[tilespmem:v17+s0+$0x0] =	vst.idx.add.f32.msk $0xffff, v2;
	v19 =	vmul.f32 $2.560000000e+02, v19;
	v17 =	vtrunc.f32 v21  }
0x7ff: {  	v21 =	vld [tilespmem:s10+$0x10];
	v16 =	vadd.s32 v11, v16;
	v17 =	vcvt.f32.s32 v17  }
0x800: {  	[tilespmem:v15+s0+$0x0] =	vst.idx.add.f32.msk $0xffff, v2;
	v15 =	vtrunc.f32 v19;
	v19 =	vmul.f32 $2.560000000e+02, v20  }
0x801: {  	v17 =	vadd.s32 v3, v17;
	v20 =	vld [tilespmem:s6+$0x40];
	v15 =	vcvt.f32.s32 v15  }
0x802: {  	[tilespmem:v14+s0+$0x0] =	vst.idx.add.f32.msk $0xffff, v2;
	v14 =	vtrunc.f32 v19;
	v18 =	vmul.f32 $2.560000000e+02, v18  }
0x803: {  	v19 =	vld [tilespmem:s5+$0x70];
	v15 =	vadd.s32 v6, v15;
	v14 =	vcvt.f32.s32 v14  }
0x804: {  	v21 =	vmul.f32 $2.560000000e+02, v21;
	[tilespmem:v16+s0+$0x0] =	vst.idx.add.f32.msk $0xffff, v2;
	v16 =	vtrunc.f32 v18  }
0x805: {  	v18 =	vld [tilespmem:s15+$0xA0];
	v14 =	vadd.s32 v9, v14;
	v16 =	vcvt.f32.s32 v16  }
0x806: {  	v21 =	vtrunc.f32 v21;
	[tilespmem:v17+s0+$0x0] =	vst.idx.add.f32.msk $0xffff, v2;
	v17 =	vmul.f32 $2.560000000e+02, v20  }
0x807: {  	v20 =	vcvt.f32.s32 v21;
	v21 =	vld [tilespmem:s10+$0xE0];
	v16 =	vadd.s32 v12, v16  }
0x808: {  	v17 =	vtrunc.f32 v17;
	[tilespmem:v15+s0+$0x0] =	vst.idx.add.f32.msk $0xffff, v2;
	v15 =	vmul.f32 $2.560000000e+02, v19  }
0x809: {  	v19 =	vadd.s32 v3, v20;
	v17 =	vcvt.f32.s32 v17;
	v20 =	vld [tilespmem:s6+$0x110]  }
0x80a: {  	v15 =	vtrunc.f32 v15;
	[tilespmem:v14+s0+$0x0] =	vst.idx.add.f32.msk $0xffff, v2;
	v14 =	vmul.f32 $2.560000000e+02, v18  }
0x80b: {  	v17 =	vadd.s32 v6, v17;
	v15 =	vcvt.f32.s32 v15;
	v18 =	vld [tilespmem:s5+$0x140]  }
0x80c: {  	v14 =	vtrunc.f32 v14;
	[tilespmem:v16+s0+$0x0] =	vst.idx.add.f32.msk $0xffff, v2;
	v16 =	vmul.f32 $2.560000000e+02, v21  }
0x80d: {  	v15 =	vadd.s32 v9, v15;
	v14 =	vcvt.f32.s32 v14;
	v21 =	vld [tilespmem:s15+$0x170]  }
0x80e: {  	[tilespmem:v19+s0+$0x0] =	vst.idx.add.f32.msk $0xffff, v2;
	v16 =	vtrunc.f32 v16;
	v20 =	vmul.f32 $2.560000000e+02, v20  }
0x80f: {  	v19 =	vld [tilespmem:s10+$0x20];
	v14 =	vadd.s32 v12, v14;
	v16 =	vcvt.f32.s32 v16  }
0x810: {  	[tilespmem:v17+s0+$0x0] =	vst.idx.add.f32.msk $0xffff, v2;
	v20 =	vtrunc.f32 v20;
	v18 =	vmul.f32 $2.560000000e+02, v18  }
0x811: {  	v17 =	vld [tilespmem:s6+$0x50];
	v16 =	vadd.s32 v4, v16;
	v20 =	vcvt.f32.s32 v20  }
0x812: {  	[tilespmem:v15+s0+$0x0] =	vst.idx.add.f32.msk $0xffff, v2;
	v15 =	vmul.f32 $2.560000000e+02, v21;
	v18 =	vtrunc.f32 v18  }
0x813: {  	v21 =	vld [tilespmem:s5+$0x80];
	v20 =	vadd.s32 v7, v20;
	v18 =	vcvt.f32.s32 v18  }
0x814: {  	v19 =	vmul.f32 $2.560000000e+02, v19;
	[tilespmem:v14+s0+$0x0] =	vst.idx.add.f32.msk $0xffff, v2;
	v15 =	vtrunc.f32 v15  }
0x815: {  	v14 =	vld [tilespmem:s15+$0xB0];
	v15 =	vcvt.f32.s32 v15;
	v18 =	vadd.s32 v10, v18  }
0x816: {  	v19 =	vtrunc.f32 v19;
	v17 =	vmul.f32 $2.560000000e+02, v17;
	[tilespmem:v16+s0+$0x0] =	vst.idx.add.f32.msk $0xffff, v2  }
0x817: {  	v16 =	vcvt.f32.s32 v19;
	v15 =	vadd.s32 v13, v15;
	v19 =	vld [tilespmem:s10+$0xF0]  }
0x818: {  	v17 =	vtrunc.f32 v17;
	[tilespmem:v20+s0+$0x0] =	vst.idx.add.f32.msk $0xffff, v2;
	v20 =	vmul.f32 $2.560000000e+02, v21  }
0x819: {  	v16 =	vadd.s32 v4, v16;
	v17 =	vcvt.f32.s32 v17;
	v21 =	vld [tilespmem:s6+$0x120]  }
0x81a: {  	v20 =	vtrunc.f32 v20;
	[tilespmem:v18+s0+$0x0] =	vst.idx.add.f32.msk $0xffff, v2;
	v18 =	vmul.f32 $2.560000000e+02, v22  }
0x81b: {  	v17 =	vadd.s32 v7, v17;
	v20 =	vcvt.f32.s32 v20;
	v22 =	vld [tilespmem:s5+$0x150]  }
0x81c: {  	[tilespmem:v15+s0+$0x0] =	vst.idx.add.f32.msk $0xffff, v2;
	v15 =	vtrunc.f32 v18;
	v18 =	vmul.f32 $2.560000000e+02, v19  }
0x81d: {  	v19 =	vld [tilespmem:s11+$0x0];
	v20 =	vadd.s32 v10, v20;
	v15 =	vcvt.f32.s32 v15  }
0x81e: {  	[tilespmem:v16+s0+$0x0] =	vst.idx.add.f32.msk $0xffff, v2;
	v16 =	vtrunc.f32 v18;
	v18 =	vmul.f32 $2.560000000e+02, v21  }
0x81f: {  	v21 =	vld [tilespmem:s10+$0x30];
	v15 =	vadd.s32 v0, v15;
	v16 =	vcvt.f32.s32 v16  }
0x820: {  	[tilespmem:v17+s0+$0x0] =	vst.idx.add.f32.msk $0xffff, v2;
	v17 =	vtrunc.f32 v18;
	v18 =	vmul.f32 $2.560000000e+02, v22  }
0x821: {  	v22 =	vld [tilespmem:s6+$0x60];
	v16 =	vadd.s32 v5, v16;
	v17 =	vcvt.f32.s32 v17  }
0x822: {  	v19 =	vmul.f32 $2.560000000e+02, v19;
	[tilespmem:v20+s0+$0x0] =	vst.idx.add.f32.msk $0xffff, v2;
	v18 =	vtrunc.f32 v18  }
0x823: {  	v20 =	vld [tilespmem:s5+$0x90];
	v17 =	vadd.s32 v8, v17;
	v18 =	vcvt.f32.s32 v18  }
0x824: {  	v19 =	vtrunc.f32 v19;
	[tilespmem:v15+s0+$0x0] =	vst.idx.add.f32.msk $0xffff, v2;
	v15 =	vmul.f32 $2.560000000e+02, v21  }
0x825: {  	v19 =	vcvt.f32.s32 v19;
	v21 =	vld [tilespmem:s11+$0xD0];
	v18 =	vadd.s32 v11, v18  }
0x826: {  	v22 =	vmul.f32 $2.560000000e+02, v22;
	v15 =	vtrunc.f32 v15;
	[tilespmem:v16+s0+$0x0] =	vst.idx.add.f32.msk $0xffff, v2  }
0x827: {  	v16 =	vadd.s32 v0, v19;
	v15 =	vcvt.f32.s32 v15;
	v19 =	vld [tilespmem:s10+$0x100]  }
0x828: {  	v22 =	vtrunc.f32 v22;
	[tilespmem:v17+s0+$0x0] =	vst.idx.add.f32.msk $0xffff, v2;
	v17 =	vmul.f32 $2.560000000e+02, v20  }
0x829: {  	v20 =	vcvt.f32.s32 v22;
	v15 =	vadd.s32 v5, v15;
	v22 =	vld [tilespmem:s6+$0x130]  }
0x82a: {  	v21 =	vmul.f32 $2.560000000e+02, v21;
	v17 =	vtrunc.f32 v17;
	[tilespmem:v18+s0+$0x0] =	vst.idx.add.f32.msk $0xffff, v2  }
0x82b: {  	v18 =	vadd.s32 v8, v20;
	v17 =	vcvt.f32.s32 v17;
	v20 =	vld [tilespmem:s5+$0x160]  }
0x82c: {  	[tilespmem:v16+s0+$0x0] =	vst.idx.add.f32.msk $0xffff, v2;
	v16 =	vtrunc.f32 v21;
	v19 =	vmul.f32 $2.560000000e+02, v19  }
0x82d: {  	v21 =	vld [tilespmem:s11+$0x10];
	v16 =	vcvt.f32.s32 v16;
	v17 =	vadd.s32 v11, v17  }
0x82e: {  	[tilespmem:v15+s0+$0x0] =	vst.idx.add.f32.msk $0xffff, v2;
	v15 =	vtrunc.f32 v19;
	v19 =	vmul.f32 $2.560000000e+02, v22  }
0x82f: {  	v16 =	vadd.s32 v3, v16;
	v22 =	vld [tilespmem:s10+$0x40];
	v15 =	vcvt.f32.s32 v15  }
0x830: {  	[tilespmem:v18+s0+$0x0] =	vst.idx.add.f32.msk $0xffff, v2;
	v18 =	vtrunc.f32 v19;
	v19 =	vmul.f32 $2.560000000e+02, v20  }
0x831: {  	v15 =	vadd.s32 v6, v15;
	v20 =	vld [tilespmem:s6+$0x70];
	v18 =	vcvt.f32.s32 v18  }
0x832: {  	v21 =	vmul.f32 $2.560000000e+02, v21;
	[tilespmem:v17+s0+$0x0] =	vst.idx.add.f32.msk $0xffff, v2;
	v17 =	vtrunc.f32 v19  }
0x833: {  	v18 =	vadd.s32 v9, v18;
	v23 =	vld [tilespmem:s5+$0xA0];
	v17 =	vcvt.f32.s32 v17  }
0x834: {  	v19 =	vtrunc.f32 v21;
	[tilespmem:v16+s0+$0x0] =	vst.idx.add.f32.msk $0xffff, v2;
	v16 =	vmul.f32 $2.560000000e+02, v22  }
0x835: {  	v19 =	vcvt.f32.s32 v19;
	v21 =	vld [tilespmem:s11+$0xE0];
	v22 =	vadd.s32 v12, v17  }
0x836: {  	[tilespmem:v15+s0+$0x0] =	vst.idx.add.f32.msk $0xffff, v2;
	v15 =	vtrunc.f32 v16;
	v16 =	vmul.f32 $2.560000000e+02, v20  }
0x837: {  	v14 =	vmul.f32 $2.560000000e+02, v14;
	v24 =	vadd.s32 v3, v19;
	v19 =	vld [tilespmem:s10+$0x110];
	v15 =	vcvt.f32.s32 v15  }
0x838: {  	[tilespmem:v18+s0+$0x0] =	vst.idx.add.f32.msk $0xffff, v2;
	v16 =	vtrunc.f32 v16;
	v18 =	vmul.f32 $2.560000000e+02, v23  }
0x839: {  	v14 =	vtrunc.f32 v14;
	v17 =	vld [tilespmem:s6+$0x140];
	v16 =	vcvt.f32.s32 v16;
	v20 =	vadd.s32 v6, v15  }
0x83a: {  	v14 =	vcvt.f32.s32 v14;
	[tilespmem:v22+s0+$0x0] =	vst.idx.add.f32.msk $0xffff, v2;
	v22 =	vtrunc.f32 v18  }
0x83b: {  	v21 =	vmul.f32 $2.560000000e+02, v21;
	v15 =	vld [tilespmem:s5+$0x170];
	v18 =	vadd.s32 v9, v16;
	v16 =	vcvt.f32.s32 v22  }
0x83c: {  	v14 =	vadd.s32 v13, v14;
	[tilespmem:v24+s0+$0x0] =	vst.idx.add.f32.msk $0xffff, v2  }
.LBB2_21:
0x83d: {  	s17 =	sadd.s32 $0x2, s17;
	v22 =	vld [tilespmem:s11+$0x20];
	v21 =	vtrunc.f32 v21;
	v19 =	vmul.f32 $2.560000000e+02, v19;
	v16 =	vadd.s32 v12, v16  }
0x83e: {  	s13 =	sshrl.u32 s17, $0x3;
	p0 =	slt.u32 s17, $0x7E;
	v21 =	vcvt.f32.s32 v21;
	[tilespmem:v20+s0+$0x0] =	vst.idx.add.f32.msk $0xffff, v2  }
0x83f: {  	s15 =	sand.u32 $0x6, s17;
	v17 =	vmul.f32 $2.560000000e+02, v17;
	s13 =	smul.u32 $0x1800, s13;
	v20 =	vld [tilespmem:s10+$0x50];
	v19 =	vtrunc.f32 v19  }
0x840: {  	s15 =	smul.u32 $0x300, s15;
	v21 =	vadd.s32 v4, v21;
	v19 =	vcvt.f32.s32 v19;
	[tilespmem:v18+s0+$0x0] =	vst.idx.add.f32.msk $0xffff, v2;
	v15 =	vmul.f32 $2.560000000e+02, v15  }
0x841: {  	v17 =	vtrunc.f32 v17;
	v18 =	vld [tilespmem:s6+$0x80]  }
0x842: {  	s13 =	sshra.s32 s13, $0x2;
	s15 =	sshrl.u32 s15, $0x2;
	v17 =	vcvt.f32.s32 v17;
	v19 =	vadd.s32 v7, v19;
	[tilespmem:v16+s0+$0x0] =	vst.idx.add.f32.msk $0xffff, v2;
	v15 =	vtrunc.f32 v15  }
0x843: {  	s13 =	sadd.s32 s15, s13;
	v16 =	vmul.f32 $2.560000000e+02, v22;
	v22 =	vld [tilespmem:s5+$0xB0];
	v15 =	vcvt.f32.s32 v15;
	s5 =	smov.u32 s6;
	s6 =	smov.u32 s10  }
0x844: {  	v17 =	vadd.s32 v10, v17;
	s10 =	smov.u32 s11;
	s11 =	smov.u32 s13;
	v23 =	vld [tilespmem:s13+$0xC0];
	v20 =	vmul.f32 $2.560000000e+02, v20  }
0x845: {  	v16 =	vtrunc.f32 v16;
	[tilespmem:v21+s0+$0x0] =	vst.idx.add.f32.msk $0xffff, v2;
	v15 =	vadd.s32 v13, v15  }
0x846: {  	v16 =	vcvt.f32.s32 v16;
	v21 =	vld [tilespmem:s10+$0xF0];
	v20 =	vtrunc.f32 v20  }
0x847: {  	v18 =	vmul.f32 $2.560000000e+02, v18;
	v20 =	vcvt.f32.s32 v20;
	[tilespmem:v19+s0+$0x0] =	vst.idx.add.f32.msk $0xffff, v2  }
0x848: {  	v16 =	vadd.s32 v4, v16;
	v19 =	vld [tilespmem:s6+$0x120];
	v22 =	vmul.f32 $2.560000000e+02, v22  }
0x849: {  	v18 =	vtrunc.f32 v18;
	v20 =	vadd.s32 v7, v20;
	[tilespmem:v17+s0+$0x0] =	vst.idx.add.f32.msk $0xffff, v2  }
0x84a: {  	v17 =	vmul.f32 $2.560000000e+02, v23;
	v18 =	vcvt.f32.s32 v18;
	[tilespmem:v15+s0+$0x0] =	vst.idx.add.f32.msk $0xffff, v2  }
0x84b: {  	v22 =	vtrunc.f32 v22;
	v15 =	vld [tilespmem:s5+$0x150]  }
0x84c: {  	v17 =	vtrunc.f32 v17;
	v21 =	vmul.f32 $2.560000000e+02, v21;
	v18 =	vadd.s32 v10, v18;
	v23 =	vld [tilespmem:s11+$0x0]  }
0x84d: {  	v17 =	vcvt.f32.s32 v17;
	[tilespmem:v16+s0+$0x0] =	vst.idx.add.f32.msk $0xffff, v2;
	v16 =	vcvt.f32.s32 v22  }
0x84e: {  	v21 =	vtrunc.f32 v21;
	v19 =	vmul.f32 $2.560000000e+02, v19;
	v22 =	vld [tilespmem:s10+$0x30]  }
0x84f: {  	v17 =	vadd.s32 v0, v17;
	v21 =	vcvt.f32.s32 v21;
	[tilespmem:v20+s0+$0x0] =	vst.idx.add.f32.msk $0xffff, v2;
	v16 =	vadd.s32 v13, v16  }
0x850: {  	v19 =	vtrunc.f32 v19;
	v20 =	vld [tilespmem:s6+$0x60];
	v15 =	vmul.f32 $2.560000000e+02, v15  }
0x851: {  	v21 =	vadd.s32 v5, v21;
	v19 =	vcvt.f32.s32 v19;
	v23 =	vmul.f32 $2.560000000e+02, v23;
	[tilespmem:v18+s0+$0x0] =	vst.idx.add.f32.msk $0xffff, v2  }
0x852: {  	v18 =	vld [tilespmem:s5+$0x90];
	v15 =	vtrunc.f32 v15  }
0x853: {  	v19 =	vadd.s32 v8, v19;
	v23 =	vtrunc.f32 v23;
	v15 =	vcvt.f32.s32 v15;
	[tilespmem:v14+s0+$0x0] =	vst.idx.add.f32.msk $0xffff, v2;
	v14 =	vmovc v16  }
0x854: {  	v16 =	vcvt.f32.s32 v23;
	[tilespmem:v17+s0+$0x0] =	vst.idx.add.f32.msk $0xffff, v2;
	v17 =	vmul.f32 $2.560000000e+02, v22  }
0x855: {  	v22 =	vld [tilespmem:s11+$0xD0];
	v20 =	vmul.f32 $2.560000000e+02, v20;
	v15 =	vadd.s32 v11, v15  }
0x856: {  	v16 =	vadd.s32 v0, v16;
	v17 =	vtrunc.f32 v17;
	[tilespmem:v21+s0+$0x0] =	vst.idx.add.f32.msk $0xffff, v2  }
0x857: {  	v17 =	vcvt.f32.s32 v17;
	v21 =	vld [tilespmem:s10+$0x100];
	v20 =	vtrunc.f32 v20  }
0x858: {  	v18 =	vmul.f32 $2.560000000e+02, v18;
	v20 =	vcvt.f32.s32 v20;
	[tilespmem:v19+s0+$0x0] =	vst.idx.add.f32.msk $0xffff, v2  }
0x859: {  	v17 =	vadd.s32 v5, v17;
	v19 =	vld [tilespmem:s6+$0x130]  }
0x85a: {  	v18 =	vtrunc.f32 v18;
	v22 =	vmul.f32 $2.560000000e+02, v22;
	v20 =	vadd.s32 v8, v20;
	[tilespmem:v15+s0+$0x0] =	vst.idx.add.f32.msk $0xffff, v2  }
0x85b: {  	v15 =	vcvt.f32.s32 v18;
	v18 =	vld [tilespmem:s5+$0x160]  }
0x85c: {  	[tilespmem:v16+s0+$0x0] =	vst.idx.add.f32.msk $0xffff, v2;
	v16 =	vtrunc.f32 v22;
	v21 =	vmul.f32 $2.560000000e+02, v21  }
0x85d: {  	v15 =	vadd.s32 v11, v15;
	v22 =	vld [tilespmem:s11+$0x10];
	v16 =	vcvt.f32.s32 v16  }
0x85e: {  	[tilespmem:v17+s0+$0x0] =	vst.idx.add.f32.msk $0xffff, v2;
	v17 =	vtrunc.f32 v21;
	v19 =	vmul.f32 $2.560000000e+02, v19  }
0x85f: {  	v16 =	vadd.s32 v3, v16;
	v21 =	vld [tilespmem:s10+$0x40];
	v17 =	vcvt.f32.s32 v17  }
0x860: {  	[tilespmem:v20+s0+$0x0] =	vst.idx.add.f32.msk $0xffff, v2;
	v19 =	vtrunc.f32 v19;
	v18 =	vmul.f32 $2.560000000e+02, v18  }
0x861: {  	v17 =	vadd.s32 v6, v17;
	v20 =	vld [tilespmem:s6+$0x70];
	v19 =	vcvt.f32.s32 v19  }
0x862: {  	v22 =	vmul.f32 $2.560000000e+02, v22;
	[tilespmem:v15+s0+$0x0] =	vst.idx.add.f32.msk $0xffff, v2;
	v15 =	vtrunc.f32 v18  }
0x863: {  	v18 =	vadd.s32 v9, v19;
	v23 =	vld [tilespmem:s5+$0xA0];
	v15 =	vcvt.f32.s32 v15  }
0x864: {  	v19 =	vtrunc.f32 v22;
	[tilespmem:v16+s0+$0x0] =	vst.idx.add.f32.msk $0xffff, v2;
	v16 =	vmul.f32 $2.560000000e+02, v21  }
0x865: {  	v19 =	vcvt.f32.s32 v19;
	v21 =	vld [tilespmem:s11+$0xE0];
	v15 =	vadd.s32 v12, v15  }
0x866: {  	v16 =	vtrunc.f32 v16;
	[tilespmem:v17+s0+$0x0] =	vst.idx.add.f32.msk $0xffff, v2;
	v17 =	vmul.f32 $2.560000000e+02, v20  }
0x867: {  	v22 =	vadd.s32 v3, v19;
	v16 =	vcvt.f32.s32 v16;
	v19 =	vld [tilespmem:s10+$0x110]  }
.Ltmp9:
0x868: {  	v17 =	vtrunc.f32 v17;
	[tilespmem:v18+s0+$0x0] =	vst.idx.add.f32.msk $0xffff, v2;
	v18 =	vmul.f32 $2.560000000e+02, v23;
	(pc) =	sbr.rel @p0 .LBB2_21-.Ltmp9, $4  }
0x869: {  	v20 =	vadd.s32 v6, v16;
	v16 =	vcvt.f32.s32 v17;
	v17 =	vld [tilespmem:s6+$0x140]  }
0x86a: {  	v23 =	vtrunc.f32 v18;
	[tilespmem:v15+s0+$0x0] =	vst.idx.add.f32.msk $0xffff, v2  }
0x86b: {  	v21 =	vmul.f32 $2.560000000e+02, v21;
	v18 =	vadd.s32 v9, v16;
	v16 =	vcvt.f32.s32 v23;
	v15 =	vld [tilespmem:s5+$0x170]  }
0x86c: {  	[tilespmem:v22+s0+$0x0] =	vst.idx.add.f32.msk $0xffff, v2  }
0x86d: {  	v22 =	vld [tilespmem:s11+$0x20];
	_ =	sdelay $0x4  }
0x86e: {  	v21 =	vtrunc.f32 v21;
	v22 =	vmul.f32 $2.560000000e+02, v22  }
0x86f: {  	v21 =	vcvt.f32.s32 v21  }
0x870: {  	v22 =	vtrunc.f32 v22  }
0x871: {  	v21 =	vadd.s32 v4, v21;
	v22 =	vcvt.f32.s32 v22;
	_ =	sdelay $0x1  }
0x872: {  	v22 =	vadd.s32 v4, v22;
	_ =	sdelay $0x2  }
0x873: {  	[tilespmem:v21+s0+$0x0] =	vst.idx.add.f32.msk $0xffff, v2  }
0x874: {  	v21 =	vld [tilespmem:s11+$0xF0]  }
0x875: {  	[tilespmem:v22+s0+$0x0] =	vst.idx.add.f32.msk $0xffff, v2  }
0x876: {  	v22 =	vld [tilespmem:s11+$0x30];
	_ =	sdelay $0x2  }
0x877: {  	v21 =	vmul.f32 $2.560000000e+02, v21;
	_ =	sdelay $0x1  }
0x878: {  	v21 =	vtrunc.f32 v21;
	v22 =	vmul.f32 $2.560000000e+02, v22  }
0x879: {  	v21 =	vcvt.f32.s32 v21  }
0x87a: {  	v22 =	vtrunc.f32 v22  }
0x87b: {  	v21 =	vadd.s32 v5, v21;
	v22 =	vcvt.f32.s32 v22;
	_ =	sdelay $0x1  }
0x87c: {  	v22 =	vadd.s32 v5, v22;
	_ =	sdelay $0x2  }
0x87d: {  	[tilespmem:v21+s0+$0x0] =	vst.idx.add.f32.msk $0xffff, v2  }
0x87e: {  	v21 =	vld [tilespmem:s11+$0x100]  }
0x87f: {  	[tilespmem:v22+s0+$0x0] =	vst.idx.add.f32.msk $0xffff, v2  }
0x880: {  	v22 =	vld [tilespmem:s11+$0x40];
	_ =	sdelay $0x2  }
0x881: {  	[tilespmem:v20+s0+$0x0] =	vst.idx.add.f32.msk $0xffff, v2;
	v21 =	vmul.f32 $2.560000000e+02, v21  }
0x882: {  	v20 =	vld [tilespmem:s10+$0x50]  }
0x883: {  	v21 =	vtrunc.f32 v21;
	v22 =	vmul.f32 $2.560000000e+02, v22  }
0x884: {  	v21 =	vcvt.f32.s32 v21  }
0x885: {  	v19 =	vmul.f32 $2.560000000e+02, v19;
	v22 =	vtrunc.f32 v22  }
0x886: {  	v21 =	vadd.s32 v6, v21;
	v22 =	vcvt.f32.s32 v22  }
0x887: {  	v19 =	vtrunc.f32 v19;
	v20 =	vmul.f32 $2.560000000e+02, v20  }
0x888: {  	v19 =	vcvt.f32.s32 v19;
	v22 =	vadd.s32 v6, v22  }
0x889: {  	v20 =	vtrunc.f32 v20  }
0x88a: {  	v19 =	vadd.s32 v7, v19;
	v20 =	vcvt.f32.s32 v20  }
0x88b: {  	[tilespmem:v21+s0+$0x0] =	vst.idx.add.f32.msk $0xffff, v2  }
0x88c: {  	v20 =	vadd.s32 v7, v20;
	v21 =	vld [tilespmem:s11+$0x110]  }
0x88d: {  	[tilespmem:v22+s0+$0x0] =	vst.idx.add.f32.msk $0xffff, v2  }
0x88e: {  	v22 =	vld [tilespmem:s11+$0x50]  }
0x88f: {  	[tilespmem:v19+s0+$0x0] =	vst.idx.add.f32.msk $0xffff, v2  }
0x890: {  	v19 =	vld [tilespmem:s10+$0x120]  }
0x891: {  	[tilespmem:v20+s0+$0x0] =	vst.idx.add.f32.msk $0xffff, v2;
	v21 =	vmul.f32 $2.560000000e+02, v21  }
0x892: {  	v20 =	vld [tilespmem:s10+$0x60]  }
0x893: {  	v21 =	vtrunc.f32 v21;
	v22 =	vmul.f32 $2.560000000e+02, v22  }
0x894: {  	v21 =	vcvt.f32.s32 v21  }
0x895: {  	v19 =	vmul.f32 $2.560000000e+02, v19;
	v22 =	vtrunc.f32 v22  }
0x896: {  	v21 =	vadd.s32 v7, v21;
	v22 =	vcvt.f32.s32 v22  }
0x897: {  	v19 =	vtrunc.f32 v19;
	v20 =	vmul.f32 $2.560000000e+02, v20  }
0x898: {  	v19 =	vcvt.f32.s32 v19;
	v22 =	vadd.s32 v7, v22  }
0x899: {  	v20 =	vtrunc.f32 v20  }
0x89a: {  	v19 =	vadd.s32 v8, v19;
	v20 =	vcvt.f32.s32 v20  }
0x89b: {  	[tilespmem:v21+s0+$0x0] =	vst.idx.add.f32.msk $0xffff, v2  }
0x89c: {  	v20 =	vadd.s32 v8, v20;
	v21 =	vld [tilespmem:s11+$0x120]  }
0x89d: {  	[tilespmem:v22+s0+$0x0] =	vst.idx.add.f32.msk $0xffff, v2  }
0x89e: {  	v22 =	vld [tilespmem:s11+$0x60]  }
0x89f: {  	[tilespmem:v19+s0+$0x0] =	vst.idx.add.f32.msk $0xffff, v2  }
0x8a0: {  	v19 =	vld [tilespmem:s10+$0x130]  }
0x8a1: {  	[tilespmem:v20+s0+$0x0] =	vst.idx.add.f32.msk $0xffff, v2;
	v21 =	vmul.f32 $2.560000000e+02, v21  }
0x8a2: {  	v20 =	vld [tilespmem:s10+$0x70]  }
0x8a3: {  	v21 =	vtrunc.f32 v21;
	v22 =	vmul.f32 $2.560000000e+02, v22  }
0x8a4: {  	v21 =	vcvt.f32.s32 v21  }
0x8a5: {  	v19 =	vmul.f32 $2.560000000e+02, v19;
	v22 =	vtrunc.f32 v22  }
0x8a6: {  	v21 =	vadd.s32 v8, v21;
	v22 =	vcvt.f32.s32 v22  }
0x8a7: {  	v19 =	vtrunc.f32 v19;
	v20 =	vmul.f32 $2.560000000e+02, v20  }
0x8a8: {  	v19 =	vcvt.f32.s32 v19;
	v22 =	vadd.s32 v8, v22  }
0x8a9: {  	v20 =	vtrunc.f32 v20  }
0x8aa: {  	v19 =	vadd.s32 v9, v19;
	v20 =	vcvt.f32.s32 v20  }
0x8ab: {  	[tilespmem:v21+s0+$0x0] =	vst.idx.add.f32.msk $0xffff, v2  }
0x8ac: {  	v20 =	vadd.s32 v9, v20;
	v21 =	vld [tilespmem:s11+$0x130]  }
0x8ad: {  	[tilespmem:v22+s0+$0x0] =	vst.idx.add.f32.msk $0xffff, v2  }
0x8ae: {  	v22 =	vld [tilespmem:s11+$0x70]  }
0x8af: {  	[tilespmem:v19+s0+$0x0] =	vst.idx.add.f32.msk $0xffff, v2  }
0x8b0: {  	v19 =	vld [tilespmem:s10+$0x140]  }
0x8b1: {  	[tilespmem:v20+s0+$0x0] =	vst.idx.add.f32.msk $0xffff, v2;
	v21 =	vmul.f32 $2.560000000e+02, v21  }
0x8b2: {  	v20 =	vld [tilespmem:s10+$0x80]  }
0x8b3: {  	v21 =	vtrunc.f32 v21;
	v22 =	vmul.f32 $2.560000000e+02, v22  }
0x8b4: {  	v21 =	vcvt.f32.s32 v21  }
0x8b5: {  	[tilespmem:v18+s0+$0x0] =	vst.idx.add.f32.msk $0xffff, v2;
	v19 =	vmul.f32 $2.560000000e+02, v19;
	v18 =	vtrunc.f32 v22  }
0x8b6: {  	v21 =	vadd.s32 v9, v21;
	v22 =	vld [tilespmem:s6+$0x80];
	v18 =	vcvt.f32.s32 v18  }
0x8b7: {  	v19 =	vtrunc.f32 v19;
	v20 =	vmul.f32 $2.560000000e+02, v20  }
0x8b8: {  	v19 =	vcvt.f32.s32 v19;
	v18 =	vadd.s32 v9, v18  }
0x8b9: {  	v17 =	vmul.f32 $2.560000000e+02, v17;
	v20 =	vtrunc.f32 v20  }
0x8ba: {  	v19 =	vadd.s32 v10, v19;
	v20 =	vcvt.f32.s32 v20  }
0x8bb: {  	v17 =	vtrunc.f32 v17;
	[tilespmem:v21+s0+$0x0] =	vst.idx.add.f32.msk $0xffff, v2;
	v22 =	vmul.f32 $2.560000000e+02, v22  }
0x8bc: {  	v17 =	vcvt.f32.s32 v17;
	v20 =	vadd.s32 v10, v20;
	v21 =	vld [tilespmem:s11+$0x140]  }
0x8bd: {  	v22 =	vtrunc.f32 v22;
	[tilespmem:v18+s0+$0x0] =	vst.idx.add.f32.msk $0xffff, v2  }
0x8be: {  	v17 =	vadd.s32 v10, v17;
	v18 =	vcvt.f32.s32 v22;
	v22 =	vld [tilespmem:s11+$0x80]  }
0x8bf: {  	[tilespmem:v19+s0+$0x0] =	vst.idx.add.f32.msk $0xffff, v2  }
0x8c0: {  	v19 =	vld [tilespmem:s10+$0x150];
	v18 =	vadd.s32 v10, v18  }
0x8c1: {  	[tilespmem:v20+s0+$0x0] =	vst.idx.add.f32.msk $0xffff, v2;
	v21 =	vmul.f32 $2.560000000e+02, v21  }
0x8c2: {  	v20 =	vld [tilespmem:s10+$0x90]  }
0x8c3: {  	[tilespmem:v17+s0+$0x0] =	vst.idx.add.f32.msk $0xffff, v2;
	v17 =	vtrunc.f32 v21;
	v21 =	vmul.f32 $2.560000000e+02, v22  }
0x8c4: {  	v17 =	vcvt.f32.s32 v17;
	v22 =	vld [tilespmem:s6+$0x150]  }
0x8c5: {  	v19 =	vmul.f32 $2.560000000e+02, v19;
	[tilespmem:v18+s0+$0x0] =	vst.idx.add.f32.msk $0xffff, v2;
	v18 =	vtrunc.f32 v21  }
0x8c6: {  	v17 =	vadd.s32 v10, v17;
	v21 =	vld [tilespmem:s6+$0x90];
	v18 =	vcvt.f32.s32 v18  }
0x8c7: {  	v19 =	vtrunc.f32 v19;
	v20 =	vmul.f32 $2.560000000e+02, v20  }
0x8c8: {  	v19 =	vcvt.f32.s32 v19;
	v18 =	vadd.s32 v10, v18  }
0x8c9: {  	v20 =	vtrunc.f32 v20;
	v22 =	vmul.f32 $2.560000000e+02, v22  }
0x8ca: {  	v19 =	vadd.s32 v11, v19;
	v20 =	vcvt.f32.s32 v20  }
0x8cb: {  	[tilespmem:v17+s0+$0x0] =	vst.idx.add.f32.msk $0xffff, v2;
	v22 =	vtrunc.f32 v22;
	v21 =	vmul.f32 $2.560000000e+02, v21  }
0x8cc: {  	v20 =	vadd.s32 v11, v20;
	v17 =	vcvt.f32.s32 v22;
	v22 =	vld [tilespmem:s11+$0x150]  }
0x8cd: {  	v21 =	vtrunc.f32 v21;
	[tilespmem:v18+s0+$0x0] =	vst.idx.add.f32.msk $0xffff, v2  }
0x8ce: {  	v17 =	vadd.s32 v11, v17;
	v18 =	vcvt.f32.s32 v21;
	v21 =	vld [tilespmem:s11+$0x90]  }
0x8cf: {  	[tilespmem:v19+s0+$0x0] =	vst.idx.add.f32.msk $0xffff, v2  }
0x8d0: {  	v19 =	vld [tilespmem:s10+$0x160];
	v18 =	vadd.s32 v11, v18  }
0x8d1: {  	[tilespmem:v20+s0+$0x0] =	vst.idx.add.f32.msk $0xffff, v2;
	v22 =	vmul.f32 $2.560000000e+02, v22  }
0x8d2: {  	v20 =	vld [tilespmem:s10+$0xA0]  }
0x8d3: {  	[tilespmem:v17+s0+$0x0] =	vst.idx.add.f32.msk $0xffff, v2;
	v17 =	vtrunc.f32 v22;
	v21 =	vmul.f32 $2.560000000e+02, v21  }
0x8d4: {  	v22 =	vld [tilespmem:s6+$0x160];
	v17 =	vcvt.f32.s32 v17  }
0x8d5: {  	v16 =	vadd.s32 v12, v16;
	[tilespmem:v18+s0+$0x0] =	vst.idx.add.f32.msk $0xffff, v2;
	v18 =	vtrunc.f32 v21  }
0x8d6: {  	v21 =	vld [tilespmem:s6+$0xA0];
	v17 =	vadd.s32 v11, v17;
	v18 =	vcvt.f32.s32 v18  }
0x8d7: {  	v19 =	vmul.f32 $2.560000000e+02, v19  }
0x8d8: {  	v18 =	vadd.s32 v11, v18  }
0x8d9: {  	v19 =	vtrunc.f32 v19;
	v22 =	vmul.f32 $2.560000000e+02, v22  }
0x8da: {  	[tilespmem:v16+s0+$0x0] =	vst.idx.add.f32.msk $0xffff, v2;
	v19 =	vcvt.f32.s32 v19;
	v20 =	vmul.f32 $2.560000000e+02, v20  }
0x8db: {  	v22 =	vtrunc.f32 v22;
	v21 =	vmul.f32 $2.560000000e+02, v21;
	[tilespmem:v17+s0+$0x0] =	vst.idx.add.f32.msk $0xffff, v2  }
0x8dc: {  	v19 =	vadd.s32 v12, v19;
	v16 =	vtrunc.f32 v20;
	v17 =	vcvt.f32.s32 v22;
	v22 =	vld [tilespmem:s11+$0x160]  }
0x8dd: {  	v16 =	vcvt.f32.s32 v16;
	v21 =	vtrunc.f32 v21;
	[tilespmem:v18+s0+$0x0] =	vst.idx.add.f32.msk $0xffff, v2  }
0x8de: {  	v17 =	vadd.s32 v12, v17;
	v18 =	vcvt.f32.s32 v21;
	v21 =	vld [tilespmem:s11+$0xA0]  }
0x8df: {  	v16 =	vadd.s32 v12, v16  }
0x8e0: {  	v18 =	vadd.s32 v12, v18  }
0x8e1: {  	[tilespmem:v19+s0+$0x0] =	vst.idx.add.f32.msk $0xffff, v2;
	v20 =	vmul.f32 $2.560000000e+02, v22  }
0x8e2: {  	v19 =	vld [tilespmem:s10+$0x170]  }
0x8e3: {  	[tilespmem:v17+s0+$0x0] =	vst.idx.add.f32.msk $0xffff, v2;
	v17 =	vtrunc.f32 v20;
	v20 =	vmul.f32 $2.560000000e+02, v21  }
0x8e4: {  	[tilespmem:v16+s0+$0x0] =	vst.idx.add.f32.msk $0xffff, v2;
	v17 =	vcvt.f32.s32 v17  }
0x8e5: {  	[tilespmem:v18+s0+$0x0] =	vst.idx.add.f32.msk $0xffff, v2;
	v18 =	vtrunc.f32 v20  }
0x8e6: {  	v22 =	vld [tilespmem:s5+$0xB0];
	v17 =	vadd.s32 v12, v17;
	v18 =	vcvt.f32.s32 v18  }
0x8e7: {  	v21 =	vld [tilespmem:s6+$0x170]  }
0x8e8: {  	v15 =	vmul.f32 $2.560000000e+02, v15;
	v16 =	vld [tilespmem:s10+$0xB0];
	v18 =	vadd.s32 v12, v18;
	_ =	sdelay $0x1  }
0x8e9: {  	v15 =	vtrunc.f32 v15;
	v20 =	vld [tilespmem:s6+$0xB0]  }
0x8ea: {  	v15 =	vcvt.f32.s32 v15;
	v22 =	vmul.f32 $2.560000000e+02, v22;
	[tilespmem:v17+s0+$0x0] =	vst.idx.add.f32.msk $0xffff, v2  }
0x8eb: {  	v19 =	vmul.f32 $2.560000000e+02, v19;
	v17 =	vmul.f32 $2.560000000e+02, v21;
	v21 =	vld [tilespmem:s11+$0x170]  }
0x8ec: {  	v16 =	vmul.f32 $2.560000000e+02, v16;
	v22 =	vtrunc.f32 v22;
	[tilespmem:v18+s0+$0x0] =	vst.idx.add.f32.msk $0xffff, v2  }
0x8ed: {  	v19 =	vtrunc.f32 v19;
	v18 =	vcvt.f32.s32 v22;
	v22 =	vld [tilespmem:s11+$0xB0]  }
0x8ee: {  	v19 =	vcvt.f32.s32 v19;
	v16 =	vtrunc.f32 v16  }
0x8ef: {  	v15 =	vadd.s32 v13, v15;
	v20 =	vmul.f32 $2.560000000e+02, v20;
	v17 =	vtrunc.f32 v17  }
0x8f0: {  	v16 =	vcvt.f32.s32 v16;
	v17 =	vcvt.f32.s32 v17  }
0x8f1: {  	v19 =	vadd.s32 v13, v19;
	v20 =	vtrunc.f32 v20;
	v21 =	vmul.f32 $2.560000000e+02, v21  }
0x8f2: {  	v20 =	vcvt.f32.s32 v20;
	v17 =	vadd.s32 v13, v17;
	v22 =	vmul.f32 $2.560000000e+02, v22  }
0x8f3: {  	v16 =	vadd.s32 v13, v16;
	v18 =	vadd.s32 v13, v18;
	v21 =	vtrunc.f32 v21  }
0x8f4: {  	[tilespmem:v15+s0+$0x0] =	vst.idx.add.f32.msk $0xffff, v2;
	v15 =	vadd.s32 v13, v20;
	v21 =	vcvt.f32.s32 v21;
	v20 =	vtrunc.f32 v22  }
0x8f5: {  	[tilespmem:v14+s0+$0x0] =	vst.idx.add.f32.msk $0xffff, v2;
	v20 =	vcvt.f32.s32 v20  }
0x8f6: {  	[tilespmem:v19+s0+$0x0] =	vst.idx.add.f32.msk $0xffff, v2;
	v14 =	vadd.s32 v13, v21  }
0x8f7: {  	[tilespmem:v17+s0+$0x0] =	vst.idx.add.f32.msk $0xffff, v2;
	v17 =	vadd.s32 v13, v20  }
0x8f8: {  	[tilespmem:v16+s0+$0x0] =	vst.idx.add.f32.msk $0xffff, v2  }
0x8f9: {  	[tilespmem:v18+s0+$0x0] =	vst.idx.add.f32.msk $0xffff, v2  }
0x8fa: {  	[tilespmem:v15+s0+$0x0] =	vst.idx.add.f32.msk $0xffff, v2  }
0x8fb: {  	[tilespmem:v14+s0+$0x0] =	vst.idx.add.f32.msk $0xffff, v2  }
0x8fc: {  	[tilespmem:v17+s0+$0x0] =	vst.idx.add.f32.msk $0xffff, v2  }
0x8fd: {  	_ =	swait.ge [sflag:s9], $0x6000  }
0x8fe: {  	p0 =	seq.s32 s7, $0x5;
	s5 =	rddreg [dreg:$0xf]  }
0x8ff: {  	s10 =	simm.s32 @!p0 $0x180;
	s5 =	sadd.s32 @!p0 s12, s5  }
0x900: {  	s6 =	simm.s32 @!p0 $0xC0;
	[sflag:s9] =	ssyncset.done $0x0;
	s5 =	sshrl.u32 @!p0 s5, $0x3  }
0x901: {  	s11 =	simm.s32 @!p0 $0x0;
	[sflag:s9] =	ssyncadd.s32 $0xFFFFA000;
	s5 =	sadd.s32 @!p0 s3, s5  }
0x902: {  	[tilespmem:s11], [sflag:$0x1] =	stream.strided.gather @!p0 [hbm4b:s5+s6], $0x600, s10, s6, $0x38;
	[tilespmem:$0xF000] =	vst v63  }
0x903: {  	s12 =	simm.s32 @!p0 $0x600;
	s11 =	sadd.s32 @!p0 $0x4800, s5  }
0x904: {  	[tilespmem:s12], [sflag:$0x1] =	stream.strided.gather @!p0 [hbm4b:s11+s6], $0x600, s10, s6, $0x38;
	[tilespmem:$0xF000] =	vst v63  }
0x905: {  	s11 =	sadd.s32 @!p0 $0x9000, s5;
	s12 =	simm.s32 @!p0 $0xC00  }
0x906: {  	[tilespmem:s12], [sflag:$0x1] =	stream.strided.gather @!p0 [hbm4b:s11+s6], $0x600, s10, s6, $0x38;
	[tilespmem:$0xF000] =	vst v63  }
0x907: {  	s11 =	sadd.s32 @!p0 $0xD800, s5;
	s12 =	simm.s32 @!p0 $0x1200  }
0x908: {  	[tilespmem:s12], [sflag:$0x1] =	stream.strided.gather @!p0 [hbm4b:s11+s6], $0x600, s10, s6, $0x38;
	[tilespmem:$0xF000] =	vst v63  }
0x909: {  	s11 =	sadd.s32 @!p0 $0x12000, s5;
	s12 =	simm.s32 @!p0 $0x1800  }
0x90a: {  	[tilespmem:s12], [sflag:$0x1] =	stream.strided.gather @!p0 [hbm4b:s11+s6], $0x600, s10, s6, $0x38;
	[tilespmem:$0xF000] =	vst v63  }
0x90b: {  	s11 =	sadd.s32 @!p0 $0x16800, s5;
	s12 =	simm.s32 @!p0 $0x1E00  }
0x90c: {  	[tilespmem:s12], [sflag:$0x1] =	stream.strided.gather @!p0 [hbm4b:s11+s6], $0x600, s10, s6, $0x38;
	[tilespmem:$0xF000] =	vst v63  }
0x90d: {  	s11 =	sadd.s32 @!p0 $0x1B000, s5;
	s12 =	simm.s32 @!p0 $0x2400  }
0x90e: {  	[tilespmem:s12], [sflag:$0x1] =	stream.strided.gather @!p0 [hbm4b:s11+s6], $0x600, s10, s6, $0x38;
	[tilespmem:$0xF000] =	vst v63  }
0x90f: {  	s11 =	sadd.s32 @!p0 $0x1F800, s5;
	s12 =	simm.s32 @!p0 $0x2A00  }
0x910: {  	[tilespmem:s12], [sflag:$0x1] =	stream.strided.gather @!p0 [hbm4b:s11+s6], $0x600, s10, s6, $0x38;
	[tilespmem:$0xF000] =	vst v63  }
0x911: {  	s11 =	sadd.s32 @!p0 $0x24000, s5;
	s12 =	simm.s32 @!p0 $0x3000  }
0x912: {  	[tilespmem:s12], [sflag:$0x1] =	stream.strided.gather @!p0 [hbm4b:s11+s6], $0x600, s10, s6, $0x38;
	[tilespmem:$0xF000] =	vst v63  }
0x913: {  	s11 =	sadd.s32 @!p0 $0x28800, s5;
	s12 =	simm.s32 @!p0 $0x3600  }
0x914: {  	[tilespmem:s12], [sflag:$0x1] =	stream.strided.gather @!p0 [hbm4b:s11+s6], $0x600, s10, s6, $0x38;
	[tilespmem:$0xF000] =	vst v63  }
0x915: {  	s11 =	sadd.s32 @!p0 $0x2D000, s5;
	s12 =	simm.s32 @!p0 $0x3C00  }
0x916: {  	[tilespmem:s12], [sflag:$0x1] =	stream.strided.gather @!p0 [hbm4b:s11+s6], $0x600, s10, s6, $0x38;
	[tilespmem:$0xF000] =	vst v63  }
0x917: {  	s11 =	sadd.s32 @!p0 $0x31800, s5;
	s12 =	simm.s32 @!p0 $0x4200  }
0x918: {  	[tilespmem:s12], [sflag:$0x1] =	stream.strided.gather @!p0 [hbm4b:s11+s6], $0x600, s10, s6, $0x38;
	[tilespmem:$0xF000] =	vst v63  }
0x919: {  	s11 =	sadd.s32 @!p0 $0x36000, s5;
	s12 =	simm.s32 @!p0 $0x4800  }
0x91a: {  	[tilespmem:s12], [sflag:$0x1] =	stream.strided.gather @!p0 [hbm4b:s11+s6], $0x600, s10, s6, $0x38;
	[tilespmem:$0xF000] =	vst v63  }
0x91b: {  	s11 =	sadd.s32 @!p0 $0x3A800, s5;
	s12 =	simm.s32 @!p0 $0x4E00  }
0x91c: {  	[tilespmem:s12], [sflag:$0x1] =	stream.strided.gather @!p0 [hbm4b:s11+s6], $0x600, s10, s6, $0x38;
	[tilespmem:$0xF000] =	vst v63  }
0x91d: {  	s11 =	sadd.s32 @!p0 $0x3F000, s5;
	s12 =	simm.s32 @!p0 $0x5400  }
0x91e: {  	[tilespmem:s12], [sflag:$0x1] =	stream.strided.gather @!p0 [hbm4b:s11+s6], $0x600, s10, s6, $0x38;
	[tilespmem:$0xF000] =	vst v63  }
0x91f: {  	s13 =	simm.s32 $0x0;
	s12 =	simm.s32 $0x0  }
0x920: {  	s11 =	sand.u32 $0x6, s12;
	s12 =	smul.u32 $0x1800, s13  }
0x921: {  	s5 =	sadd.s32 @!p0 $0x43800, s5;
	s13 =	simm.s32 @!p0 $0x5A00;
	s11 =	smul.u32 $0x300, s11  }
0x922: {  	[tilespmem:s13], [sflag:$0x1] =	stream.strided.gather @!p0 [hbm4b:s5+s6], $0x600, s10, s6, $0x38;
	[tilespmem:$0xF000] =	vst v63  }
0x923: {  	s15 =	sshra.s32 s12, $0x2;
	s17 =	sshrl.u32 s11, $0x2  }
0x924: {  	s12 =	sadd.s32 s17, s15  }
0x925: {  	v14 =	vld [tilespmem:s12+$0x60C0];
	_ =	sdelay $0x4  }
0x926: {  	v14 =	vmul.f32 $2.560000000e+02, v14;
	_ =	sdelay $0x1  }
0x927: {  	v14 =	vtrunc.f32 v14  }
0x928: {  	v15 =	vld [tilespmem:s12+$0x6000];
	v14 =	vcvt.f32.s32 v14;
	_ =	sdelay $0x1  }
0x929: {  	v14 =	vadd.s32 v0, v14;
	_ =	sdelay $0x2  }
0x92a: {  	v15 =	vmul.f32 $2.560000000e+02, v15;
	_ =	sdelay $0x1  }
0x92b: {  	v15 =	vtrunc.f32 v15;
	[tilespmem:v14+s0+$0x0] =	vst.idx.add.f32.msk $0xffff, v2  }
0x92c: {  	v14 =	vcvt.f32.s32 v15;
	v15 =	vld [tilespmem:s12+$0x60D0];
	_ =	sdelay $0x1  }
0x92d: {  	v14 =	vadd.s32 v0, v14;
	_ =	sdelay $0x2  }
0x92e: {  	v15 =	vmul.f32 $2.560000000e+02, v15;
	_ =	sdelay $0x1  }
0x92f: {  	[tilespmem:v14+s0+$0x0] =	vst.idx.add.f32.msk $0xffff, v2;
	v14 =	vtrunc.f32 v15  }
0x930: {  	v15 =	vld [tilespmem:s12+$0x6010];
	v14 =	vcvt.f32.s32 v14;
	_ =	sdelay $0x1  }
0x931: {  	v14 =	vadd.s32 v3, v14;
	_ =	sdelay $0x2  }
0x932: {  	v15 =	vmul.f32 $2.560000000e+02, v15;
	_ =	sdelay $0x1  }
0x933: {  	v15 =	vtrunc.f32 v15;
	[tilespmem:v14+s0+$0x0] =	vst.idx.add.f32.msk $0xffff, v2  }
0x934: {  	v14 =	vcvt.f32.s32 v15;
	v15 =	vld [tilespmem:s12+$0x60E0];
	_ =	sdelay $0x1  }
0x935: {  	v14 =	vadd.s32 v3, v14;
	_ =	sdelay $0x2  }
0x936: {  	v15 =	vmul.f32 $2.560000000e+02, v15;
	_ =	sdelay $0x1  }
0x937: {  	[tilespmem:v14+s0+$0x0] =	vst.idx.add.f32.msk $0xffff, v2;
	v14 =	vtrunc.f32 v15  }
0x938: {  	s6 =	simm.s32 $0x2;
	s10 =	simm.s32 $0x0;
	v15 =	vld [tilespmem:s12+$0x6020];
	v14 =	vcvt.f32.s32 v14  }
0x939: {  	s5 =	sand.u32 $0x6, s6;
	s6 =	smul.u32 $0x1800, s10  }
0x93a: {  	s5 =	smul.u32 $0x300, s5;
	v14 =	vadd.s32 v4, v14;
	_ =	sdelay $0x1  }
0x93b: {  	s6 =	sshra.s32 s6, $0x2;
	s5 =	sshrl.u32 s5, $0x2  }
0x93c: {  	s5 =	sadd.s32 s5, s6;
	v15 =	vmul.f32 $2.560000000e+02, v15  }
0x93d: {  	v16 =	vld [tilespmem:s5+$0x60C0]  }
0x93e: {  	v15 =	vtrunc.f32 v15;
	[tilespmem:v14+s0+$0x0] =	vst.idx.add.f32.msk $0xffff, v2  }
0x93f: {  	v14 =	vcvt.f32.s32 v15;
	v15 =	vld [tilespmem:s12+$0x60F0];
	_ =	sdelay $0x1  }
0x940: {  	v14 =	vadd.s32 v4, v14  }
0x941: {  	v16 =	vmul.f32 $2.560000000e+02, v16;
	_ =	sdelay $0x1  }
0x942: {  	v16 =	vtrunc.f32 v16;
	v15 =	vmul.f32 $2.560000000e+02, v15  }
0x943: {  	v17 =	vld [tilespmem:s5+$0x6000];
	v16 =	vcvt.f32.s32 v16  }
0x944: {  	[tilespmem:v14+s0+$0x0] =	vst.idx.add.f32.msk $0xffff, v2;
	v14 =	vtrunc.f32 v15  }
0x945: {  	v16 =	vadd.s32 v0, v16;
	v15 =	vld [tilespmem:s12+$0x6030];
	v14 =	vcvt.f32.s32 v14;
	_ =	sdelay $0x1  }
0x946: {  	v14 =	vadd.s32 v5, v14  }
0x947: {  	v17 =	vmul.f32 $2.560000000e+02, v17;
	_ =	sdelay $0x1  }
0x948: {  	v17 =	vtrunc.f32 v17;
	[tilespmem:v16+s0+$0x0] =	vst.idx.add.f32.msk $0xffff, v2;
	v15 =	vmul.f32 $2.560000000e+02, v15  }
0x949: {  	v16 =	vcvt.f32.s32 v17;
	v17 =	vld [tilespmem:s5+$0x60D0]  }
0x94a: {  	v15 =	vtrunc.f32 v15;
	[tilespmem:v14+s0+$0x0] =	vst.idx.add.f32.msk $0xffff, v2  }
0x94b: {  	v14 =	vadd.s32 v0, v16;
	v15 =	vcvt.f32.s32 v15;
	v16 =	vld [tilespmem:s12+$0x6100];
	_ =	sdelay $0x1  }
0x94c: {  	v15 =	vadd.s32 v5, v15  }
0x94d: {  	v17 =	vmul.f32 $2.560000000e+02, v17;
	_ =	sdelay $0x1  }
0x94e: {  	[tilespmem:v14+s0+$0x0] =	vst.idx.add.f32.msk $0xffff, v2;
	v14 =	vtrunc.f32 v17;
	v16 =	vmul.f32 $2.560000000e+02, v16  }
0x94f: {  	v17 =	vld [tilespmem:s5+$0x6010];
	v14 =	vcvt.f32.s32 v14  }
0x950: {  	[tilespmem:v15+s0+$0x0] =	vst.idx.add.f32.msk $0xffff, v2;
	v15 =	vtrunc.f32 v16  }
0x951: {  	v14 =	vadd.s32 v3, v14;
	v16 =	vld [tilespmem:s12+$0x6040];
	v15 =	vcvt.f32.s32 v15;
	_ =	sdelay $0x1  }
0x952: {  	v15 =	vadd.s32 v6, v15  }
0x953: {  	v17 =	vmul.f32 $2.560000000e+02, v17;
	_ =	sdelay $0x1  }
0x954: {  	v17 =	vtrunc.f32 v17;
	[tilespmem:v14+s0+$0x0] =	vst.idx.add.f32.msk $0xffff, v2;
	v14 =	vmul.f32 $2.560000000e+02, v16  }
0x955: {  	v16 =	vcvt.f32.s32 v17;
	v17 =	vld [tilespmem:s5+$0x60E0]  }
0x956: {  	v14 =	vtrunc.f32 v14;
	[tilespmem:v15+s0+$0x0] =	vst.idx.add.f32.msk $0xffff, v2  }
0x957: {  	v15 =	vadd.s32 v3, v16;
	v14 =	vcvt.f32.s32 v14;
	v16 =	vld [tilespmem:s12+$0x6110];
	_ =	sdelay $0x1  }
0x958: {  	v14 =	vadd.s32 v6, v14  }
0x959: {  	v17 =	vmul.f32 $2.560000000e+02, v17;
	_ =	sdelay $0x1  }
0x95a: {  	[tilespmem:v15+s0+$0x0] =	vst.idx.add.f32.msk $0xffff, v2;
	v15 =	vtrunc.f32 v17;
	v16 =	vmul.f32 $2.560000000e+02, v16  }
0x95b: {  	s13 =	simm.s32 $0x0;
	s11 =	simm.s32 $0x4;
	v17 =	vld [tilespmem:s5+$0x6020];
	v15 =	vcvt.f32.s32 v15  }
0x95c: {  	s10 =	smul.u32 $0x1800, s13;
	s6 =	sand.u32 $0x6, s11;
	[tilespmem:v14+s0+$0x0] =	vst.idx.add.f32.msk $0xffff, v2;
	v14 =	vtrunc.f32 v16  }
0x95d: {  	s6 =	smul.u32 $0x300, s6;
	v16 =	vld [tilespmem:s12+$0x6050];
	v15 =	vadd.s32 v4, v15;
	v14 =	vcvt.f32.s32 v14;
	_ =	sdelay $0x1  }
0x95e: {  	s10 =	sshra.s32 s10, $0x2;
	s6 =	sshrl.u32 s6, $0x2;
	v14 =	vadd.s32 v7, v14  }
0x95f: {  	s6 =	sadd.s32 s6, s10;
	v17 =	vmul.f32 $2.560000000e+02, v17  }
0x960: {  	v18 =	vld [tilespmem:s6+$0x60C0]  }
0x961: {  	v16 =	vmul.f32 $2.560000000e+02, v16;
	v17 =	vtrunc.f32 v17;
	[tilespmem:v15+s0+$0x0] =	vst.idx.add.f32.msk $0xffff, v2  }
0x962: {  	v15 =	vcvt.f32.s32 v17;
	v17 =	vld [tilespmem:s5+$0x60F0]  }
0x963: {  	v16 =	vtrunc.f32 v16;
	[tilespmem:v14+s0+$0x0] =	vst.idx.add.f32.msk $0xffff, v2  }
0x964: {  	v14 =	vcvt.f32.s32 v16;
	v15 =	vadd.s32 v4, v15;
	v16 =	vld [tilespmem:s12+$0x6120]  }
0x965: {  	v18 =	vmul.f32 $2.560000000e+02, v18  }
0x966: {  	v14 =	vadd.s32 v7, v14  }
0x967: {  	v18 =	vtrunc.f32 v18;
	v17 =	vmul.f32 $2.560000000e+02, v17  }
0x968: {  	v19 =	vld [tilespmem:s6+$0x6000];
	v18 =	vcvt.f32.s32 v18  }
0x969: {  	[tilespmem:v15+s0+$0x0] =	vst.idx.add.f32.msk $0xffff, v2;
	v15 =	vtrunc.f32 v17;
	v16 =	vmul.f32 $2.560000000e+02, v16  }
0x96a: {  	v18 =	vadd.s32 v0, v18;
	v17 =	vld [tilespmem:s5+$0x6030];
	v15 =	vcvt.f32.s32 v15  }
0x96b: {  	[tilespmem:v14+s0+$0x0] =	vst.idx.add.f32.msk $0xffff, v2;
	v14 =	vtrunc.f32 v16  }
0x96c: {  	v16 =	vld [tilespmem:s12+$0x6060];
	v15 =	vadd.s32 v5, v15;
	v14 =	vcvt.f32.s32 v14  }
0x96d: {  	v19 =	vmul.f32 $2.560000000e+02, v19  }
0x96e: {  	v14 =	vadd.s32 v8, v14  }
0x96f: {  	v19 =	vtrunc.f32 v19;
	[tilespmem:v18+s0+$0x0] =	vst.idx.add.f32.msk $0xffff, v2;
	v17 =	vmul.f32 $2.560000000e+02, v17  }
0x970: {  	v18 =	vcvt.f32.s32 v19;
	v19 =	vld [tilespmem:s6+$0x60D0]  }
0x971: {  	v16 =	vmul.f32 $2.560000000e+02, v16;
	v17 =	vtrunc.f32 v17;
	[tilespmem:v15+s0+$0x0] =	vst.idx.add.f32.msk $0xffff, v2  }
0x972: {  	v15 =	vadd.s32 v0, v18;
	v17 =	vcvt.f32.s32 v17;
	v18 =	vld [tilespmem:s5+$0x6100]  }
0x973: {  	v16 =	vtrunc.f32 v16;
	[tilespmem:v14+s0+$0x0] =	vst.idx.add.f32.msk $0xffff, v2  }
0x974: {  	v14 =	vcvt.f32.s32 v16;
	v16 =	vadd.s32 v5, v17;
	v17 =	vld [tilespmem:s12+$0x6130]  }
0x975: {  	v19 =	vmul.f32 $2.560000000e+02, v19  }
0x976: {  	v14 =	vadd.s32 v8, v14  }
0x977: {  	[tilespmem:v15+s0+$0x0] =	vst.idx.add.f32.msk $0xffff, v2;
	v15 =	vtrunc.f32 v19;
	v18 =	vmul.f32 $2.560000000e+02, v18  }
0x978: {  	v19 =	vld [tilespmem:s6+$0x6010];
	v15 =	vcvt.f32.s32 v15  }
0x979: {  	[tilespmem:v16+s0+$0x0] =	vst.idx.add.f32.msk $0xffff, v2;
	v16 =	vtrunc.f32 v18;
	v17 =	vmul.f32 $2.560000000e+02, v17  }
0x97a: {  	v15 =	vadd.s32 v3, v15;
	v18 =	vld [tilespmem:s5+$0x6040];
	v16 =	vcvt.f32.s32 v16  }
0x97b: {  	[tilespmem:v14+s0+$0x0] =	vst.idx.add.f32.msk $0xffff, v2;
	v14 =	vtrunc.f32 v17  }
0x97c: {  	v16 =	vadd.s32 v6, v16;
	v17 =	vld [tilespmem:s12+$0x6070];
	v14 =	vcvt.f32.s32 v14  }
0x97d: {  	v19 =	vmul.f32 $2.560000000e+02, v19  }
0x97e: {  	v14 =	vadd.s32 v9, v14  }
0x97f: {  	v19 =	vtrunc.f32 v19;
	[tilespmem:v15+s0+$0x0] =	vst.idx.add.f32.msk $0xffff, v2;
	v15 =	vmul.f32 $2.560000000e+02, v18  }
0x980: {  	v18 =	vcvt.f32.s32 v19;
	v19 =	vld [tilespmem:s6+$0x60E0]  }
0x981: {  	v15 =	vtrunc.f32 v15;
	[tilespmem:v16+s0+$0x0] =	vst.idx.add.f32.msk $0xffff, v2;
	v16 =	vmul.f32 $2.560000000e+02, v17  }
0x982: {  	v17 =	vadd.s32 v3, v18;
	v15 =	vcvt.f32.s32 v15;
	v18 =	vld [tilespmem:s5+$0x6110]  }
0x983: {  	v16 =	vtrunc.f32 v16;
	[tilespmem:v14+s0+$0x0] =	vst.idx.add.f32.msk $0xffff, v2  }
0x984: {  	v14 =	vadd.s32 v6, v15;
	v15 =	vcvt.f32.s32 v16;
	v16 =	vld [tilespmem:s12+$0x6140]  }
0x985: {  	v19 =	vmul.f32 $2.560000000e+02, v19  }
0x986: {  	v15 =	vadd.s32 v9, v15  }
0x987: {  	[tilespmem:v17+s0+$0x0] =	vst.idx.add.f32.msk $0xffff, v2;
	v17 =	vtrunc.f32 v19;
	v18 =	vmul.f32 $2.560000000e+02, v18  }
0x988: {  	s15 =	simm.s32 $0x6;
	s17 =	simm.s32 $0x0;
	v19 =	vld [tilespmem:s6+$0x6020];
	v17 =	vcvt.f32.s32 v17  }
0x989: {  	s11 =	smul.u32 $0x1800, s17;
	s10 =	sand.u32 $0x6, s15;
	[tilespmem:v14+s0+$0x0] =	vst.idx.add.f32.msk $0xffff, v2;
	v14 =	vtrunc.f32 v18;
	v16 =	vmul.f32 $2.560000000e+02, v16  }
0x98a: {  	s10 =	smul.u32 $0x300, s10;
	v17 =	vadd.s32 v4, v17;
	v18 =	vld [tilespmem:s5+$0x6050];
	v14 =	vcvt.f32.s32 v14  }
0x98b: {  	[tilespmem:v15+s0+$0x0] =	vst.idx.add.f32.msk $0xffff, v2;
	v15 =	vtrunc.f32 v16  }
0x98c: {  	s11 =	sshra.s32 s11, $0x2;
	s10 =	sshrl.u32 s10, $0x2;
	v16 =	vld [tilespmem:s12+$0x6080];
	v14 =	vadd.s32 v7, v14;
	v15 =	vcvt.f32.s32 v15  }
0x98d: {  	s10 =	sadd.s32 s10, s11;
	v19 =	vmul.f32 $2.560000000e+02, v19  }
0x98e: {  	v20 =	vld [tilespmem:s10+$0x60C0];
	v15 =	vadd.s32 v10, v15  }
0x98f: {  	v19 =	vtrunc.f32 v19;
	[tilespmem:v17+s0+$0x0] =	vst.idx.add.f32.msk $0xffff, v2;
	v18 =	vmul.f32 $2.560000000e+02, v18  }
0x990: {  	s13 =	simm.s32 $0x1;
	s15 =	simm.s32 $0x8;
	v17 =	vcvt.f32.s32 v19;
	v19 =	vld [tilespmem:s6+$0x60F0]  }
0x991: {  	s17 =	sand.u32 $0x6, s15;
	s11 =	smul.u32 $0x1800, s13;
	v18 =	vtrunc.f32 v18;
	[tilespmem:v14+s0+$0x0] =	vst.idx.add.f32.msk $0xffff, v2;
	v14 =	vmul.f32 $2.560000000e+02, v16  }
0x992: {  	s13 =	smul.u32 $0x300, s17;
	v17 =	vadd.s32 v4, v17;
	v16 =	vcvt.f32.s32 v18;
	v18 =	vld [tilespmem:s5+$0x6120]  }
0x993: {  	v14 =	vtrunc.f32 v14;
	[tilespmem:v15+s0+$0x0] =	vst.idx.add.f32.msk $0xffff, v2;
	v15 =	vmul.f32 $2.560000000e+02, v20  }
0x994: {  	s11 =	sshra.s32 s11, $0x2;
	s13 =	sshrl.u32 s13, $0x2;
	v16 =	vadd.s32 v7, v16;
	v14 =	vcvt.f32.s32 v14;
	v20 =	vld [tilespmem:s12+$0x6150]  }
0x995: {  	v21 =	vld [tilespmem:s10+$0x6000];
	s11 =	sadd.s32 s13, s11;
	v19 =	vmul.f32 $2.560000000e+02, v19;
	v15 =	vtrunc.f32 v15  }
0x996: {  	v22 =	vld [tilespmem:s11+$0x60C0];
	v14 =	vadd.s32 v10, v14;
	v15 =	vcvt.f32.s32 v15  }
0x997: {  	[tilespmem:v17+s0+$0x0] =	vst.idx.add.f32.msk $0xffff, v2;
	v17 =	vtrunc.f32 v19;
	v18 =	vmul.f32 $2.560000000e+02, v18  }
0x998: {  	v19 =	vld [tilespmem:s6+$0x6030];
	v17 =	vcvt.f32.s32 v17;
	v15 =	vadd.s32 v0, v15  }
0x999: {  	[tilespmem:v16+s0+$0x0] =	vst.idx.add.f32.msk $0xffff, v2;
	v16 =	vtrunc.f32 v18;
	v18 =	vmul.f32 $2.560000000e+02, v20  }
0x99a: {  	v17 =	vadd.s32 v5, v17;
	v20 =	vld [tilespmem:s5+$0x6060];
	v16 =	vcvt.f32.s32 v16  }
0x99b: {  	v21 =	vmul.f32 $2.560000000e+02, v21;
	[tilespmem:v14+s0+$0x0] =	vst.idx.add.f32.msk $0xffff, v2;
	v14 =	vtrunc.f32 v18  }
0x99c: {  	v18 =	vld [tilespmem:s12+$0x6090];
	v16 =	vadd.s32 v8, v16;
	v14 =	vcvt.f32.s32 v14  }
0x99d: {  	v21 =	vtrunc.f32 v21;
	[tilespmem:v15+s0+$0x0] =	vst.idx.add.f32.msk $0xffff, v2;
	v15 =	vmul.f32 $2.560000000e+02, v19  }
0x99e: {  	v19 =	vcvt.f32.s32 v21;
	v21 =	vld [tilespmem:s10+$0x60D0];
	v14 =	vadd.s32 v11, v14  }
0x99f: {  	[tilespmem:v17+s0+$0x0] =	vst.idx.add.f32.msk $0xffff, v2;
	v20 =	vmul.f32 $2.560000000e+02, v20;
	v15 =	vtrunc.f32 v15  }
0x9a0: {  	v17 =	vadd.s32 v0, v19;
	v19 =	vld [tilespmem:s6+$0x6100];
	v15 =	vcvt.f32.s32 v15  }
0x9a1: {  	v20 =	vtrunc.f32 v20;
	[tilespmem:v16+s0+$0x0] =	vst.idx.add.f32.msk $0xffff, v2;
	v16 =	vmul.f32 $2.560000000e+02, v18  }
0x9a2: {  	v18 =	vcvt.f32.s32 v20;
	v20 =	vld [tilespmem:s5+$0x6130];
	v15 =	vadd.s32 v5, v15  }
0x9a3: {  	v16 =	vtrunc.f32 v16;
	v21 =	vmul.f32 $2.560000000e+02, v21;
	[tilespmem:v14+s0+$0x0] =	vst.idx.add.f32.msk $0xffff, v2  }
0x9a4: {  	v14 =	vadd.s32 v8, v18;
	v16 =	vcvt.f32.s32 v16;
	v18 =	vld [tilespmem:s12+$0x6160]  }
0x9a5: {  	[tilespmem:v17+s0+$0x0] =	vst.idx.add.f32.msk $0xffff, v2;
	v19 =	vmul.f32 $2.560000000e+02, v19;
	v17 =	vtrunc.f32 v21  }
0x9a6: {  	v21 =	vld [tilespmem:s10+$0x6010];
	v16 =	vadd.s32 v11, v16;
	v17 =	vcvt.f32.s32 v17  }
0x9a7: {  	[tilespmem:v15+s0+$0x0] =	vst.idx.add.f32.msk $0xffff, v2;
	v15 =	vtrunc.f32 v19;
	v19 =	vmul.f32 $2.560000000e+02, v20  }
0x9a8: {  	v17 =	vadd.s32 v3, v17;
	v20 =	vld [tilespmem:s6+$0x6040];
	v15 =	vcvt.f32.s32 v15  }
0x9a9: {  	[tilespmem:v14+s0+$0x0] =	vst.idx.add.f32.msk $0xffff, v2;
	v14 =	vtrunc.f32 v19;
	v18 =	vmul.f32 $2.560000000e+02, v18  }
0x9aa: {  	v19 =	vld [tilespmem:s5+$0x6070];
	v15 =	vadd.s32 v6, v15;
	v14 =	vcvt.f32.s32 v14  }
0x9ab: {  	v21 =	vmul.f32 $2.560000000e+02, v21;
	[tilespmem:v16+s0+$0x0] =	vst.idx.add.f32.msk $0xffff, v2;
	v16 =	vtrunc.f32 v18  }
0x9ac: {  	v18 =	vld [tilespmem:s12+$0x60A0];
	v14 =	vadd.s32 v9, v14;
	v16 =	vcvt.f32.s32 v16  }
0x9ad: {  	v21 =	vtrunc.f32 v21;
	[tilespmem:v17+s0+$0x0] =	vst.idx.add.f32.msk $0xffff, v2;
	v17 =	vmul.f32 $2.560000000e+02, v20  }
0x9ae: {  	v20 =	vcvt.f32.s32 v21;
	v21 =	vld [tilespmem:s10+$0x60E0];
	v16 =	vadd.s32 v12, v16  }
0x9af: {  	v17 =	vtrunc.f32 v17;
	[tilespmem:v15+s0+$0x0] =	vst.idx.add.f32.msk $0xffff, v2;
	v15 =	vmul.f32 $2.560000000e+02, v19  }
0x9b0: {  	v19 =	vadd.s32 v3, v20;
	v17 =	vcvt.f32.s32 v17;
	v20 =	vld [tilespmem:s6+$0x6110]  }
0x9b1: {  	v15 =	vtrunc.f32 v15;
	[tilespmem:v14+s0+$0x0] =	vst.idx.add.f32.msk $0xffff, v2;
	v14 =	vmul.f32 $2.560000000e+02, v18  }
0x9b2: {  	v17 =	vadd.s32 v6, v17;
	v15 =	vcvt.f32.s32 v15;
	v18 =	vld [tilespmem:s5+$0x6140]  }
0x9b3: {  	v14 =	vtrunc.f32 v14;
	[tilespmem:v16+s0+$0x0] =	vst.idx.add.f32.msk $0xffff, v2;
	v16 =	vmul.f32 $2.560000000e+02, v21  }
0x9b4: {  	v15 =	vadd.s32 v9, v15;
	v14 =	vcvt.f32.s32 v14;
	v21 =	vld [tilespmem:s12+$0x6170]  }
0x9b5: {  	[tilespmem:v19+s0+$0x0] =	vst.idx.add.f32.msk $0xffff, v2;
	v16 =	vtrunc.f32 v16;
	v20 =	vmul.f32 $2.560000000e+02, v20  }
0x9b6: {  	v19 =	vld [tilespmem:s10+$0x6020];
	v14 =	vadd.s32 v12, v14;
	v16 =	vcvt.f32.s32 v16  }
0x9b7: {  	[tilespmem:v17+s0+$0x0] =	vst.idx.add.f32.msk $0xffff, v2;
	v20 =	vtrunc.f32 v20;
	v18 =	vmul.f32 $2.560000000e+02, v18  }
0x9b8: {  	v17 =	vld [tilespmem:s6+$0x6050];
	v16 =	vadd.s32 v4, v16;
	v20 =	vcvt.f32.s32 v20  }
0x9b9: {  	[tilespmem:v15+s0+$0x0] =	vst.idx.add.f32.msk $0xffff, v2;
	v15 =	vmul.f32 $2.560000000e+02, v21;
	v18 =	vtrunc.f32 v18  }
0x9ba: {  	v21 =	vld [tilespmem:s5+$0x6080];
	v20 =	vadd.s32 v7, v20;
	v18 =	vcvt.f32.s32 v18  }
0x9bb: {  	[tilespmem:v14+s0+$0x0] =	vst.idx.add.f32.msk $0xffff, v2;
	v14 =	vtrunc.f32 v15;
	v15 =	vmul.f32 $2.560000000e+02, v19  }
0x9bc: {  	v19 =	vld [tilespmem:s12+$0x60B0];
	v14 =	vcvt.f32.s32 v14;
	v18 =	vadd.s32 v10, v18  }
0x9bd: {  	v17 =	vmul.f32 $2.560000000e+02, v17;
	v15 =	vtrunc.f32 v15;
	[tilespmem:v16+s0+$0x0] =	vst.idx.add.f32.msk $0xffff, v2  }
0x9be: {  	v14 =	vadd.s32 v13, v14;
	v15 =	vcvt.f32.s32 v15;
	v16 =	vld [tilespmem:s10+$0x60F0]  }
0x9bf: {  	v17 =	vtrunc.f32 v17;
	[tilespmem:v20+s0+$0x0] =	vst.idx.add.f32.msk $0xffff, v2;
	v20 =	vmul.f32 $2.560000000e+02, v21  }
0x9c0: {  	v17 =	vcvt.f32.s32 v17;
	v15 =	vadd.s32 v4, v15;
	v21 =	vld [tilespmem:s6+$0x6120]  }
0x9c1: {  	v20 =	vtrunc.f32 v20;
	[tilespmem:v18+s0+$0x0] =	vst.idx.add.f32.msk $0xffff, v2;
	v18 =	vmul.f32 $2.560000000e+02, v22  }
0x9c2: {  	v17 =	vadd.s32 v7, v17;
	v20 =	vcvt.f32.s32 v20;
	v22 =	vld [tilespmem:s5+$0x6150]  }
0x9c3: {  	[tilespmem:v14+s0+$0x0] =	vst.idx.add.f32.msk $0xffff, v2;
	v14 =	vtrunc.f32 v18;
	v16 =	vmul.f32 $2.560000000e+02, v16  }
0x9c4: {  	v18 =	vld [tilespmem:s11+$0x6000];
	v20 =	vadd.s32 v10, v20;
	v14 =	vcvt.f32.s32 v14  }
0x9c5: {  	[tilespmem:v15+s0+$0x0] =	vst.idx.add.f32.msk $0xffff, v2;
	v15 =	vtrunc.f32 v16;
	v16 =	vmul.f32 $2.560000000e+02, v21  }
0x9c6: {  	v21 =	vld [tilespmem:s10+$0x6030];
	v14 =	vadd.s32 v0, v14;
	v15 =	vcvt.f32.s32 v15  }
0x9c7: {  	[tilespmem:v17+s0+$0x0] =	vst.idx.add.f32.msk $0xffff, v2;
	v16 =	vtrunc.f32 v16;
	v17 =	vmul.f32 $2.560000000e+02, v22  }
0x9c8: {  	v22 =	vld [tilespmem:s6+$0x6060];
	v15 =	vadd.s32 v5, v15;
	v16 =	vcvt.f32.s32 v16  }
0x9c9: {  	v18 =	vmul.f32 $2.560000000e+02, v18;
	[tilespmem:v20+s0+$0x0] =	vst.idx.add.f32.msk $0xffff, v2;
	v17 =	vtrunc.f32 v17  }
0x9ca: {  	v20 =	vld [tilespmem:s5+$0x6090];
	v16 =	vadd.s32 v8, v16;
	v17 =	vcvt.f32.s32 v17  }
0x9cb: {  	v18 =	vtrunc.f32 v18;
	[tilespmem:v14+s0+$0x0] =	vst.idx.add.f32.msk $0xffff, v2;
	v14 =	vmul.f32 $2.560000000e+02, v21  }
0x9cc: {  	v18 =	vcvt.f32.s32 v18;
	v21 =	vld [tilespmem:s11+$0x60D0];
	v17 =	vadd.s32 v11, v17  }
0x9cd: {  	v22 =	vmul.f32 $2.560000000e+02, v22;
	v14 =	vtrunc.f32 v14;
	[tilespmem:v15+s0+$0x0] =	vst.idx.add.f32.msk $0xffff, v2  }
0x9ce: {  	v15 =	vadd.s32 v0, v18;
	v14 =	vcvt.f32.s32 v14;
	v18 =	vld [tilespmem:s10+$0x6100]  }
0x9cf: {  	v22 =	vtrunc.f32 v22;
	[tilespmem:v16+s0+$0x0] =	vst.idx.add.f32.msk $0xffff, v2;
	v16 =	vmul.f32 $2.560000000e+02, v20  }
0x9d0: {  	v20 =	vcvt.f32.s32 v22;
	v14 =	vadd.s32 v5, v14;
	v22 =	vld [tilespmem:s6+$0x6130]  }
0x9d1: {  	v21 =	vmul.f32 $2.560000000e+02, v21;
	v16 =	vtrunc.f32 v16;
	[tilespmem:v17+s0+$0x0] =	vst.idx.add.f32.msk $0xffff, v2  }
0x9d2: {  	v17 =	vadd.s32 v8, v20;
	v16 =	vcvt.f32.s32 v16;
	v20 =	vld [tilespmem:s5+$0x6160]  }
0x9d3: {  	[tilespmem:v15+s0+$0x0] =	vst.idx.add.f32.msk $0xffff, v2;
	v15 =	vtrunc.f32 v21;
	v18 =	vmul.f32 $2.560000000e+02, v18  }
0x9d4: {  	v21 =	vld [tilespmem:s11+$0x6010];
	v15 =	vcvt.f32.s32 v15;
	v16 =	vadd.s32 v11, v16  }
0x9d5: {  	[tilespmem:v14+s0+$0x0] =	vst.idx.add.f32.msk $0xffff, v2;
	v14 =	vtrunc.f32 v18;
	v18 =	vmul.f32 $2.560000000e+02, v22  }
0x9d6: {  	v15 =	vadd.s32 v3, v15;
	v22 =	vld [tilespmem:s10+$0x6040];
	v14 =	vcvt.f32.s32 v14  }
0x9d7: {  	[tilespmem:v17+s0+$0x0] =	vst.idx.add.f32.msk $0xffff, v2;
	v17 =	vtrunc.f32 v18;
	v18 =	vmul.f32 $2.560000000e+02, v20  }
0x9d8: {  	v14 =	vadd.s32 v6, v14;
	v20 =	vld [tilespmem:s6+$0x6070];
	v17 =	vcvt.f32.s32 v17  }
0x9d9: {  	v21 =	vmul.f32 $2.560000000e+02, v21;
	[tilespmem:v16+s0+$0x0] =	vst.idx.add.f32.msk $0xffff, v2;
	v16 =	vtrunc.f32 v18  }
0x9da: {  	v19 =	vmul.f32 $2.560000000e+02, v19;
	v17 =	vadd.s32 v9, v17;
	v18 =	vld [tilespmem:s5+$0x60A0];
	v16 =	vcvt.f32.s32 v16  }
0x9db: {  	v21 =	vtrunc.f32 v21;
	[tilespmem:v15+s0+$0x0] =	vst.idx.add.f32.msk $0xffff, v2;
	v15 =	vmul.f32 $2.560000000e+02, v22  }
0x9dc: {  	v23 =	vtrunc.f32 v19;
	v21 =	vcvt.f32.s32 v21;
	v22 =	vld [tilespmem:s11+$0x60E0];
	v16 =	vadd.s32 v12, v16  }
0x9dd: {  	[tilespmem:v14+s0+$0x0] =	vst.idx.add.f32.msk $0xffff, v2;
	v14 =	vtrunc.f32 v15;
	v15 =	vmul.f32 $2.560000000e+02, v20  }
0x9de: {  	v24 =	vadd.s32 v3, v21;
	v20 =	vcvt.f32.s32 v23;
	v19 =	vld [tilespmem:s10+$0x6110];
	v21 =	vcvt.f32.s32 v14  }
0x9df: {  	[tilespmem:v17+s0+$0x0] =	vst.idx.add.f32.msk $0xffff, v2;
	v14 =	vtrunc.f32 v15;
	v15 =	vmul.f32 $2.560000000e+02, v18  }
0x9e0: {  	v17 =	vld [tilespmem:s6+$0x6140];
	v18 =	vcvt.f32.s32 v14;
	v14 =	vadd.s32 v13, v20;
	v20 =	vadd.s32 v6, v21  }
0x9e1: {  	[tilespmem:v16+s0+$0x0] =	vst.idx.add.f32.msk $0xffff, v2;
	v16 =	vtrunc.f32 v15  }
0x9e2: {  	v21 =	vmul.f32 $2.560000000e+02, v22;
	v15 =	vld [tilespmem:s5+$0x6170];
	v18 =	vadd.s32 v9, v18;
	v16 =	vcvt.f32.s32 v16  }
0x9e3: {  	[tilespmem:v24+s0+$0x0] =	vst.idx.add.f32.msk $0xffff, v2  }
.LBB2_23:
0x9e4: {  	s15 =	sadd.s32 $0x2, s15;
	v22 =	vld [tilespmem:s11+$0x6020];
	v21 =	vtrunc.f32 v21;
	v19 =	vmul.f32 $2.560000000e+02, v19;
	v16 =	vadd.s32 v12, v16  }
0x9e5: {  	s12 =	sshrl.u32 s15, $0x3;
	p0 =	slt.u32 s15, $0x7E;
	v21 =	vcvt.f32.s32 v21;
	[tilespmem:v20+s0+$0x0] =	vst.idx.add.f32.msk $0xffff, v2  }
0x9e6: {  	s13 =	sand.u32 $0x6, s15;
	v17 =	vmul.f32 $2.560000000e+02, v17;
	s12 =	smul.u32 $0x1800, s12;
	v20 =	vld [tilespmem:s10+$0x6050];
	v19 =	vtrunc.f32 v19  }
0x9e7: {  	s13 =	smul.u32 $0x300, s13;
	v21 =	vadd.s32 v4, v21;
	v19 =	vcvt.f32.s32 v19;
	[tilespmem:v18+s0+$0x0] =	vst.idx.add.f32.msk $0xffff, v2;
	v15 =	vmul.f32 $2.560000000e+02, v15  }
0x9e8: {  	v17 =	vtrunc.f32 v17;
	v18 =	vld [tilespmem:s6+$0x6080]  }
0x9e9: {  	s12 =	sshra.s32 s12, $0x2;
	s13 =	sshrl.u32 s13, $0x2;
	v17 =	vcvt.f32.s32 v17;
	v19 =	vadd.s32 v7, v19;
	[tilespmem:v16+s0+$0x0] =	vst.idx.add.f32.msk $0xffff, v2;
	v15 =	vtrunc.f32 v15  }
0x9ea: {  	s12 =	sadd.s32 s13, s12;
	v16 =	vmul.f32 $2.560000000e+02, v22;
	v22 =	vld [tilespmem:s5+$0x60B0];
	v15 =	vcvt.f32.s32 v15;
	s5 =	smov.u32 s6;
	s6 =	smov.u32 s10  }
0x9eb: {  	v17 =	vadd.s32 v10, v17;
	s10 =	smov.u32 s11;
	s11 =	smov.u32 s12;
	v23 =	vld [tilespmem:s12+$0x60C0];
	v20 =	vmul.f32 $2.560000000e+02, v20  }
0x9ec: {  	v16 =	vtrunc.f32 v16;
	[tilespmem:v21+s0+$0x0] =	vst.idx.add.f32.msk $0xffff, v2;
	v15 =	vadd.s32 v13, v15  }
0x9ed: {  	v16 =	vcvt.f32.s32 v16;
	v21 =	vld [tilespmem:s10+$0x60F0];
	v20 =	vtrunc.f32 v20  }
0x9ee: {  	v18 =	vmul.f32 $2.560000000e+02, v18;
	v20 =	vcvt.f32.s32 v20;
	[tilespmem:v19+s0+$0x0] =	vst.idx.add.f32.msk $0xffff, v2  }
0x9ef: {  	v16 =	vadd.s32 v4, v16;
	v19 =	vld [tilespmem:s6+$0x6120];
	v22 =	vmul.f32 $2.560000000e+02, v22  }
0x9f0: {  	v18 =	vtrunc.f32 v18;
	v20 =	vadd.s32 v7, v20;
	[tilespmem:v17+s0+$0x0] =	vst.idx.add.f32.msk $0xffff, v2  }
0x9f1: {  	v17 =	vmul.f32 $2.560000000e+02, v23;
	v18 =	vcvt.f32.s32 v18;
	[tilespmem:v15+s0+$0x0] =	vst.idx.add.f32.msk $0xffff, v2  }
0x9f2: {  	v22 =	vtrunc.f32 v22;
	v15 =	vld [tilespmem:s5+$0x6150]  }
0x9f3: {  	v17 =	vtrunc.f32 v17;
	v21 =	vmul.f32 $2.560000000e+02, v21;
	v18 =	vadd.s32 v10, v18;
	v23 =	vld [tilespmem:s11+$0x6000]  }
0x9f4: {  	v17 =	vcvt.f32.s32 v17;
	[tilespmem:v16+s0+$0x0] =	vst.idx.add.f32.msk $0xffff, v2;
	v16 =	vcvt.f32.s32 v22  }
0x9f5: {  	v21 =	vtrunc.f32 v21;
	v19 =	vmul.f32 $2.560000000e+02, v19;
	v22 =	vld [tilespmem:s10+$0x6030]  }
0x9f6: {  	v17 =	vadd.s32 v0, v17;
	v21 =	vcvt.f32.s32 v21;
	[tilespmem:v20+s0+$0x0] =	vst.idx.add.f32.msk $0xffff, v2;
	v16 =	vadd.s32 v13, v16  }
0x9f7: {  	v19 =	vtrunc.f32 v19;
	v20 =	vld [tilespmem:s6+$0x6060];
	v15 =	vmul.f32 $2.560000000e+02, v15  }
0x9f8: {  	v21 =	vadd.s32 v5, v21;
	v19 =	vcvt.f32.s32 v19;
	v23 =	vmul.f32 $2.560000000e+02, v23;
	[tilespmem:v18+s0+$0x0] =	vst.idx.add.f32.msk $0xffff, v2  }
0x9f9: {  	v18 =	vld [tilespmem:s5+$0x6090];
	v15 =	vtrunc.f32 v15  }
0x9fa: {  	v19 =	vadd.s32 v8, v19;
	v23 =	vtrunc.f32 v23;
	v15 =	vcvt.f32.s32 v15;
	[tilespmem:v14+s0+$0x0] =	vst.idx.add.f32.msk $0xffff, v2;
	v14 =	vmovc v16  }
0x9fb: {  	v16 =	vcvt.f32.s32 v23;
	[tilespmem:v17+s0+$0x0] =	vst.idx.add.f32.msk $0xffff, v2;
	v17 =	vmul.f32 $2.560000000e+02, v22  }
0x9fc: {  	v22 =	vld [tilespmem:s11+$0x60D0];
	v20 =	vmul.f32 $2.560000000e+02, v20;
	v15 =	vadd.s32 v11, v15  }
0x9fd: {  	v16 =	vadd.s32 v0, v16;
	v17 =	vtrunc.f32 v17;
	[tilespmem:v21+s0+$0x0] =	vst.idx.add.f32.msk $0xffff, v2  }
0x9fe: {  	v17 =	vcvt.f32.s32 v17;
	v21 =	vld [tilespmem:s10+$0x6100];
	v20 =	vtrunc.f32 v20  }
0x9ff: {  	v18 =	vmul.f32 $2.560000000e+02, v18;
	v20 =	vcvt.f32.s32 v20;
	[tilespmem:v19+s0+$0x0] =	vst.idx.add.f32.msk $0xffff, v2  }
0xa00: {  	v17 =	vadd.s32 v5, v17;
	v19 =	vld [tilespmem:s6+$0x6130]  }
0xa01: {  	v18 =	vtrunc.f32 v18;
	v22 =	vmul.f32 $2.560000000e+02, v22;
	v20 =	vadd.s32 v8, v20;
	[tilespmem:v15+s0+$0x0] =	vst.idx.add.f32.msk $0xffff, v2  }
0xa02: {  	v15 =	vcvt.f32.s32 v18;
	v18 =	vld [tilespmem:s5+$0x6160]  }
0xa03: {  	[tilespmem:v16+s0+$0x0] =	vst.idx.add.f32.msk $0xffff, v2;
	v16 =	vtrunc.f32 v22;
	v21 =	vmul.f32 $2.560000000e+02, v21  }
0xa04: {  	v15 =	vadd.s32 v11, v15;
	v22 =	vld [tilespmem:s11+$0x6010];
	v16 =	vcvt.f32.s32 v16  }
0xa05: {  	[tilespmem:v17+s0+$0x0] =	vst.idx.add.f32.msk $0xffff, v2;
	v17 =	vtrunc.f32 v21;
	v19 =	vmul.f32 $2.560000000e+02, v19  }
0xa06: {  	v16 =	vadd.s32 v3, v16;
	v21 =	vld [tilespmem:s10+$0x6040];
	v17 =	vcvt.f32.s32 v17  }
0xa07: {  	[tilespmem:v20+s0+$0x0] =	vst.idx.add.f32.msk $0xffff, v2;
	v19 =	vtrunc.f32 v19;
	v18 =	vmul.f32 $2.560000000e+02, v18  }
0xa08: {  	v17 =	vadd.s32 v6, v17;
	v20 =	vld [tilespmem:s6+$0x6070];
	v19 =	vcvt.f32.s32 v19  }
0xa09: {  	v22 =	vmul.f32 $2.560000000e+02, v22;
	[tilespmem:v15+s0+$0x0] =	vst.idx.add.f32.msk $0xffff, v2;
	v15 =	vtrunc.f32 v18  }
0xa0a: {  	v18 =	vadd.s32 v9, v19;
	v23 =	vld [tilespmem:s5+$0x60A0];
	v15 =	vcvt.f32.s32 v15  }
0xa0b: {  	v19 =	vtrunc.f32 v22;
	[tilespmem:v16+s0+$0x0] =	vst.idx.add.f32.msk $0xffff, v2;
	v16 =	vmul.f32 $2.560000000e+02, v21  }
0xa0c: {  	v19 =	vcvt.f32.s32 v19;
	v21 =	vld [tilespmem:s11+$0x60E0];
	v15 =	vadd.s32 v12, v15  }
0xa0d: {  	v16 =	vtrunc.f32 v16;
	[tilespmem:v17+s0+$0x0] =	vst.idx.add.f32.msk $0xffff, v2;
	v17 =	vmul.f32 $2.560000000e+02, v20  }
0xa0e: {  	v22 =	vadd.s32 v3, v19;
	v16 =	vcvt.f32.s32 v16;
	v19 =	vld [tilespmem:s10+$0x6110]  }
.Ltmp10:
0xa0f: {  	v17 =	vtrunc.f32 v17;
	[tilespmem:v18+s0+$0x0] =	vst.idx.add.f32.msk $0xffff, v2;
	v18 =	vmul.f32 $2.560000000e+02, v23;
	(pc) =	sbr.rel @p0 .LBB2_23-.Ltmp10, $4  }
0xa10: {  	v20 =	vadd.s32 v6, v16;
	v16 =	vcvt.f32.s32 v17;
	v17 =	vld [tilespmem:s6+$0x6140]  }
0xa11: {  	v23 =	vtrunc.f32 v18;
	[tilespmem:v15+s0+$0x0] =	vst.idx.add.f32.msk $0xffff, v2  }
0xa12: {  	v21 =	vmul.f32 $2.560000000e+02, v21;
	v18 =	vadd.s32 v9, v16;
	v16 =	vcvt.f32.s32 v23;
	v15 =	vld [tilespmem:s5+$0x6170]  }
0xa13: {  	[tilespmem:v22+s0+$0x0] =	vst.idx.add.f32.msk $0xffff, v2  }
0xa14: {  	v22 =	vld [tilespmem:s11+$0x6020];
	_ =	sdelay $0x4  }
0xa15: {  	v21 =	vtrunc.f32 v21;
	v22 =	vmul.f32 $2.560000000e+02, v22  }
0xa16: {  	v21 =	vcvt.f32.s32 v21  }
0xa17: {  	v22 =	vtrunc.f32 v22  }
0xa18: {  	v21 =	vadd.s32 v4, v21;
	v22 =	vcvt.f32.s32 v22;
	_ =	sdelay $0x1  }
0xa19: {  	v22 =	vadd.s32 v4, v22;
	_ =	sdelay $0x2  }
0xa1a: {  	[tilespmem:v21+s0+$0x0] =	vst.idx.add.f32.msk $0xffff, v2  }
0xa1b: {  	v21 =	vld [tilespmem:s11+$0x60F0]  }
0xa1c: {  	[tilespmem:v22+s0+$0x0] =	vst.idx.add.f32.msk $0xffff, v2  }
0xa1d: {  	v22 =	vld [tilespmem:s11+$0x6030];
	_ =	sdelay $0x2  }
0xa1e: {  	v21 =	vmul.f32 $2.560000000e+02, v21;
	_ =	sdelay $0x1  }
0xa1f: {  	v21 =	vtrunc.f32 v21;
	v22 =	vmul.f32 $2.560000000e+02, v22  }
0xa20: {  	v21 =	vcvt.f32.s32 v21  }
0xa21: {  	v22 =	vtrunc.f32 v22  }
0xa22: {  	v21 =	vadd.s32 v5, v21;
	v22 =	vcvt.f32.s32 v22;
	_ =	sdelay $0x1  }
0xa23: {  	v22 =	vadd.s32 v5, v22;
	_ =	sdelay $0x2  }
0xa24: {  	[tilespmem:v21+s0+$0x0] =	vst.idx.add.f32.msk $0xffff, v2  }
0xa25: {  	v21 =	vld [tilespmem:s11+$0x6100]  }
0xa26: {  	[tilespmem:v22+s0+$0x0] =	vst.idx.add.f32.msk $0xffff, v2  }
0xa27: {  	v22 =	vld [tilespmem:s11+$0x6040];
	_ =	sdelay $0x2  }
0xa28: {  	v21 =	vmul.f32 $2.560000000e+02, v21  }
0xa29: {  	[tilespmem:v20+s0+$0x0] =	vst.idx.add.f32.msk $0xffff, v2  }
0xa2a: {  	v20 =	vld [tilespmem:s10+$0x6050];
	v21 =	vtrunc.f32 v21;
	v22 =	vmul.f32 $2.560000000e+02, v22  }
0xa2b: {  	v21 =	vcvt.f32.s32 v21  }
0xa2c: {  	v22 =	vtrunc.f32 v22  }
0xa2d: {  	v19 =	vmul.f32 $2.560000000e+02, v19;
	v21 =	vadd.s32 v6, v21;
	v22 =	vcvt.f32.s32 v22;
	_ =	sdelay $0x1  }
0xa2e: {  	v19 =	vtrunc.f32 v19;
	v20 =	vmul.f32 $2.560000000e+02, v20;
	v22 =	vadd.s32 v6, v22  }
0xa2f: {  	v19 =	vcvt.f32.s32 v19  }
0xa30: {  	v20 =	vtrunc.f32 v20  }
0xa31: {  	v19 =	vadd.s32 v7, v19;
	v20 =	vcvt.f32.s32 v20;
	[tilespmem:v21+s0+$0x0] =	vst.idx.add.f32.msk $0xffff, v2  }
0xa32: {  	v21 =	vld [tilespmem:s11+$0x6110]  }
0xa33: {  	v20 =	vadd.s32 v7, v20;
	[tilespmem:v22+s0+$0x0] =	vst.idx.add.f32.msk $0xffff, v2  }
0xa34: {  	v22 =	vld [tilespmem:s11+$0x6050];
	_ =	sdelay $0x1  }
0xa35: {  	[tilespmem:v19+s0+$0x0] =	vst.idx.add.f32.msk $0xffff, v2  }
0xa36: {  	v19 =	vld [tilespmem:s10+$0x6120];
	v21 =	vmul.f32 $2.560000000e+02, v21  }
0xa37: {  	[tilespmem:v20+s0+$0x0] =	vst.idx.add.f32.msk $0xffff, v2  }
0xa38: {  	v20 =	vld [tilespmem:s10+$0x6060];
	v21 =	vtrunc.f32 v21;
	v22 =	vmul.f32 $2.560000000e+02, v22  }
0xa39: {  	v21 =	vcvt.f32.s32 v21  }
0xa3a: {  	v22 =	vtrunc.f32 v22  }
0xa3b: {  	v19 =	vmul.f32 $2.560000000e+02, v19;
	v21 =	vadd.s32 v7, v21;
	v22 =	vcvt.f32.s32 v22;
	_ =	sdelay $0x1  }
0xa3c: {  	v19 =	vtrunc.f32 v19;
	v20 =	vmul.f32 $2.560000000e+02, v20;
	v22 =	vadd.s32 v7, v22  }
0xa3d: {  	v19 =	vcvt.f32.s32 v19  }
0xa3e: {  	v20 =	vtrunc.f32 v20  }
0xa3f: {  	v19 =	vadd.s32 v8, v19;
	v20 =	vcvt.f32.s32 v20;
	[tilespmem:v21+s0+$0x0] =	vst.idx.add.f32.msk $0xffff, v2  }
0xa40: {  	v21 =	vld [tilespmem:s11+$0x6120]  }
0xa41: {  	v20 =	vadd.s32 v8, v20;
	[tilespmem:v22+s0+$0x0] =	vst.idx.add.f32.msk $0xffff, v2  }
0xa42: {  	v22 =	vld [tilespmem:s11+$0x6060];
	_ =	sdelay $0x1  }
0xa43: {  	[tilespmem:v19+s0+$0x0] =	vst.idx.add.f32.msk $0xffff, v2  }
0xa44: {  	v19 =	vld [tilespmem:s10+$0x6130];
	v21 =	vmul.f32 $2.560000000e+02, v21  }
0xa45: {  	[tilespmem:v20+s0+$0x0] =	vst.idx.add.f32.msk $0xffff, v2  }
0xa46: {  	v20 =	vld [tilespmem:s10+$0x6070];
	v21 =	vtrunc.f32 v21;
	v22 =	vmul.f32 $2.560000000e+02, v22  }
0xa47: {  	v21 =	vcvt.f32.s32 v21  }
0xa48: {  	v22 =	vtrunc.f32 v22  }
0xa49: {  	v19 =	vmul.f32 $2.560000000e+02, v19;
	v21 =	vadd.s32 v8, v21;
	v22 =	vcvt.f32.s32 v22;
	_ =	sdelay $0x1  }
0xa4a: {  	v19 =	vtrunc.f32 v19;
	v20 =	vmul.f32 $2.560000000e+02, v20;
	v22 =	vadd.s32 v8, v22  }
0xa4b: {  	v19 =	vcvt.f32.s32 v19  }
0xa4c: {  	v20 =	vtrunc.f32 v20  }
0xa4d: {  	v19 =	vadd.s32 v9, v19;
	v20 =	vcvt.f32.s32 v20;
	[tilespmem:v21+s0+$0x0] =	vst.idx.add.f32.msk $0xffff, v2  }
0xa4e: {  	v21 =	vld [tilespmem:s11+$0x6130]  }
0xa4f: {  	v20 =	vadd.s32 v9, v20;
	[tilespmem:v22+s0+$0x0] =	vst.idx.add.f32.msk $0xffff, v2  }
0xa50: {  	v22 =	vld [tilespmem:s11+$0x6070];
	_ =	sdelay $0x1  }
0xa51: {  	[tilespmem:v19+s0+$0x0] =	vst.idx.add.f32.msk $0xffff, v2  }
0xa52: {  	v19 =	vld [tilespmem:s10+$0x6140];
	v21 =	vmul.f32 $2.560000000e+02, v21  }
0xa53: {  	[tilespmem:v20+s0+$0x0] =	vst.idx.add.f32.msk $0xffff, v2  }
0xa54: {  	v20 =	vld [tilespmem:s10+$0x6080];
	v21 =	vtrunc.f32 v21;
	v22 =	vmul.f32 $2.560000000e+02, v22  }
0xa55: {  	v21 =	vcvt.f32.s32 v21  }
0xa56: {  	v29 =	vtrunc.f32 v22  }
0xa57: {  	[tilespmem:v18+s0+$0x0] =	vst.idx.add.f32.msk $0xffff, v2;
	v19 =	vmul.f32 $2.560000000e+02, v19;
	v21 =	vadd.s32 v9, v21;
	v18 =	vcvt.f32.s32 v29  }
0xa58: {  	v30 =	vld [tilespmem:s6+$0x6080]  }
0xa59: {  	v19 =	vtrunc.f32 v19;
	v20 =	vmul.f32 $2.560000000e+02, v20;
	v18 =	vadd.s32 v9, v18  }
0xa5a: {  	v19 =	vcvt.f32.s32 v19  }
0xa5b: {  	v17 =	vmul.f32 $2.560000000e+02, v17;
	v20 =	vtrunc.f32 v20  }
0xa5c: {  	v19 =	vadd.s32 v10, v19;
	v20 =	vcvt.f32.s32 v20;
	[tilespmem:v21+s0+$0x0] =	vst.idx.add.f32.msk $0xffff, v2  }
0xa5d: {  	v17 =	vtrunc.f32 v17;
	v22 =	vmul.f32 $2.560000000e+02, v30;
	v21 =	vld [tilespmem:s11+$0x6140]  }
0xa5e: {  	v17 =	vcvt.f32.s32 v17;
	v20 =	vadd.s32 v10, v20;
	[tilespmem:v18+s0+$0x0] =	vst.idx.add.f32.msk $0xffff, v2  }
0xa5f: {  	v22 =	vtrunc.f32 v22;
	v32 =	vld [tilespmem:s11+$0x6080]  }
0xa60: {  	v17 =	vadd.s32 v10, v17;
	v31 =	vcvt.f32.s32 v22  }
0xa61: {  	[tilespmem:v19+s0+$0x0] =	vst.idx.add.f32.msk $0xffff, v2  }
0xa62: {  	v19 =	vld [tilespmem:s10+$0x6150];
	v21 =	vmul.f32 $2.560000000e+02, v21;
	v18 =	vadd.s32 v10, v31  }
0xa63: {  	[tilespmem:v20+s0+$0x0] =	vst.idx.add.f32.msk $0xffff, v2  }
0xa64: {  	v20 =	vld [tilespmem:s10+$0x6090];
	v33 =	vtrunc.f32 v21;
	v34 =	vmul.f32 $2.560000000e+02, v32  }
0xa65: {  	[tilespmem:v17+s0+$0x0] =	vst.idx.add.f32.msk $0xffff, v2;
	v17 =	vcvt.f32.s32 v33  }
0xa66: {  	v35 =	vld [tilespmem:s6+$0x6150];
	v36 =	vtrunc.f32 v34  }
0xa67: {  	v19 =	vmul.f32 $2.560000000e+02, v19;
	v17 =	vadd.s32 v10, v17;
	[tilespmem:v18+s0+$0x0] =	vst.idx.add.f32.msk $0xffff, v2;
	v18 =	vcvt.f32.s32 v36  }
0xa68: {  	v37 =	vld [tilespmem:s6+$0x6090]  }
0xa69: {  	v19 =	vtrunc.f32 v19;
	v20 =	vmul.f32 $2.560000000e+02, v20;
	v18 =	vadd.s32 v10, v18  }
0xa6a: {  	v19 =	vcvt.f32.s32 v19  }
0xa6b: {  	v20 =	vtrunc.f32 v20;
	v22 =	vmul.f32 $2.560000000e+02, v35  }
0xa6c: {  	v19 =	vadd.s32 v11, v19;
	v20 =	vcvt.f32.s32 v20;
	[tilespmem:v17+s0+$0x0] =	vst.idx.add.f32.msk $0xffff, v2  }
0xa6d: {  	v22 =	vtrunc.f32 v22;
	v39 =	vld [tilespmem:s11+$0x6150];
	v21 =	vmul.f32 $2.560000000e+02, v37  }
0xa6e: {  	v20 =	vadd.s32 v11, v20;
	v38 =	vcvt.f32.s32 v22;
	[tilespmem:v18+s0+$0x0] =	vst.idx.add.f32.msk $0xffff, v2  }
0xa6f: {  	v21 =	vtrunc.f32 v21;
	v41 =	vld [tilespmem:s11+$0x6090]  }
0xa70: {  	v17 =	vadd.s32 v11, v38;
	v40 =	vcvt.f32.s32 v21  }
0xa71: {  	[tilespmem:v19+s0+$0x0] =	vst.idx.add.f32.msk $0xffff, v2  }
0xa72: {  	v19 =	vld [tilespmem:s10+$0x6160];
	v22 =	vmul.f32 $2.560000000e+02, v39;
	v18 =	vadd.s32 v11, v40  }
0xa73: {  	[tilespmem:v20+s0+$0x0] =	vst.idx.add.f32.msk $0xffff, v2  }
0xa74: {  	v20 =	vld [tilespmem:s10+$0x60A0];
	v42 =	vtrunc.f32 v22;
	v21 =	vmul.f32 $2.560000000e+02, v41  }
0xa75: {  	[tilespmem:v17+s0+$0x0] =	vst.idx.add.f32.msk $0xffff, v2;
	v17 =	vcvt.f32.s32 v42  }
0xa76: {  	v16 =	vadd.s32 v12, v16;
	v43 =	vld [tilespmem:s6+$0x6160];
	v44 =	vtrunc.f32 v21  }
0xa77: {  	v17 =	vadd.s32 v11, v17;
	[tilespmem:v18+s0+$0x0] =	vst.idx.add.f32.msk $0xffff, v2;
	v18 =	vcvt.f32.s32 v44  }
0xa78: {  	v45 =	vld [tilespmem:s6+$0x60A0]  }
0xa79: {  	v19 =	vmul.f32 $2.560000000e+02, v19;
	v18 =	vadd.s32 v11, v18;
	_ =	sdelay $0x1  }
0xa7a: {  	[tilespmem:v16+s0+$0x0] =	vst.idx.add.f32.msk $0xffff, v2;
	v19 =	vtrunc.f32 v19;
	v22 =	vmul.f32 $2.560000000e+02, v43  }
0xa7b: {  	v19 =	vcvt.f32.s32 v19;
	v20 =	vmul.f32 $2.560000000e+02, v20;
	[tilespmem:v17+s0+$0x0] =	vst.idx.add.f32.msk $0xffff, v2  }
0xa7c: {  	v22 =	vtrunc.f32 v22;
	v47 =	vld [tilespmem:s11+$0x6160];
	v21 =	vmul.f32 $2.560000000e+02, v45  }
0xa7d: {  	v19 =	vadd.s32 v12, v19;
	v50 =	vtrunc.f32 v20;
	v46 =	vcvt.f32.s32 v22;
	[tilespmem:v18+s0+$0x0] =	vst.idx.add.f32.msk $0xffff, v2  }
0xa7e: {  	v16 =	vcvt.f32.s32 v50;
	v21 =	vtrunc.f32 v21;
	v49 =	vld [tilespmem:s11+$0x60A0]  }
0xa7f: {  	v17 =	vadd.s32 v12, v46;
	v48 =	vcvt.f32.s32 v21  }
0xa80: {  	v16 =	vadd.s32 v12, v16  }
0xa81: {  	v51 =	vmul.f32 $2.560000000e+02, v47;
	v18 =	vadd.s32 v12, v48  }
0xa82: {  	[tilespmem:v19+s0+$0x0] =	vst.idx.add.f32.msk $0xffff, v2  }
0xa83: {  	v19 =	vld [tilespmem:s10+$0x6170];
	v53 =	vtrunc.f32 v51;
	v54 =	vmul.f32 $2.560000000e+02, v49  }
0xa84: {  	[tilespmem:v17+s0+$0x0] =	vst.idx.add.f32.msk $0xffff, v2;
	v17 =	vcvt.f32.s32 v53  }
0xa85: {  	[tilespmem:v16+s0+$0x0] =	vst.idx.add.f32.msk $0xffff, v2;
	v56 =	vtrunc.f32 v54  }
0xa86: {  	v17 =	vadd.s32 v12, v17;
	[tilespmem:v18+s0+$0x0] =	vst.idx.add.f32.msk $0xffff, v2;
	v18 =	vcvt.f32.s32 v56  }
0xa87: {  	v16 =	vld [tilespmem:s10+$0x60B0]  }
0xa88: {  	v52 =	vld [tilespmem:s5+$0x60B0];
	v18 =	vadd.s32 v12, v18  }
0xa89: {  	v15 =	vmul.f32 $2.560000000e+02, v15;
	v55 =	vld [tilespmem:s6+$0x6170]  }
0xa8a: {  	v57 =	vld [tilespmem:s6+$0x60B0]  }
0xa8b: {  	v15 =	vtrunc.f32 v15;
	v19 =	vmul.f32 $2.560000000e+02, v19;
	[tilespmem:v17+s0+$0x0] =	vst.idx.add.f32.msk $0xffff, v2  }
0xa8c: {  	v15 =	vcvt.f32.s32 v15;
	v16 =	vmul.f32 $2.560000000e+02, v16;
	v59 =	vld [tilespmem:s11+$0x6170]  }
0xa8d: {  	v19 =	vtrunc.f32 v19;
	v22 =	vmul.f32 $2.560000000e+02, v52;
	[tilespmem:v18+s0+$0x0] =	vst.idx.add.f32.msk $0xffff, v2  }
0xa8e: {  	v19 =	vcvt.f32.s32 v19;
	v16 =	vtrunc.f32 v16;
	v61 =	vld [tilespmem:s11+$0x60B0]  }
0xa8f: {  	v22 =	vtrunc.f32 v22;
	v58 =	vmul.f32 $2.560000000e+02, v55  }
0xa90: {  	v16 =	vcvt.f32.s32 v16;
	v60 =	vcvt.f32.s32 v22  }
0xa91: {  	v15 =	vadd.s32 v13, v15;
	v17 =	vtrunc.f32 v58;
	v20 =	vmul.f32 $2.560000000e+02, v57  }
0xa92: {  	v19 =	vadd.s32 v13, v19;
	v17 =	vcvt.f32.s32 v17;
	v21 =	vmul.f32 $2.560000000e+02, v59  }
0xa93: {  	v16 =	vadd.s32 v13, v16;
	v20 =	vtrunc.f32 v20;
	v22 =	vmul.f32 $2.560000000e+02, v61  }
0xa94: {  	v17 =	vadd.s32 v13, v17;
	v20 =	vcvt.f32.s32 v20;
	v21 =	vtrunc.f32 v21  }
0xa95: {  	[tilespmem:v14+s0+$0x0] =	vst.idx.add.f32.msk $0xffff, v2;
	v18 =	vadd.s32 v13, v60;
	v21 =	vcvt.f32.s32 v21;
	v62 =	vtrunc.f32 v22  }
0xa96: {  	[tilespmem:v15+s0+$0x0] =	vst.idx.add.f32.msk $0xffff, v2;
	v15 =	vadd.s32 v13, v20;
	v20 =	vcvt.f32.s32 v62  }
0xa97: {  	s7 =	sadd.s32 $0x1, s7;
	[tilespmem:v19+s0+$0x0] =	vst.idx.add.f32.msk $0xffff, v2;
	v14 =	vadd.s32 v13, v21  }
0xa98: {  	p0 =	sne.s32 s7, $0x6;
	[tilespmem:v16+s0+$0x0] =	vst.idx.add.f32.msk $0xffff, v2;
	v63 =	vadd.s32 v13, v20  }
.Ltmp11:
0xa99: {  	[tilespmem:v17+s0+$0x0] =	vst.idx.add.f32.msk $0xffff, v2;
	(pc) =	sbr.rel @p0 .LBB2_20-.Ltmp11, $4  }
0xa9a: {  	[tilespmem:v18+s0+$0x0] =	vst.idx.add.f32.msk $0xffff, v2  }
0xa9b: {  	[tilespmem:v15+s0+$0x0] =	vst.idx.add.f32.msk $0xffff, v2  }
0xa9c: {  	[tilespmem:v14+s0+$0x0] =	vst.idx.add.f32.msk $0xffff, v2  }
0xa9d: {  	[tilespmem:v63+s0+$0x0] =	vst.idx.add.f32.msk $0xffff, v2  }
0xa9e: {  	s13 =	simm.s32 $0x0;
	s5 =	rddreg [dreg:$0xe]  }
0xa9f: {  	[hbm4b:s5+s13] =	stream.linear.scatter [tilespmem:s0], [sflag:$0x3], $0x1800, $0x38;
	[tilespmem:$0xF000] =	vst v63  }
0xaa0: {  	s15 =	rddreg [dreg:$0x10];
	s6 =	simm.s32 $0x3  }
0xaa1: {  	[hbm4b:s15+s13] =	stream.linear.scatter [tilespmem:s0], [sflag:$0x3], $0x1800, $0x38;
	[tilespmem:$0xF000] =	vst v63  }
0xaa2: {  	_ =	swait.ge [sflag:s6], $0x1800  }
0xaa3: {  	[sflag:s6] =	ssyncset.done $0x0  }
0xaa4: {  	[sflag:s6] =	ssyncadd.s32 $0xFFFFE800  }
0xaa5: {  	_ =	swait.ge [sflag:s6], $0x1800  }
0xaa6: {  	[sflag:s6] =	ssyncset.done $0x0  }
0xaa7: {  	[sflag:s6] =	ssyncadd.s32 $0xFFFFE800  }
0xaa8: {  	_ =	swait.ge [sflag:s6], $0x1800  }
0xaa9: {  	[sflag:s6] =	ssyncset.done $0x0  }
0xaaa: {  	[sflag:s6] =	ssyncadd.s32 $0xFFFFE800  }
0xaab: {  	_ =	swait.ge [sflag:s6], $0x1800  }
0xaac: {  	s7 =	sld [smem:$0x7FC];
	_ =	sdelay $0x2  }
0xaad: {  	s17 =	rddreg [dreg:$0x11];
	s7 =	sadd.s32 $0x1, s7  }
0xaae: {  	p0 =	sne.s32 s7, s17  }
.Ltmp12:
0xaaf: {  	_ = 	snop;
	(pc) =	sbr.rel @p0 .LBB2_1-.Ltmp12, $3  }
0xab0: {  	_ =	sdelay $0x1  }
0xab1: {  	[sflag:s6] =	ssyncset.done $0x0  }
0xab2: {  	[sflag:s6] =	ssyncadd.s32 $0xFFFFE800  }
0xab3: {  	_ =	sfence.sel $0x180000  }
0xab4: {  	[bflag:$0x0] =	sbarrier.arrive $0xFFFF  }
0xab5: {  	_ =	strace $0x90000047  }
0xab6: {  	s0 =	stileid.u32;
	[bflag:$0x2] =	sbarrier.arrive $0xFFFF  }
0xab7: {  	p0 =	sne.s32 s0, $0x0;
	s0 =	rddreg [dreg:$0x1]  }
0xab8: {  	s0 =	sadd.s32 @!p0 $0x100000, s0  }
0xab9: {  	[sflag:s0] =	ssyncadd.tile.s32 @!p0 $0x1;
	_ =	shalt  }
.Lfunc_end2:
_tile_overlayer_lowered:
.L_overlay_start_2:
0xaba: {  	(tag) =	ssettag $0x2  }
0xabb: {  	s0 =	rddreg [dreg:$0x0];
	s2 =	stileid.u32  }
0xabc: {  	s1 =	rddreg [dreg:$0x1];
	p0 =	sne.s32 s2, $0x0  }
0xabd: {  	s3 =	rddreg [dreg:$0x2];
	[bflag:$0x3] =	sbarrier.arrive $0xFFFF;
	s2 =	simm.s32 @!p0 $0x1C04  }
0xabe: {  	[timem:s3], [sflag:s2] =	dma.local @!p0 [hbm:s0], s1  }
0xabf: {  	s0 =	simm.s32 @!p0 $0x4  }
0xac0: {  	_ =	swait.ge @!p0 [sflag:s0], s1  }
0xac1: {  	s1 =	ssub.s32 @!p0 $0x0, s1;
	[sflag:s0] =	ssyncset.done @!p0 $0x0  }
0xac2: {  	[sflag:s0] =	ssyncadd.s32 @!p0 s1  }
0xac3: {  	[bflag:$0x3] =	sbarrier.arrive $0xFFFF  }
0xac4: {  	_ =	shalt  }

</sc_bundles>
